<compile_context>
chip_gen: v7x
topology: tpu7x:2x2x1
jax: 0.10.2.dev20260603
libtpu: 0.0.44.dev20260713+nightly
codegen_flags: <defaults>
</compile_context>

<pallas_src>
import functools

import jax
import jax.numpy as jnp
from jax import lax
from jax.experimental import pallas as pl
from jax.experimental.pallas import tpu as pltpu
from jax.experimental.pallas import tpu_sc as plsc

_NC = 2
_NS = 16
_NW = _NC * _NS
_ROWS = 16384
_COLS = 1000
_NVROW = 63
_WROWS = _ROWS // _NW
_CH = 8
_NSLOT = 4
_NCHUNK = _WROWS // _CH
_NG = 8
_GV = 7
_N_RENORM = _WROWS * (_NG + 1)
_LN2 = 0.6931471805599453

_C = (
    1.4426950408889634,
    -0.7213475204444817,
    0.4808983469629881,
    -0.3606737646393987,
    0.2885392365568124,
    -0.2404491687361048,
    0.2059561967079805,
    -0.1732867950203638,
    0.0892410391247047,
)


def _log2_1p(t):
    acc = jnp.float32(_C[-1])
    for c in _C[-2::-1]:
        acc = acc * t + jnp.float32(c)
    return acc * t


def _renorm(prod, eacc):
    pbits = plsc.bitcast(prod, jnp.int32)
    eacc = eacc + (pbits >> 23)
    prod = plsc.bitcast((pbits & 0x7FFFFF) | 0x3F800000, jnp.float32)
    return prod, eacc


def _sc_body(p_hbm, t_hbm, out_hbm, xbuf, mbuf, obuf, xsems, msems):
    wid = lax.axis_index("s") * _NC + lax.axis_index("c")
    base = wid * _WROWS

    def xcopy(c, slot):
        r0 = base + c * _CH
        return pltpu.make_async_copy(
            p_hbm.at[pl.ds(r0, _CH), :],
            xbuf.at[slot],
            xsems.at[slot],
        )

    def mcopy(c, slot):
        r0 = base + c * _CH
        return pltpu.make_async_copy(
            t_hbm.at[pl.ds(r0, _CH), :],
            mbuf.at[slot],
            msems.at[slot],
        )

    lane_ge8 = lax.iota(jnp.int32, 16) >> 3

    def process(sl, carry):
        xr = xbuf.at[sl]
        mr = mbuf.at[sl]

        def row_body(r, rcar):
            prod, eacc, cnt = rcar

            def grp_body(g, gcar):
                prod, eacc, cnt = gcar
                base_v = g * _GV * 16
                pa = None
                pb = None
                for v in range(_GV):
                    off = base_v + v * 16
                    xv = xr[r, pl.ds(off, 16)]
                    mv = mr[r, pl.ds(off, 16)]
                    mf = mv.astype(jnp.float32)
                    xs = mf * (xv - jnp.float32(1.0)) + jnp.float32(1.0)
                    if v % 2 == 0:
                        pa = xs if pa is None else pa * xs
                    else:
                        pb = xs if pb is None else pb * xs
                    cnt = cnt + mv
                prod = prod * (pa * pb)
                prod, eacc = _renorm(prod, eacc)
                return prod, eacc, cnt

            prod, eacc, cnt = lax.fori_loop(
                0, _NG, grp_body, (prod, eacc, cnt), unroll=2)
            for v in range(_NG * _GV, _NVROW):
                off = 984 if v == _NVROW - 1 else v * 16
                xv = xr[r, pl.ds(off, 16)]
                mv = mr[r, pl.ds(off, 16)]
                if v == _NVROW - 1:
                    mv = mv & lane_ge8
                mf = mv.astype(jnp.float32)
                prod = prod * (mf * (xv - jnp.float32(1.0)) + jnp.float32(1.0))
                cnt = cnt + mv
            prod, eacc = _renorm(prod, eacc)
            return prod, eacc, cnt

        return lax.fori_loop(0, _CH, row_body, carry)

    for sl in range(_NSLOT):
        xcopy(sl, sl).start()
        mcopy(sl, sl).start()

    def quad_body(p, carry):
        for sl in range(_NSLOT):
            c = p * _NSLOT + sl
            xcopy(c, sl).wait()
            mcopy(c, sl).wait()
            carry = process(sl, carry)

            @pl.when(c + _NSLOT < _NCHUNK)
            def _():
                xcopy(c + _NSLOT, sl).start()
                mcopy(c + _NSLOT, sl).start()
        return carry

    init = (
        jnp.ones((16,), jnp.float32),
        jnp.zeros((16,), jnp.int32),
        jnp.zeros((16,), jnp.int32),
    )
    prod, eacc, cnt = lax.fori_loop(0, _NCHUNK // _NSLOT, quad_body, init)

    e_f = (eacc - jnp.int32(127 * _N_RENORM)).astype(jnp.float32)
    log2sum = e_f + _log2_1p(prod - jnp.float32(1.0))
    obuf[0, :] = log2sum
    obuf[1, :] = cnt.astype(jnp.float32)
    pltpu.sync_copy(obuf, out_hbm.at[wid])


@functools.partial(
    pl.kernel,
    out_type=jax.ShapeDtypeStruct((_NW, 2, 16), jnp.float32),
    mesh=plsc.VectorSubcoreMesh(core_axis_name="c", subcore_axis_name="s"),
    compiler_params=pltpu.CompilerParams(needs_layout_passes=False, skip_device_barrier=True),
    scratch_types=[
        pltpu.VMEM((_NSLOT, _CH, _COLS), jnp.float32),
        pltpu.VMEM((_NSLOT, _CH, _COLS), jnp.int32),
        pltpu.VMEM((2, 16), jnp.float32),
        pltpu.SemaphoreType.DMA((_NSLOT,)),
        pltpu.SemaphoreType.DMA((_NSLOT,)),
    ],
)
def _sc_loss(p_hbm, t_hbm, out_hbm, xbuf, mbuf, obuf, xsems, msems):
    _sc_body(p_hbm, t_hbm, out_hbm, xbuf, mbuf, obuf, xsems, msems)


def kernel(y_pred, y_true):
    part = _sc_loss(y_pred, y_true)
    s_log2 = jnp.sum(part[:, 0, :])
    n = jnp.sum(part[:, 1, :])
    return -(jnp.float32(_LN2) * s_log2 / n)

# --- scband reference (transcript-rebuilt; emitter-appended) ---
"""Pipeline reference for scband-word2vec-loss-4629974745628 (READ-ONLY COPY).

The authoritative reference and input builder live on the scoring server;
editing this copy changes nothing except your own understanding.
"""

import jax, jax.numpy as jnp
import numpy as np


def setup_inputs(seed: int = 0) -> dict:
    key = jax.random.key(seed)
    k1, k2 = jax.random.split(key)
    # probabilities in (0, 1]; keep strictly positive so log is finite
    y_pred = jax.random.uniform(k1, (16384, 1000), dtype=jnp.float32, minval=1e-4, maxval=1.0)
    y_true = jax.random.randint(k2, (16384, 1000), 0, 2).astype(jnp.bool_)
    return {"y_pred": y_pred, "y_true": y_true}


def reference(y_pred, y_true):
    # torch.masked_select(y_pred, y_true) -> log -> mean -> negate
    # Static-shape equivalent: masked sum of log divided by mask count.
    safe_pred = jnp.where(y_true, y_pred, 1.0)
    logp = jnp.where(y_true, jnp.log(safe_pred), 0.0)
    n = jnp.sum(y_true.astype(jnp.float32))
    loss = jnp.sum(logp) / n
    return -loss

if __name__ == "__main__":
    import jax
    _d = setup_inputs()
    print(jax.jit(kernel)(*tuple(_d.values())))

</pallas_src>

<mosaic_0001>
#map = affine_map<(d0, d1) -> (0, 0)>
#map1 = affine_map<(d0, d1) -> (0, 0, 0)>
module attributes {stable_mosaic.version = 14 : i64} {
  func.func @_sc_loss(%arg0: i32, %arg1: i32, %arg2: memref<16384x1000xf32, #tpu.memory_space<hbm>>, %arg3: memref<16384x1000xi32, #tpu.memory_space<hbm>>, %arg4: memref<32x2x16xf32, #tpu.memory_space<hbm>>, %arg5: memref<4x8x1000xf32, #tpu.memory_space<vmem>>, %arg6: memref<4x8x1000xi32, #tpu.memory_space<vmem>>, %arg7: memref<2x16xf32, #tpu.memory_space<vmem>>, %arg8: memref<4x!tpu.dma_semaphore, #tpu.memory_space<semaphore_mem>>, %arg9: memref<4x!tpu.dma_semaphore, #tpu.memory_space<semaphore_mem>>) attributes {dimension_semantics = [#tpu.dimension_semantics<core_parallel>, #tpu.dimension_semantics<subcore_parallel>], iteration_bounds = array<i64: 2, 16>, scalar_prefetch = 0 : i64, scratch_operands = 5 : i64, tpu.core_type = #tpu.core_type<sc_vector_subcore>, window_params = [{transform_indices = #map}, {transform_indices = #map}, {transform_indices = #map1}]} {
    %mul3A = arith.constant 2 : i32
    %mul3A_0 = arith.muli %arg1, %mul3A : i32
    %add3A = arith.addi %mul3A_0, %arg0 : i32
    %mul3A_1 = arith.constant 512 : i32
    %mul3A_2 = arith.muli %add3A, %mul3A_1 : i32
    %iota3A = tpu.iota {dimensions = array<i32: 0>} : vector<16xi32>
    %shift_right_arithmetic3A = arith.constant 3 : i32
    %shift_right_arithmetic3A_3 = vector.broadcast %shift_right_arithmetic3A : i32 to vector<16xi32>
    %shift_right_arithmetic3A_4 = arith.shrsi %iota3A, %shift_right_arithmetic3A_3 : vector<16xi32>
    %add3A_5 = arith.constant 0 : i32
    %add3A_6 = arith.addi %mul3A_2, %add3A_5 : i32
    %dma_start3A = arith.constant 0 : i32
    %dma_start3A_7 = arith.constant 0 : i32
    %dma_start3A_8 = arith.constant 0 : i32
    %dma_start3A_9 = arith.constant 0 : i32
    %dma_start3A_10 = tpu.memref_slice %arg5[%dma_start3A, %dma_start3A_8, %dma_start3A_9] : memref<4x8x1000xf32, #tpu.memory_space<vmem>> -> memref<1x8x1000xf32, #tpu.memory_space<vmem>>
    %dma_start3A_11 = tpu.memref_squeeze %dma_start3A_10 : memref<1x8x1000xf32, #tpu.memory_space<vmem>> -> memref<8x1000xf32, #tpu.memory_space<vmem>>
    %dma_start3A_12 = arith.constant 0 : i32
    %dma_start3A_13 = tpu.memref_slice %arg2[%add3A_6, %dma_start3A_12] : memref<16384x1000xf32, #tpu.memory_space<hbm>> -> memref<8x1000xf32, #tpu.memory_space<hbm>>
    %dma_start3A_14 = tpu.memref_slice %arg8[%dma_start3A_7] : memref<4x!tpu.dma_semaphore, #tpu.memory_space<semaphore_mem>> -> memref<1x!tpu.dma_semaphore, #tpu.memory_space<semaphore_mem>>
    %dma_start3A_15 = tpu.memref_squeeze %dma_start3A_14 : memref<1x!tpu.dma_semaphore, #tpu.memory_space<semaphore_mem>> -> memref<!tpu.dma_semaphore, #tpu.memory_space<semaphore_mem>>
    %dma_start3A_16 = arith.constant 0 : i32
    %dma_start3A_17 = arith.constant 0 : i32
    %dma_start3A_18 = tpu.memref_slice %arg5[%dma_start3A, %dma_start3A_16, %dma_start3A_17] : memref<4x8x1000xf32, #tpu.memory_space<vmem>> -> memref<1x8x1000xf32, #tpu.memory_space<vmem>>
    %dma_start3A_19 = tpu.memref_squeeze %dma_start3A_18 : memref<1x8x1000xf32, #tpu.memory_space<vmem>> -> memref<8x1000xf32, #tpu.memory_space<vmem>>
    %dma_start3A_20 = arith.constant 0 : i32
    %dma_start3A_21 = tpu.memref_slice %arg2[%add3A_6, %dma_start3A_20] : memref<16384x1000xf32, #tpu.memory_space<hbm>> -> memref<8x1000xf32, #tpu.memory_space<hbm>>
    tpu.enqueue_dma source(%dma_start3A_21 : memref<8x1000xf32, #tpu.memory_space<hbm>>) target(%dma_start3A_19 : memref<8x1000xf32, #tpu.memory_space<vmem>>) target_semaphore(%dma_start3A_15 : memref<!tpu.dma_semaphore, #tpu.memory_space<semaphore_mem>>)
    %add3A_22 = arith.constant 0 : i32
    %add3A_23 = arith.addi %mul3A_2, %add3A_22 : i32
    %dma_start3A_24 = arith.constant 0 : i32
    %dma_start3A_25 = arith.constant 0 : i32
    %dma_start3A_26 = arith.constant 0 : i32
    %dma_start3A_27 = arith.constant 0 : i32
    %dma_start3A_28 = tpu.memref_slice %arg6[%dma_start3A_24, %dma_start3A_26, %dma_start3A_27] : memref<4x8x1000xi32, #tpu.memory_space<vmem>> -> memref<1x8x1000xi32, #tpu.memory_space<vmem>>
    %dma_start3A_29 = tpu.memref_squeeze %dma_start3A_28 : memref<1x8x1000xi32, #tpu.memory_space<vmem>> -> memref<8x1000xi32, #tpu.memory_space<vmem>>
    %dma_start3A_30 = arith.constant 0 : i32
    %dma_start3A_31 = tpu.memref_slice %arg3[%add3A_23, %dma_start3A_30] : memref<16384x1000xi32, #tpu.memory_space<hbm>> -> memref<8x1000xi32, #tpu.memory_space<hbm>>
    %dma_start3A_32 = tpu.memref_slice %arg9[%dma_start3A_25] : memref<4x!tpu.dma_semaphore, #tpu.memory_space<semaphore_mem>> -> memref<1x!tpu.dma_semaphore, #tpu.memory_space<semaphore_mem>>
    %dma_start3A_33 = tpu.memref_squeeze %dma_start3A_32 : memref<1x!tpu.dma_semaphore, #tpu.memory_space<semaphore_mem>> -> memref<!tpu.dma_semaphore, #tpu.memory_space<semaphore_mem>>
    %dma_start3A_34 = arith.constant 0 : i32
    %dma_start3A_35 = arith.constant 0 : i32
    %dma_start3A_36 = tpu.memref_slice %arg6[%dma_start3A_24, %dma_start3A_34, %dma_start3A_35] : memref<4x8x1000xi32, #tpu.memory_space<vmem>> -> memref<1x8x1000xi32, #tpu.memory_space<vmem>>
    %dma_start3A_37 = tpu.memref_squeeze %dma_start3A_36 : memref<1x8x1000xi32, #tpu.memory_space<vmem>> -> memref<8x1000xi32, #tpu.memory_space<vmem>>
    %dma_start3A_38 = arith.constant 0 : i32
    %dma_start3A_39 = tpu.memref_slice %arg3[%add3A_23, %dma_start3A_38] : memref<16384x1000xi32, #tpu.memory_space<hbm>> -> memref<8x1000xi32, #tpu.memory_space<hbm>>
    tpu.enqueue_dma source(%dma_start3A_39 : memref<8x1000xi32, #tpu.memory_space<hbm>>) target(%dma_start3A_37 : memref<8x1000xi32, #tpu.memory_space<vmem>>) target_semaphore(%dma_start3A_33 : memref<!tpu.dma_semaphore, #tpu.memory_space<semaphore_mem>>)
    %add3A_40 = arith.constant 8 : i32
    %add3A_41 = arith.addi %mul3A_2, %add3A_40 : i32
    %dma_start3A_42 = arith.constant 1 : i32
    %dma_start3A_43 = arith.constant 1 : i32
    %dma_start3A_44 = arith.constant 0 : i32
    %dma_start3A_45 = arith.constant 0 : i32
    %dma_start3A_46 = tpu.memref_slice %arg5[%dma_start3A_42, %dma_start3A_44, %dma_start3A_45] : memref<4x8x1000xf32, #tpu.memory_space<vmem>> -> memref<1x8x1000xf32, #tpu.memory_space<vmem>>
    %dma_start3A_47 = tpu.memref_squeeze %dma_start3A_46 : memref<1x8x1000xf32, #tpu.memory_space<vmem>> -> memref<8x1000xf32, #tpu.memory_space<vmem>>
    %dma_start3A_48 = arith.constant 0 : i32
    %dma_start3A_49 = tpu.memref_slice %arg2[%add3A_41, %dma_start3A_48] : memref<16384x1000xf32, #tpu.memory_space<hbm>> -> memref<8x1000xf32, #tpu.memory_space<hbm>>
    %dma_start3A_50 = tpu.memref_slice %arg8[%dma_start3A_43] : memref<4x!tpu.dma_semaphore, #tpu.memory_space<semaphore_mem>> -> memref<1x!tpu.dma_semaphore, #tpu.memory_space<semaphore_mem>>
    %dma_start3A_51 = tpu.memref_squeeze %dma_start3A_50 : memref<1x!tpu.dma_semaphore, #tpu.memory_space<semaphore_mem>> -> memref<!tpu.dma_semaphore, #tpu.memory_space<semaphore_mem>>
    %dma_start3A_52 = arith.constant 0 : i32
    %dma_start3A_53 = arith.constant 0 : i32
    %dma_start3A_54 = tpu.memref_slice %arg5[%dma_start3A_42, %dma_start3A_52, %dma_start3A_53] : memref<4x8x1000xf32, #tpu.memory_space<vmem>> -> memref<1x8x1000xf32, #tpu.memory_space<vmem>>
    %dma_start3A_55 = tpu.memref_squeeze %dma_start3A_54 : memref<1x8x1000xf32, #tpu.memory_space<vmem>> -> memref<8x1000xf32, #tpu.memory_space<vmem>>
    %dma_start3A_56 = arith.constant 0 : i32
    %dma_start3A_57 = tpu.memref_slice %arg2[%add3A_41, %dma_start3A_56] : memref<16384x1000xf32, #tpu.memory_space<hbm>> -> memref<8x1000xf32, #tpu.memory_space<hbm>>
    tpu.enqueue_dma source(%dma_start3A_57 : memref<8x1000xf32, #tpu.memory_space<hbm>>) target(%dma_start3A_55 : memref<8x1000xf32, #tpu.memory_space<vmem>>) target_semaphore(%dma_start3A_51 : memref<!tpu.dma_semaphore, #tpu.memory_space<semaphore_mem>>)
    %add3A_58 = arith.constant 8 : i32
    %add3A_59 = arith.addi %mul3A_2, %add3A_58 : i32
    %dma_start3A_60 = arith.constant 1 : i32
    %dma_start3A_61 = arith.constant 1 : i32
    %dma_start3A_62 = arith.constant 0 : i32
    %dma_start3A_63 = arith.constant 0 : i32
    %dma_start3A_64 = tpu.memref_slice %arg6[%dma_start3A_60, %dma_start3A_62, %dma_start3A_63] : memref<4x8x1000xi32, #tpu.memory_space<vmem>> -> memref<1x8x1000xi32, #tpu.memory_space<vmem>>
    %dma_start3A_65 = tpu.memref_squeeze %dma_start3A_64 : memref<1x8x1000xi32, #tpu.memory_space<vmem>> -> memref<8x1000xi32, #tpu.memory_space<vmem>>
    %dma_start3A_66 = arith.constant 0 : i32
    %dma_start3A_67 = tpu.memref_slice %arg3[%add3A_59, %dma_start3A_66] : memref<16384x1000xi32, #tpu.memory_space<hbm>> -> memref<8x1000xi32, #tpu.memory_space<hbm>>
    %dma_start3A_68 = tpu.memref_slice %arg9[%dma_start3A_61] : memref<4x!tpu.dma_semaphore, #tpu.memory_space<semaphore_mem>> -> memref<1x!tpu.dma_semaphore, #tpu.memory_space<semaphore_mem>>
    %dma_start3A_69 = tpu.memref_squeeze %dma_start3A_68 : memref<1x!tpu.dma_semaphore, #tpu.memory_space<semaphore_mem>> -> memref<!tpu.dma_semaphore, #tpu.memory_space<semaphore_mem>>
    %dma_start3A_70 = arith.constant 0 : i32
    %dma_start3A_71 = arith.constant 0 : i32
    %dma_start3A_72 = tpu.memref_slice %arg6[%dma_start3A_60, %dma_start3A_70, %dma_start3A_71] : memref<4x8x1000xi32, #tpu.memory_space<vmem>> -> memref<1x8x1000xi32, #tpu.memory_space<vmem>>
    %dma_start3A_73 = tpu.memref_squeeze %dma_start3A_72 : memref<1x8x1000xi32, #tpu.memory_space<vmem>> -> memref<8x1000xi32, #tpu.memory_space<vmem>>
    %dma_start3A_74 = arith.constant 0 : i32
    %dma_start3A_75 = tpu.memref_slice %arg3[%add3A_59, %dma_start3A_74] : memref<16384x1000xi32, #tpu.memory_space<hbm>> -> memref<8x1000xi32, #tpu.memory_space<hbm>>
    tpu.enqueue_dma source(%dma_start3A_75 : memref<8x1000xi32, #tpu.memory_space<hbm>>) target(%dma_start3A_73 : memref<8x1000xi32, #tpu.memory_space<vmem>>) target_semaphore(%dma_start3A_69 : memref<!tpu.dma_semaphore, #tpu.memory_space<semaphore_mem>>)
    %add3A_76 = arith.constant 16 : i32
    %add3A_77 = arith.addi %mul3A_2, %add3A_76 : i32
    %dma_start3A_78 = arith.constant 2 : i32
    %dma_start3A_79 = arith.constant 2 : i32
    %dma_start3A_80 = arith.constant 0 : i32
    %dma_start3A_81 = arith.constant 0 : i32
    %dma_start3A_82 = tpu.memref_slice %arg5[%dma_start3A_78, %dma_start3A_80, %dma_start3A_81] : memref<4x8x1000xf32, #tpu.memory_space<vmem>> -> memref<1x8x1000xf32, #tpu.memory_space<vmem>>
    %dma_start3A_83 = tpu.memref_squeeze %dma_start3A_82 : memref<1x8x1000xf32, #tpu.memory_space<vmem>> -> memref<8x1000xf32, #tpu.memory_space<vmem>>
    %dma_start3A_84 = arith.constant 0 : i32
    %dma_start3A_85 = tpu.memref_slice %arg2[%add3A_77, %dma_start3A_84] : memref<16384x1000xf32, #tpu.memory_space<hbm>> -> memref<8x1000xf32, #tpu.memory_space<hbm>>
    %dma_start3A_86 = tpu.memref_slice %arg8[%dma_start3A_79] : memref<4x!tpu.dma_semaphore, #tpu.memory_space<semaphore_mem>> -> memref<1x!tpu.dma_semaphore, #tpu.memory_space<semaphore_mem>>
    %dma_start3A_87 = tpu.memref_squeeze %dma_start3A_86 : memref<1x!tpu.dma_semaphore, #tpu.memory_space<semaphore_mem>> -> memref<!tpu.dma_semaphore, #tpu.memory_space<semaphore_mem>>
    %dma_start3A_88 = arith.constant 0 : i32
    %dma_start3A_89 = arith.constant 0 : i32
    %dma_start3A_90 = tpu.memref_slice %arg5[%dma_start3A_78, %dma_start3A_88, %dma_start3A_89] : memref<4x8x1000xf32, #tpu.memory_space<vmem>> -> memref<1x8x1000xf32, #tpu.memory_space<vmem>>
    %dma_start3A_91 = tpu.memref_squeeze %dma_start3A_90 : memref<1x8x1000xf32, #tpu.memory_space<vmem>> -> memref<8x1000xf32, #tpu.memory_space<vmem>>
    %dma_start3A_92 = arith.constant 0 : i32
    %dma_start3A_93 = tpu.memref_slice %arg2[%add3A_77, %dma_start3A_92] : memref<16384x1000xf32, #tpu.memory_space<hbm>> -> memref<8x1000xf32, #tpu.memory_space<hbm>>
    tpu.enqueue_dma source(%dma_start3A_93 : memref<8x1000xf32, #tpu.memory_space<hbm>>) target(%dma_start3A_91 : memref<8x1000xf32, #tpu.memory_space<vmem>>) target_semaphore(%dma_start3A_87 : memref<!tpu.dma_semaphore, #tpu.memory_space<semaphore_mem>>)
    %add3A_94 = arith.constant 16 : i32
    %add3A_95 = arith.addi %mul3A_2, %add3A_94 : i32
    %dma_start3A_96 = arith.constant 2 : i32
    %dma_start3A_97 = arith.constant 2 : i32
    %dma_start3A_98 = arith.constant 0 : i32
    %dma_start3A_99 = arith.constant 0 : i32
    %dma_start3A_100 = tpu.memref_slice %arg6[%dma_start3A_96, %dma_start3A_98, %dma_start3A_99] : memref<4x8x1000xi32, #tpu.memory_space<vmem>> -> memref<1x8x1000xi32, #tpu.memory_space<vmem>>
    %dma_start3A_101 = tpu.memref_squeeze %dma_start3A_100 : memref<1x8x1000xi32, #tpu.memory_space<vmem>> -> memref<8x1000xi32, #tpu.memory_space<vmem>>
    %dma_start3A_102 = arith.constant 0 : i32
    %dma_start3A_103 = tpu.memref_slice %arg3[%add3A_95, %dma_start3A_102] : memref<16384x1000xi32, #tpu.memory_space<hbm>> -> memref<8x1000xi32, #tpu.memory_space<hbm>>
    %dma_start3A_104 = tpu.memref_slice %arg9[%dma_start3A_97] : memref<4x!tpu.dma_semaphore, #tpu.memory_space<semaphore_mem>> -> memref<1x!tpu.dma_semaphore, #tpu.memory_space<semaphore_mem>>
    %dma_start3A_105 = tpu.memref_squeeze %dma_start3A_104 : memref<1x!tpu.dma_semaphore, #tpu.memory_space<semaphore_mem>> -> memref<!tpu.dma_semaphore, #tpu.memory_space<semaphore_mem>>
    %dma_start3A_106 = arith.constant 0 : i32
    %dma_start3A_107 = arith.constant 0 : i32
    %dma_start3A_108 = tpu.memref_slice %arg6[%dma_start3A_96, %dma_start3A_106, %dma_start3A_107] : memref<4x8x1000xi32, #tpu.memory_space<vmem>> -> memref<1x8x1000xi32, #tpu.memory_space<vmem>>
    %dma_start3A_109 = tpu.memref_squeeze %dma_start3A_108 : memref<1x8x1000xi32, #tpu.memory_space<vmem>> -> memref<8x1000xi32, #tpu.memory_space<vmem>>
    %dma_start3A_110 = arith.constant 0 : i32
    %dma_start3A_111 = tpu.memref_slice %arg3[%add3A_95, %dma_start3A_110] : memref<16384x1000xi32, #tpu.memory_space<hbm>> -> memref<8x1000xi32, #tpu.memory_space<hbm>>
    tpu.enqueue_dma source(%dma_start3A_111 : memref<8x1000xi32, #tpu.memory_space<hbm>>) target(%dma_start3A_109 : memref<8x1000xi32, #tpu.memory_space<vmem>>) target_semaphore(%dma_start3A_105 : memref<!tpu.dma_semaphore, #tpu.memory_space<semaphore_mem>>)
    %add3A_112 = arith.constant 24 : i32
    %add3A_113 = arith.addi %mul3A_2, %add3A_112 : i32
    %dma_start3A_114 = arith.constant 3 : i32
    %dma_start3A_115 = arith.constant 3 : i32
    %dma_start3A_116 = arith.constant 0 : i32
    %dma_start3A_117 = arith.constant 0 : i32
    %dma_start3A_118 = tpu.memref_slice %arg5[%dma_start3A_114, %dma_start3A_116, %dma_start3A_117] : memref<4x8x1000xf32, #tpu.memory_space<vmem>> -> memref<1x8x1000xf32, #tpu.memory_space<vmem>>
    %dma_start3A_119 = tpu.memref_squeeze %dma_start3A_118 : memref<1x8x1000xf32, #tpu.memory_space<vmem>> -> memref<8x1000xf32, #tpu.memory_space<vmem>>
    %dma_start3A_120 = arith.constant 0 : i32
    %dma_start3A_121 = tpu.memref_slice %arg2[%add3A_113, %dma_start3A_120] : memref<16384x1000xf32, #tpu.memory_space<hbm>> -> memref<8x1000xf32, #tpu.memory_space<hbm>>
    %dma_start3A_122 = tpu.memref_slice %arg8[%dma_start3A_115] : memref<4x!tpu.dma_semaphore, #tpu.memory_space<semaphore_mem>> -> memref<1x!tpu.dma_semaphore, #tpu.memory_space<semaphore_mem>>
    %dma_start3A_123 = tpu.memref_squeeze %dma_start3A_122 : memref<1x!tpu.dma_semaphore, #tpu.memory_space<semaphore_mem>> -> memref<!tpu.dma_semaphore, #tpu.memory_space<semaphore_mem>>
    %dma_start3A_124 = arith.constant 0 : i32
    %dma_start3A_125 = arith.constant 0 : i32
    %dma_start3A_126 = tpu.memref_slice %arg5[%dma_start3A_114, %dma_start3A_124, %dma_start3A_125] : memref<4x8x1000xf32, #tpu.memory_space<vmem>> -> memref<1x8x1000xf32, #tpu.memory_space<vmem>>
    %dma_start3A_127 = tpu.memref_squeeze %dma_start3A_126 : memref<1x8x1000xf32, #tpu.memory_space<vmem>> -> memref<8x1000xf32, #tpu.memory_space<vmem>>
    %dma_start3A_128 = arith.constant 0 : i32
    %dma_start3A_129 = tpu.memref_slice %arg2[%add3A_113, %dma_start3A_128] : memref<16384x1000xf32, #tpu.memory_space<hbm>> -> memref<8x1000xf32, #tpu.memory_space<hbm>>
    tpu.enqueue_dma source(%dma_start3A_129 : memref<8x1000xf32, #tpu.memory_space<hbm>>) target(%dma_start3A_127 : memref<8x1000xf32, #tpu.memory_space<vmem>>) target_semaphore(%dma_start3A_123 : memref<!tpu.dma_semaphore, #tpu.memory_space<semaphore_mem>>)
    %add3A_130 = arith.constant 24 : i32
    %add3A_131 = arith.addi %mul3A_2, %add3A_130 : i32
    %dma_start3A_132 = arith.constant 3 : i32
    %dma_start3A_133 = arith.constant 3 : i32
    %dma_start3A_134 = arith.constant 0 : i32
    %dma_start3A_135 = arith.constant 0 : i32
    %dma_start3A_136 = tpu.memref_slice %arg6[%dma_start3A_132, %dma_start3A_134, %dma_start3A_135] : memref<4x8x1000xi32, #tpu.memory_space<vmem>> -> memref<1x8x1000xi32, #tpu.memory_space<vmem>>
    %dma_start3A_137 = tpu.memref_squeeze %dma_start3A_136 : memref<1x8x1000xi32, #tpu.memory_space<vmem>> -> memref<8x1000xi32, #tpu.memory_space<vmem>>
    %dma_start3A_138 = arith.constant 0 : i32
    %dma_start3A_139 = tpu.memref_slice %arg3[%add3A_131, %dma_start3A_138] : memref<16384x1000xi32, #tpu.memory_space<hbm>> -> memref<8x1000xi32, #tpu.memory_space<hbm>>
    %dma_start3A_140 = tpu.memref_slice %arg9[%dma_start3A_133] : memref<4x!tpu.dma_semaphore, #tpu.memory_space<semaphore_mem>> -> memref<1x!tpu.dma_semaphore, #tpu.memory_space<semaphore_mem>>
    %dma_start3A_141 = tpu.memref_squeeze %dma_start3A_140 : memref<1x!tpu.dma_semaphore, #tpu.memory_space<semaphore_mem>> -> memref<!tpu.dma_semaphore, #tpu.memory_space<semaphore_mem>>
    %dma_start3A_142 = arith.constant 0 : i32
    %dma_start3A_143 = arith.constant 0 : i32
    %dma_start3A_144 = tpu.memref_slice %arg6[%dma_start3A_132, %dma_start3A_142, %dma_start3A_143] : memref<4x8x1000xi32, #tpu.memory_space<vmem>> -> memref<1x8x1000xi32, #tpu.memory_space<vmem>>
    %dma_start3A_145 = tpu.memref_squeeze %dma_start3A_144 : memref<1x8x1000xi32, #tpu.memory_space<vmem>> -> memref<8x1000xi32, #tpu.memory_space<vmem>>
    %dma_start3A_146 = arith.constant 0 : i32
    %dma_start3A_147 = tpu.memref_slice %arg3[%add3A_131, %dma_start3A_146] : memref<16384x1000xi32, #tpu.memory_space<hbm>> -> memref<8x1000xi32, #tpu.memory_space<hbm>>
    tpu.enqueue_dma source(%dma_start3A_147 : memref<8x1000xi32, #tpu.memory_space<hbm>>) target(%dma_start3A_145 : memref<8x1000xi32, #tpu.memory_space<vmem>>) target_semaphore(%dma_start3A_141 : memref<!tpu.dma_semaphore, #tpu.memory_space<semaphore_mem>>)
    %broadcast_in_dim3A = arith.constant 1.000000e+00 : f32
    %broadcast_in_dim3A_148 = vector.broadcast %broadcast_in_dim3A : f32 to vector<16xf32>
    %broadcast_in_dim3A_149 = arith.constant 0 : i32
    %broadcast_in_dim3A_150 = vector.broadcast %broadcast_in_dim3A_149 : i32 to vector<16xi32>
    %broadcast_in_dim3A_151 = arith.constant 0 : i32
    %broadcast_in_dim3A_152 = vector.broadcast %broadcast_in_dim3A_151 : i32 to vector<16xi32>
    %scan3A = arith.constant 0 : i32
    %scan3A_153 = arith.constant 16 : i32
    %scan3A_154 = arith.addi %scan3A, %scan3A_153 : i32
    %scan3A_155 = arith.constant 1 : i32
    %scan3A_156:3 = scf.for %scan3A_207 = %scan3A to %scan3A_154 step %scan3A_155 iter_args(%scan3A_208 = %broadcast_in_dim3A_148, %scan3A_209 = %broadcast_in_dim3A_150, %scan3A_210 = %broadcast_in_dim3A_152) -> (vector<16xf32>, vector<16xi32>, vector<16xi32>)  : i32 {
      %mul3A_211 = arith.constant 4 : i32
      %mul3A_212 = arith.muli %scan3A_207, %mul3A_211 : i32
      %add3A_213 = arith.constant 0 : i32
      %add3A_214 = arith.addi %mul3A_212, %add3A_213 : i32
      %mul3A_215 = arith.constant 8 : i32
      %mul3A_216 = arith.muli %add3A_214, %mul3A_215 : i32
      %add3A_217 = arith.addi %mul3A_2, %mul3A_216 : i32
      %dma_wait3A = arith.constant 0 : i32
      %dma_wait3A_218 = arith.constant 0 : i32
      %dma_wait3A_219 = arith.constant 0 : i32
      %dma_wait3A_220 = arith.constant 0 : i32
      %dma_wait3A_221 = tpu.memref_slice %arg5[%dma_wait3A, %dma_wait3A_219, %dma_wait3A_220] : memref<4x8x1000xf32, #tpu.memory_space<vmem>> -> memref<1x8x1000xf32, #tpu.memory_space<vmem>>
      %dma_wait3A_222 = tpu.memref_squeeze %dma_wait3A_221 : memref<1x8x1000xf32, #tpu.memory_space<vmem>> -> memref<8x1000xf32, #tpu.memory_space<vmem>>
      %dma_wait3A_223 = arith.constant 0 : i32
      %dma_wait3A_224 = tpu.memref_slice %arg2[%add3A_217, %dma_wait3A_223] : memref<16384x1000xf32, #tpu.memory_space<hbm>> -> memref<8x1000xf32, #tpu.memory_space<hbm>>
      %dma_wait3A_225 = tpu.memref_slice %arg8[%dma_wait3A_218] : memref<4x!tpu.dma_semaphore, #tpu.memory_space<semaphore_mem>> -> memref<1x!tpu.dma_semaphore, #tpu.memory_space<semaphore_mem>>
      %dma_wait3A_226 = tpu.memref_squeeze %dma_wait3A_225 : memref<1x!tpu.dma_semaphore, #tpu.memory_space<semaphore_mem>> -> memref<!tpu.dma_semaphore, #tpu.memory_space<semaphore_mem>>
      %dma_wait3A_227 = arith.constant 0 : i32
      %dma_wait3A_228 = arith.constant 0 : i32
      %dma_wait3A_229 = tpu.memref_slice %arg5[%dma_wait3A, %dma_wait3A_227, %dma_wait3A_228] : memref<4x8x1000xf32, #tpu.memory_space<vmem>> -> memref<1x8x1000xf32, #tpu.memory_space<vmem>>
      %dma_wait3A_230 = tpu.memref_squeeze %dma_wait3A_229 : memref<1x8x1000xf32, #tpu.memory_space<vmem>> -> memref<8x1000xf32, #tpu.memory_space<vmem>>
      %dma_wait3A_231 = arith.constant 0 : i32
      %dma_wait3A_232 = tpu.memref_slice %arg2[%add3A_217, %dma_wait3A_231] : memref<16384x1000xf32, #tpu.memory_space<hbm>> -> memref<8x1000xf32, #tpu.memory_space<hbm>>
      tpu.wait_dma2 semaphore(%dma_wait3A_226 : memref<!tpu.dma_semaphore, #tpu.memory_space<semaphore_mem>>) src(%dma_wait3A_232 : memref<8x1000xf32, #tpu.memory_space<hbm>>) dst(%dma_wait3A_230 : memref<8x1000xf32, #tpu.memory_space<vmem>>)
      %mul3A_233 = arith.constant 8 : i32
      %mul3A_234 = arith.muli %add3A_214, %mul3A_233 : i32
      %add3A_235 = arith.addi %mul3A_2, %mul3A_234 : i32
      %dma_wait3A_236 = arith.constant 0 : i32
      %dma_wait3A_237 = arith.constant 0 : i32
      %dma_wait3A_238 = arith.constant 0 : i32
      %dma_wait3A_239 = arith.constant 0 : i32
      %dma_wait3A_240 = tpu.memref_slice %arg6[%dma_wait3A_236, %dma_wait3A_238, %dma_wait3A_239] : memref<4x8x1000xi32, #tpu.memory_space<vmem>> -> memref<1x8x1000xi32, #tpu.memory_space<vmem>>
      %dma_wait3A_241 = tpu.memref_squeeze %dma_wait3A_240 : memref<1x8x1000xi32, #tpu.memory_space<vmem>> -> memref<8x1000xi32, #tpu.memory_space<vmem>>
      %dma_wait3A_242 = arith.constant 0 : i32
      %dma_wait3A_243 = tpu.memref_slice %arg3[%add3A_235, %dma_wait3A_242] : memref<16384x1000xi32, #tpu.memory_space<hbm>> -> memref<8x1000xi32, #tpu.memory_space<hbm>>
      %dma_wait3A_244 = tpu.memref_slice %arg9[%dma_wait3A_237] : memref<4x!tpu.dma_semaphore, #tpu.memory_space<semaphore_mem>> -> memref<1x!tpu.dma_semaphore, #tpu.memory_space<semaphore_mem>>
      %dma_wait3A_245 = tpu.memref_squeeze %dma_wait3A_244 : memref<1x!tpu.dma_semaphore, #tpu.memory_space<semaphore_mem>> -> memref<!tpu.dma_semaphore, #tpu.memory_space<semaphore_mem>>
      %dma_wait3A_246 = arith.constant 0 : i32
      %dma_wait3A_247 = arith.constant 0 : i32
      %dma_wait3A_248 = tpu.memref_slice %arg6[%dma_wait3A_236, %dma_wait3A_246, %dma_wait3A_247] : memref<4x8x1000xi32, #tpu.memory_space<vmem>> -> memref<1x8x1000xi32, #tpu.memory_space<vmem>>
      %dma_wait3A_249 = tpu.memref_squeeze %dma_wait3A_248 : memref<1x8x1000xi32, #tpu.memory_space<vmem>> -> memref<8x1000xi32, #tpu.memory_space<vmem>>
      %dma_wait3A_250 = arith.constant 0 : i32
      %dma_wait3A_251 = tpu.memref_slice %arg3[%add3A_235, %dma_wait3A_250] : memref<16384x1000xi32, #tpu.memory_space<hbm>> -> memref<8x1000xi32, #tpu.memory_space<hbm>>
      tpu.wait_dma2 semaphore(%dma_wait3A_245 : memref<!tpu.dma_semaphore, #tpu.memory_space<semaphore_mem>>) src(%dma_wait3A_251 : memref<8x1000xi32, #tpu.memory_space<hbm>>) dst(%dma_wait3A_249 : memref<8x1000xi32, #tpu.memory_space<vmem>>)
      %scan3A_252 = arith.constant 0 : i32
      %scan3A_253 = arith.constant 0 : i32
      %scan3A_254 = arith.constant 0 : i32
      %scan3A_255 = arith.constant 8 : i32
      %scan3A_256 = arith.addi %scan3A_254, %scan3A_255 : i32
      %scan3A_257 = arith.constant 1 : i32
      %scan3A_258:3 = scf.for %scan3A_436 = %scan3A_254 to %scan3A_256 step %scan3A_257 iter_args(%scan3A_437 = %scan3A_208, %scan3A_438 = %scan3A_209, %scan3A_439 = %scan3A_210) -> (vector<16xf32>, vector<16xi32>, vector<16xi32>)  : i32 {
        %scan3A_440 = arith.constant 0 : i32
        %scan3A_441 = arith.constant 8 : i32
        %scan3A_442 = arith.addi %scan3A_440, %scan3A_441 : i32
        %scan3A_443 = arith.constant 2 : i32
        %scan3A_444:3 = scf.for %scan3A_623 = %scan3A_440 to %scan3A_442 step %scan3A_443 iter_args(%scan3A_624 = %scan3A_437, %scan3A_625 = %scan3A_438, %scan3A_626 = %scan3A_439) -> (vector<16xf32>, vector<16xi32>, vector<16xi32>)  : i32 {
          %mul3A_627 = arith.constant 7 : i32
          %mul3A_628 = arith.muli %scan3A_623, %mul3A_627 : i32
          %mul3A_629 = arith.constant 16 : i32
          %mul3A_630 = arith.muli %mul3A_628, %mul3A_629 : i32
          %add3A_631 = arith.constant 0 : i32
          %add3A_632 = arith.addi %mul3A_630, %add3A_631 : i32
          %get3A_633 = arith.constant 0 : i32
          %get3A_634 = arith.constant 0 : i32
          %get3A_635 = tpu.memref_slice %arg5[%scan3A_252, %get3A_633, %get3A_634] : memref<4x8x1000xf32, #tpu.memory_space<vmem>> -> memref<1x8x1000xf32, #tpu.memory_space<vmem>>
          %get3A_636 = tpu.memref_squeeze %get3A_635 : memref<1x8x1000xf32, #tpu.memory_space<vmem>> -> memref<8x1000xf32, #tpu.memory_space<vmem>>
          %get3A_637 = arith.index_cast %scan3A_436 : i32 to index
          %get3A_638 = arith.index_cast %add3A_632 : i32 to index
          %get3A_639 = tpu.vector_load %get3A_636[%get3A_637, %get3A_638] {strides = array<i32>} : memref<8x1000xf32, #tpu.memory_space<vmem>>, vector<16xf32>,
          %get3A_640 = arith.constant 0 : i32
          %get3A_641 = arith.constant 0 : i32
          %get3A_642 = tpu.memref_slice %arg6[%scan3A_253, %get3A_640, %get3A_641] : memref<4x8x1000xi32, #tpu.memory_space<vmem>> -> memref<1x8x1000xi32, #tpu.memory_space<vmem>>
          %get3A_643 = tpu.memref_squeeze %get3A_642 : memref<1x8x1000xi32, #tpu.memory_space<vmem>> -> memref<8x1000xi32, #tpu.memory_space<vmem>>
          %get3A_644 = arith.index_cast %scan3A_436 : i32 to index
          %get3A_645 = arith.index_cast %add3A_632 : i32 to index
          %get3A_646 = tpu.vector_load %get3A_643[%get3A_644, %get3A_645] {strides = array<i32>} : memref<8x1000xi32, #tpu.memory_space<vmem>>, vector<16xi32>,
          %convert_element_type3A_647 = arith.sitofp %get3A_646 : vector<16xi32> to vector<16xf32>
          %sub3A_648 = arith.constant 1.000000e+00 : f32
          %sub3A_649 = vector.broadcast %sub3A_648 : f32 to vector<16xf32>
          %sub3A_650 = arith.subf %get3A_639, %sub3A_649 : vector<16xf32>
          %mul3A_651 = arith.mulf %convert_element_type3A_647, %sub3A_650 : vector<16xf32>
          %add3A_652 = arith.constant 1.000000e+00 : f32
          %add3A_653 = vector.broadcast %add3A_652 : f32 to vector<16xf32>
          %add3A_654 = arith.addf %mul3A_651, %add3A_653 : vector<16xf32>
          %add3A_655 = arith.addi %scan3A_626, %get3A_646 : vector<16xi32>
          %add3A_656 = arith.constant 16 : i32
          %add3A_657 = arith.addi %mul3A_630, %add3A_656 : i32
          %get3A_658 = arith.constant 0 : i32
          %get3A_659 = arith.constant 0 : i32
          %get3A_660 = tpu.memref_slice %arg5[%scan3A_252, %get3A_658, %get3A_659] : memref<4x8x1000xf32, #tpu.memory_space<vmem>> -> memref<1x8x1000xf32, #tpu.memory_space<vmem>>
          %get3A_661 = tpu.memref_squeeze %get3A_660 : memref<1x8x1000xf32, #tpu.memory_space<vmem>> -> memref<8x1000xf32, #tpu.memory_space<vmem>>
          %get3A_662 = arith.index_cast %scan3A_436 : i32 to index
          %get3A_663 = arith.index_cast %add3A_657 : i32 to index
          %get3A_664 = tpu.vector_load %get3A_661[%get3A_662, %get3A_663] {strides = array<i32>} : memref<8x1000xf32, #tpu.memory_space<vmem>>, vector<16xf32>,
          %get3A_665 = arith.constant 0 : i32
          %get3A_666 = arith.constant 0 : i32
          %get3A_667 = tpu.memref_slice %arg6[%scan3A_253, %get3A_665, %get3A_666] : memref<4x8x1000xi32, #tpu.memory_space<vmem>> -> memref<1x8x1000xi32, #tpu.memory_space<vmem>>
          %get3A_668 = tpu.memref_squeeze %get3A_667 : memref<1x8x1000xi32, #tpu.memory_space<vmem>> -> memref<8x1000xi32, #tpu.memory_space<vmem>>
          %get3A_669 = arith.index_cast %scan3A_436 : i32 to index
          %get3A_670 = arith.index_cast %add3A_657 : i32 to index
          %get3A_671 = tpu.vector_load %get3A_668[%get3A_669, %get3A_670] {strides = array<i32>} : memref<8x1000xi32, #tpu.memory_space<vmem>>, vector<16xi32>,
          %convert_element_type3A_672 = arith.sitofp %get3A_671 : vector<16xi32> to vector<16xf32>
          %sub3A_673 = arith.constant 1.000000e+00 : f32
          %sub3A_674 = vector.broadcast %sub3A_673 : f32 to vector<16xf32>
          %sub3A_675 = arith.subf %get3A_664, %sub3A_674 : vector<16xf32>
          %mul3A_676 = arith.mulf %convert_element_type3A_672, %sub3A_675 : vector<16xf32>
          %add3A_677 = arith.constant 1.000000e+00 : f32
          %add3A_678 = vector.broadcast %add3A_677 : f32 to vector<16xf32>
          %add3A_679 = arith.addf %mul3A_676, %add3A_678 : vector<16xf32>
          %add3A_680 = arith.addi %add3A_655, %get3A_671 : vector<16xi32>
          %add3A_681 = arith.constant 32 : i32
          %add3A_682 = arith.addi %mul3A_630, %add3A_681 : i32
          %get3A_683 = arith.constant 0 : i32
          %get3A_684 = arith.constant 0 : i32
          %get3A_685 = tpu.memref_slice %arg5[%scan3A_252, %get3A_683, %get3A_684] : memref<4x8x1000xf32, #tpu.memory_space<vmem>> -> memref<1x8x1000xf32, #tpu.memory_space<vmem>>
          %get3A_686 = tpu.memref_squeeze %get3A_685 : memref<1x8x1000xf32, #tpu.memory_space<vmem>> -> memref<8x1000xf32, #tpu.memory_space<vmem>>
          %get3A_687 = arith.index_cast %scan3A_436 : i32 to index
          %get3A_688 = arith.index_cast %add3A_682 : i32 to index
          %get3A_689 = tpu.vector_load %get3A_686[%get3A_687, %get3A_688] {strides = array<i32>} : memref<8x1000xf32, #tpu.memory_space<vmem>>, vector<16xf32>,
          %get3A_690 = arith.constant 0 : i32
          %get3A_691 = arith.constant 0 : i32
          %get3A_692 = tpu.memref_slice %arg6[%scan3A_253, %get3A_690, %get3A_691] : memref<4x8x1000xi32, #tpu.memory_space<vmem>> -> memref<1x8x1000xi32, #tpu.memory_space<vmem>>
          %get3A_693 = tpu.memref_squeeze %get3A_692 : memref<1x8x1000xi32, #tpu.memory_space<vmem>> -> memref<8x1000xi32, #tpu.memory_space<vmem>>
          %get3A_694 = arith.index_cast %scan3A_436 : i32 to index
          %get3A_695 = arith.index_cast %add3A_682 : i32 to index
          %get3A_696 = tpu.vector_load %get3A_693[%get3A_694, %get3A_695] {strides = array<i32>} : memref<8x1000xi32, #tpu.memory_space<vmem>>, vector<16xi32>,
          %convert_element_type3A_697 = arith.sitofp %get3A_696 : vector<16xi32> to vector<16xf32>
          %sub3A_698 = arith.constant 1.000000e+00 : f32
          %sub3A_699 = vector.broadcast %sub3A_698 : f32 to vector<16xf32>
          %sub3A_700 = arith.subf %get3A_689, %sub3A_699 : vector<16xf32>
          %mul3A_701 = arith.mulf %convert_element_type3A_697, %sub3A_700 : vector<16xf32>
          %add3A_702 = arith.constant 1.000000e+00 : f32
          %add3A_703 = vector.broadcast %add3A_702 : f32 to vector<16xf32>
          %add3A_704 = arith.addf %mul3A_701, %add3A_703 : vector<16xf32>
          %mul3A_705 = arith.mulf %add3A_654, %add3A_704 : vector<16xf32>
          %add3A_706 = arith.addi %add3A_680, %get3A_696 : vector<16xi32>
          %add3A_707 = arith.constant 48 : i32
          %add3A_708 = arith.addi %mul3A_630, %add3A_707 : i32
          %get3A_709 = arith.constant 0 : i32
          %get3A_710 = arith.constant 0 : i32
          %get3A_711 = tpu.memref_slice %arg5[%scan3A_252, %get3A_709, %get3A_710] : memref<4x8x1000xf32, #tpu.memory_space<vmem>> -> memref<1x8x1000xf32, #tpu.memory_space<vmem>>
          %get3A_712 = tpu.memref_squeeze %get3A_711 : memref<1x8x1000xf32, #tpu.memory_space<vmem>> -> memref<8x1000xf32, #tpu.memory_space<vmem>>
          %get3A_713 = arith.index_cast %scan3A_436 : i32 to index
          %get3A_714 = arith.index_cast %add3A_708 : i32 to index
          %get3A_715 = tpu.vector_load %get3A_712[%get3A_713, %get3A_714] {strides = array<i32>} : memref<8x1000xf32, #tpu.memory_space<vmem>>, vector<16xf32>,
          %get3A_716 = arith.constant 0 : i32
          %get3A_717 = arith.constant 0 : i32
          %get3A_718 = tpu.memref_slice %arg6[%scan3A_253, %get3A_716, %get3A_717] : memref<4x8x1000xi32, #tpu.memory_space<vmem>> -> memref<1x8x1000xi32, #tpu.memory_space<vmem>>
          %get3A_719 = tpu.memref_squeeze %get3A_718 : memref<1x8x1000xi32, #tpu.memory_space<vmem>> -> memref<8x1000xi32, #tpu.memory_space<vmem>>
          %get3A_720 = arith.index_cast %scan3A_436 : i32 to index
          %get3A_721 = arith.index_cast %add3A_708 : i32 to index
          %get3A_722 = tpu.vector_load %get3A_719[%get3A_720, %get3A_721] {strides = array<i32>} : memref<8x1000xi32, #tpu.memory_space<vmem>>, vector<16xi32>,
          %convert_element_type3A_723 = arith.sitofp %get3A_722 : vector<16xi32> to vector<16xf32>
          %sub3A_724 = arith.constant 1.000000e+00 : f32
          %sub3A_725 = vector.broadcast %sub3A_724 : f32 to vector<16xf32>
          %sub3A_726 = arith.subf %get3A_715, %sub3A_725 : vector<16xf32>
          %mul3A_727 = arith.mulf %convert_element_type3A_723, %sub3A_726 : vector<16xf32>
          %add3A_728 = arith.constant 1.000000e+00 : f32
          %add3A_729 = vector.broadcast %add3A_728 : f32 to vector<16xf32>
          %add3A_730 = arith.addf %mul3A_727, %add3A_729 : vector<16xf32>
          %mul3A_731 = arith.mulf %add3A_679, %add3A_730 : vector<16xf32>
          %add3A_732 = arith.addi %add3A_706, %get3A_722 : vector<16xi32>
          %add3A_733 = arith.constant 64 : i32
          %add3A_734 = arith.addi %mul3A_630, %add3A_733 : i32
          %get3A_735 = arith.constant 0 : i32
          %get3A_736 = arith.constant 0 : i32
          %get3A_737 = tpu.memref_slice %arg5[%scan3A_252, %get3A_735, %get3A_736] : memref<4x8x1000xf32, #tpu.memory_space<vmem>> -> memref<1x8x1000xf32, #tpu.memory_space<vmem>>
          %get3A_738 = tpu.memref_squeeze %get3A_737 : memref<1x8x1000xf32, #tpu.memory_space<vmem>> -> memref<8x1000xf32, #tpu.memory_space<vmem>>
          %get3A_739 = arith.index_cast %scan3A_436 : i32 to index
          %get3A_740 = arith.index_cast %add3A_734 : i32 to index
          %get3A_741 = tpu.vector_load %get3A_738[%get3A_739, %get3A_740] {strides = array<i32>} : memref<8x1000xf32, #tpu.memory_space<vmem>>, vector<16xf32>,
          %get3A_742 = arith.constant 0 : i32
          %get3A_743 = arith.constant 0 : i32
          %get3A_744 = tpu.memref_slice %arg6[%scan3A_253, %get3A_742, %get3A_743] : memref<4x8x1000xi32, #tpu.memory_space<vmem>> -> memref<1x8x1000xi32, #tpu.memory_space<vmem>>
          %get3A_745 = tpu.memref_squeeze %get3A_744 : memref<1x8x1000xi32, #tpu.memory_space<vmem>> -> memref<8x1000xi32, #tpu.memory_space<vmem>>
          %get3A_746 = arith.index_cast %scan3A_436 : i32 to index
          %get3A_747 = arith.index_cast %add3A_734 : i32 to index
          %get3A_748 = tpu.vector_load %get3A_745[%get3A_746, %get3A_747] {strides = array<i32>} : memref<8x1000xi32, #tpu.memory_space<vmem>>, vector<16xi32>,
          %convert_element_type3A_749 = arith.sitofp %get3A_748 : vector<16xi32> to vector<16xf32>
          %sub3A_750 = arith.constant 1.000000e+00 : f32
          %sub3A_751 = vector.broadcast %sub3A_750 : f32 to vector<16xf32>
          %sub3A_752 = arith.subf %get3A_741, %sub3A_751 : vector<16xf32>
          %mul3A_753 = arith.mulf %convert_element_type3A_749, %sub3A_752 : vector<16xf32>
          %add3A_754 = arith.constant 1.000000e+00 : f32
          %add3A_755 = vector.broadcast %add3A_754 : f32 to vector<16xf32>
          %add3A_756 = arith.addf %mul3A_753, %add3A_755 : vector<16xf32>
          %mul3A_757 = arith.mulf %mul3A_705, %add3A_756 : vector<16xf32>
          %add3A_758 = arith.addi %add3A_732, %get3A_748 : vector<16xi32>
          %add3A_759 = arith.constant 80 : i32
          %add3A_760 = arith.addi %mul3A_630, %add3A_759 : i32
          %get3A_761 = arith.constant 0 : i32
          %get3A_762 = arith.constant 0 : i32
          %get3A_763 = tpu.memref_slice %arg5[%scan3A_252, %get3A_761, %get3A_762] : memref<4x8x1000xf32, #tpu.memory_space<vmem>> -> memref<1x8x1000xf32, #tpu.memory_space<vmem>>
          %get3A_764 = tpu.memref_squeeze %get3A_763 : memref<1x8x1000xf32, #tpu.memory_space<vmem>> -> memref<8x1000xf32, #tpu.memory_space<vmem>>
          %get3A_765 = arith.index_cast %scan3A_436 : i32 to index
          %get3A_766 = arith.index_cast %add3A_760 : i32 to index
          %get3A_767 = tpu.vector_load %get3A_764[%get3A_765, %get3A_766] {strides = array<i32>} : memref<8x1000xf32, #tpu.memory_space<vmem>>, vector<16xf32>,
          %get3A_768 = arith.constant 0 : i32
          %get3A_769 = arith.constant 0 : i32
          %get3A_770 = tpu.memref_slice %arg6[%scan3A_253, %get3A_768, %get3A_769] : memref<4x8x1000xi32, #tpu.memory_space<vmem>> -> memref<1x8x1000xi32, #tpu.memory_space<vmem>>
          %get3A_771 = tpu.memref_squeeze %get3A_770 : memref<1x8x1000xi32, #tpu.memory_space<vmem>> -> memref<8x1000xi32, #tpu.memory_space<vmem>>
          %get3A_772 = arith.index_cast %scan3A_436 : i32 to index
          %get3A_773 = arith.index_cast %add3A_760 : i32 to index
          %get3A_774 = tpu.vector_load %get3A_771[%get3A_772, %get3A_773] {strides = array<i32>} : memref<8x1000xi32, #tpu.memory_space<vmem>>, vector<16xi32>,
          %convert_element_type3A_775 = arith.sitofp %get3A_774 : vector<16xi32> to vector<16xf32>
          %sub3A_776 = arith.constant 1.000000e+00 : f32
          %sub3A_777 = vector.broadcast %sub3A_776 : f32 to vector<16xf32>
          %sub3A_778 = arith.subf %get3A_767, %sub3A_777 : vector<16xf32>
          %mul3A_779 = arith.mulf %convert_element_type3A_775, %sub3A_778 : vector<16xf32>
          %add3A_780 = arith.constant 1.000000e+00 : f32
          %add3A_781 = vector.broadcast %add3A_780 : f32 to vector<16xf32>
          %add3A_782 = arith.addf %mul3A_779, %add3A_781 : vector<16xf32>
          %mul3A_783 = arith.mulf %mul3A_731, %add3A_782 : vector<16xf32>
          %add3A_784 = arith.addi %add3A_758, %get3A_774 : vector<16xi32>
          %add3A_785 = arith.constant 96 : i32
          %add3A_786 = arith.addi %mul3A_630, %add3A_785 : i32
          %get3A_787 = arith.constant 0 : i32
          %get3A_788 = arith.constant 0 : i32
          %get3A_789 = tpu.memref_slice %arg5[%scan3A_252, %get3A_787, %get3A_788] : memref<4x8x1000xf32, #tpu.memory_space<vmem>> -> memref<1x8x1000xf32, #tpu.memory_space<vmem>>
          %get3A_790 = tpu.memref_squeeze %get3A_789 : memref<1x8x1000xf32, #tpu.memory_space<vmem>> -> memref<8x1000xf32, #tpu.memory_space<vmem>>
          %get3A_791 = arith.index_cast %scan3A_436 : i32 to index
          %get3A_792 = arith.index_cast %add3A_786 : i32 to index
          %get3A_793 = tpu.vector_load %get3A_790[%get3A_791, %get3A_792] {strides = array<i32>} : memref<8x1000xf32, #tpu.memory_space<vmem>>, vector<16xf32>,
          %get3A_794 = arith.constant 0 : i32
          %get3A_795 = arith.constant 0 : i32
          %get3A_796 = tpu.memref_slice %arg6[%scan3A_253, %get3A_794, %get3A_795] : memref<4x8x1000xi32, #tpu.memory_space<vmem>> -> memref<1x8x1000xi32, #tpu.memory_space<vmem>>
          %get3A_797 = tpu.memref_squeeze %get3A_796 : memref<1x8x1000xi32, #tpu.memory_space<vmem>> -> memref<8x1000xi32, #tpu.memory_space<vmem>>
          %get3A_798 = arith.index_cast %scan3A_436 : i32 to index
          %get3A_799 = arith.index_cast %add3A_786 : i32 to index
          %get3A_800 = tpu.vector_load %get3A_797[%get3A_798, %get3A_799] {strides = array<i32>} : memref<8x1000xi32, #tpu.memory_space<vmem>>, vector<16xi32>,
          %convert_element_type3A_801 = arith.sitofp %get3A_800 : vector<16xi32> to vector<16xf32>
          %sub3A_802 = arith.constant 1.000000e+00 : f32
          %sub3A_803 = vector.broadcast %sub3A_802 : f32 to vector<16xf32>
          %sub3A_804 = arith.subf %get3A_793, %sub3A_803 : vector<16xf32>
          %mul3A_805 = arith.mulf %convert_element_type3A_801, %sub3A_804 : vector<16xf32>
          %add3A_806 = arith.constant 1.000000e+00 : f32
          %add3A_807 = vector.broadcast %add3A_806 : f32 to vector<16xf32>
          %add3A_808 = arith.addf %mul3A_805, %add3A_807 : vector<16xf32>
          %mul3A_809 = arith.mulf %mul3A_757, %add3A_808 : vector<16xf32>
          %add3A_810 = arith.addi %add3A_784, %get3A_800 : vector<16xi32>
          %mul3A_811 = arith.mulf %mul3A_809, %mul3A_783 : vector<16xf32>
          %mul3A_812 = arith.mulf %scan3A_624, %mul3A_811 : vector<16xf32>
          %bitcast3A_813 = vector.bitcast %mul3A_812 : vector<16xf32> to vector<16xi32>
          %shift_right_arithmetic3A_814 = arith.constant 23 : i32
          %shift_right_arithmetic3A_815 = vector.broadcast %shift_right_arithmetic3A_814 : i32 to vector<16xi32>
          %shift_right_arithmetic3A_816 = arith.shrsi %bitcast3A_813, %shift_right_arithmetic3A_815 : vector<16xi32>
          %add3A_817 = arith.addi %scan3A_625, %shift_right_arithmetic3A_816 : vector<16xi32>
          %and3A_818 = arith.constant 8388607 : i32
          %and3A_819 = vector.broadcast %and3A_818 : i32 to vector<16xi32>
          %and3A_820 = arith.andi %bitcast3A_813, %and3A_819 : vector<16xi32>
          %or3A_821 = arith.constant 1065353216 : i32
          %or3A_822 = vector.broadcast %or3A_821 : i32 to vector<16xi32>
          %or3A_823 = arith.ori %and3A_820, %or3A_822 : vector<16xi32>
          %bitcast3A_824 = vector.bitcast %or3A_823 : vector<16xi32> to vector<16xf32>
          %scan3A_825 = arith.constant 1 : i32
          %scan3A_826 = arith.addi %scan3A_623, %scan3A_825 : i32
          %mul3A_827 = arith.constant 7 : i32
          %mul3A_828 = arith.muli %scan3A_826, %mul3A_827 : i32
          %mul3A_829 = arith.constant 16 : i32
          %mul3A_830 = arith.muli %mul3A_828, %mul3A_829 : i32
          %add3A_831 = arith.constant 0 : i32
          %add3A_832 = arith.addi %mul3A_830, %add3A_831 : i32
          %get3A_833 = arith.constant 0 : i32
          %get3A_834 = arith.constant 0 : i32
          %get3A_835 = tpu.memref_slice %arg5[%scan3A_252, %get3A_833, %get3A_834] : memref<4x8x1000xf32, #tpu.memory_space<vmem>> -> memref<1x8x1000xf32, #tpu.memory_space<vmem>>
          %get3A_836 = tpu.memref_squeeze %get3A_835 : memref<1x8x1000xf32, #tpu.memory_space<vmem>> -> memref<8x1000xf32, #tpu.memory_space<vmem>>
          %get3A_837 = arith.index_cast %scan3A_436 : i32 to index
          %get3A_838 = arith.index_cast %add3A_832 : i32 to index
          %get3A_839 = tpu.vector_load %get3A_836[%get3A_837, %get3A_838] {strides = array<i32>} : memref<8x1000xf32, #tpu.memory_space<vmem>>, vector<16xf32>,
          %get3A_840 = arith.constant 0 : i32
          %get3A_841 = arith.constant 0 : i32
          %get3A_842 = tpu.memref_slice %arg6[%scan3A_253, %get3A_840, %get3A_841] : memref<4x8x1000xi32, #tpu.memory_space<vmem>> -> memref<1x8x1000xi32, #tpu.memory_space<vmem>>
          %get3A_843 = tpu.memref_squeeze %get3A_842 : memref<1x8x1000xi32, #tpu.memory_space<vmem>> -> memref<8x1000xi32, #tpu.memory_space<vmem>>
          %get3A_844 = arith.index_cast %scan3A_436 : i32 to index
          %get3A_845 = arith.index_cast %add3A_832 : i32 to index
          %get3A_846 = tpu.vector_load %get3A_843[%get3A_844, %get3A_845] {strides = array<i32>} : memref<8x1000xi32, #tpu.memory_space<vmem>>, vector<16xi32>,
          %convert_element_type3A_847 = arith.sitofp %get3A_846 : vector<16xi32> to vector<16xf32>
          %sub3A_848 = arith.constant 1.000000e+00 : f32
          %sub3A_849 = vector.broadcast %sub3A_848 : f32 to vector<16xf32>
          %sub3A_850 = arith.subf %get3A_839, %sub3A_849 : vector<16xf32>
          %mul3A_851 = arith.mulf %convert_element_type3A_847, %sub3A_850 : vector<16xf32>
          %add3A_852 = arith.constant 1.000000e+00 : f32
          %add3A_853 = vector.broadcast %add3A_852 : f32 to vector<16xf32>
          %add3A_854 = arith.addf %mul3A_851, %add3A_853 : vector<16xf32>
          %add3A_855 = arith.addi %add3A_810, %get3A_846 : vector<16xi32>
          %add3A_856 = arith.constant 16 : i32
          %add3A_857 = arith.addi %mul3A_830, %add3A_856 : i32
          %get3A_858 = arith.constant 0 : i32
          %get3A_859 = arith.constant 0 : i32
          %get3A_860 = tpu.memref_slice %arg5[%scan3A_252, %get3A_858, %get3A_859] : memref<4x8x1000xf32, #tpu.memory_space<vmem>> -> memref<1x8x1000xf32, #tpu.memory_space<vmem>>
          %get3A_861 = tpu.memref_squeeze %get3A_860 : memref<1x8x1000xf32, #tpu.memory_space<vmem>> -> memref<8x1000xf32, #tpu.memory_space<vmem>>
          %get3A_862 = arith.index_cast %scan3A_436 : i32 to index
          %get3A_863 = arith.index_cast %add3A_857 : i32 to index
          %get3A_864 = tpu.vector_load %get3A_861[%get3A_862, %get3A_863] {strides = array<i32>} : memref<8x1000xf32, #tpu.memory_space<vmem>>, vector<16xf32>,
          %get3A_865 = arith.constant 0 : i32
          %get3A_866 = arith.constant 0 : i32
          %get3A_867 = tpu.memref_slice %arg6[%scan3A_253, %get3A_865, %get3A_866] : memref<4x8x1000xi32, #tpu.memory_space<vmem>> -> memref<1x8x1000xi32, #tpu.memory_space<vmem>>
          %get3A_868 = tpu.memref_squeeze %get3A_867 : memref<1x8x1000xi32, #tpu.memory_space<vmem>> -> memref<8x1000xi32, #tpu.memory_space<vmem>>
          %get3A_869 = arith.index_cast %scan3A_436 : i32 to index
          %get3A_870 = arith.index_cast %add3A_857 : i32 to index
          %get3A_871 = tpu.vector_load %get3A_868[%get3A_869, %get3A_870] {strides = array<i32>} : memref<8x1000xi32, #tpu.memory_space<vmem>>, vector<16xi32>,
          %convert_element_type3A_872 = arith.sitofp %get3A_871 : vector<16xi32> to vector<16xf32>
          %sub3A_873 = arith.constant 1.000000e+00 : f32
          %sub3A_874 = vector.broadcast %sub3A_873 : f32 to vector<16xf32>
          %sub3A_875 = arith.subf %get3A_864, %sub3A_874 : vector<16xf32>
          %mul3A_876 = arith.mulf %convert_element_type3A_872, %sub3A_875 : vector<16xf32>
          %add3A_877 = arith.constant 1.000000e+00 : f32
          %add3A_878 = vector.broadcast %add3A_877 : f32 to vector<16xf32>
          %add3A_879 = arith.addf %mul3A_876, %add3A_878 : vector<16xf32>
          %add3A_880 = arith.addi %add3A_855, %get3A_871 : vector<16xi32>
          %add3A_881 = arith.constant 32 : i32
          %add3A_882 = arith.addi %mul3A_830, %add3A_881 : i32
          %get3A_883 = arith.constant 0 : i32
          %get3A_884 = arith.constant 0 : i32
          %get3A_885 = tpu.memref_slice %arg5[%scan3A_252, %get3A_883, %get3A_884] : memref<4x8x1000xf32, #tpu.memory_space<vmem>> -> memref<1x8x1000xf32, #tpu.memory_space<vmem>>
          %get3A_886 = tpu.memref_squeeze %get3A_885 : memref<1x8x1000xf32, #tpu.memory_space<vmem>> -> memref<8x1000xf32, #tpu.memory_space<vmem>>
          %get3A_887 = arith.index_cast %scan3A_436 : i32 to index
          %get3A_888 = arith.index_cast %add3A_882 : i32 to index
          %get3A_889 = tpu.vector_load %get3A_886[%get3A_887, %get3A_888] {strides = array<i32>} : memref<8x1000xf32, #tpu.memory_space<vmem>>, vector<16xf32>,
          %get3A_890 = arith.constant 0 : i32
          %get3A_891 = arith.constant 0 : i32
          %get3A_892 = tpu.memref_slice %arg6[%scan3A_253, %get3A_890, %get3A_891] : memref<4x8x1000xi32, #tpu.memory_space<vmem>> -> memref<1x8x1000xi32, #tpu.memory_space<vmem>>
          %get3A_893 = tpu.memref_squeeze %get3A_892 : memref<1x8x1000xi32, #tpu.memory_space<vmem>> -> memref<8x1000xi32, #tpu.memory_space<vmem>>
          %get3A_894 = arith.index_cast %scan3A_436 : i32 to index
          %get3A_895 = arith.index_cast %add3A_882 : i32 to index
          %get3A_896 = tpu.vector_load %get3A_893[%get3A_894, %get3A_895] {strides = array<i32>} : memref<8x1000xi32, #tpu.memory_space<vmem>>, vector<16xi32>,
          %convert_element_type3A_897 = arith.sitofp %get3A_896 : vector<16xi32> to vector<16xf32>
          %sub3A_898 = arith.constant 1.000000e+00 : f32
          %sub3A_899 = vector.broadcast %sub3A_898 : f32 to vector<16xf32>
          %sub3A_900 = arith.subf %get3A_889, %sub3A_899 : vector<16xf32>
          %mul3A_901 = arith.mulf %convert_element_type3A_897, %sub3A_900 : vector<16xf32>
          %add3A_902 = arith.constant 1.000000e+00 : f32
          %add3A_903 = vector.broadcast %add3A_902 : f32 to vector<16xf32>
          %add3A_904 = arith.addf %mul3A_901, %add3A_903 : vector<16xf32>
          %mul3A_905 = arith.mulf %add3A_854, %add3A_904 : vector<16xf32>
          %add3A_906 = arith.addi %add3A_880, %get3A_896 : vector<16xi32>
          %add3A_907 = arith.constant 48 : i32
          %add3A_908 = arith.addi %mul3A_830, %add3A_907 : i32
          %get3A_909 = arith.constant 0 : i32
          %get3A_910 = arith.constant 0 : i32
          %get3A_911 = tpu.memref_slice %arg5[%scan3A_252, %get3A_909, %get3A_910] : memref<4x8x1000xf32, #tpu.memory_space<vmem>> -> memref<1x8x1000xf32, #tpu.memory_space<vmem>>
          %get3A_912 = tpu.memref_squeeze %get3A_911 : memref<1x8x1000xf32, #tpu.memory_space<vmem>> -> memref<8x1000xf32, #tpu.memory_space<vmem>>
          %get3A_913 = arith.index_cast %scan3A_436 : i32 to index
          %get3A_914 = arith.index_cast %add3A_908 : i32 to index
          %get3A_915 = tpu.vector_load %get3A_912[%get3A_913, %get3A_914] {strides = array<i32>} : memref<8x1000xf32, #tpu.memory_space<vmem>>, vector<16xf32>,
          %get3A_916 = arith.constant 0 : i32
          %get3A_917 = arith.constant 0 : i32
          %get3A_918 = tpu.memref_slice %arg6[%scan3A_253, %get3A_916, %get3A_917] : memref<4x8x1000xi32, #tpu.memory_space<vmem>> -> memref<1x8x1000xi32, #tpu.memory_space<vmem>>
          %get3A_919 = tpu.memref_squeeze %get3A_918 : memref<1x8x1000xi32, #tpu.memory_space<vmem>> -> memref<8x1000xi32, #tpu.memory_space<vmem>>
          %get3A_920 = arith.index_cast %scan3A_436 : i32 to index
          %get3A_921 = arith.index_cast %add3A_908 : i32 to index
          %get3A_922 = tpu.vector_load %get3A_919[%get3A_920, %get3A_921] {strides = array<i32>} : memref<8x1000xi32, #tpu.memory_space<vmem>>, vector<16xi32>,
          %convert_element_type3A_923 = arith.sitofp %get3A_922 : vector<16xi32> to vector<16xf32>
          %sub3A_924 = arith.constant 1.000000e+00 : f32
          %sub3A_925 = vector.broadcast %sub3A_924 : f32 to vector<16xf32>
          %sub3A_926 = arith.subf %get3A_915, %sub3A_925 : vector<16xf32>
          %mul3A_927 = arith.mulf %convert_element_type3A_923, %sub3A_926 : vector<16xf32>
          %add3A_928 = arith.constant 1.000000e+00 : f32
          %add3A_929 = vector.broadcast %add3A_928 : f32 to vector<16xf32>
          %add3A_930 = arith.addf %mul3A_927, %add3A_929 : vector<16xf32>
          %mul3A_931 = arith.mulf %add3A_879, %add3A_930 : vector<16xf32>
          %add3A_932 = arith.addi %add3A_906, %get3A_922 : vector<16xi32>
          %add3A_933 = arith.constant 64 : i32
          %add3A_934 = arith.addi %mul3A_830, %add3A_933 : i32
          %get3A_935 = arith.constant 0 : i32
          %get3A_936 = arith.constant 0 : i32
          %get3A_937 = tpu.memref_slice %arg5[%scan3A_252, %get3A_935, %get3A_936] : memref<4x8x1000xf32, #tpu.memory_space<vmem>> -> memref<1x8x1000xf32, #tpu.memory_space<vmem>>
          %get3A_938 = tpu.memref_squeeze %get3A_937 : memref<1x8x1000xf32, #tpu.memory_space<vmem>> -> memref<8x1000xf32, #tpu.memory_space<vmem>>
          %get3A_939 = arith.index_cast %scan3A_436 : i32 to index
          %get3A_940 = arith.index_cast %add3A_934 : i32 to index
          %get3A_941 = tpu.vector_load %get3A_938[%get3A_939, %get3A_940] {strides = array<i32>} : memref<8x1000xf32, #tpu.memory_space<vmem>>, vector<16xf32>,
          %get3A_942 = arith.constant 0 : i32
          %get3A_943 = arith.constant 0 : i32
          %get3A_944 = tpu.memref_slice %arg6[%scan3A_253, %get3A_942, %get3A_943] : memref<4x8x1000xi32, #tpu.memory_space<vmem>> -> memref<1x8x1000xi32, #tpu.memory_space<vmem>>
          %get3A_945 = tpu.memref_squeeze %get3A_944 : memref<1x8x1000xi32, #tpu.memory_space<vmem>> -> memref<8x1000xi32, #tpu.memory_space<vmem>>
          %get3A_946 = arith.index_cast %scan3A_436 : i32 to index
          %get3A_947 = arith.index_cast %add3A_934 : i32 to index
          %get3A_948 = tpu.vector_load %get3A_945[%get3A_946, %get3A_947] {strides = array<i32>} : memref<8x1000xi32, #tpu.memory_space<vmem>>, vector<16xi32>,
          %convert_element_type3A_949 = arith.sitofp %get3A_948 : vector<16xi32> to vector<16xf32>
          %sub3A_950 = arith.constant 1.000000e+00 : f32
          %sub3A_951 = vector.broadcast %sub3A_950 : f32 to vector<16xf32>
          %sub3A_952 = arith.subf %get3A_941, %sub3A_951 : vector<16xf32>
          %mul3A_953 = arith.mulf %convert_element_type3A_949, %sub3A_952 : vector<16xf32>
          %add3A_954 = arith.constant 1.000000e+00 : f32
          %add3A_955 = vector.broadcast %add3A_954 : f32 to vector<16xf32>
          %add3A_956 = arith.addf %mul3A_953, %add3A_955 : vector<16xf32>
          %mul3A_957 = arith.mulf %mul3A_905, %add3A_956 : vector<16xf32>
          %add3A_958 = arith.addi %add3A_932, %get3A_948 : vector<16xi32>
          %add3A_959 = arith.constant 80 : i32
          %add3A_960 = arith.addi %mul3A_830, %add3A_959 : i32
          %get3A_961 = arith.constant 0 : i32
          %get3A_962 = arith.constant 0 : i32
          %get3A_963 = tpu.memref_slice %arg5[%scan3A_252, %get3A_961, %get3A_962] : memref<4x8x1000xf32, #tpu.memory_space<vmem>> -> memref<1x8x1000xf32, #tpu.memory_space<vmem>>
          %get3A_964 = tpu.memref_squeeze %get3A_963 : memref<1x8x1000xf32, #tpu.memory_space<vmem>> -> memref<8x1000xf32, #tpu.memory_space<vmem>>
          %get3A_965 = arith.index_cast %scan3A_436 : i32 to index
          %get3A_966 = arith.index_cast %add3A_960 : i32 to index
          %get3A_967 = tpu.vector_load %get3A_964[%get3A_965, %get3A_966] {strides = array<i32>} : memref<8x1000xf32, #tpu.memory_space<vmem>>, vector<16xf32>,
          %get3A_968 = arith.constant 0 : i32
          %get3A_969 = arith.constant 0 : i32
          %get3A_970 = tpu.memref_slice %arg6[%scan3A_253, %get3A_968, %get3A_969] : memref<4x8x1000xi32, #tpu.memory_space<vmem>> -> memref<1x8x1000xi32, #tpu.memory_space<vmem>>
          %get3A_971 = tpu.memref_squeeze %get3A_970 : memref<1x8x1000xi32, #tpu.memory_space<vmem>> -> memref<8x1000xi32, #tpu.memory_space<vmem>>
          %get3A_972 = arith.index_cast %scan3A_436 : i32 to index
          %get3A_973 = arith.index_cast %add3A_960 : i32 to index
          %get3A_974 = tpu.vector_load %get3A_971[%get3A_972, %get3A_973] {strides = array<i32>} : memref<8x1000xi32, #tpu.memory_space<vmem>>, vector<16xi32>,
          %convert_element_type3A_975 = arith.sitofp %get3A_974 : vector<16xi32> to vector<16xf32>
          %sub3A_976 = arith.constant 1.000000e+00 : f32
          %sub3A_977 = vector.broadcast %sub3A_976 : f32 to vector<16xf32>
          %sub3A_978 = arith.subf %get3A_967, %sub3A_977 : vector<16xf32>
          %mul3A_979 = arith.mulf %convert_element_type3A_975, %sub3A_978 : vector<16xf32>
          %add3A_980 = arith.constant 1.000000e+00 : f32
          %add3A_981 = vector.broadcast %add3A_980 : f32 to vector<16xf32>
          %add3A_982 = arith.addf %mul3A_979, %add3A_981 : vector<16xf32>
          %mul3A_983 = arith.mulf %mul3A_931, %add3A_982 : vector<16xf32>
          %add3A_984 = arith.addi %add3A_958, %get3A_974 : vector<16xi32>
          %add3A_985 = arith.constant 96 : i32
          %add3A_986 = arith.addi %mul3A_830, %add3A_985 : i32
          %get3A_987 = arith.constant 0 : i32
          %get3A_988 = arith.constant 0 : i32
          %get3A_989 = tpu.memref_slice %arg5[%scan3A_252, %get3A_987, %get3A_988] : memref<4x8x1000xf32, #tpu.memory_space<vmem>> -> memref<1x8x1000xf32, #tpu.memory_space<vmem>>
          %get3A_990 = tpu.memref_squeeze %get3A_989 : memref<1x8x1000xf32, #tpu.memory_space<vmem>> -> memref<8x1000xf32, #tpu.memory_space<vmem>>
          %get3A_991 = arith.index_cast %scan3A_436 : i32 to index
          %get3A_992 = arith.index_cast %add3A_986 : i32 to index
          %get3A_993 = tpu.vector_load %get3A_990[%get3A_991, %get3A_992] {strides = array<i32>} : memref<8x1000xf32, #tpu.memory_space<vmem>>, vector<16xf32>,
          %get3A_994 = arith.constant 0 : i32
          %get3A_995 = arith.constant 0 : i32
          %get3A_996 = tpu.memref_slice %arg6[%scan3A_253, %get3A_994, %get3A_995] : memref<4x8x1000xi32, #tpu.memory_space<vmem>> -> memref<1x8x1000xi32, #tpu.memory_space<vmem>>
          %get3A_997 = tpu.memref_squeeze %get3A_996 : memref<1x8x1000xi32, #tpu.memory_space<vmem>> -> memref<8x1000xi32, #tpu.memory_space<vmem>>
          %get3A_998 = arith.index_cast %scan3A_436 : i32 to index
          %get3A_999 = arith.index_cast %add3A_986 : i32 to index
          %get3A_1000 = tpu.vector_load %get3A_997[%get3A_998, %get3A_999] {strides = array<i32>} : memref<8x1000xi32, #tpu.memory_space<vmem>>, vector<16xi32>,
          %convert_element_type3A_1001 = arith.sitofp %get3A_1000 : vector<16xi32> to vector<16xf32>
          %sub3A_1002 = arith.constant 1.000000e+00 : f32
          %sub3A_1003 = vector.broadcast %sub3A_1002 : f32 to vector<16xf32>
          %sub3A_1004 = arith.subf %get3A_993, %sub3A_1003 : vector<16xf32>
          %mul3A_1005 = arith.mulf %convert_element_type3A_1001, %sub3A_1004 : vector<16xf32>
          %add3A_1006 = arith.constant 1.000000e+00 : f32
          %add3A_1007 = vector.broadcast %add3A_1006 : f32 to vector<16xf32>
          %add3A_1008 = arith.addf %mul3A_1005, %add3A_1007 : vector<16xf32>
          %mul3A_1009 = arith.mulf %mul3A_957, %add3A_1008 : vector<16xf32>
          %add3A_1010 = arith.addi %add3A_984, %get3A_1000 : vector<16xi32>
          %mul3A_1011 = arith.mulf %mul3A_1009, %mul3A_983 : vector<16xf32>
          %mul3A_1012 = arith.mulf %bitcast3A_824, %mul3A_1011 : vector<16xf32>
          %bitcast3A_1013 = vector.bitcast %mul3A_1012 : vector<16xf32> to vector<16xi32>
          %shift_right_arithmetic3A_1014 = arith.constant 23 : i32
          %shift_right_arithmetic3A_1015 = vector.broadcast %shift_right_arithmetic3A_1014 : i32 to vector<16xi32>
          %shift_right_arithmetic3A_1016 = arith.shrsi %bitcast3A_1013, %shift_right_arithmetic3A_1015 : vector<16xi32>
          %add3A_1017 = arith.addi %add3A_817, %shift_right_arithmetic3A_1016 : vector<16xi32>
          %and3A_1018 = arith.constant 8388607 : i32
          %and3A_1019 = vector.broadcast %and3A_1018 : i32 to vector<16xi32>
          %and3A_1020 = arith.andi %bitcast3A_1013, %and3A_1019 : vector<16xi32>
          %or3A_1021 = arith.constant 1065353216 : i32
          %or3A_1022 = vector.broadcast %or3A_1021 : i32 to vector<16xi32>
          %or3A_1023 = arith.ori %and3A_1020, %or3A_1022 : vector<16xi32>
          %bitcast3A_1024 = vector.bitcast %or3A_1023 : vector<16xi32> to vector<16xf32>
          scf.yield %bitcast3A_1024, %add3A_1017, %add3A_1010 : vector<16xf32>, vector<16xi32>, vector<16xi32>
        }
        %scan3A_445 = arith.constant 8 : i32
        %get3A = arith.constant 0 : i32
        %get3A_446 = arith.constant 0 : i32
        %get3A_447 = tpu.memref_slice %arg5[%scan3A_252, %get3A, %get3A_446] : memref<4x8x1000xf32, #tpu.memory_space<vmem>> -> memref<1x8x1000xf32, #tpu.memory_space<vmem>>
        %get3A_448 = tpu.memref_squeeze %get3A_447 : memref<1x8x1000xf32, #tpu.memory_space<vmem>> -> memref<8x1000xf32, #tpu.memory_space<vmem>>
        %get3A_449 = arith.index_cast %scan3A_436 : i32 to index
        %get3A_450 = arith.constant 896 : index
        %get3A_451 = tpu.vector_load %get3A_448[%get3A_449, %get3A_450] {strides = array<i32>} : memref<8x1000xf32, #tpu.memory_space<vmem>>, vector<16xf32>,
        %get3A_452 = arith.constant 0 : i32
        %get3A_453 = arith.constant 0 : i32
        %get3A_454 = tpu.memref_slice %arg6[%scan3A_253, %get3A_452, %get3A_453] : memref<4x8x1000xi32, #tpu.memory_space<vmem>> -> memref<1x8x1000xi32, #tpu.memory_space<vmem>>
        %get3A_455 = tpu.memref_squeeze %get3A_454 : memref<1x8x1000xi32, #tpu.memory_space<vmem>> -> memref<8x1000xi32, #tpu.memory_space<vmem>>
        %get3A_456 = arith.index_cast %scan3A_436 : i32 to index
        %get3A_457 = arith.constant 896 : index
        %get3A_458 = tpu.vector_load %get3A_455[%get3A_456, %get3A_457] {strides = array<i32>} : memref<8x1000xi32, #tpu.memory_space<vmem>>, vector<16xi32>,
        %convert_element_type3A_459 = arith.sitofp %get3A_458 : vector<16xi32> to vector<16xf32>
        %sub3A_460 = arith.constant 1.000000e+00 : f32
        %sub3A_461 = vector.broadcast %sub3A_460 : f32 to vector<16xf32>
        %sub3A_462 = arith.subf %get3A_451, %sub3A_461 : vector<16xf32>
        %mul3A_463 = arith.mulf %convert_element_type3A_459, %sub3A_462 : vector<16xf32>
        %add3A_464 = arith.constant 1.000000e+00 : f32
        %add3A_465 = vector.broadcast %add3A_464 : f32 to vector<16xf32>
        %add3A_466 = arith.addf %mul3A_463, %add3A_465 : vector<16xf32>
        %mul3A_467 = arith.mulf %scan3A_444#0, %add3A_466 : vector<16xf32>
        %add3A_468 = arith.addi %scan3A_444#2, %get3A_458 : vector<16xi32>
        %get3A_469 = arith.constant 0 : i32
        %get3A_470 = arith.constant 0 : i32
        %get3A_471 = tpu.memref_slice %arg5[%scan3A_252, %get3A_469, %get3A_470] : memref<4x8x1000xf32, #tpu.memory_space<vmem>> -> memref<1x8x1000xf32, #tpu.memory_space<vmem>>
        %get3A_472 = tpu.memref_squeeze %get3A_471 : memref<1x8x1000xf32, #tpu.memory_space<vmem>> -> memref<8x1000xf32, #tpu.memory_space<vmem>>
        %get3A_473 = arith.index_cast %scan3A_436 : i32 to index
        %get3A_474 = arith.constant 912 : index
        %get3A_475 = tpu.vector_load %get3A_472[%get3A_473, %get3A_474] {strides = array<i32>} : memref<8x1000xf32, #tpu.memory_space<vmem>>, vector<16xf32>,
        %get3A_476 = arith.constant 0 : i32
        %get3A_477 = arith.constant 0 : i32
        %get3A_478 = tpu.memref_slice %arg6[%scan3A_253, %get3A_476, %get3A_477] : memref<4x8x1000xi32, #tpu.memory_space<vmem>> -> memref<1x8x1000xi32, #tpu.memory_space<vmem>>
        %get3A_479 = tpu.memref_squeeze %get3A_478 : memref<1x8x1000xi32, #tpu.memory_space<vmem>> -> memref<8x1000xi32, #tpu.memory_space<vmem>>
        %get3A_480 = arith.index_cast %scan3A_436 : i32 to index
        %get3A_481 = arith.constant 912 : index
        %get3A_482 = tpu.vector_load %get3A_479[%get3A_480, %get3A_481] {strides = array<i32>} : memref<8x1000xi32, #tpu.memory_space<vmem>>, vector<16xi32>,
        %convert_element_type3A_483 = arith.sitofp %get3A_482 : vector<16xi32> to vector<16xf32>
        %sub3A_484 = arith.constant 1.000000e+00 : f32
        %sub3A_485 = vector.broadcast %sub3A_484 : f32 to vector<16xf32>
        %sub3A_486 = arith.subf %get3A_475, %sub3A_485 : vector<16xf32>
        %mul3A_487 = arith.mulf %convert_element_type3A_483, %sub3A_486 : vector<16xf32>
        %add3A_488 = arith.constant 1.000000e+00 : f32
        %add3A_489 = vector.broadcast %add3A_488 : f32 to vector<16xf32>
        %add3A_490 = arith.addf %mul3A_487, %add3A_489 : vector<16xf32>
        %mul3A_491 = arith.mulf %mul3A_467, %add3A_490 : vector<16xf32>
        %add3A_492 = arith.addi %add3A_468, %get3A_482 : vector<16xi32>
        %get3A_493 = arith.constant 0 : i32
        %get3A_494 = arith.constant 0 : i32
        %get3A_495 = tpu.memref_slice %arg5[%scan3A_252, %get3A_493, %get3A_494] : memref<4x8x1000xf32, #tpu.memory_space<vmem>> -> memref<1x8x1000xf32, #tpu.memory_space<vmem>>
        %get3A_496 = tpu.memref_squeeze %get3A_495 : memref<1x8x1000xf32, #tpu.memory_space<vmem>> -> memref<8x1000xf32, #tpu.memory_space<vmem>>
        %get3A_497 = arith.index_cast %scan3A_436 : i32 to index
        %get3A_498 = arith.constant 928 : index
        %get3A_499 = tpu.vector_load %get3A_496[%get3A_497, %get3A_498] {strides = array<i32>} : memref<8x1000xf32, #tpu.memory_space<vmem>>, vector<16xf32>,
        %get3A_500 = arith.constant 0 : i32
        %get3A_501 = arith.constant 0 : i32
        %get3A_502 = tpu.memref_slice %arg6[%scan3A_253, %get3A_500, %get3A_501] : memref<4x8x1000xi32, #tpu.memory_space<vmem>> -> memref<1x8x1000xi32, #tpu.memory_space<vmem>>
        %get3A_503 = tpu.memref_squeeze %get3A_502 : memref<1x8x1000xi32, #tpu.memory_space<vmem>> -> memref<8x1000xi32, #tpu.memory_space<vmem>>
        %get3A_504 = arith.index_cast %scan3A_436 : i32 to index
        %get3A_505 = arith.constant 928 : index
        %get3A_506 = tpu.vector_load %get3A_503[%get3A_504, %get3A_505] {strides = array<i32>} : memref<8x1000xi32, #tpu.memory_space<vmem>>, vector<16xi32>,
        %convert_element_type3A_507 = arith.sitofp %get3A_506 : vector<16xi32> to vector<16xf32>
        %sub3A_508 = arith.constant 1.000000e+00 : f32
        %sub3A_509 = vector.broadcast %sub3A_508 : f32 to vector<16xf32>
        %sub3A_510 = arith.subf %get3A_499, %sub3A_509 : vector<16xf32>
        %mul3A_511 = arith.mulf %convert_element_type3A_507, %sub3A_510 : vector<16xf32>
        %add3A_512 = arith.constant 1.000000e+00 : f32
        %add3A_513 = vector.broadcast %add3A_512 : f32 to vector<16xf32>
        %add3A_514 = arith.addf %mul3A_511, %add3A_513 : vector<16xf32>
        %mul3A_515 = arith.mulf %mul3A_491, %add3A_514 : vector<16xf32>
        %add3A_516 = arith.addi %add3A_492, %get3A_506 : vector<16xi32>
        %get3A_517 = arith.constant 0 : i32
        %get3A_518 = arith.constant 0 : i32
        %get3A_519 = tpu.memref_slice %arg5[%scan3A_252, %get3A_517, %get3A_518] : memref<4x8x1000xf32, #tpu.memory_space<vmem>> -> memref<1x8x1000xf32, #tpu.memory_space<vmem>>
        %get3A_520 = tpu.memref_squeeze %get3A_519 : memref<1x8x1000xf32, #tpu.memory_space<vmem>> -> memref<8x1000xf32, #tpu.memory_space<vmem>>
        %get3A_521 = arith.index_cast %scan3A_436 : i32 to index
        %get3A_522 = arith.constant 944 : index
        %get3A_523 = tpu.vector_load %get3A_520[%get3A_521, %get3A_522] {strides = array<i32>} : memref<8x1000xf32, #tpu.memory_space<vmem>>, vector<16xf32>,
        %get3A_524 = arith.constant 0 : i32
        %get3A_525 = arith.constant 0 : i32
        %get3A_526 = tpu.memref_slice %arg6[%scan3A_253, %get3A_524, %get3A_525] : memref<4x8x1000xi32, #tpu.memory_space<vmem>> -> memref<1x8x1000xi32, #tpu.memory_space<vmem>>
        %get3A_527 = tpu.memref_squeeze %get3A_526 : memref<1x8x1000xi32, #tpu.memory_space<vmem>> -> memref<8x1000xi32, #tpu.memory_space<vmem>>
        %get3A_528 = arith.index_cast %scan3A_436 : i32 to index
        %get3A_529 = arith.constant 944 : index
        %get3A_530 = tpu.vector_load %get3A_527[%get3A_528, %get3A_529] {strides = array<i32>} : memref<8x1000xi32, #tpu.memory_space<vmem>>, vector<16xi32>,
        %convert_element_type3A_531 = arith.sitofp %get3A_530 : vector<16xi32> to vector<16xf32>
        %sub3A_532 = arith.constant 1.000000e+00 : f32
        %sub3A_533 = vector.broadcast %sub3A_532 : f32 to vector<16xf32>
        %sub3A_534 = arith.subf %get3A_523, %sub3A_533 : vector<16xf32>
        %mul3A_535 = arith.mulf %convert_element_type3A_531, %sub3A_534 : vector<16xf32>
        %add3A_536 = arith.constant 1.000000e+00 : f32
        %add3A_537 = vector.broadcast %add3A_536 : f32 to vector<16xf32>
        %add3A_538 = arith.addf %mul3A_535, %add3A_537 : vector<16xf32>
        %mul3A_539 = arith.mulf %mul3A_515, %add3A_538 : vector<16xf32>
        %add3A_540 = arith.addi %add3A_516, %get3A_530 : vector<16xi32>
        %get3A_541 = arith.constant 0 : i32
        %get3A_542 = arith.constant 0 : i32
        %get3A_543 = tpu.memref_slice %arg5[%scan3A_252, %get3A_541, %get3A_542] : memref<4x8x1000xf32, #tpu.memory_space<vmem>> -> memref<1x8x1000xf32, #tpu.memory_space<vmem>>
        %get3A_544 = tpu.memref_squeeze %get3A_543 : memref<1x8x1000xf32, #tpu.memory_space<vmem>> -> memref<8x1000xf32, #tpu.memory_space<vmem>>
        %get3A_545 = arith.index_cast %scan3A_436 : i32 to index
        %get3A_546 = arith.constant 960 : index
        %get3A_547 = tpu.vector_load %get3A_544[%get3A_545, %get3A_546] {strides = array<i32>} : memref<8x1000xf32, #tpu.memory_space<vmem>>, vector<16xf32>,
        %get3A_548 = arith.constant 0 : i32
        %get3A_549 = arith.constant 0 : i32
        %get3A_550 = tpu.memref_slice %arg6[%scan3A_253, %get3A_548, %get3A_549] : memref<4x8x1000xi32, #tpu.memory_space<vmem>> -> memref<1x8x1000xi32, #tpu.memory_space<vmem>>
        %get3A_551 = tpu.memref_squeeze %get3A_550 : memref<1x8x1000xi32, #tpu.memory_space<vmem>> -> memref<8x1000xi32, #tpu.memory_space<vmem>>
        %get3A_552 = arith.index_cast %scan3A_436 : i32 to index
        %get3A_553 = arith.constant 960 : index
        %get3A_554 = tpu.vector_load %get3A_551[%get3A_552, %get3A_553] {strides = array<i32>} : memref<8x1000xi32, #tpu.memory_space<vmem>>, vector<16xi32>,
        %convert_element_type3A_555 = arith.sitofp %get3A_554 : vector<16xi32> to vector<16xf32>
        %sub3A_556 = arith.constant 1.000000e+00 : f32
        %sub3A_557 = vector.broadcast %sub3A_556 : f32 to vector<16xf32>
        %sub3A_558 = arith.subf %get3A_547, %sub3A_557 : vector<16xf32>
        %mul3A_559 = arith.mulf %convert_element_type3A_555, %sub3A_558 : vector<16xf32>
        %add3A_560 = arith.constant 1.000000e+00 : f32
        %add3A_561 = vector.broadcast %add3A_560 : f32 to vector<16xf32>
        %add3A_562 = arith.addf %mul3A_559, %add3A_561 : vector<16xf32>
        %mul3A_563 = arith.mulf %mul3A_539, %add3A_562 : vector<16xf32>
        %add3A_564 = arith.addi %add3A_540, %get3A_554 : vector<16xi32>
        %get3A_565 = arith.constant 0 : i32
        %get3A_566 = arith.constant 0 : i32
        %get3A_567 = tpu.memref_slice %arg5[%scan3A_252, %get3A_565, %get3A_566] : memref<4x8x1000xf32, #tpu.memory_space<vmem>> -> memref<1x8x1000xf32, #tpu.memory_space<vmem>>
        %get3A_568 = tpu.memref_squeeze %get3A_567 : memref<1x8x1000xf32, #tpu.memory_space<vmem>> -> memref<8x1000xf32, #tpu.memory_space<vmem>>
        %get3A_569 = arith.index_cast %scan3A_436 : i32 to index
        %get3A_570 = arith.constant 976 : index
        %get3A_571 = tpu.vector_load %get3A_568[%get3A_569, %get3A_570] {strides = array<i32>} : memref<8x1000xf32, #tpu.memory_space<vmem>>, vector<16xf32>,
        %get3A_572 = arith.constant 0 : i32
        %get3A_573 = arith.constant 0 : i32
        %get3A_574 = tpu.memref_slice %arg6[%scan3A_253, %get3A_572, %get3A_573] : memref<4x8x1000xi32, #tpu.memory_space<vmem>> -> memref<1x8x1000xi32, #tpu.memory_space<vmem>>
        %get3A_575 = tpu.memref_squeeze %get3A_574 : memref<1x8x1000xi32, #tpu.memory_space<vmem>> -> memref<8x1000xi32, #tpu.memory_space<vmem>>
        %get3A_576 = arith.index_cast %scan3A_436 : i32 to index
        %get3A_577 = arith.constant 976 : index
        %get3A_578 = tpu.vector_load %get3A_575[%get3A_576, %get3A_577] {strides = array<i32>} : memref<8x1000xi32, #tpu.memory_space<vmem>>, vector<16xi32>,
        %convert_element_type3A_579 = arith.sitofp %get3A_578 : vector<16xi32> to vector<16xf32>
        %sub3A_580 = arith.constant 1.000000e+00 : f32
        %sub3A_581 = vector.broadcast %sub3A_580 : f32 to vector<16xf32>
        %sub3A_582 = arith.subf %get3A_571, %sub3A_581 : vector<16xf32>
        %mul3A_583 = arith.mulf %convert_element_type3A_579, %sub3A_582 : vector<16xf32>
        %add3A_584 = arith.constant 1.000000e+00 : f32
        %add3A_585 = vector.broadcast %add3A_584 : f32 to vector<16xf32>
        %add3A_586 = arith.addf %mul3A_583, %add3A_585 : vector<16xf32>
        %mul3A_587 = arith.mulf %mul3A_563, %add3A_586 : vector<16xf32>
        %add3A_588 = arith.addi %add3A_564, %get3A_578 : vector<16xi32>
        %get3A_589 = arith.constant 0 : i32
        %get3A_590 = arith.constant 0 : i32
        %get3A_591 = tpu.memref_slice %arg5[%scan3A_252, %get3A_589, %get3A_590] : memref<4x8x1000xf32, #tpu.memory_space<vmem>> -> memref<1x8x1000xf32, #tpu.memory_space<vmem>>
        %get3A_592 = tpu.memref_squeeze %get3A_591 : memref<1x8x1000xf32, #tpu.memory_space<vmem>> -> memref<8x1000xf32, #tpu.memory_space<vmem>>
        %get3A_593 = arith.index_cast %scan3A_436 : i32 to index
        %get3A_594 = arith.constant 984 : index
        %get3A_595 = tpu.vector_load %get3A_592[%get3A_593, %get3A_594] {strides = array<i32>} : memref<8x1000xf32, #tpu.memory_space<vmem>>, vector<16xf32>,
        %get3A_596 = arith.constant 0 : i32
        %get3A_597 = arith.constant 0 : i32
        %get3A_598 = tpu.memref_slice %arg6[%scan3A_253, %get3A_596, %get3A_597] : memref<4x8x1000xi32, #tpu.memory_space<vmem>> -> memref<1x8x1000xi32, #tpu.memory_space<vmem>>
        %get3A_599 = tpu.memref_squeeze %get3A_598 : memref<1x8x1000xi32, #tpu.memory_space<vmem>> -> memref<8x1000xi32, #tpu.memory_space<vmem>>
        %get3A_600 = arith.index_cast %scan3A_436 : i32 to index
        %get3A_601 = arith.constant 984 : index
        %get3A_602 = tpu.vector_load %get3A_599[%get3A_600, %get3A_601] {strides = array<i32>} : memref<8x1000xi32, #tpu.memory_space<vmem>>, vector<16xi32>,
        %and3A = arith.andi %get3A_602, %shift_right_arithmetic3A_4 : vector<16xi32>
        %convert_element_type3A_603 = arith.sitofp %and3A : vector<16xi32> to vector<16xf32>
        %sub3A_604 = arith.constant 1.000000e+00 : f32
        %sub3A_605 = vector.broadcast %sub3A_604 : f32 to vector<16xf32>
        %sub3A_606 = arith.subf %get3A_595, %sub3A_605 : vector<16xf32>
        %mul3A_607 = arith.mulf %convert_element_type3A_603, %sub3A_606 : vector<16xf32>
        %add3A_608 = arith.constant 1.000000e+00 : f32
        %add3A_609 = vector.broadcast %add3A_608 : f32 to vector<16xf32>
        %add3A_610 = arith.addf %mul3A_607, %add3A_609 : vector<16xf32>
        %mul3A_611 = arith.mulf %mul3A_587, %add3A_610 : vector<16xf32>
        %add3A_612 = arith.addi %add3A_588, %and3A : vector<16xi32>
        %bitcast3A = vector.bitcast %mul3A_611 : vector<16xf32> to vector<16xi32>
        %shift_right_arithmetic3A_613 = arith.constant 23 : i32
        %shift_right_arithmetic3A_614 = vector.broadcast %shift_right_arithmetic3A_613 : i32 to vector<16xi32>
        %shift_right_arithmetic3A_615 = arith.shrsi %bitcast3A, %shift_right_arithmetic3A_614 : vector<16xi32>
        %add3A_616 = arith.addi %scan3A_444#1, %shift_right_arithmetic3A_615 : vector<16xi32>
        %and3A_617 = arith.constant 8388607 : i32
        %and3A_618 = vector.broadcast %and3A_617 : i32 to vector<16xi32>
        %and3A_619 = arith.andi %bitcast3A, %and3A_618 : vector<16xi32>
        %or3A = arith.constant 1065353216 : i32
        %or3A_620 = vector.broadcast %or3A : i32 to vector<16xi32>
        %or3A_621 = arith.ori %and3A_619, %or3A_620 : vector<16xi32>
        %bitcast3A_622 = vector.bitcast %or3A_621 : vector<16xi32> to vector<16xf32>
        scf.yield %bitcast3A_622, %add3A_616, %add3A_612 : vector<16xf32>, vector<16xi32>, vector<16xi32>
      }
      %scan3A_259 = arith.constant 8 : i32
      %add3A_260 = arith.constant 4 : i32
      %add3A_261 = arith.addi %add3A_214, %add3A_260 : i32
      %lt3A = arith.constant 64 : i32
      %lt3A_262 = arith.cmpi slt, %add3A_261, %lt3A : i32
      %convert_element_type3A_263 = arith.extui %lt3A_262 : i1 to i32
      %cond3A = arith.constant 0 : i32
      %cond3A_264 = arith.cmpi ne, %convert_element_type3A_263, %cond3A : i32
      scf.if %cond3A_264 {
        %add3A_436 = arith.constant 4 : i32
        %add3A_437 = arith.addi %add3A_214, %add3A_436 : i32
        %mul3A_438 = arith.constant 8 : i32
        %mul3A_439 = arith.muli %add3A_437, %mul3A_438 : i32
        %add3A_440 = arith.addi %mul3A_2, %mul3A_439 : i32
        %dma_start3A_441 = arith.constant 0 : i32
        %dma_start3A_442 = arith.constant 0 : i32
        %dma_start3A_443 = arith.constant 0 : i32
        %dma_start3A_444 = arith.constant 0 : i32
        %dma_start3A_445 = tpu.memref_slice %arg5[%dma_start3A_441, %dma_start3A_443, %dma_start3A_444] : memref<4x8x1000xf32, #tpu.memory_space<vmem>> -> memref<1x8x1000xf32, #tpu.memory_space<vmem>>
        %dma_start3A_446 = tpu.memref_squeeze %dma_start3A_445 : memref<1x8x1000xf32, #tpu.memory_space<vmem>> -> memref<8x1000xf32, #tpu.memory_space<vmem>>
        %dma_start3A_447 = arith.constant 0 : i32
        %dma_start3A_448 = tpu.memref_slice %arg2[%add3A_440, %dma_start3A_447] : memref<16384x1000xf32, #tpu.memory_space<hbm>> -> memref<8x1000xf32, #tpu.memory_space<hbm>>
        %dma_start3A_449 = tpu.memref_slice %arg8[%dma_start3A_442] : memref<4x!tpu.dma_semaphore, #tpu.memory_space<semaphore_mem>> -> memref<1x!tpu.dma_semaphore, #tpu.memory_space<semaphore_mem>>
        %dma_start3A_450 = tpu.memref_squeeze %dma_start3A_449 : memref<1x!tpu.dma_semaphore, #tpu.memory_space<semaphore_mem>> -> memref<!tpu.dma_semaphore, #tpu.memory_space<semaphore_mem>>
        %dma_start3A_451 = arith.constant 0 : i32
        %dma_start3A_452 = arith.constant 0 : i32
        %dma_start3A_453 = tpu.memref_slice %arg5[%dma_start3A_441, %dma_start3A_451, %dma_start3A_452] : memref<4x8x1000xf32, #tpu.memory_space<vmem>> -> memref<1x8x1000xf32, #tpu.memory_space<vmem>>
        %dma_start3A_454 = tpu.memref_squeeze %dma_start3A_453 : memref<1x8x1000xf32, #tpu.memory_space<vmem>> -> memref<8x1000xf32, #tpu.memory_space<vmem>>
        %dma_start3A_455 = arith.constant 0 : i32
        %dma_start3A_456 = tpu.memref_slice %arg2[%add3A_440, %dma_start3A_455] : memref<16384x1000xf32, #tpu.memory_space<hbm>> -> memref<8x1000xf32, #tpu.memory_space<hbm>>
        tpu.enqueue_dma source(%dma_start3A_456 : memref<8x1000xf32, #tpu.memory_space<hbm>>) target(%dma_start3A_454 : memref<8x1000xf32, #tpu.memory_space<vmem>>) target_semaphore(%dma_start3A_450 : memref<!tpu.dma_semaphore, #tpu.memory_space<semaphore_mem>>)
        %add3A_457 = arith.constant 4 : i32
        %add3A_458 = arith.addi %add3A_214, %add3A_457 : i32
        %mul3A_459 = arith.constant 8 : i32
        %mul3A_460 = arith.muli %add3A_458, %mul3A_459 : i32
        %add3A_461 = arith.addi %mul3A_2, %mul3A_460 : i32
        %dma_start3A_462 = arith.constant 0 : i32
        %dma_start3A_463 = arith.constant 0 : i32
        %dma_start3A_464 = arith.constant 0 : i32
        %dma_start3A_465 = arith.constant 0 : i32
        %dma_start3A_466 = tpu.memref_slice %arg6[%dma_start3A_462, %dma_start3A_464, %dma_start3A_465] : memref<4x8x1000xi32, #tpu.memory_space<vmem>> -> memref<1x8x1000xi32, #tpu.memory_space<vmem>>
        %dma_start3A_467 = tpu.memref_squeeze %dma_start3A_466 : memref<1x8x1000xi32, #tpu.memory_space<vmem>> -> memref<8x1000xi32, #tpu.memory_space<vmem>>
        %dma_start3A_468 = arith.constant 0 : i32
        %dma_start3A_469 = tpu.memref_slice %arg3[%add3A_461, %dma_start3A_468] : memref<16384x1000xi32, #tpu.memory_space<hbm>> -> memref<8x1000xi32, #tpu.memory_space<hbm>>
        %dma_start3A_470 = tpu.memref_slice %arg9[%dma_start3A_463] : memref<4x!tpu.dma_semaphore, #tpu.memory_space<semaphore_mem>> -> memref<1x!tpu.dma_semaphore, #tpu.memory_space<semaphore_mem>>
        %dma_start3A_471 = tpu.memref_squeeze %dma_start3A_470 : memref<1x!tpu.dma_semaphore, #tpu.memory_space<semaphore_mem>> -> memref<!tpu.dma_semaphore, #tpu.memory_space<semaphore_mem>>
        %dma_start3A_472 = arith.constant 0 : i32
        %dma_start3A_473 = arith.constant 0 : i32
        %dma_start3A_474 = tpu.memref_slice %arg6[%dma_start3A_462, %dma_start3A_472, %dma_start3A_473] : memref<4x8x1000xi32, #tpu.memory_space<vmem>> -> memref<1x8x1000xi32, #tpu.memory_space<vmem>>
        %dma_start3A_475 = tpu.memref_squeeze %dma_start3A_474 : memref<1x8x1000xi32, #tpu.memory_space<vmem>> -> memref<8x1000xi32, #tpu.memory_space<vmem>>
        %dma_start3A_476 = arith.constant 0 : i32
        %dma_start3A_477 = tpu.memref_slice %arg3[%add3A_461, %dma_start3A_476] : memref<16384x1000xi32, #tpu.memory_space<hbm>> -> memref<8x1000xi32, #tpu.memory_space<hbm>>
        tpu.enqueue_dma source(%dma_start3A_477 : memref<8x1000xi32, #tpu.memory_space<hbm>>) target(%dma_start3A_475 : memref<8x1000xi32, #tpu.memory_space<vmem>>) target_semaphore(%dma_start3A_471 : memref<!tpu.dma_semaphore, #tpu.memory_space<semaphore_mem>>)
      } else {
      }
      %mul3A_265 = arith.constant 4 : i32
      %mul3A_266 = arith.muli %scan3A_207, %mul3A_265 : i32
      %add3A_267 = arith.constant 1 : i32
      %add3A_268 = arith.addi %mul3A_266, %add3A_267 : i32
      %mul3A_269 = arith.constant 8 : i32
      %mul3A_270 = arith.muli %add3A_268, %mul3A_269 : i32
      %add3A_271 = arith.addi %mul3A_2, %mul3A_270 : i32
      %dma_wait3A_272 = arith.constant 1 : i32
      %dma_wait3A_273 = arith.constant 1 : i32
      %dma_wait3A_274 = arith.constant 0 : i32
      %dma_wait3A_275 = arith.constant 0 : i32
      %dma_wait3A_276 = tpu.memref_slice %arg5[%dma_wait3A_272, %dma_wait3A_274, %dma_wait3A_275] : memref<4x8x1000xf32, #tpu.memory_space<vmem>> -> memref<1x8x1000xf32, #tpu.memory_space<vmem>>
      %dma_wait3A_277 = tpu.memref_squeeze %dma_wait3A_276 : memref<1x8x1000xf32, #tpu.memory_space<vmem>> -> memref<8x1000xf32, #tpu.memory_space<vmem>>
      %dma_wait3A_278 = arith.constant 0 : i32
      %dma_wait3A_279 = tpu.memref_slice %arg2[%add3A_271, %dma_wait3A_278] : memref<16384x1000xf32, #tpu.memory_space<hbm>> -> memref<8x1000xf32, #tpu.memory_space<hbm>>
      %dma_wait3A_280 = tpu.memref_slice %arg8[%dma_wait3A_273] : memref<4x!tpu.dma_semaphore, #tpu.memory_space<semaphore_mem>> -> memref<1x!tpu.dma_semaphore, #tpu.memory_space<semaphore_mem>>
      %dma_wait3A_281 = tpu.memref_squeeze %dma_wait3A_280 : memref<1x!tpu.dma_semaphore, #tpu.memory_space<semaphore_mem>> -> memref<!tpu.dma_semaphore, #tpu.memory_space<semaphore_mem>>
      %dma_wait3A_282 = arith.constant 0 : i32
      %dma_wait3A_283 = arith.constant 0 : i32
      %dma_wait3A_284 = tpu.memref_slice %arg5[%dma_wait3A_272, %dma_wait3A_282, %dma_wait3A_283] : memref<4x8x1000xf32, #tpu.memory_space<vmem>> -> memref<1x8x1000xf32, #tpu.memory_space<vmem>>
      %dma_wait3A_285 = tpu.memref_squeeze %dma_wait3A_284 : memref<1x8x1000xf32, #tpu.memory_space<vmem>> -> memref<8x1000xf32, #tpu.memory_space<vmem>>
      %dma_wait3A_286 = arith.constant 0 : i32
      %dma_wait3A_287 = tpu.memref_slice %arg2[%add3A_271, %dma_wait3A_286] : memref<16384x1000xf32, #tpu.memory_space<hbm>> -> memref<8x1000xf32, #tpu.memory_space<hbm>>
      tpu.wait_dma2 semaphore(%dma_wait3A_281 : memref<!tpu.dma_semaphore, #tpu.memory_space<semaphore_mem>>) src(%dma_wait3A_287 : memref<8x1000xf32, #tpu.memory_space<hbm>>) dst(%dma_wait3A_285 : memref<8x1000xf32, #tpu.memory_space<vmem>>)
      %mul3A_288 = arith.constant 8 : i32
      %mul3A_289 = arith.muli %add3A_268, %mul3A_288 : i32
      %add3A_290 = arith.addi %mul3A_2, %mul3A_289 : i32
      %dma_wait3A_291 = arith.constant 1 : i32
      %dma_wait3A_292 = arith.constant 1 : i32
      %dma_wait3A_293 = arith.constant 0 : i32
      %dma_wait3A_294 = arith.constant 0 : i32
      %dma_wait3A_295 = tpu.memref_slice %arg6[%dma_wait3A_291, %dma_wait3A_293, %dma_wait3A_294] : memref<4x8x1000xi32, #tpu.memory_space<vmem>> -> memref<1x8x1000xi32, #tpu.memory_space<vmem>>
      %dma_wait3A_296 = tpu.memref_squeeze %dma_wait3A_295 : memref<1x8x1000xi32, #tpu.memory_space<vmem>> -> memref<8x1000xi32, #tpu.memory_space<vmem>>
      %dma_wait3A_297 = arith.constant 0 : i32
      %dma_wait3A_298 = tpu.memref_slice %arg3[%add3A_290, %dma_wait3A_297] : memref<16384x1000xi32, #tpu.memory_space<hbm>> -> memref<8x1000xi32, #tpu.memory_space<hbm>>
      %dma_wait3A_299 = tpu.memref_slice %arg9[%dma_wait3A_292] : memref<4x!tpu.dma_semaphore, #tpu.memory_space<semaphore_mem>> -> memref<1x!tpu.dma_semaphore, #tpu.memory_space<semaphore_mem>>
      %dma_wait3A_300 = tpu.memref_squeeze %dma_wait3A_299 : memref<1x!tpu.dma_semaphore, #tpu.memory_space<semaphore_mem>> -> memref<!tpu.dma_semaphore, #tpu.memory_space<semaphore_mem>>
      %dma_wait3A_301 = arith.constant 0 : i32
      %dma_wait3A_302 = arith.constant 0 : i32
      %dma_wait3A_303 = tpu.memref_slice %arg6[%dma_wait3A_291, %dma_wait3A_301, %dma_wait3A_302] : memref<4x8x1000xi32, #tpu.memory_space<vmem>> -> memref<1x8x1000xi32, #tpu.memory_space<vmem>>
      %dma_wait3A_304 = tpu.memref_squeeze %dma_wait3A_303 : memref<1x8x1000xi32, #tpu.memory_space<vmem>> -> memref<8x1000xi32, #tpu.memory_space<vmem>>
      %dma_wait3A_305 = arith.constant 0 : i32
      %dma_wait3A_306 = tpu.memref_slice %arg3[%add3A_290, %dma_wait3A_305] : memref<16384x1000xi32, #tpu.memory_space<hbm>> -> memref<8x1000xi32, #tpu.memory_space<hbm>>
      tpu.wait_dma2 semaphore(%dma_wait3A_300 : memref<!tpu.dma_semaphore, #tpu.memory_space<semaphore_mem>>) src(%dma_wait3A_306 : memref<8x1000xi32, #tpu.memory_space<hbm>>) dst(%dma_wait3A_304 : memref<8x1000xi32, #tpu.memory_space<vmem>>)
      %scan3A_307 = arith.constant 1 : i32
      %scan3A_308 = arith.constant 1 : i32
      %scan3A_309 = arith.constant 0 : i32
      %scan3A_310 = arith.constant 8 : i32
      %scan3A_311 = arith.addi %scan3A_309, %scan3A_310 : i32
      %scan3A_312 = arith.constant 1 : i32
      %scan3A_313:3 = scf.for %scan3A_436 = %scan3A_309 to %scan3A_311 step %scan3A_312 iter_args(%scan3A_437 = %scan3A_258#0, %scan3A_438 = %scan3A_258#1, %scan3A_439 = %scan3A_258#2) -> (vector<16xf32>, vector<16xi32>, vector<16xi32>)  : i32 {
        %scan3A_440 = arith.constant 0 : i32
        %scan3A_441 = arith.constant 8 : i32
        %scan3A_442 = arith.addi %scan3A_440, %scan3A_441 : i32
        %scan3A_443 = arith.constant 2 : i32
        %scan3A_444:3 = scf.for %scan3A_623 = %scan3A_440 to %scan3A_442 step %scan3A_443 iter_args(%scan3A_624 = %scan3A_437, %scan3A_625 = %scan3A_438, %scan3A_626 = %scan3A_439) -> (vector<16xf32>, vector<16xi32>, vector<16xi32>)  : i32 {
          %mul3A_627 = arith.constant 7 : i32
          %mul3A_628 = arith.muli %scan3A_623, %mul3A_627 : i32
          %mul3A_629 = arith.constant 16 : i32
          %mul3A_630 = arith.muli %mul3A_628, %mul3A_629 : i32
          %add3A_631 = arith.constant 0 : i32
          %add3A_632 = arith.addi %mul3A_630, %add3A_631 : i32
          %get3A_633 = arith.constant 0 : i32
          %get3A_634 = arith.constant 0 : i32
          %get3A_635 = tpu.memref_slice %arg5[%scan3A_307, %get3A_633, %get3A_634] : memref<4x8x1000xf32, #tpu.memory_space<vmem>> -> memref<1x8x1000xf32, #tpu.memory_space<vmem>>
          %get3A_636 = tpu.memref_squeeze %get3A_635 : memref<1x8x1000xf32, #tpu.memory_space<vmem>> -> memref<8x1000xf32, #tpu.memory_space<vmem>>
          %get3A_637 = arith.index_cast %scan3A_436 : i32 to index
          %get3A_638 = arith.index_cast %add3A_632 : i32 to index
          %get3A_639 = tpu.vector_load %get3A_636[%get3A_637, %get3A_638] {strides = array<i32>} : memref<8x1000xf32, #tpu.memory_space<vmem>>, vector<16xf32>,
          %get3A_640 = arith.constant 0 : i32
          %get3A_641 = arith.constant 0 : i32
          %get3A_642 = tpu.memref_slice %arg6[%scan3A_308, %get3A_640, %get3A_641] : memref<4x8x1000xi32, #tpu.memory_space<vmem>> -> memref<1x8x1000xi32, #tpu.memory_space<vmem>>
          %get3A_643 = tpu.memref_squeeze %get3A_642 : memref<1x8x1000xi32, #tpu.memory_space<vmem>> -> memref<8x1000xi32, #tpu.memory_space<vmem>>
          %get3A_644 = arith.index_cast %scan3A_436 : i32 to index
          %get3A_645 = arith.index_cast %add3A_632 : i32 to index
          %get3A_646 = tpu.vector_load %get3A_643[%get3A_644, %get3A_645] {strides = array<i32>} : memref<8x1000xi32, #tpu.memory_space<vmem>>, vector<16xi32>,
          %convert_element_type3A_647 = arith.sitofp %get3A_646 : vector<16xi32> to vector<16xf32>
          %sub3A_648 = arith.constant 1.000000e+00 : f32
          %sub3A_649 = vector.broadcast %sub3A_648 : f32 to vector<16xf32>
          %sub3A_650 = arith.subf %get3A_639, %sub3A_649 : vector<16xf32>
          %mul3A_651 = arith.mulf %convert_element_type3A_647, %sub3A_650 : vector<16xf32>
          %add3A_652 = arith.constant 1.000000e+00 : f32
          %add3A_653 = vector.broadcast %add3A_652 : f32 to vector<16xf32>
          %add3A_654 = arith.addf %mul3A_651, %add3A_653 : vector<16xf32>
          %add3A_655 = arith.addi %scan3A_626, %get3A_646 : vector<16xi32>
          %add3A_656 = arith.constant 16 : i32
          %add3A_657 = arith.addi %mul3A_630, %add3A_656 : i32
          %get3A_658 = arith.constant 0 : i32
          %get3A_659 = arith.constant 0 : i32
          %get3A_660 = tpu.memref_slice %arg5[%scan3A_307, %get3A_658, %get3A_659] : memref<4x8x1000xf32, #tpu.memory_space<vmem>> -> memref<1x8x1000xf32, #tpu.memory_space<vmem>>
          %get3A_661 = tpu.memref_squeeze %get3A_660 : memref<1x8x1000xf32, #tpu.memory_space<vmem>> -> memref<8x1000xf32, #tpu.memory_space<vmem>>
          %get3A_662 = arith.index_cast %scan3A_436 : i32 to index
          %get3A_663 = arith.index_cast %add3A_657 : i32 to index
          %get3A_664 = tpu.vector_load %get3A_661[%get3A_662, %get3A_663] {strides = array<i32>} : memref<8x1000xf32, #tpu.memory_space<vmem>>, vector<16xf32>,
          %get3A_665 = arith.constant 0 : i32
          %get3A_666 = arith.constant 0 : i32
          %get3A_667 = tpu.memref_slice %arg6[%scan3A_308, %get3A_665, %get3A_666] : memref<4x8x1000xi32, #tpu.memory_space<vmem>> -> memref<1x8x1000xi32, #tpu.memory_space<vmem>>
          %get3A_668 = tpu.memref_squeeze %get3A_667 : memref<1x8x1000xi32, #tpu.memory_space<vmem>> -> memref<8x1000xi32, #tpu.memory_space<vmem>>
          %get3A_669 = arith.index_cast %scan3A_436 : i32 to index
          %get3A_670 = arith.index_cast %add3A_657 : i32 to index
          %get3A_671 = tpu.vector_load %get3A_668[%get3A_669, %get3A_670] {strides = array<i32>} : memref<8x1000xi32, #tpu.memory_space<vmem>>, vector<16xi32>,
          %convert_element_type3A_672 = arith.sitofp %get3A_671 : vector<16xi32> to vector<16xf32>
          %sub3A_673 = arith.constant 1.000000e+00 : f32
          %sub3A_674 = vector.broadcast %sub3A_673 : f32 to vector<16xf32>
          %sub3A_675 = arith.subf %get3A_664, %sub3A_674 : vector<16xf32>
          %mul3A_676 = arith.mulf %convert_element_type3A_672, %sub3A_675 : vector<16xf32>
          %add3A_677 = arith.constant 1.000000e+00 : f32
          %add3A_678 = vector.broadcast %add3A_677 : f32 to vector<16xf32>
          %add3A_679 = arith.addf %mul3A_676, %add3A_678 : vector<16xf32>
          %add3A_680 = arith.addi %add3A_655, %get3A_671 : vector<16xi32>
          %add3A_681 = arith.constant 32 : i32
          %add3A_682 = arith.addi %mul3A_630, %add3A_681 : i32
          %get3A_683 = arith.constant 0 : i32
          %get3A_684 = arith.constant 0 : i32
          %get3A_685 = tpu.memref_slice %arg5[%scan3A_307, %get3A_683, %get3A_684] : memref<4x8x1000xf32, #tpu.memory_space<vmem>> -> memref<1x8x1000xf32, #tpu.memory_space<vmem>>
          %get3A_686 = tpu.memref_squeeze %get3A_685 : memref<1x8x1000xf32, #tpu.memory_space<vmem>> -> memref<8x1000xf32, #tpu.memory_space<vmem>>
          %get3A_687 = arith.index_cast %scan3A_436 : i32 to index
          %get3A_688 = arith.index_cast %add3A_682 : i32 to index
          %get3A_689 = tpu.vector_load %get3A_686[%get3A_687, %get3A_688] {strides = array<i32>} : memref<8x1000xf32, #tpu.memory_space<vmem>>, vector<16xf32>,
          %get3A_690 = arith.constant 0 : i32
          %get3A_691 = arith.constant 0 : i32
          %get3A_692 = tpu.memref_slice %arg6[%scan3A_308, %get3A_690, %get3A_691] : memref<4x8x1000xi32, #tpu.memory_space<vmem>> -> memref<1x8x1000xi32, #tpu.memory_space<vmem>>
          %get3A_693 = tpu.memref_squeeze %get3A_692 : memref<1x8x1000xi32, #tpu.memory_space<vmem>> -> memref<8x1000xi32, #tpu.memory_space<vmem>>
          %get3A_694 = arith.index_cast %scan3A_436 : i32 to index
          %get3A_695 = arith.index_cast %add3A_682 : i32 to index
          %get3A_696 = tpu.vector_load %get3A_693[%get3A_694, %get3A_695] {strides = array<i32>} : memref<8x1000xi32, #tpu.memory_space<vmem>>, vector<16xi32>,
          %convert_element_type3A_697 = arith.sitofp %get3A_696 : vector<16xi32> to vector<16xf32>
          %sub3A_698 = arith.constant 1.000000e+00 : f32
          %sub3A_699 = vector.broadcast %sub3A_698 : f32 to vector<16xf32>
          %sub3A_700 = arith.subf %get3A_689, %sub3A_699 : vector<16xf32>
          %mul3A_701 = arith.mulf %convert_element_type3A_697, %sub3A_700 : vector<16xf32>
          %add3A_702 = arith.constant 1.000000e+00 : f32
          %add3A_703 = vector.broadcast %add3A_702 : f32 to vector<16xf32>
          %add3A_704 = arith.addf %mul3A_701, %add3A_703 : vector<16xf32>
          %mul3A_705 = arith.mulf %add3A_654, %add3A_704 : vector<16xf32>
          %add3A_706 = arith.addi %add3A_680, %get3A_696 : vector<16xi32>
          %add3A_707 = arith.constant 48 : i32
          %add3A_708 = arith.addi %mul3A_630, %add3A_707 : i32
          %get3A_709 = arith.constant 0 : i32
          %get3A_710 = arith.constant 0 : i32
          %get3A_711 = tpu.memref_slice %arg5[%scan3A_307, %get3A_709, %get3A_710] : memref<4x8x1000xf32, #tpu.memory_space<vmem>> -> memref<1x8x1000xf32, #tpu.memory_space<vmem>>
          %get3A_712 = tpu.memref_squeeze %get3A_711 : memref<1x8x1000xf32, #tpu.memory_space<vmem>> -> memref<8x1000xf32, #tpu.memory_space<vmem>>
          %get3A_713 = arith.index_cast %scan3A_436 : i32 to index
          %get3A_714 = arith.index_cast %add3A_708 : i32 to index
          %get3A_715 = tpu.vector_load %get3A_712[%get3A_713, %get3A_714] {strides = array<i32>} : memref<8x1000xf32, #tpu.memory_space<vmem>>, vector<16xf32>,
          %get3A_716 = arith.constant 0 : i32
          %get3A_717 = arith.constant 0 : i32
          %get3A_718 = tpu.memref_slice %arg6[%scan3A_308, %get3A_716, %get3A_717] : memref<4x8x1000xi32, #tpu.memory_space<vmem>> -> memref<1x8x1000xi32, #tpu.memory_space<vmem>>
          %get3A_719 = tpu.memref_squeeze %get3A_718 : memref<1x8x1000xi32, #tpu.memory_space<vmem>> -> memref<8x1000xi32, #tpu.memory_space<vmem>>
          %get3A_720 = arith.index_cast %scan3A_436 : i32 to index
          %get3A_721 = arith.index_cast %add3A_708 : i32 to index
          %get3A_722 = tpu.vector_load %get3A_719[%get3A_720, %get3A_721] {strides = array<i32>} : memref<8x1000xi32, #tpu.memory_space<vmem>>, vector<16xi32>,
          %convert_element_type3A_723 = arith.sitofp %get3A_722 : vector<16xi32> to vector<16xf32>
          %sub3A_724 = arith.constant 1.000000e+00 : f32
          %sub3A_725 = vector.broadcast %sub3A_724 : f32 to vector<16xf32>
          %sub3A_726 = arith.subf %get3A_715, %sub3A_725 : vector<16xf32>
          %mul3A_727 = arith.mulf %convert_element_type3A_723, %sub3A_726 : vector<16xf32>
          %add3A_728 = arith.constant 1.000000e+00 : f32
          %add3A_729 = vector.broadcast %add3A_728 : f32 to vector<16xf32>
          %add3A_730 = arith.addf %mul3A_727, %add3A_729 : vector<16xf32>
          %mul3A_731 = arith.mulf %add3A_679, %add3A_730 : vector<16xf32>
          %add3A_732 = arith.addi %add3A_706, %get3A_722 : vector<16xi32>
          %add3A_733 = arith.constant 64 : i32
          %add3A_734 = arith.addi %mul3A_630, %add3A_733 : i32
          %get3A_735 = arith.constant 0 : i32
          %get3A_736 = arith.constant 0 : i32
          %get3A_737 = tpu.memref_slice %arg5[%scan3A_307, %get3A_735, %get3A_736] : memref<4x8x1000xf32, #tpu.memory_space<vmem>> -> memref<1x8x1000xf32, #tpu.memory_space<vmem>>
          %get3A_738 = tpu.memref_squeeze %get3A_737 : memref<1x8x1000xf32, #tpu.memory_space<vmem>> -> memref<8x1000xf32, #tpu.memory_space<vmem>>
          %get3A_739 = arith.index_cast %scan3A_436 : i32 to index
          %get3A_740 = arith.index_cast %add3A_734 : i32 to index
          %get3A_741 = tpu.vector_load %get3A_738[%get3A_739, %get3A_740] {strides = array<i32>} : memref<8x1000xf32, #tpu.memory_space<vmem>>, vector<16xf32>,
          %get3A_742 = arith.constant 0 : i32
          %get3A_743 = arith.constant 0 : i32
          %get3A_744 = tpu.memref_slice %arg6[%scan3A_308, %get3A_742, %get3A_743] : memref<4x8x1000xi32, #tpu.memory_space<vmem>> -> memref<1x8x1000xi32, #tpu.memory_space<vmem>>
          %get3A_745 = tpu.memref_squeeze %get3A_744 : memref<1x8x1000xi32, #tpu.memory_space<vmem>> -> memref<8x1000xi32, #tpu.memory_space<vmem>>
          %get3A_746 = arith.index_cast %scan3A_436 : i32 to index
          %get3A_747 = arith.index_cast %add3A_734 : i32 to index
          %get3A_748 = tpu.vector_load %get3A_745[%get3A_746, %get3A_747] {strides = array<i32>} : memref<8x1000xi32, #tpu.memory_space<vmem>>, vector<16xi32>,
          %convert_element_type3A_749 = arith.sitofp %get3A_748 : vector<16xi32> to vector<16xf32>
          %sub3A_750 = arith.constant 1.000000e+00 : f32
          %sub3A_751 = vector.broadcast %sub3A_750 : f32 to vector<16xf32>
          %sub3A_752 = arith.subf %get3A_741, %sub3A_751 : vector<16xf32>
          %mul3A_753 = arith.mulf %convert_element_type3A_749, %sub3A_752 : vector<16xf32>
          %add3A_754 = arith.constant 1.000000e+00 : f32
          %add3A_755 = vector.broadcast %add3A_754 : f32 to vector<16xf32>
          %add3A_756 = arith.addf %mul3A_753, %add3A_755 : vector<16xf32>
          %mul3A_757 = arith.mulf %mul3A_705, %add3A_756 : vector<16xf32>
          %add3A_758 = arith.addi %add3A_732, %get3A_748 : vector<16xi32>
          %add3A_759 = arith.constant 80 : i32
          %add3A_760 = arith.addi %mul3A_630, %add3A_759 : i32
          %get3A_761 = arith.constant 0 : i32
          %get3A_762 = arith.constant 0 : i32
          %get3A_763 = tpu.memref_slice %arg5[%scan3A_307, %get3A_761, %get3A_762] : memref<4x8x1000xf32, #tpu.memory_space<vmem>> -> memref<1x8x1000xf32, #tpu.memory_space<vmem>>
          %get3A_764 = tpu.memref_squeeze %get3A_763 : memref<1x8x1000xf32, #tpu.memory_space<vmem>> -> memref<8x1000xf32, #tpu.memory_space<vmem>>
          %get3A_765 = arith.index_cast %scan3A_436 : i32 to index
          %get3A_766 = arith.index_cast %add3A_760 : i32 to index
          %get3A_767 = tpu.vector_load %get3A_764[%get3A_765, %get3A_766] {strides = array<i32>} : memref<8x1000xf32, #tpu.memory_space<vmem>>, vector<16xf32>,
          %get3A_768 = arith.constant 0 : i32
          %get3A_769 = arith.constant 0 : i32
          %get3A_770 = tpu.memref_slice %arg6[%scan3A_308, %get3A_768, %get3A_769] : memref<4x8x1000xi32, #tpu.memory_space<vmem>> -> memref<1x8x1000xi32, #tpu.memory_space<vmem>>
          %get3A_771 = tpu.memref_squeeze %get3A_770 : memref<1x8x1000xi32, #tpu.memory_space<vmem>> -> memref<8x1000xi32, #tpu.memory_space<vmem>>
          %get3A_772 = arith.index_cast %scan3A_436 : i32 to index
          %get3A_773 = arith.index_cast %add3A_760 : i32 to index
          %get3A_774 = tpu.vector_load %get3A_771[%get3A_772, %get3A_773] {strides = array<i32>} : memref<8x1000xi32, #tpu.memory_space<vmem>>, vector<16xi32>,
          %convert_element_type3A_775 = arith.sitofp %get3A_774 : vector<16xi32> to vector<16xf32>
          %sub3A_776 = arith.constant 1.000000e+00 : f32
          %sub3A_777 = vector.broadcast %sub3A_776 : f32 to vector<16xf32>
          %sub3A_778 = arith.subf %get3A_767, %sub3A_777 : vector<16xf32>
          %mul3A_779 = arith.mulf %convert_element_type3A_775, %sub3A_778 : vector<16xf32>
          %add3A_780 = arith.constant 1.000000e+00 : f32
          %add3A_781 = vector.broadcast %add3A_780 : f32 to vector<16xf32>
          %add3A_782 = arith.addf %mul3A_779, %add3A_781 : vector<16xf32>
          %mul3A_783 = arith.mulf %mul3A_731, %add3A_782 : vector<16xf32>
          %add3A_784 = arith.addi %add3A_758, %get3A_774 : vector<16xi32>
          %add3A_785 = arith.constant 96 : i32
          %add3A_786 = arith.addi %mul3A_630, %add3A_785 : i32
          %get3A_787 = arith.constant 0 : i32
          %get3A_788 = arith.constant 0 : i32
          %get3A_789 = tpu.memref_slice %arg5[%scan3A_307, %get3A_787, %get3A_788] : memref<4x8x1000xf32, #tpu.memory_space<vmem>> -> memref<1x8x1000xf32, #tpu.memory_space<vmem>>
          %get3A_790 = tpu.memref_squeeze %get3A_789 : memref<1x8x1000xf32, #tpu.memory_space<vmem>> -> memref<8x1000xf32, #tpu.memory_space<vmem>>
          %get3A_791 = arith.index_cast %scan3A_436 : i32 to index
          %get3A_792 = arith.index_cast %add3A_786 : i32 to index
          %get3A_793 = tpu.vector_load %get3A_790[%get3A_791, %get3A_792] {strides = array<i32>} : memref<8x1000xf32, #tpu.memory_space<vmem>>, vector<16xf32>,
          %get3A_794 = arith.constant 0 : i32
          %get3A_795 = arith.constant 0 : i32
          %get3A_796 = tpu.memref_slice %arg6[%scan3A_308, %get3A_794, %get3A_795] : memref<4x8x1000xi32, #tpu.memory_space<vmem>> -> memref<1x8x1000xi32, #tpu.memory_space<vmem>>
          %get3A_797 = tpu.memref_squeeze %get3A_796 : memref<1x8x1000xi32, #tpu.memory_space<vmem>> -> memref<8x1000xi32, #tpu.memory_space<vmem>>
          %get3A_798 = arith.index_cast %scan3A_436 : i32 to index
          %get3A_799 = arith.index_cast %add3A_786 : i32 to index
          %get3A_800 = tpu.vector_load %get3A_797[%get3A_798, %get3A_799] {strides = array<i32>} : memref<8x1000xi32, #tpu.memory_space<vmem>>, vector<16xi32>,
          %convert_element_type3A_801 = arith.sitofp %get3A_800 : vector<16xi32> to vector<16xf32>
          %sub3A_802 = arith.constant 1.000000e+00 : f32
          %sub3A_803 = vector.broadcast %sub3A_802 : f32 to vector<16xf32>
          %sub3A_804 = arith.subf %get3A_793, %sub3A_803 : vector<16xf32>
          %mul3A_805 = arith.mulf %convert_element_type3A_801, %sub3A_804 : vector<16xf32>
          %add3A_806 = arith.constant 1.000000e+00 : f32
          %add3A_807 = vector.broadcast %add3A_806 : f32 to vector<16xf32>
          %add3A_808 = arith.addf %mul3A_805, %add3A_807 : vector<16xf32>
          %mul3A_809 = arith.mulf %mul3A_757, %add3A_808 : vector<16xf32>
          %add3A_810 = arith.addi %add3A_784, %get3A_800 : vector<16xi32>
          %mul3A_811 = arith.mulf %mul3A_809, %mul3A_783 : vector<16xf32>
          %mul3A_812 = arith.mulf %scan3A_624, %mul3A_811 : vector<16xf32>
          %bitcast3A_813 = vector.bitcast %mul3A_812 : vector<16xf32> to vector<16xi32>
          %shift_right_arithmetic3A_814 = arith.constant 23 : i32
          %shift_right_arithmetic3A_815 = vector.broadcast %shift_right_arithmetic3A_814 : i32 to vector<16xi32>
          %shift_right_arithmetic3A_816 = arith.shrsi %bitcast3A_813, %shift_right_arithmetic3A_815 : vector<16xi32>
          %add3A_817 = arith.addi %scan3A_625, %shift_right_arithmetic3A_816 : vector<16xi32>
          %and3A_818 = arith.constant 8388607 : i32
          %and3A_819 = vector.broadcast %and3A_818 : i32 to vector<16xi32>
          %and3A_820 = arith.andi %bitcast3A_813, %and3A_819 : vector<16xi32>
          %or3A_821 = arith.constant 1065353216 : i32
          %or3A_822 = vector.broadcast %or3A_821 : i32 to vector<16xi32>
          %or3A_823 = arith.ori %and3A_820, %or3A_822 : vector<16xi32>
          %bitcast3A_824 = vector.bitcast %or3A_823 : vector<16xi32> to vector<16xf32>
          %scan3A_825 = arith.constant 1 : i32
          %scan3A_826 = arith.addi %scan3A_623, %scan3A_825 : i32
          %mul3A_827 = arith.constant 7 : i32
          %mul3A_828 = arith.muli %scan3A_826, %mul3A_827 : i32
          %mul3A_829 = arith.constant 16 : i32
          %mul3A_830 = arith.muli %mul3A_828, %mul3A_829 : i32
          %add3A_831 = arith.constant 0 : i32
          %add3A_832 = arith.addi %mul3A_830, %add3A_831 : i32
          %get3A_833 = arith.constant 0 : i32
          %get3A_834 = arith.constant 0 : i32
          %get3A_835 = tpu.memref_slice %arg5[%scan3A_307, %get3A_833, %get3A_834] : memref<4x8x1000xf32, #tpu.memory_space<vmem>> -> memref<1x8x1000xf32, #tpu.memory_space<vmem>>
          %get3A_836 = tpu.memref_squeeze %get3A_835 : memref<1x8x1000xf32, #tpu.memory_space<vmem>> -> memref<8x1000xf32, #tpu.memory_space<vmem>>
          %get3A_837 = arith.index_cast %scan3A_436 : i32 to index
          %get3A_838 = arith.index_cast %add3A_832 : i32 to index
          %get3A_839 = tpu.vector_load %get3A_836[%get3A_837, %get3A_838] {strides = array<i32>} : memref<8x1000xf32, #tpu.memory_space<vmem>>, vector<16xf32>,
          %get3A_840 = arith.constant 0 : i32
          %get3A_841 = arith.constant 0 : i32
          %get3A_842 = tpu.memref_slice %arg6[%scan3A_308, %get3A_840, %get3A_841] : memref<4x8x1000xi32, #tpu.memory_space<vmem>> -> memref<1x8x1000xi32, #tpu.memory_space<vmem>>
          %get3A_843 = tpu.memref_squeeze %get3A_842 : memref<1x8x1000xi32, #tpu.memory_space<vmem>> -> memref<8x1000xi32, #tpu.memory_space<vmem>>
          %get3A_844 = arith.index_cast %scan3A_436 : i32 to index
          %get3A_845 = arith.index_cast %add3A_832 : i32 to index
          %get3A_846 = tpu.vector_load %get3A_843[%get3A_844, %get3A_845] {strides = array<i32>} : memref<8x1000xi32, #tpu.memory_space<vmem>>, vector<16xi32>,
          %convert_element_type3A_847 = arith.sitofp %get3A_846 : vector<16xi32> to vector<16xf32>
          %sub3A_848 = arith.constant 1.000000e+00 : f32
          %sub3A_849 = vector.broadcast %sub3A_848 : f32 to vector<16xf32>
          %sub3A_850 = arith.subf %get3A_839, %sub3A_849 : vector<16xf32>
          %mul3A_851 = arith.mulf %convert_element_type3A_847, %sub3A_850 : vector<16xf32>
          %add3A_852 = arith.constant 1.000000e+00 : f32
          %add3A_853 = vector.broadcast %add3A_852 : f32 to vector<16xf32>
          %add3A_854 = arith.addf %mul3A_851, %add3A_853 : vector<16xf32>
          %add3A_855 = arith.addi %add3A_810, %get3A_846 : vector<16xi32>
          %add3A_856 = arith.constant 16 : i32
          %add3A_857 = arith.addi %mul3A_830, %add3A_856 : i32
          %get3A_858 = arith.constant 0 : i32
          %get3A_859 = arith.constant 0 : i32
          %get3A_860 = tpu.memref_slice %arg5[%scan3A_307, %get3A_858, %get3A_859] : memref<4x8x1000xf32, #tpu.memory_space<vmem>> -> memref<1x8x1000xf32, #tpu.memory_space<vmem>>
          %get3A_861 = tpu.memref_squeeze %get3A_860 : memref<1x8x1000xf32, #tpu.memory_space<vmem>> -> memref<8x1000xf32, #tpu.memory_space<vmem>>
          %get3A_862 = arith.index_cast %scan3A_436 : i32 to index
          %get3A_863 = arith.index_cast %add3A_857 : i32 to index
          %get3A_864 = tpu.vector_load %get3A_861[%get3A_862, %get3A_863] {strides = array<i32>} : memref<8x1000xf32, #tpu.memory_space<vmem>>, vector<16xf32>,
          %get3A_865 = arith.constant 0 : i32
          %get3A_866 = arith.constant 0 : i32
          %get3A_867 = tpu.memref_slice %arg6[%scan3A_308, %get3A_865, %get3A_866] : memref<4x8x1000xi32, #tpu.memory_space<vmem>> -> memref<1x8x1000xi32, #tpu.memory_space<vmem>>
          %get3A_868 = tpu.memref_squeeze %get3A_867 : memref<1x8x1000xi32, #tpu.memory_space<vmem>> -> memref<8x1000xi32, #tpu.memory_space<vmem>>
          %get3A_869 = arith.index_cast %scan3A_436 : i32 to index
          %get3A_870 = arith.index_cast %add3A_857 : i32 to index
          %get3A_871 = tpu.vector_load %get3A_868[%get3A_869, %get3A_870] {strides = array<i32>} : memref<8x1000xi32, #tpu.memory_space<vmem>>, vector<16xi32>,
          %convert_element_type3A_872 = arith.sitofp %get3A_871 : vector<16xi32> to vector<16xf32>
          %sub3A_873 = arith.constant 1.000000e+00 : f32
          %sub3A_874 = vector.broadcast %sub3A_873 : f32 to vector<16xf32>
          %sub3A_875 = arith.subf %get3A_864, %sub3A_874 : vector<16xf32>
          %mul3A_876 = arith.mulf %convert_element_type3A_872, %sub3A_875 : vector<16xf32>
          %add3A_877 = arith.constant 1.000000e+00 : f32
          %add3A_878 = vector.broadcast %add3A_877 : f32 to vector<16xf32>
          %add3A_879 = arith.addf %mul3A_876, %add3A_878 : vector<16xf32>
          %add3A_880 = arith.addi %add3A_855, %get3A_871 : vector<16xi32>
          %add3A_881 = arith.constant 32 : i32
          %add3A_882 = arith.addi %mul3A_830, %add3A_881 : i32
          %get3A_883 = arith.constant 0 : i32
          %get3A_884 = arith.constant 0 : i32
          %get3A_885 = tpu.memref_slice %arg5[%scan3A_307, %get3A_883, %get3A_884] : memref<4x8x1000xf32, #tpu.memory_space<vmem>> -> memref<1x8x1000xf32, #tpu.memory_space<vmem>>
          %get3A_886 = tpu.memref_squeeze %get3A_885 : memref<1x8x1000xf32, #tpu.memory_space<vmem>> -> memref<8x1000xf32, #tpu.memory_space<vmem>>
          %get3A_887 = arith.index_cast %scan3A_436 : i32 to index
          %get3A_888 = arith.index_cast %add3A_882 : i32 to index
          %get3A_889 = tpu.vector_load %get3A_886[%get3A_887, %get3A_888] {strides = array<i32>} : memref<8x1000xf32, #tpu.memory_space<vmem>>, vector<16xf32>,
          %get3A_890 = arith.constant 0 : i32
          %get3A_891 = arith.constant 0 : i32
          %get3A_892 = tpu.memref_slice %arg6[%scan3A_308, %get3A_890, %get3A_891] : memref<4x8x1000xi32, #tpu.memory_space<vmem>> -> memref<1x8x1000xi32, #tpu.memory_space<vmem>>
          %get3A_893 = tpu.memref_squeeze %get3A_892 : memref<1x8x1000xi32, #tpu.memory_space<vmem>> -> memref<8x1000xi32, #tpu.memory_space<vmem>>
          %get3A_894 = arith.index_cast %scan3A_436 : i32 to index
          %get3A_895 = arith.index_cast %add3A_882 : i32 to index
          %get3A_896 = tpu.vector_load %get3A_893[%get3A_894, %get3A_895] {strides = array<i32>} : memref<8x1000xi32, #tpu.memory_space<vmem>>, vector<16xi32>,
          %convert_element_type3A_897 = arith.sitofp %get3A_896 : vector<16xi32> to vector<16xf32>
          %sub3A_898 = arith.constant 1.000000e+00 : f32
          %sub3A_899 = vector.broadcast %sub3A_898 : f32 to vector<16xf32>
          %sub3A_900 = arith.subf %get3A_889, %sub3A_899 : vector<16xf32>
          %mul3A_901 = arith.mulf %convert_element_type3A_897, %sub3A_900 : vector<16xf32>
          %add3A_902 = arith.constant 1.000000e+00 : f32
          %add3A_903 = vector.broadcast %add3A_902 : f32 to vector<16xf32>
          %add3A_904 = arith.addf %mul3A_901, %add3A_903 : vector<16xf32>
          %mul3A_905 = arith.mulf %add3A_854, %add3A_904 : vector<16xf32>
          %add3A_906 = arith.addi %add3A_880, %get3A_896 : vector<16xi32>
          %add3A_907 = arith.constant 48 : i32
          %add3A_908 = arith.addi %mul3A_830, %add3A_907 : i32
          %get3A_909 = arith.constant 0 : i32
          %get3A_910 = arith.constant 0 : i32
          %get3A_911 = tpu.memref_slice %arg5[%scan3A_307, %get3A_909, %get3A_910] : memref<4x8x1000xf32, #tpu.memory_space<vmem>> -> memref<1x8x1000xf32, #tpu.memory_space<vmem>>
          %get3A_912 = tpu.memref_squeeze %get3A_911 : memref<1x8x1000xf32, #tpu.memory_space<vmem>> -> memref<8x1000xf32, #tpu.memory_space<vmem>>
          %get3A_913 = arith.index_cast %scan3A_436 : i32 to index
          %get3A_914 = arith.index_cast %add3A_908 : i32 to index
          %get3A_915 = tpu.vector_load %get3A_912[%get3A_913, %get3A_914] {strides = array<i32>} : memref<8x1000xf32, #tpu.memory_space<vmem>>, vector<16xf32>,
          %get3A_916 = arith.constant 0 : i32
          %get3A_917 = arith.constant 0 : i32
          %get3A_918 = tpu.memref_slice %arg6[%scan3A_308, %get3A_916, %get3A_917] : memref<4x8x1000xi32, #tpu.memory_space<vmem>> -> memref<1x8x1000xi32, #tpu.memory_space<vmem>>
          %get3A_919 = tpu.memref_squeeze %get3A_918 : memref<1x8x1000xi32, #tpu.memory_space<vmem>> -> memref<8x1000xi32, #tpu.memory_space<vmem>>
          %get3A_920 = arith.index_cast %scan3A_436 : i32 to index
          %get3A_921 = arith.index_cast %add3A_908 : i32 to index
          %get3A_922 = tpu.vector_load %get3A_919[%get3A_920, %get3A_921] {strides = array<i32>} : memref<8x1000xi32, #tpu.memory_space<vmem>>, vector<16xi32>,
          %convert_element_type3A_923 = arith.sitofp %get3A_922 : vector<16xi32> to vector<16xf32>
          %sub3A_924 = arith.constant 1.000000e+00 : f32
          %sub3A_925 = vector.broadcast %sub3A_924 : f32 to vector<16xf32>
          %sub3A_926 = arith.subf %get3A_915, %sub3A_925 : vector<16xf32>
          %mul3A_927 = arith.mulf %convert_element_type3A_923, %sub3A_926 : vector<16xf32>
          %add3A_928 = arith.constant 1.000000e+00 : f32
          %add3A_929 = vector.broadcast %add3A_928 : f32 to vector<16xf32>
          %add3A_930 = arith.addf %mul3A_927, %add3A_929 : vector<16xf32>
          %mul3A_931 = arith.mulf %add3A_879, %add3A_930 : vector<16xf32>
          %add3A_932 = arith.addi %add3A_906, %get3A_922 : vector<16xi32>
          %add3A_933 = arith.constant 64 : i32
          %add3A_934 = arith.addi %mul3A_830, %add3A_933 : i32
          %get3A_935 = arith.constant 0 : i32
          %get3A_936 = arith.constant 0 : i32
          %get3A_937 = tpu.memref_slice %arg5[%scan3A_307, %get3A_935, %get3A_936] : memref<4x8x1000xf32, #tpu.memory_space<vmem>> -> memref<1x8x1000xf32, #tpu.memory_space<vmem>>
          %get3A_938 = tpu.memref_squeeze %get3A_937 : memref<1x8x1000xf32, #tpu.memory_space<vmem>> -> memref<8x1000xf32, #tpu.memory_space<vmem>>
          %get3A_939 = arith.index_cast %scan3A_436 : i32 to index
          %get3A_940 = arith.index_cast %add3A_934 : i32 to index
          %get3A_941 = tpu.vector_load %get3A_938[%get3A_939, %get3A_940] {strides = array<i32>} : memref<8x1000xf32, #tpu.memory_space<vmem>>, vector<16xf32>,
          %get3A_942 = arith.constant 0 : i32
          %get3A_943 = arith.constant 0 : i32
          %get3A_944 = tpu.memref_slice %arg6[%scan3A_308, %get3A_942, %get3A_943] : memref<4x8x1000xi32, #tpu.memory_space<vmem>> -> memref<1x8x1000xi32, #tpu.memory_space<vmem>>
          %get3A_945 = tpu.memref_squeeze %get3A_944 : memref<1x8x1000xi32, #tpu.memory_space<vmem>> -> memref<8x1000xi32, #tpu.memory_space<vmem>>
          %get3A_946 = arith.index_cast %scan3A_436 : i32 to index
          %get3A_947 = arith.index_cast %add3A_934 : i32 to index
          %get3A_948 = tpu.vector_load %get3A_945[%get3A_946, %get3A_947] {strides = array<i32>} : memref<8x1000xi32, #tpu.memory_space<vmem>>, vector<16xi32>,
          %convert_element_type3A_949 = arith.sitofp %get3A_948 : vector<16xi32> to vector<16xf32>
          %sub3A_950 = arith.constant 1.000000e+00 : f32
          %sub3A_951 = vector.broadcast %sub3A_950 : f32 to vector<16xf32>
          %sub3A_952 = arith.subf %get3A_941, %sub3A_951 : vector<16xf32>
          %mul3A_953 = arith.mulf %convert_element_type3A_949, %sub3A_952 : vector<16xf32>
          %add3A_954 = arith.constant 1.000000e+00 : f32
          %add3A_955 = vector.broadcast %add3A_954 : f32 to vector<16xf32>
          %add3A_956 = arith.addf %mul3A_953, %add3A_955 : vector<16xf32>
          %mul3A_957 = arith.mulf %mul3A_905, %add3A_956 : vector<16xf32>
          %add3A_958 = arith.addi %add3A_932, %get3A_948 : vector<16xi32>
          %add3A_959 = arith.constant 80 : i32
          %add3A_960 = arith.addi %mul3A_830, %add3A_959 : i32
          %get3A_961 = arith.constant 0 : i32
          %get3A_962 = arith.constant 0 : i32
          %get3A_963 = tpu.memref_slice %arg5[%scan3A_307, %get3A_961, %get3A_962] : memref<4x8x1000xf32, #tpu.memory_space<vmem>> -> memref<1x8x1000xf32, #tpu.memory_space<vmem>>
          %get3A_964 = tpu.memref_squeeze %get3A_963 : memref<1x8x1000xf32, #tpu.memory_space<vmem>> -> memref<8x1000xf32, #tpu.memory_space<vmem>>
          %get3A_965 = arith.index_cast %scan3A_436 : i32 to index
          %get3A_966 = arith.index_cast %add3A_960 : i32 to index
          %get3A_967 = tpu.vector_load %get3A_964[%get3A_965, %get3A_966] {strides = array<i32>} : memref<8x1000xf32, #tpu.memory_space<vmem>>, vector<16xf32>,
          %get3A_968 = arith.constant 0 : i32
          %get3A_969 = arith.constant 0 : i32
          %get3A_970 = tpu.memref_slice %arg6[%scan3A_308, %get3A_968, %get3A_969] : memref<4x8x1000xi32, #tpu.memory_space<vmem>> -> memref<1x8x1000xi32, #tpu.memory_space<vmem>>
          %get3A_971 = tpu.memref_squeeze %get3A_970 : memref<1x8x1000xi32, #tpu.memory_space<vmem>> -> memref<8x1000xi32, #tpu.memory_space<vmem>>
          %get3A_972 = arith.index_cast %scan3A_436 : i32 to index
          %get3A_973 = arith.index_cast %add3A_960 : i32 to index
          %get3A_974 = tpu.vector_load %get3A_971[%get3A_972, %get3A_973] {strides = array<i32>} : memref<8x1000xi32, #tpu.memory_space<vmem>>, vector<16xi32>,
          %convert_element_type3A_975 = arith.sitofp %get3A_974 : vector<16xi32> to vector<16xf32>
          %sub3A_976 = arith.constant 1.000000e+00 : f32
          %sub3A_977 = vector.broadcast %sub3A_976 : f32 to vector<16xf32>
          %sub3A_978 = arith.subf %get3A_967, %sub3A_977 : vector<16xf32>
          %mul3A_979 = arith.mulf %convert_element_type3A_975, %sub3A_978 : vector<16xf32>
          %add3A_980 = arith.constant 1.000000e+00 : f32
          %add3A_981 = vector.broadcast %add3A_980 : f32 to vector<16xf32>
          %add3A_982 = arith.addf %mul3A_979, %add3A_981 : vector<16xf32>
          %mul3A_983 = arith.mulf %mul3A_931, %add3A_982 : vector<16xf32>
          %add3A_984 = arith.addi %add3A_958, %get3A_974 : vector<16xi32>
          %add3A_985 = arith.constant 96 : i32
          %add3A_986 = arith.addi %mul3A_830, %add3A_985 : i32
          %get3A_987 = arith.constant 0 : i32
          %get3A_988 = arith.constant 0 : i32
          %get3A_989 = tpu.memref_slice %arg5[%scan3A_307, %get3A_987, %get3A_988] : memref<4x8x1000xf32, #tpu.memory_space<vmem>> -> memref<1x8x1000xf32, #tpu.memory_space<vmem>>
          %get3A_990 = tpu.memref_squeeze %get3A_989 : memref<1x8x1000xf32, #tpu.memory_space<vmem>> -> memref<8x1000xf32, #tpu.memory_space<vmem>>
          %get3A_991 = arith.index_cast %scan3A_436 : i32 to index
          %get3A_992 = arith.index_cast %add3A_986 : i32 to index
          %get3A_993 = tpu.vector_load %get3A_990[%get3A_991, %get3A_992] {strides = array<i32>} : memref<8x1000xf32, #tpu.memory_space<vmem>>, vector<16xf32>,
          %get3A_994 = arith.constant 0 : i32
          %get3A_995 = arith.constant 0 : i32
          %get3A_996 = tpu.memref_slice %arg6[%scan3A_308, %get3A_994, %get3A_995] : memref<4x8x1000xi32, #tpu.memory_space<vmem>> -> memref<1x8x1000xi32, #tpu.memory_space<vmem>>
          %get3A_997 = tpu.memref_squeeze %get3A_996 : memref<1x8x1000xi32, #tpu.memory_space<vmem>> -> memref<8x1000xi32, #tpu.memory_space<vmem>>
          %get3A_998 = arith.index_cast %scan3A_436 : i32 to index
          %get3A_999 = arith.index_cast %add3A_986 : i32 to index
          %get3A_1000 = tpu.vector_load %get3A_997[%get3A_998, %get3A_999] {strides = array<i32>} : memref<8x1000xi32, #tpu.memory_space<vmem>>, vector<16xi32>,
          %convert_element_type3A_1001 = arith.sitofp %get3A_1000 : vector<16xi32> to vector<16xf32>
          %sub3A_1002 = arith.constant 1.000000e+00 : f32
          %sub3A_1003 = vector.broadcast %sub3A_1002 : f32 to vector<16xf32>
          %sub3A_1004 = arith.subf %get3A_993, %sub3A_1003 : vector<16xf32>
          %mul3A_1005 = arith.mulf %convert_element_type3A_1001, %sub3A_1004 : vector<16xf32>
          %add3A_1006 = arith.constant 1.000000e+00 : f32
          %add3A_1007 = vector.broadcast %add3A_1006 : f32 to vector<16xf32>
          %add3A_1008 = arith.addf %mul3A_1005, %add3A_1007 : vector<16xf32>
          %mul3A_1009 = arith.mulf %mul3A_957, %add3A_1008 : vector<16xf32>
          %add3A_1010 = arith.addi %add3A_984, %get3A_1000 : vector<16xi32>
          %mul3A_1011 = arith.mulf %mul3A_1009, %mul3A_983 : vector<16xf32>
          %mul3A_1012 = arith.mulf %bitcast3A_824, %mul3A_1011 : vector<16xf32>
          %bitcast3A_1013 = vector.bitcast %mul3A_1012 : vector<16xf32> to vector<16xi32>
          %shift_right_arithmetic3A_1014 = arith.constant 23 : i32
          %shift_right_arithmetic3A_1015 = vector.broadcast %shift_right_arithmetic3A_1014 : i32 to vector<16xi32>
          %shift_right_arithmetic3A_1016 = arith.shrsi %bitcast3A_1013, %shift_right_arithmetic3A_1015 : vector<16xi32>
          %add3A_1017 = arith.addi %add3A_817, %shift_right_arithmetic3A_1016 : vector<16xi32>
          %and3A_1018 = arith.constant 8388607 : i32
          %and3A_1019 = vector.broadcast %and3A_1018 : i32 to vector<16xi32>
          %and3A_1020 = arith.andi %bitcast3A_1013, %and3A_1019 : vector<16xi32>
          %or3A_1021 = arith.constant 1065353216 : i32
          %or3A_1022 = vector.broadcast %or3A_1021 : i32 to vector<16xi32>
          %or3A_1023 = arith.ori %and3A_1020, %or3A_1022 : vector<16xi32>
          %bitcast3A_1024 = vector.bitcast %or3A_1023 : vector<16xi32> to vector<16xf32>
          scf.yield %bitcast3A_1024, %add3A_1017, %add3A_1010 : vector<16xf32>, vector<16xi32>, vector<16xi32>
        }
        %scan3A_445 = arith.constant 8 : i32
        %get3A = arith.constant 0 : i32
        %get3A_446 = arith.constant 0 : i32
        %get3A_447 = tpu.memref_slice %arg5[%scan3A_307, %get3A, %get3A_446] : memref<4x8x1000xf32, #tpu.memory_space<vmem>> -> memref<1x8x1000xf32, #tpu.memory_space<vmem>>
        %get3A_448 = tpu.memref_squeeze %get3A_447 : memref<1x8x1000xf32, #tpu.memory_space<vmem>> -> memref<8x1000xf32, #tpu.memory_space<vmem>>
        %get3A_449 = arith.index_cast %scan3A_436 : i32 to index
        %get3A_450 = arith.constant 896 : index
        %get3A_451 = tpu.vector_load %get3A_448[%get3A_449, %get3A_450] {strides = array<i32>} : memref<8x1000xf32, #tpu.memory_space<vmem>>, vector<16xf32>,
        %get3A_452 = arith.constant 0 : i32
        %get3A_453 = arith.constant 0 : i32
        %get3A_454 = tpu.memref_slice %arg6[%scan3A_308, %get3A_452, %get3A_453] : memref<4x8x1000xi32, #tpu.memory_space<vmem>> -> memref<1x8x1000xi32, #tpu.memory_space<vmem>>
        %get3A_455 = tpu.memref_squeeze %get3A_454 : memref<1x8x1000xi32, #tpu.memory_space<vmem>> -> memref<8x1000xi32, #tpu.memory_space<vmem>>
        %get3A_456 = arith.index_cast %scan3A_436 : i32 to index
        %get3A_457 = arith.constant 896 : index
        %get3A_458 = tpu.vector_load %get3A_455[%get3A_456, %get3A_457] {strides = array<i32>} : memref<8x1000xi32, #tpu.memory_space<vmem>>, vector<16xi32>,
        %convert_element_type3A_459 = arith.sitofp %get3A_458 : vector<16xi32> to vector<16xf32>
        %sub3A_460 = arith.constant 1.000000e+00 : f32
        %sub3A_461 = vector.broadcast %sub3A_460 : f32 to vector<16xf32>
        %sub3A_462 = arith.subf %get3A_451, %sub3A_461 : vector<16xf32>
        %mul3A_463 = arith.mulf %convert_element_type3A_459, %sub3A_462 : vector<16xf32>
        %add3A_464 = arith.constant 1.000000e+00 : f32
        %add3A_465 = vector.broadcast %add3A_464 : f32 to vector<16xf32>
        %add3A_466 = arith.addf %mul3A_463, %add3A_465 : vector<16xf32>
        %mul3A_467 = arith.mulf %scan3A_444#0, %add3A_466 : vector<16xf32>
        %add3A_468 = arith.addi %scan3A_444#2, %get3A_458 : vector<16xi32>
        %get3A_469 = arith.constant 0 : i32
        %get3A_470 = arith.constant 0 : i32
        %get3A_471 = tpu.memref_slice %arg5[%scan3A_307, %get3A_469, %get3A_470] : memref<4x8x1000xf32, #tpu.memory_space<vmem>> -> memref<1x8x1000xf32, #tpu.memory_space<vmem>>
        %get3A_472 = tpu.memref_squeeze %get3A_471 : memref<1x8x1000xf32, #tpu.memory_space<vmem>> -> memref<8x1000xf32, #tpu.memory_space<vmem>>
        %get3A_473 = arith.index_cast %scan3A_436 : i32 to index
        %get3A_474 = arith.constant 912 : index
        %get3A_475 = tpu.vector_load %get3A_472[%get3A_473, %get3A_474] {strides = array<i32>} : memref<8x1000xf32, #tpu.memory_space<vmem>>, vector<16xf32>,
        %get3A_476 = arith.constant 0 : i32
        %get3A_477 = arith.constant 0 : i32
        %get3A_478 = tpu.memref_slice %arg6[%scan3A_308, %get3A_476, %get3A_477] : memref<4x8x1000xi32, #tpu.memory_space<vmem>> -> memref<1x8x1000xi32, #tpu.memory_space<vmem>>
        %get3A_479 = tpu.memref_squeeze %get3A_478 : memref<1x8x1000xi32, #tpu.memory_space<vmem>> -> memref<8x1000xi32, #tpu.memory_space<vmem>>
        %get3A_480 = arith.index_cast %scan3A_436 : i32 to index
        %get3A_481 = arith.constant 912 : index
        %get3A_482 = tpu.vector_load %get3A_479[%get3A_480, %get3A_481] {strides = array<i32>} : memref<8x1000xi32, #tpu.memory_space<vmem>>, vector<16xi32>,
        %convert_element_type3A_483 = arith.sitofp %get3A_482 : vector<16xi32> to vector<16xf32>
        %sub3A_484 = arith.constant 1.000000e+00 : f32
        %sub3A_485 = vector.broadcast %sub3A_484 : f32 to vector<16xf32>
        %sub3A_486 = arith.subf %get3A_475, %sub3A_485 : vector<16xf32>
        %mul3A_487 = arith.mulf %convert_element_type3A_483, %sub3A_486 : vector<16xf32>
        %add3A_488 = arith.constant 1.000000e+00 : f32
        %add3A_489 = vector.broadcast %add3A_488 : f32 to vector<16xf32>
        %add3A_490 = arith.addf %mul3A_487, %add3A_489 : vector<16xf32>
        %mul3A_491 = arith.mulf %mul3A_467, %add3A_490 : vector<16xf32>
        %add3A_492 = arith.addi %add3A_468, %get3A_482 : vector<16xi32>
        %get3A_493 = arith.constant 0 : i32
        %get3A_494 = arith.constant 0 : i32
        %get3A_495 = tpu.memref_slice %arg5[%scan3A_307, %get3A_493, %get3A_494] : memref<4x8x1000xf32, #tpu.memory_space<vmem>> -> memref<1x8x1000xf32, #tpu.memory_space<vmem>>
        %get3A_496 = tpu.memref_squeeze %get3A_495 : memref<1x8x1000xf32, #tpu.memory_space<vmem>> -> memref<8x1000xf32, #tpu.memory_space<vmem>>
        %get3A_497 = arith.index_cast %scan3A_436 : i32 to index
        %get3A_498 = arith.constant 928 : index
        %get3A_499 = tpu.vector_load %get3A_496[%get3A_497, %get3A_498] {strides = array<i32>} : memref<8x1000xf32, #tpu.memory_space<vmem>>, vector<16xf32>,
        %get3A_500 = arith.constant 0 : i32
        %get3A_501 = arith.constant 0 : i32
        %get3A_502 = tpu.memref_slice %arg6[%scan3A_308, %get3A_500, %get3A_501] : memref<4x8x1000xi32, #tpu.memory_space<vmem>> -> memref<1x8x1000xi32, #tpu.memory_space<vmem>>
        %get3A_503 = tpu.memref_squeeze %get3A_502 : memref<1x8x1000xi32, #tpu.memory_space<vmem>> -> memref<8x1000xi32, #tpu.memory_space<vmem>>
        %get3A_504 = arith.index_cast %scan3A_436 : i32 to index
        %get3A_505 = arith.constant 928 : index
        %get3A_506 = tpu.vector_load %get3A_503[%get3A_504, %get3A_505] {strides = array<i32>} : memref<8x1000xi32, #tpu.memory_space<vmem>>, vector<16xi32>,
        %convert_element_type3A_507 = arith.sitofp %get3A_506 : vector<16xi32> to vector<16xf32>
        %sub3A_508 = arith.constant 1.000000e+00 : f32
        %sub3A_509 = vector.broadcast %sub3A_508 : f32 to vector<16xf32>
        %sub3A_510 = arith.subf %get3A_499, %sub3A_509 : vector<16xf32>
        %mul3A_511 = arith.mulf %convert_element_type3A_507, %sub3A_510 : vector<16xf32>
        %add3A_512 = arith.constant 1.000000e+00 : f32
        %add3A_513 = vector.broadcast %add3A_512 : f32 to vector<16xf32>
        %add3A_514 = arith.addf %mul3A_511, %add3A_513 : vector<16xf32>
        %mul3A_515 = arith.mulf %mul3A_491, %add3A_514 : vector<16xf32>
        %add3A_516 = arith.addi %add3A_492, %get3A_506 : vector<16xi32>
        %get3A_517 = arith.constant 0 : i32
        %get3A_518 = arith.constant 0 : i32
        %get3A_519 = tpu.memref_slice %arg5[%scan3A_307, %get3A_517, %get3A_518] : memref<4x8x1000xf32, #tpu.memory_space<vmem>> -> memref<1x8x1000xf32, #tpu.memory_space<vmem>>
        %get3A_520 = tpu.memref_squeeze %get3A_519 : memref<1x8x1000xf32, #tpu.memory_space<vmem>> -> memref<8x1000xf32, #tpu.memory_space<vmem>>
        %get3A_521 = arith.index_cast %scan3A_436 : i32 to index
        %get3A_522 = arith.constant 944 : index
        %get3A_523 = tpu.vector_load %get3A_520[%get3A_521, %get3A_522] {strides = array<i32>} : memref<8x1000xf32, #tpu.memory_space<vmem>>, vector<16xf32>,
        %get3A_524 = arith.constant 0 : i32
        %get3A_525 = arith.constant 0 : i32
        %get3A_526 = tpu.memref_slice %arg6[%scan3A_308, %get3A_524, %get3A_525] : memref<4x8x1000xi32, #tpu.memory_space<vmem>> -> memref<1x8x1000xi32, #tpu.memory_space<vmem>>
        %get3A_527 = tpu.memref_squeeze %get3A_526 : memref<1x8x1000xi32, #tpu.memory_space<vmem>> -> memref<8x1000xi32, #tpu.memory_space<vmem>>
        %get3A_528 = arith.index_cast %scan3A_436 : i32 to index
        %get3A_529 = arith.constant 944 : index
        %get3A_530 = tpu.vector_load %get3A_527[%get3A_528, %get3A_529] {strides = array<i32>} : memref<8x1000xi32, #tpu.memory_space<vmem>>, vector<16xi32>,
        %convert_element_type3A_531 = arith.sitofp %get3A_530 : vector<16xi32> to vector<16xf32>
        %sub3A_532 = arith.constant 1.000000e+00 : f32
        %sub3A_533 = vector.broadcast %sub3A_532 : f32 to vector<16xf32>
        %sub3A_534 = arith.subf %get3A_523, %sub3A_533 : vector<16xf32>
        %mul3A_535 = arith.mulf %convert_element_type3A_531, %sub3A_534 : vector<16xf32>
        %add3A_536 = arith.constant 1.000000e+00 : f32
        %add3A_537 = vector.broadcast %add3A_536 : f32 to vector<16xf32>
        %add3A_538 = arith.addf %mul3A_535, %add3A_537 : vector<16xf32>
        %mul3A_539 = arith.mulf %mul3A_515, %add3A_538 : vector<16xf32>
        %add3A_540 = arith.addi %add3A_516, %get3A_530 : vector<16xi32>
        %get3A_541 = arith.constant 0 : i32
        %get3A_542 = arith.constant 0 : i32
        %get3A_543 = tpu.memref_slice %arg5[%scan3A_307, %get3A_541, %get3A_542] : memref<4x8x1000xf32, #tpu.memory_space<vmem>> -> memref<1x8x1000xf32, #tpu.memory_space<vmem>>
        %get3A_544 = tpu.memref_squeeze %get3A_543 : memref<1x8x1000xf32, #tpu.memory_space<vmem>> -> memref<8x1000xf32, #tpu.memory_space<vmem>>
        %get3A_545 = arith.index_cast %scan3A_436 : i32 to index
        %get3A_546 = arith.constant 960 : index
        %get3A_547 = tpu.vector_load %get3A_544[%get3A_545, %get3A_546] {strides = array<i32>} : memref<8x1000xf32, #tpu.memory_space<vmem>>, vector<16xf32>,
        %get3A_548 = arith.constant 0 : i32
        %get3A_549 = arith.constant 0 : i32
        %get3A_550 = tpu.memref_slice %arg6[%scan3A_308, %get3A_548, %get3A_549] : memref<4x8x1000xi32, #tpu.memory_space<vmem>> -> memref<1x8x1000xi32, #tpu.memory_space<vmem>>
        %get3A_551 = tpu.memref_squeeze %get3A_550 : memref<1x8x1000xi32, #tpu.memory_space<vmem>> -> memref<8x1000xi32, #tpu.memory_space<vmem>>
        %get3A_552 = arith.index_cast %scan3A_436 : i32 to index
        %get3A_553 = arith.constant 960 : index
        %get3A_554 = tpu.vector_load %get3A_551[%get3A_552, %get3A_553] {strides = array<i32>} : memref<8x1000xi32, #tpu.memory_space<vmem>>, vector<16xi32>,
        %convert_element_type3A_555 = arith.sitofp %get3A_554 : vector<16xi32> to vector<16xf32>
        %sub3A_556 = arith.constant 1.000000e+00 : f32
        %sub3A_557 = vector.broadcast %sub3A_556 : f32 to vector<16xf32>
        %sub3A_558 = arith.subf %get3A_547, %sub3A_557 : vector<16xf32>
        %mul3A_559 = arith.mulf %convert_element_type3A_555, %sub3A_558 : vector<16xf32>
        %add3A_560 = arith.constant 1.000000e+00 : f32
        %add3A_561 = vector.broadcast %add3A_560 : f32 to vector<16xf32>
        %add3A_562 = arith.addf %mul3A_559, %add3A_561 : vector<16xf32>
        %mul3A_563 = arith.mulf %mul3A_539, %add3A_562 : vector<16xf32>
        %add3A_564 = arith.addi %add3A_540, %get3A_554 : vector<16xi32>
        %get3A_565 = arith.constant 0 : i32
        %get3A_566 = arith.constant 0 : i32
        %get3A_567 = tpu.memref_slice %arg5[%scan3A_307, %get3A_565, %get3A_566] : memref<4x8x1000xf32, #tpu.memory_space<vmem>> -> memref<1x8x1000xf32, #tpu.memory_space<vmem>>
        %get3A_568 = tpu.memref_squeeze %get3A_567 : memref<1x8x1000xf32, #tpu.memory_space<vmem>> -> memref<8x1000xf32, #tpu.memory_space<vmem>>
        %get3A_569 = arith.index_cast %scan3A_436 : i32 to index
        %get3A_570 = arith.constant 976 : index
        %get3A_571 = tpu.vector_load %get3A_568[%get3A_569, %get3A_570] {strides = array<i32>} : memref<8x1000xf32, #tpu.memory_space<vmem>>, vector<16xf32>,
        %get3A_572 = arith.constant 0 : i32
        %get3A_573 = arith.constant 0 : i32
        %get3A_574 = tpu.memref_slice %arg6[%scan3A_308, %get3A_572, %get3A_573] : memref<4x8x1000xi32, #tpu.memory_space<vmem>> -> memref<1x8x1000xi32, #tpu.memory_space<vmem>>
        %get3A_575 = tpu.memref_squeeze %get3A_574 : memref<1x8x1000xi32, #tpu.memory_space<vmem>> -> memref<8x1000xi32, #tpu.memory_space<vmem>>
        %get3A_576 = arith.index_cast %scan3A_436 : i32 to index
        %get3A_577 = arith.constant 976 : index
        %get3A_578 = tpu.vector_load %get3A_575[%get3A_576, %get3A_577] {strides = array<i32>} : memref<8x1000xi32, #tpu.memory_space<vmem>>, vector<16xi32>,
        %convert_element_type3A_579 = arith.sitofp %get3A_578 : vector<16xi32> to vector<16xf32>
        %sub3A_580 = arith.constant 1.000000e+00 : f32
        %sub3A_581 = vector.broadcast %sub3A_580 : f32 to vector<16xf32>
        %sub3A_582 = arith.subf %get3A_571, %sub3A_581 : vector<16xf32>
        %mul3A_583 = arith.mulf %convert_element_type3A_579, %sub3A_582 : vector<16xf32>
        %add3A_584 = arith.constant 1.000000e+00 : f32
        %add3A_585 = vector.broadcast %add3A_584 : f32 to vector<16xf32>
        %add3A_586 = arith.addf %mul3A_583, %add3A_585 : vector<16xf32>
        %mul3A_587 = arith.mulf %mul3A_563, %add3A_586 : vector<16xf32>
        %add3A_588 = arith.addi %add3A_564, %get3A_578 : vector<16xi32>
        %get3A_589 = arith.constant 0 : i32
        %get3A_590 = arith.constant 0 : i32
        %get3A_591 = tpu.memref_slice %arg5[%scan3A_307, %get3A_589, %get3A_590] : memref<4x8x1000xf32, #tpu.memory_space<vmem>> -> memref<1x8x1000xf32, #tpu.memory_space<vmem>>
        %get3A_592 = tpu.memref_squeeze %get3A_591 : memref<1x8x1000xf32, #tpu.memory_space<vmem>> -> memref<8x1000xf32, #tpu.memory_space<vmem>>
        %get3A_593 = arith.index_cast %scan3A_436 : i32 to index
        %get3A_594 = arith.constant 984 : index
        %get3A_595 = tpu.vector_load %get3A_592[%get3A_593, %get3A_594] {strides = array<i32>} : memref<8x1000xf32, #tpu.memory_space<vmem>>, vector<16xf32>,
        %get3A_596 = arith.constant 0 : i32
        %get3A_597 = arith.constant 0 : i32
        %get3A_598 = tpu.memref_slice %arg6[%scan3A_308, %get3A_596, %get3A_597] : memref<4x8x1000xi32, #tpu.memory_space<vmem>> -> memref<1x8x1000xi32, #tpu.memory_space<vmem>>
        %get3A_599 = tpu.memref_squeeze %get3A_598 : memref<1x8x1000xi32, #tpu.memory_space<vmem>> -> memref<8x1000xi32, #tpu.memory_space<vmem>>
        %get3A_600 = arith.index_cast %scan3A_436 : i32 to index
        %get3A_601 = arith.constant 984 : index
        %get3A_602 = tpu.vector_load %get3A_599[%get3A_600, %get3A_601] {strides = array<i32>} : memref<8x1000xi32, #tpu.memory_space<vmem>>, vector<16xi32>,
        %and3A = arith.andi %get3A_602, %shift_right_arithmetic3A_4 : vector<16xi32>
        %convert_element_type3A_603 = arith.sitofp %and3A : vector<16xi32> to vector<16xf32>
        %sub3A_604 = arith.constant 1.000000e+00 : f32
        %sub3A_605 = vector.broadcast %sub3A_604 : f32 to vector<16xf32>
        %sub3A_606 = arith.subf %get3A_595, %sub3A_605 : vector<16xf32>
        %mul3A_607 = arith.mulf %convert_element_type3A_603, %sub3A_606 : vector<16xf32>
        %add3A_608 = arith.constant 1.000000e+00 : f32
        %add3A_609 = vector.broadcast %add3A_608 : f32 to vector<16xf32>
        %add3A_610 = arith.addf %mul3A_607, %add3A_609 : vector<16xf32>
        %mul3A_611 = arith.mulf %mul3A_587, %add3A_610 : vector<16xf32>
        %add3A_612 = arith.addi %add3A_588, %and3A : vector<16xi32>
        %bitcast3A = vector.bitcast %mul3A_611 : vector<16xf32> to vector<16xi32>
        %shift_right_arithmetic3A_613 = arith.constant 23 : i32
        %shift_right_arithmetic3A_614 = vector.broadcast %shift_right_arithmetic3A_613 : i32 to vector<16xi32>
        %shift_right_arithmetic3A_615 = arith.shrsi %bitcast3A, %shift_right_arithmetic3A_614 : vector<16xi32>
        %add3A_616 = arith.addi %scan3A_444#1, %shift_right_arithmetic3A_615 : vector<16xi32>
        %and3A_617 = arith.constant 8388607 : i32
        %and3A_618 = vector.broadcast %and3A_617 : i32 to vector<16xi32>
        %and3A_619 = arith.andi %bitcast3A, %and3A_618 : vector<16xi32>
        %or3A = arith.constant 1065353216 : i32
        %or3A_620 = vector.broadcast %or3A : i32 to vector<16xi32>
        %or3A_621 = arith.ori %and3A_619, %or3A_620 : vector<16xi32>
        %bitcast3A_622 = vector.bitcast %or3A_621 : vector<16xi32> to vector<16xf32>
        scf.yield %bitcast3A_622, %add3A_616, %add3A_612 : vector<16xf32>, vector<16xi32>, vector<16xi32>
      }
      %scan3A_314 = arith.constant 8 : i32
      %add3A_315 = arith.constant 4 : i32
      %add3A_316 = arith.addi %add3A_268, %add3A_315 : i32
      %lt3A_317 = arith.constant 64 : i32
      %lt3A_318 = arith.cmpi slt, %add3A_316, %lt3A_317 : i32
      %convert_element_type3A_319 = arith.extui %lt3A_318 : i1 to i32
      %cond3A_320 = arith.constant 0 : i32
      %cond3A_321 = arith.cmpi ne, %convert_element_type3A_319, %cond3A_320 : i32
      scf.if %cond3A_321 {
        %add3A_436 = arith.constant 4 : i32
        %add3A_437 = arith.addi %add3A_268, %add3A_436 : i32
        %mul3A_438 = arith.constant 8 : i32
        %mul3A_439 = arith.muli %add3A_437, %mul3A_438 : i32
        %add3A_440 = arith.addi %mul3A_2, %mul3A_439 : i32
        %dma_start3A_441 = arith.constant 1 : i32
        %dma_start3A_442 = arith.constant 1 : i32
        %dma_start3A_443 = arith.constant 0 : i32
        %dma_start3A_444 = arith.constant 0 : i32
        %dma_start3A_445 = tpu.memref_slice %arg5[%dma_start3A_441, %dma_start3A_443, %dma_start3A_444] : memref<4x8x1000xf32, #tpu.memory_space<vmem>> -> memref<1x8x1000xf32, #tpu.memory_space<vmem>>
        %dma_start3A_446 = tpu.memref_squeeze %dma_start3A_445 : memref<1x8x1000xf32, #tpu.memory_space<vmem>> -> memref<8x1000xf32, #tpu.memory_space<vmem>>
        %dma_start3A_447 = arith.constant 0 : i32
        %dma_start3A_448 = tpu.memref_slice %arg2[%add3A_440, %dma_start3A_447] : memref<16384x1000xf32, #tpu.memory_space<hbm>> -> memref<8x1000xf32, #tpu.memory_space<hbm>>
        %dma_start3A_449 = tpu.memref_slice %arg8[%dma_start3A_442] : memref<4x!tpu.dma_semaphore, #tpu.memory_space<semaphore_mem>> -> memref<1x!tpu.dma_semaphore, #tpu.memory_space<semaphore_mem>>
        %dma_start3A_450 = tpu.memref_squeeze %dma_start3A_449 : memref<1x!tpu.dma_semaphore, #tpu.memory_space<semaphore_mem>> -> memref<!tpu.dma_semaphore, #tpu.memory_space<semaphore_mem>>
        %dma_start3A_451 = arith.constant 0 : i32
        %dma_start3A_452 = arith.constant 0 : i32
        %dma_start3A_453 = tpu.memref_slice %arg5[%dma_start3A_441, %dma_start3A_451, %dma_start3A_452] : memref<4x8x1000xf32, #tpu.memory_space<vmem>> -> memref<1x8x1000xf32, #tpu.memory_space<vmem>>
        %dma_start3A_454 = tpu.memref_squeeze %dma_start3A_453 : memref<1x8x1000xf32, #tpu.memory_space<vmem>> -> memref<8x1000xf32, #tpu.memory_space<vmem>>
        %dma_start3A_455 = arith.constant 0 : i32
        %dma_start3A_456 = tpu.memref_slice %arg2[%add3A_440, %dma_start3A_455] : memref<16384x1000xf32, #tpu.memory_space<hbm>> -> memref<8x1000xf32, #tpu.memory_space<hbm>>
        tpu.enqueue_dma source(%dma_start3A_456 : memref<8x1000xf32, #tpu.memory_space<hbm>>) target(%dma_start3A_454 : memref<8x1000xf32, #tpu.memory_space<vmem>>) target_semaphore(%dma_start3A_450 : memref<!tpu.dma_semaphore, #tpu.memory_space<semaphore_mem>>)
        %add3A_457 = arith.constant 4 : i32
        %add3A_458 = arith.addi %add3A_268, %add3A_457 : i32
        %mul3A_459 = arith.constant 8 : i32
        %mul3A_460 = arith.muli %add3A_458, %mul3A_459 : i32
        %add3A_461 = arith.addi %mul3A_2, %mul3A_460 : i32
        %dma_start3A_462 = arith.constant 1 : i32
        %dma_start3A_463 = arith.constant 1 : i32
        %dma_start3A_464 = arith.constant 0 : i32
        %dma_start3A_465 = arith.constant 0 : i32
        %dma_start3A_466 = tpu.memref_slice %arg6[%dma_start3A_462, %dma_start3A_464, %dma_start3A_465] : memref<4x8x1000xi32, #tpu.memory_space<vmem>> -> memref<1x8x1000xi32, #tpu.memory_space<vmem>>
        %dma_start3A_467 = tpu.memref_squeeze %dma_start3A_466 : memref<1x8x1000xi32, #tpu.memory_space<vmem>> -> memref<8x1000xi32, #tpu.memory_space<vmem>>
        %dma_start3A_468 = arith.constant 0 : i32
        %dma_start3A_469 = tpu.memref_slice %arg3[%add3A_461, %dma_start3A_468] : memref<16384x1000xi32, #tpu.memory_space<hbm>> -> memref<8x1000xi32, #tpu.memory_space<hbm>>
        %dma_start3A_470 = tpu.memref_slice %arg9[%dma_start3A_463] : memref<4x!tpu.dma_semaphore, #tpu.memory_space<semaphore_mem>> -> memref<1x!tpu.dma_semaphore, #tpu.memory_space<semaphore_mem>>
        %dma_start3A_471 = tpu.memref_squeeze %dma_start3A_470 : memref<1x!tpu.dma_semaphore, #tpu.memory_space<semaphore_mem>> -> memref<!tpu.dma_semaphore, #tpu.memory_space<semaphore_mem>>
        %dma_start3A_472 = arith.constant 0 : i32
        %dma_start3A_473 = arith.constant 0 : i32
        %dma_start3A_474 = tpu.memref_slice %arg6[%dma_start3A_462, %dma_start3A_472, %dma_start3A_473] : memref<4x8x1000xi32, #tpu.memory_space<vmem>> -> memref<1x8x1000xi32, #tpu.memory_space<vmem>>
        %dma_start3A_475 = tpu.memref_squeeze %dma_start3A_474 : memref<1x8x1000xi32, #tpu.memory_space<vmem>> -> memref<8x1000xi32, #tpu.memory_space<vmem>>
        %dma_start3A_476 = arith.constant 0 : i32
        %dma_start3A_477 = tpu.memref_slice %arg3[%add3A_461, %dma_start3A_476] : memref<16384x1000xi32, #tpu.memory_space<hbm>> -> memref<8x1000xi32, #tpu.memory_space<hbm>>
        tpu.enqueue_dma source(%dma_start3A_477 : memref<8x1000xi32, #tpu.memory_space<hbm>>) target(%dma_start3A_475 : memref<8x1000xi32, #tpu.memory_space<vmem>>) target_semaphore(%dma_start3A_471 : memref<!tpu.dma_semaphore, #tpu.memory_space<semaphore_mem>>)
      } else {
      }
      %mul3A_322 = arith.constant 4 : i32
      %mul3A_323 = arith.muli %scan3A_207, %mul3A_322 : i32
      %add3A_324 = arith.constant 2 : i32
      %add3A_325 = arith.addi %mul3A_323, %add3A_324 : i32
      %mul3A_326 = arith.constant 8 : i32
      %mul3A_327 = arith.muli %add3A_325, %mul3A_326 : i32
      %add3A_328 = arith.addi %mul3A_2, %mul3A_327 : i32
      %dma_wait3A_329 = arith.constant 2 : i32
      %dma_wait3A_330 = arith.constant 2 : i32
      %dma_wait3A_331 = arith.constant 0 : i32
      %dma_wait3A_332 = arith.constant 0 : i32
      %dma_wait3A_333 = tpu.memref_slice %arg5[%dma_wait3A_329, %dma_wait3A_331, %dma_wait3A_332] : memref<4x8x1000xf32, #tpu.memory_space<vmem>> -> memref<1x8x1000xf32, #tpu.memory_space<vmem>>
      %dma_wait3A_334 = tpu.memref_squeeze %dma_wait3A_333 : memref<1x8x1000xf32, #tpu.memory_space<vmem>> -> memref<8x1000xf32, #tpu.memory_space<vmem>>
      %dma_wait3A_335 = arith.constant 0 : i32
      %dma_wait3A_336 = tpu.memref_slice %arg2[%add3A_328, %dma_wait3A_335] : memref<16384x1000xf32, #tpu.memory_space<hbm>> -> memref<8x1000xf32, #tpu.memory_space<hbm>>
      %dma_wait3A_337 = tpu.memref_slice %arg8[%dma_wait3A_330] : memref<4x!tpu.dma_semaphore, #tpu.memory_space<semaphore_mem>> -> memref<1x!tpu.dma_semaphore, #tpu.memory_space<semaphore_mem>>
      %dma_wait3A_338 = tpu.memref_squeeze %dma_wait3A_337 : memref<1x!tpu.dma_semaphore, #tpu.memory_space<semaphore_mem>> -> memref<!tpu.dma_semaphore, #tpu.memory_space<semaphore_mem>>
      %dma_wait3A_339 = arith.constant 0 : i32
      %dma_wait3A_340 = arith.constant 0 : i32
      %dma_wait3A_341 = tpu.memref_slice %arg5[%dma_wait3A_329, %dma_wait3A_339, %dma_wait3A_340] : memref<4x8x1000xf32, #tpu.memory_space<vmem>> -> memref<1x8x1000xf32, #tpu.memory_space<vmem>>
      %dma_wait3A_342 = tpu.memref_squeeze %dma_wait3A_341 : memref<1x8x1000xf32, #tpu.memory_space<vmem>> -> memref<8x1000xf32, #tpu.memory_space<vmem>>
      %dma_wait3A_343 = arith.constant 0 : i32
      %dma_wait3A_344 = tpu.memref_slice %arg2[%add3A_328, %dma_wait3A_343] : memref<16384x1000xf32, #tpu.memory_space<hbm>> -> memref<8x1000xf32, #tpu.memory_space<hbm>>
      tpu.wait_dma2 semaphore(%dma_wait3A_338 : memref<!tpu.dma_semaphore, #tpu.memory_space<semaphore_mem>>) src(%dma_wait3A_344 : memref<8x1000xf32, #tpu.memory_space<hbm>>) dst(%dma_wait3A_342 : memref<8x1000xf32, #tpu.memory_space<vmem>>)
      %mul3A_345 = arith.constant 8 : i32
      %mul3A_346 = arith.muli %add3A_325, %mul3A_345 : i32
      %add3A_347 = arith.addi %mul3A_2, %mul3A_346 : i32
      %dma_wait3A_348 = arith.constant 2 : i32
      %dma_wait3A_349 = arith.constant 2 : i32
      %dma_wait3A_350 = arith.constant 0 : i32
      %dma_wait3A_351 = arith.constant 0 : i32
      %dma_wait3A_352 = tpu.memref_slice %arg6[%dma_wait3A_348, %dma_wait3A_350, %dma_wait3A_351] : memref<4x8x1000xi32, #tpu.memory_space<vmem>> -> memref<1x8x1000xi32, #tpu.memory_space<vmem>>
      %dma_wait3A_353 = tpu.memref_squeeze %dma_wait3A_352 : memref<1x8x1000xi32, #tpu.memory_space<vmem>> -> memref<8x1000xi32, #tpu.memory_space<vmem>>
      %dma_wait3A_354 = arith.constant 0 : i32
      %dma_wait3A_355 = tpu.memref_slice %arg3[%add3A_347, %dma_wait3A_354] : memref<16384x1000xi32, #tpu.memory_space<hbm>> -> memref<8x1000xi32, #tpu.memory_space<hbm>>
      %dma_wait3A_356 = tpu.memref_slice %arg9[%dma_wait3A_349] : memref<4x!tpu.dma_semaphore, #tpu.memory_space<semaphore_mem>> -> memref<1x!tpu.dma_semaphore, #tpu.memory_space<semaphore_mem>>
      %dma_wait3A_357 = tpu.memref_squeeze %dma_wait3A_356 : memref<1x!tpu.dma_semaphore, #tpu.memory_space<semaphore_mem>> -> memref<!tpu.dma_semaphore, #tpu.memory_space<semaphore_mem>>
      %dma_wait3A_358 = arith.constant 0 : i32
      %dma_wait3A_359 = arith.constant 0 : i32
      %dma_wait3A_360 = tpu.memref_slice %arg6[%dma_wait3A_348, %dma_wait3A_358, %dma_wait3A_359] : memref<4x8x1000xi32, #tpu.memory_space<vmem>> -> memref<1x8x1000xi32, #tpu.memory_space<vmem>>
      %dma_wait3A_361 = tpu.memref_squeeze %dma_wait3A_360 : memref<1x8x1000xi32, #tpu.memory_space<vmem>> -> memref<8x1000xi32, #tpu.memory_space<vmem>>
      %dma_wait3A_362 = arith.constant 0 : i32
      %dma_wait3A_363 = tpu.memref_slice %arg3[%add3A_347, %dma_wait3A_362] : memref<16384x1000xi32, #tpu.memory_space<hbm>> -> memref<8x1000xi32, #tpu.memory_space<hbm>>
      tpu.wait_dma2 semaphore(%dma_wait3A_357 : memref<!tpu.dma_semaphore, #tpu.memory_space<semaphore_mem>>) src(%dma_wait3A_363 : memref<8x1000xi32, #tpu.memory_space<hbm>>) dst(%dma_wait3A_361 : memref<8x1000xi32, #tpu.memory_space<vmem>>)
      %scan3A_364 = arith.constant 2 : i32
      %scan3A_365 = arith.constant 2 : i32
      %scan3A_366 = arith.constant 0 : i32
      %scan3A_367 = arith.constant 8 : i32
      %scan3A_368 = arith.addi %scan3A_366, %scan3A_367 : i32
      %scan3A_369 = arith.constant 1 : i32
      %scan3A_370:3 = scf.for %scan3A_436 = %scan3A_366 to %scan3A_368 step %scan3A_369 iter_args(%scan3A_437 = %scan3A_313#0, %scan3A_438 = %scan3A_313#1, %scan3A_439 = %scan3A_313#2) -> (vector<16xf32>, vector<16xi32>, vector<16xi32>)  : i32 {
        %scan3A_440 = arith.constant 0 : i32
        %scan3A_441 = arith.constant 8 : i32
        %scan3A_442 = arith.addi %scan3A_440, %scan3A_441 : i32
        %scan3A_443 = arith.constant 2 : i32
        %scan3A_444:3 = scf.for %scan3A_623 = %scan3A_440 to %scan3A_442 step %scan3A_443 iter_args(%scan3A_624 = %scan3A_437, %scan3A_625 = %scan3A_438, %scan3A_626 = %scan3A_439) -> (vector<16xf32>, vector<16xi32>, vector<16xi32>)  : i32 {
          %mul3A_627 = arith.constant 7 : i32
          %mul3A_628 = arith.muli %scan3A_623, %mul3A_627 : i32
          %mul3A_629 = arith.constant 16 : i32
          %mul3A_630 = arith.muli %mul3A_628, %mul3A_629 : i32
          %add3A_631 = arith.constant 0 : i32
          %add3A_632 = arith.addi %mul3A_630, %add3A_631 : i32
          %get3A_633 = arith.constant 0 : i32
          %get3A_634 = arith.constant 0 : i32
          %get3A_635 = tpu.memref_slice %arg5[%scan3A_364, %get3A_633, %get3A_634] : memref<4x8x1000xf32, #tpu.memory_space<vmem>> -> memref<1x8x1000xf32, #tpu.memory_space<vmem>>
          %get3A_636 = tpu.memref_squeeze %get3A_635 : memref<1x8x1000xf32, #tpu.memory_space<vmem>> -> memref<8x1000xf32, #tpu.memory_space<vmem>>
          %get3A_637 = arith.index_cast %scan3A_436 : i32 to index
          %get3A_638 = arith.index_cast %add3A_632 : i32 to index
          %get3A_639 = tpu.vector_load %get3A_636[%get3A_637, %get3A_638] {strides = array<i32>} : memref<8x1000xf32, #tpu.memory_space<vmem>>, vector<16xf32>,
          %get3A_640 = arith.constant 0 : i32
          %get3A_641 = arith.constant 0 : i32
          %get3A_642 = tpu.memref_slice %arg6[%scan3A_365, %get3A_640, %get3A_641] : memref<4x8x1000xi32, #tpu.memory_space<vmem>> -> memref<1x8x1000xi32, #tpu.memory_space<vmem>>
          %get3A_643 = tpu.memref_squeeze %get3A_642 : memref<1x8x1000xi32, #tpu.memory_space<vmem>> -> memref<8x1000xi32, #tpu.memory_space<vmem>>
          %get3A_644 = arith.index_cast %scan3A_436 : i32 to index
          %get3A_645 = arith.index_cast %add3A_632 : i32 to index
          %get3A_646 = tpu.vector_load %get3A_643[%get3A_644, %get3A_645] {strides = array<i32>} : memref<8x1000xi32, #tpu.memory_space<vmem>>, vector<16xi32>,
          %convert_element_type3A_647 = arith.sitofp %get3A_646 : vector<16xi32> to vector<16xf32>
          %sub3A_648 = arith.constant 1.000000e+00 : f32
          %sub3A_649 = vector.broadcast %sub3A_648 : f32 to vector<16xf32>
          %sub3A_650 = arith.subf %get3A_639, %sub3A_649 : vector<16xf32>
          %mul3A_651 = arith.mulf %convert_element_type3A_647, %sub3A_650 : vector<16xf32>
          %add3A_652 = arith.constant 1.000000e+00 : f32
          %add3A_653 = vector.broadcast %add3A_652 : f32 to vector<16xf32>
          %add3A_654 = arith.addf %mul3A_651, %add3A_653 : vector<16xf32>
          %add3A_655 = arith.addi %scan3A_626, %get3A_646 : vector<16xi32>
          %add3A_656 = arith.constant 16 : i32
          %add3A_657 = arith.addi %mul3A_630, %add3A_656 : i32
          %get3A_658 = arith.constant 0 : i32
          %get3A_659 = arith.constant 0 : i32
          %get3A_660 = tpu.memref_slice %arg5[%scan3A_364, %get3A_658, %get3A_659] : memref<4x8x1000xf32, #tpu.memory_space<vmem>> -> memref<1x8x1000xf32, #tpu.memory_space<vmem>>
          %get3A_661 = tpu.memref_squeeze %get3A_660 : memref<1x8x1000xf32, #tpu.memory_space<vmem>> -> memref<8x1000xf32, #tpu.memory_space<vmem>>
          %get3A_662 = arith.index_cast %scan3A_436 : i32 to index
          %get3A_663 = arith.index_cast %add3A_657 : i32 to index
          %get3A_664 = tpu.vector_load %get3A_661[%get3A_662, %get3A_663] {strides = array<i32>} : memref<8x1000xf32, #tpu.memory_space<vmem>>, vector<16xf32>,
          %get3A_665 = arith.constant 0 : i32
          %get3A_666 = arith.constant 0 : i32
          %get3A_667 = tpu.memref_slice %arg6[%scan3A_365, %get3A_665, %get3A_666] : memref<4x8x1000xi32, #tpu.memory_space<vmem>> -> memref<1x8x1000xi32, #tpu.memory_space<vmem>>
          %get3A_668 = tpu.memref_squeeze %get3A_667 : memref<1x8x1000xi32, #tpu.memory_space<vmem>> -> memref<8x1000xi32, #tpu.memory_space<vmem>>
          %get3A_669 = arith.index_cast %scan3A_436 : i32 to index
          %get3A_670 = arith.index_cast %add3A_657 : i32 to index
          %get3A_671 = tpu.vector_load %get3A_668[%get3A_669, %get3A_670] {strides = array<i32>} : memref<8x1000xi32, #tpu.memory_space<vmem>>, vector<16xi32>,
          %convert_element_type3A_672 = arith.sitofp %get3A_671 : vector<16xi32> to vector<16xf32>
          %sub3A_673 = arith.constant 1.000000e+00 : f32
          %sub3A_674 = vector.broadcast %sub3A_673 : f32 to vector<16xf32>
          %sub3A_675 = arith.subf %get3A_664, %sub3A_674 : vector<16xf32>
          %mul3A_676 = arith.mulf %convert_element_type3A_672, %sub3A_675 : vector<16xf32>
          %add3A_677 = arith.constant 1.000000e+00 : f32
          %add3A_678 = vector.broadcast %add3A_677 : f32 to vector<16xf32>
          %add3A_679 = arith.addf %mul3A_676, %add3A_678 : vector<16xf32>
          %add3A_680 = arith.addi %add3A_655, %get3A_671 : vector<16xi32>
          %add3A_681 = arith.constant 32 : i32
          %add3A_682 = arith.addi %mul3A_630, %add3A_681 : i32
          %get3A_683 = arith.constant 0 : i32
          %get3A_684 = arith.constant 0 : i32
          %get3A_685 = tpu.memref_slice %arg5[%scan3A_364, %get3A_683, %get3A_684] : memref<4x8x1000xf32, #tpu.memory_space<vmem>> -> memref<1x8x1000xf32, #tpu.memory_space<vmem>>
          %get3A_686 = tpu.memref_squeeze %get3A_685 : memref<1x8x1000xf32, #tpu.memory_space<vmem>> -> memref<8x1000xf32, #tpu.memory_space<vmem>>
          %get3A_687 = arith.index_cast %scan3A_436 : i32 to index
          %get3A_688 = arith.index_cast %add3A_682 : i32 to index
          %get3A_689 = tpu.vector_load %get3A_686[%get3A_687, %get3A_688] {strides = array<i32>} : memref<8x1000xf32, #tpu.memory_space<vmem>>, vector<16xf32>,
          %get3A_690 = arith.constant 0 : i32
          %get3A_691 = arith.constant 0 : i32
          %get3A_692 = tpu.memref_slice %arg6[%scan3A_365, %get3A_690, %get3A_691] : memref<4x8x1000xi32, #tpu.memory_space<vmem>> -> memref<1x8x1000xi32, #tpu.memory_space<vmem>>
          %get3A_693 = tpu.memref_squeeze %get3A_692 : memref<1x8x1000xi32, #tpu.memory_space<vmem>> -> memref<8x1000xi32, #tpu.memory_space<vmem>>
          %get3A_694 = arith.index_cast %scan3A_436 : i32 to index
          %get3A_695 = arith.index_cast %add3A_682 : i32 to index
          %get3A_696 = tpu.vector_load %get3A_693[%get3A_694, %get3A_695] {strides = array<i32>} : memref<8x1000xi32, #tpu.memory_space<vmem>>, vector<16xi32>,
          %convert_element_type3A_697 = arith.sitofp %get3A_696 : vector<16xi32> to vector<16xf32>
          %sub3A_698 = arith.constant 1.000000e+00 : f32
          %sub3A_699 = vector.broadcast %sub3A_698 : f32 to vector<16xf32>
          %sub3A_700 = arith.subf %get3A_689, %sub3A_699 : vector<16xf32>
          %mul3A_701 = arith.mulf %convert_element_type3A_697, %sub3A_700 : vector<16xf32>
          %add3A_702 = arith.constant 1.000000e+00 : f32
          %add3A_703 = vector.broadcast %add3A_702 : f32 to vector<16xf32>
          %add3A_704 = arith.addf %mul3A_701, %add3A_703 : vector<16xf32>
          %mul3A_705 = arith.mulf %add3A_654, %add3A_704 : vector<16xf32>
          %add3A_706 = arith.addi %add3A_680, %get3A_696 : vector<16xi32>
          %add3A_707 = arith.constant 48 : i32
          %add3A_708 = arith.addi %mul3A_630, %add3A_707 : i32
          %get3A_709 = arith.constant 0 : i32
          %get3A_710 = arith.constant 0 : i32
          %get3A_711 = tpu.memref_slice %arg5[%scan3A_364, %get3A_709, %get3A_710] : memref<4x8x1000xf32, #tpu.memory_space<vmem>> -> memref<1x8x1000xf32, #tpu.memory_space<vmem>>
          %get3A_712 = tpu.memref_squeeze %get3A_711 : memref<1x8x1000xf32, #tpu.memory_space<vmem>> -> memref<8x1000xf32, #tpu.memory_space<vmem>>
          %get3A_713 = arith.index_cast %scan3A_436 : i32 to index
          %get3A_714 = arith.index_cast %add3A_708 : i32 to index
          %get3A_715 = tpu.vector_load %get3A_712[%get3A_713, %get3A_714] {strides = array<i32>} : memref<8x1000xf32, #tpu.memory_space<vmem>>, vector<16xf32>,
          %get3A_716 = arith.constant 0 : i32
          %get3A_717 = arith.constant 0 : i32
          %get3A_718 = tpu.memref_slice %arg6[%scan3A_365, %get3A_716, %get3A_717] : memref<4x8x1000xi32, #tpu.memory_space<vmem>> -> memref<1x8x1000xi32, #tpu.memory_space<vmem>>
          %get3A_719 = tpu.memref_squeeze %get3A_718 : memref<1x8x1000xi32, #tpu.memory_space<vmem>> -> memref<8x1000xi32, #tpu.memory_space<vmem>>
          %get3A_720 = arith.index_cast %scan3A_436 : i32 to index
          %get3A_721 = arith.index_cast %add3A_708 : i32 to index
          %get3A_722 = tpu.vector_load %get3A_719[%get3A_720, %get3A_721] {strides = array<i32>} : memref<8x1000xi32, #tpu.memory_space<vmem>>, vector<16xi32>,
          %convert_element_type3A_723 = arith.sitofp %get3A_722 : vector<16xi32> to vector<16xf32>
          %sub3A_724 = arith.constant 1.000000e+00 : f32
          %sub3A_725 = vector.broadcast %sub3A_724 : f32 to vector<16xf32>
          %sub3A_726 = arith.subf %get3A_715, %sub3A_725 : vector<16xf32>
          %mul3A_727 = arith.mulf %convert_element_type3A_723, %sub3A_726 : vector<16xf32>
          %add3A_728 = arith.constant 1.000000e+00 : f32
          %add3A_729 = vector.broadcast %add3A_728 : f32 to vector<16xf32>
          %add3A_730 = arith.addf %mul3A_727, %add3A_729 : vector<16xf32>
          %mul3A_731 = arith.mulf %add3A_679, %add3A_730 : vector<16xf32>
          %add3A_732 = arith.addi %add3A_706, %get3A_722 : vector<16xi32>
          %add3A_733 = arith.constant 64 : i32
          %add3A_734 = arith.addi %mul3A_630, %add3A_733 : i32
          %get3A_735 = arith.constant 0 : i32
          %get3A_736 = arith.constant 0 : i32
          %get3A_737 = tpu.memref_slice %arg5[%scan3A_364, %get3A_735, %get3A_736] : memref<4x8x1000xf32, #tpu.memory_space<vmem>> -> memref<1x8x1000xf32, #tpu.memory_space<vmem>>
          %get3A_738 = tpu.memref_squeeze %get3A_737 : memref<1x8x1000xf32, #tpu.memory_space<vmem>> -> memref<8x1000xf32, #tpu.memory_space<vmem>>
          %get3A_739 = arith.index_cast %scan3A_436 : i32 to index
          %get3A_740 = arith.index_cast %add3A_734 : i32 to index
          %get3A_741 = tpu.vector_load %get3A_738[%get3A_739, %get3A_740] {strides = array<i32>} : memref<8x1000xf32, #tpu.memory_space<vmem>>, vector<16xf32>,
          %get3A_742 = arith.constant 0 : i32
          %get3A_743 = arith.constant 0 : i32
          %get3A_744 = tpu.memref_slice %arg6[%scan3A_365, %get3A_742, %get3A_743] : memref<4x8x1000xi32, #tpu.memory_space<vmem>> -> memref<1x8x1000xi32, #tpu.memory_space<vmem>>
          %get3A_745 = tpu.memref_squeeze %get3A_744 : memref<1x8x1000xi32, #tpu.memory_space<vmem>> -> memref<8x1000xi32, #tpu.memory_space<vmem>>
          %get3A_746 = arith.index_cast %scan3A_436 : i32 to index
          %get3A_747 = arith.index_cast %add3A_734 : i32 to index
          %get3A_748 = tpu.vector_load %get3A_745[%get3A_746, %get3A_747] {strides = array<i32>} : memref<8x1000xi32, #tpu.memory_space<vmem>>, vector<16xi32>,
          %convert_element_type3A_749 = arith.sitofp %get3A_748 : vector<16xi32> to vector<16xf32>
          %sub3A_750 = arith.constant 1.000000e+00 : f32
          %sub3A_751 = vector.broadcast %sub3A_750 : f32 to vector<16xf32>
          %sub3A_752 = arith.subf %get3A_741, %sub3A_751 : vector<16xf32>
          %mul3A_753 = arith.mulf %convert_element_type3A_749, %sub3A_752 : vector<16xf32>
          %add3A_754 = arith.constant 1.000000e+00 : f32
          %add3A_755 = vector.broadcast %add3A_754 : f32 to vector<16xf32>
          %add3A_756 = arith.addf %mul3A_753, %add3A_755 : vector<16xf32>
          %mul3A_757 = arith.mulf %mul3A_705, %add3A_756 : vector<16xf32>
          %add3A_758 = arith.addi %add3A_732, %get3A_748 : vector<16xi32>
          %add3A_759 = arith.constant 80 : i32
          %add3A_760 = arith.addi %mul3A_630, %add3A_759 : i32
          %get3A_761 = arith.constant 0 : i32
          %get3A_762 = arith.constant 0 : i32
          %get3A_763 = tpu.memref_slice %arg5[%scan3A_364, %get3A_761, %get3A_762] : memref<4x8x1000xf32, #tpu.memory_space<vmem>> -> memref<1x8x1000xf32, #tpu.memory_space<vmem>>
          %get3A_764 = tpu.memref_squeeze %get3A_763 : memref<1x8x1000xf32, #tpu.memory_space<vmem>> -> memref<8x1000xf32, #tpu.memory_space<vmem>>
          %get3A_765 = arith.index_cast %scan3A_436 : i32 to index
          %get3A_766 = arith.index_cast %add3A_760 : i32 to index
          %get3A_767 = tpu.vector_load %get3A_764[%get3A_765, %get3A_766] {strides = array<i32>} : memref<8x1000xf32, #tpu.memory_space<vmem>>, vector<16xf32>,
          %get3A_768 = arith.constant 0 : i32
          %get3A_769 = arith.constant 0 : i32
          %get3A_770 = tpu.memref_slice %arg6[%scan3A_365, %get3A_768, %get3A_769] : memref<4x8x1000xi32, #tpu.memory_space<vmem>> -> memref<1x8x1000xi32, #tpu.memory_space<vmem>>
          %get3A_771 = tpu.memref_squeeze %get3A_770 : memref<1x8x1000xi32, #tpu.memory_space<vmem>> -> memref<8x1000xi32, #tpu.memory_space<vmem>>
          %get3A_772 = arith.index_cast %scan3A_436 : i32 to index
          %get3A_773 = arith.index_cast %add3A_760 : i32 to index
          %get3A_774 = tpu.vector_load %get3A_771[%get3A_772, %get3A_773] {strides = array<i32>} : memref<8x1000xi32, #tpu.memory_space<vmem>>, vector<16xi32>,
          %convert_element_type3A_775 = arith.sitofp %get3A_774 : vector<16xi32> to vector<16xf32>
          %sub3A_776 = arith.constant 1.000000e+00 : f32
          %sub3A_777 = vector.broadcast %sub3A_776 : f32 to vector<16xf32>
          %sub3A_778 = arith.subf %get3A_767, %sub3A_777 : vector<16xf32>
          %mul3A_779 = arith.mulf %convert_element_type3A_775, %sub3A_778 : vector<16xf32>
          %add3A_780 = arith.constant 1.000000e+00 : f32
          %add3A_781 = vector.broadcast %add3A_780 : f32 to vector<16xf32>
          %add3A_782 = arith.addf %mul3A_779, %add3A_781 : vector<16xf32>
          %mul3A_783 = arith.mulf %mul3A_731, %add3A_782 : vector<16xf32>
          %add3A_784 = arith.addi %add3A_758, %get3A_774 : vector<16xi32>
          %add3A_785 = arith.constant 96 : i32
          %add3A_786 = arith.addi %mul3A_630, %add3A_785 : i32
          %get3A_787 = arith.constant 0 : i32
          %get3A_788 = arith.constant 0 : i32
          %get3A_789 = tpu.memref_slice %arg5[%scan3A_364, %get3A_787, %get3A_788] : memref<4x8x1000xf32, #tpu.memory_space<vmem>> -> memref<1x8x1000xf32, #tpu.memory_space<vmem>>
          %get3A_790 = tpu.memref_squeeze %get3A_789 : memref<1x8x1000xf32, #tpu.memory_space<vmem>> -> memref<8x1000xf32, #tpu.memory_space<vmem>>
          %get3A_791 = arith.index_cast %scan3A_436 : i32 to index
          %get3A_792 = arith.index_cast %add3A_786 : i32 to index
          %get3A_793 = tpu.vector_load %get3A_790[%get3A_791, %get3A_792] {strides = array<i32>} : memref<8x1000xf32, #tpu.memory_space<vmem>>, vector<16xf32>,
          %get3A_794 = arith.constant 0 : i32
          %get3A_795 = arith.constant 0 : i32
          %get3A_796 = tpu.memref_slice %arg6[%scan3A_365, %get3A_794, %get3A_795] : memref<4x8x1000xi32, #tpu.memory_space<vmem>> -> memref<1x8x1000xi32, #tpu.memory_space<vmem>>
          %get3A_797 = tpu.memref_squeeze %get3A_796 : memref<1x8x1000xi32, #tpu.memory_space<vmem>> -> memref<8x1000xi32, #tpu.memory_space<vmem>>
          %get3A_798 = arith.index_cast %scan3A_436 : i32 to index
          %get3A_799 = arith.index_cast %add3A_786 : i32 to index
          %get3A_800 = tpu.vector_load %get3A_797[%get3A_798, %get3A_799] {strides = array<i32>} : memref<8x1000xi32, #tpu.memory_space<vmem>>, vector<16xi32>,
          %convert_element_type3A_801 = arith.sitofp %get3A_800 : vector<16xi32> to vector<16xf32>
          %sub3A_802 = arith.constant 1.000000e+00 : f32
          %sub3A_803 = vector.broadcast %sub3A_802 : f32 to vector<16xf32>
          %sub3A_804 = arith.subf %get3A_793, %sub3A_803 : vector<16xf32>
          %mul3A_805 = arith.mulf %convert_element_type3A_801, %sub3A_804 : vector<16xf32>
          %add3A_806 = arith.constant 1.000000e+00 : f32
          %add3A_807 = vector.broadcast %add3A_806 : f32 to vector<16xf32>
          %add3A_808 = arith.addf %mul3A_805, %add3A_807 : vector<16xf32>
          %mul3A_809 = arith.mulf %mul3A_757, %add3A_808 : vector<16xf32>
          %add3A_810 = arith.addi %add3A_784, %get3A_800 : vector<16xi32>
          %mul3A_811 = arith.mulf %mul3A_809, %mul3A_783 : vector<16xf32>
          %mul3A_812 = arith.mulf %scan3A_624, %mul3A_811 : vector<16xf32>
          %bitcast3A_813 = vector.bitcast %mul3A_812 : vector<16xf32> to vector<16xi32>
          %shift_right_arithmetic3A_814 = arith.constant 23 : i32
          %shift_right_arithmetic3A_815 = vector.broadcast %shift_right_arithmetic3A_814 : i32 to vector<16xi32>
          %shift_right_arithmetic3A_816 = arith.shrsi %bitcast3A_813, %shift_right_arithmetic3A_815 : vector<16xi32>
          %add3A_817 = arith.addi %scan3A_625, %shift_right_arithmetic3A_816 : vector<16xi32>
          %and3A_818 = arith.constant 8388607 : i32
          %and3A_819 = vector.broadcast %and3A_818 : i32 to vector<16xi32>
          %and3A_820 = arith.andi %bitcast3A_813, %and3A_819 : vector<16xi32>
          %or3A_821 = arith.constant 1065353216 : i32
          %or3A_822 = vector.broadcast %or3A_821 : i32 to vector<16xi32>
          %or3A_823 = arith.ori %and3A_820, %or3A_822 : vector<16xi32>
          %bitcast3A_824 = vector.bitcast %or3A_823 : vector<16xi32> to vector<16xf32>
          %scan3A_825 = arith.constant 1 : i32
          %scan3A_826 = arith.addi %scan3A_623, %scan3A_825 : i32
          %mul3A_827 = arith.constant 7 : i32
          %mul3A_828 = arith.muli %scan3A_826, %mul3A_827 : i32
          %mul3A_829 = arith.constant 16 : i32
          %mul3A_830 = arith.muli %mul3A_828, %mul3A_829 : i32
          %add3A_831 = arith.constant 0 : i32
          %add3A_832 = arith.addi %mul3A_830, %add3A_831 : i32
          %get3A_833 = arith.constant 0 : i32
          %get3A_834 = arith.constant 0 : i32
          %get3A_835 = tpu.memref_slice %arg5[%scan3A_364, %get3A_833, %get3A_834] : memref<4x8x1000xf32, #tpu.memory_space<vmem>> -> memref<1x8x1000xf32, #tpu.memory_space<vmem>>
          %get3A_836 = tpu.memref_squeeze %get3A_835 : memref<1x8x1000xf32, #tpu.memory_space<vmem>> -> memref<8x1000xf32, #tpu.memory_space<vmem>>
          %get3A_837 = arith.index_cast %scan3A_436 : i32 to index
          %get3A_838 = arith.index_cast %add3A_832 : i32 to index
          %get3A_839 = tpu.vector_load %get3A_836[%get3A_837, %get3A_838] {strides = array<i32>} : memref<8x1000xf32, #tpu.memory_space<vmem>>, vector<16xf32>,
          %get3A_840 = arith.constant 0 : i32
          %get3A_841 = arith.constant 0 : i32
          %get3A_842 = tpu.memref_slice %arg6[%scan3A_365, %get3A_840, %get3A_841] : memref<4x8x1000xi32, #tpu.memory_space<vmem>> -> memref<1x8x1000xi32, #tpu.memory_space<vmem>>
          %get3A_843 = tpu.memref_squeeze %get3A_842 : memref<1x8x1000xi32, #tpu.memory_space<vmem>> -> memref<8x1000xi32, #tpu.memory_space<vmem>>
          %get3A_844 = arith.index_cast %scan3A_436 : i32 to index
          %get3A_845 = arith.index_cast %add3A_832 : i32 to index
          %get3A_846 = tpu.vector_load %get3A_843[%get3A_844, %get3A_845] {strides = array<i32>} : memref<8x1000xi32, #tpu.memory_space<vmem>>, vector<16xi32>,
          %convert_element_type3A_847 = arith.sitofp %get3A_846 : vector<16xi32> to vector<16xf32>
          %sub3A_848 = arith.constant 1.000000e+00 : f32
          %sub3A_849 = vector.broadcast %sub3A_848 : f32 to vector<16xf32>
          %sub3A_850 = arith.subf %get3A_839, %sub3A_849 : vector<16xf32>
          %mul3A_851 = arith.mulf %convert_element_type3A_847, %sub3A_850 : vector<16xf32>
          %add3A_852 = arith.constant 1.000000e+00 : f32
          %add3A_853 = vector.broadcast %add3A_852 : f32 to vector<16xf32>
          %add3A_854 = arith.addf %mul3A_851, %add3A_853 : vector<16xf32>
          %add3A_855 = arith.addi %add3A_810, %get3A_846 : vector<16xi32>
          %add3A_856 = arith.constant 16 : i32
          %add3A_857 = arith.addi %mul3A_830, %add3A_856 : i32
          %get3A_858 = arith.constant 0 : i32
          %get3A_859 = arith.constant 0 : i32
          %get3A_860 = tpu.memref_slice %arg5[%scan3A_364, %get3A_858, %get3A_859] : memref<4x8x1000xf32, #tpu.memory_space<vmem>> -> memref<1x8x1000xf32, #tpu.memory_space<vmem>>
          %get3A_861 = tpu.memref_squeeze %get3A_860 : memref<1x8x1000xf32, #tpu.memory_space<vmem>> -> memref<8x1000xf32, #tpu.memory_space<vmem>>
          %get3A_862 = arith.index_cast %scan3A_436 : i32 to index
          %get3A_863 = arith.index_cast %add3A_857 : i32 to index
          %get3A_864 = tpu.vector_load %get3A_861[%get3A_862, %get3A_863] {strides = array<i32>} : memref<8x1000xf32, #tpu.memory_space<vmem>>, vector<16xf32>,
          %get3A_865 = arith.constant 0 : i32
          %get3A_866 = arith.constant 0 : i32
          %get3A_867 = tpu.memref_slice %arg6[%scan3A_365, %get3A_865, %get3A_866] : memref<4x8x1000xi32, #tpu.memory_space<vmem>> -> memref<1x8x1000xi32, #tpu.memory_space<vmem>>
          %get3A_868 = tpu.memref_squeeze %get3A_867 : memref<1x8x1000xi32, #tpu.memory_space<vmem>> -> memref<8x1000xi32, #tpu.memory_space<vmem>>
          %get3A_869 = arith.index_cast %scan3A_436 : i32 to index
          %get3A_870 = arith.index_cast %add3A_857 : i32 to index
          %get3A_871 = tpu.vector_load %get3A_868[%get3A_869, %get3A_870] {strides = array<i32>} : memref<8x1000xi32, #tpu.memory_space<vmem>>, vector<16xi32>,
          %convert_element_type3A_872 = arith.sitofp %get3A_871 : vector<16xi32> to vector<16xf32>
          %sub3A_873 = arith.constant 1.000000e+00 : f32
          %sub3A_874 = vector.broadcast %sub3A_873 : f32 to vector<16xf32>
          %sub3A_875 = arith.subf %get3A_864, %sub3A_874 : vector<16xf32>
          %mul3A_876 = arith.mulf %convert_element_type3A_872, %sub3A_875 : vector<16xf32>
          %add3A_877 = arith.constant 1.000000e+00 : f32
          %add3A_878 = vector.broadcast %add3A_877 : f32 to vector<16xf32>
          %add3A_879 = arith.addf %mul3A_876, %add3A_878 : vector<16xf32>
          %add3A_880 = arith.addi %add3A_855, %get3A_871 : vector<16xi32>
          %add3A_881 = arith.constant 32 : i32
          %add3A_882 = arith.addi %mul3A_830, %add3A_881 : i32
          %get3A_883 = arith.constant 0 : i32
          %get3A_884 = arith.constant 0 : i32
          %get3A_885 = tpu.memref_slice %arg5[%scan3A_364, %get3A_883, %get3A_884] : memref<4x8x1000xf32, #tpu.memory_space<vmem>> -> memref<1x8x1000xf32, #tpu.memory_space<vmem>>
          %get3A_886 = tpu.memref_squeeze %get3A_885 : memref<1x8x1000xf32, #tpu.memory_space<vmem>> -> memref<8x1000xf32, #tpu.memory_space<vmem>>
          %get3A_887 = arith.index_cast %scan3A_436 : i32 to index
          %get3A_888 = arith.index_cast %add3A_882 : i32 to index
          %get3A_889 = tpu.vector_load %get3A_886[%get3A_887, %get3A_888] {strides = array<i32>} : memref<8x1000xf32, #tpu.memory_space<vmem>>, vector<16xf32>,
          %get3A_890 = arith.constant 0 : i32
          %get3A_891 = arith.constant 0 : i32
          %get3A_892 = tpu.memref_slice %arg6[%scan3A_365, %get3A_890, %get3A_891] : memref<4x8x1000xi32, #tpu.memory_space<vmem>> -> memref<1x8x1000xi32, #tpu.memory_space<vmem>>
          %get3A_893 = tpu.memref_squeeze %get3A_892 : memref<1x8x1000xi32, #tpu.memory_space<vmem>> -> memref<8x1000xi32, #tpu.memory_space<vmem>>
          %get3A_894 = arith.index_cast %scan3A_436 : i32 to index
          %get3A_895 = arith.index_cast %add3A_882 : i32 to index
          %get3A_896 = tpu.vector_load %get3A_893[%get3A_894, %get3A_895] {strides = array<i32>} : memref<8x1000xi32, #tpu.memory_space<vmem>>, vector<16xi32>,
          %convert_element_type3A_897 = arith.sitofp %get3A_896 : vector<16xi32> to vector<16xf32>
          %sub3A_898 = arith.constant 1.000000e+00 : f32
          %sub3A_899 = vector.broadcast %sub3A_898 : f32 to vector<16xf32>
          %sub3A_900 = arith.subf %get3A_889, %sub3A_899 : vector<16xf32>
          %mul3A_901 = arith.mulf %convert_element_type3A_897, %sub3A_900 : vector<16xf32>
          %add3A_902 = arith.constant 1.000000e+00 : f32
          %add3A_903 = vector.broadcast %add3A_902 : f32 to vector<16xf32>
          %add3A_904 = arith.addf %mul3A_901, %add3A_903 : vector<16xf32>
          %mul3A_905 = arith.mulf %add3A_854, %add3A_904 : vector<16xf32>
          %add3A_906 = arith.addi %add3A_880, %get3A_896 : vector<16xi32>
          %add3A_907 = arith.constant 48 : i32
          %add3A_908 = arith.addi %mul3A_830, %add3A_907 : i32
          %get3A_909 = arith.constant 0 : i32
          %get3A_910 = arith.constant 0 : i32
          %get3A_911 = tpu.memref_slice %arg5[%scan3A_364, %get3A_909, %get3A_910] : memref<4x8x1000xf32, #tpu.memory_space<vmem>> -> memref<1x8x1000xf32, #tpu.memory_space<vmem>>
          %get3A_912 = tpu.memref_squeeze %get3A_911 : memref<1x8x1000xf32, #tpu.memory_space<vmem>> -> memref<8x1000xf32, #tpu.memory_space<vmem>>
          %get3A_913 = arith.index_cast %scan3A_436 : i32 to index
          %get3A_914 = arith.index_cast %add3A_908 : i32 to index
          %get3A_915 = tpu.vector_load %get3A_912[%get3A_913, %get3A_914] {strides = array<i32>} : memref<8x1000xf32, #tpu.memory_space<vmem>>, vector<16xf32>,
          %get3A_916 = arith.constant 0 : i32
          %get3A_917 = arith.constant 0 : i32
          %get3A_918 = tpu.memref_slice %arg6[%scan3A_365, %get3A_916, %get3A_917] : memref<4x8x1000xi32, #tpu.memory_space<vmem>> -> memref<1x8x1000xi32, #tpu.memory_space<vmem>>
          %get3A_919 = tpu.memref_squeeze %get3A_918 : memref<1x8x1000xi32, #tpu.memory_space<vmem>> -> memref<8x1000xi32, #tpu.memory_space<vmem>>
          %get3A_920 = arith.index_cast %scan3A_436 : i32 to index
          %get3A_921 = arith.index_cast %add3A_908 : i32 to index
          %get3A_922 = tpu.vector_load %get3A_919[%get3A_920, %get3A_921] {strides = array<i32>} : memref<8x1000xi32, #tpu.memory_space<vmem>>, vector<16xi32>,
          %convert_element_type3A_923 = arith.sitofp %get3A_922 : vector<16xi32> to vector<16xf32>
          %sub3A_924 = arith.constant 1.000000e+00 : f32
          %sub3A_925 = vector.broadcast %sub3A_924 : f32 to vector<16xf32>
          %sub3A_926 = arith.subf %get3A_915, %sub3A_925 : vector<16xf32>
          %mul3A_927 = arith.mulf %convert_element_type3A_923, %sub3A_926 : vector<16xf32>
          %add3A_928 = arith.constant 1.000000e+00 : f32
          %add3A_929 = vector.broadcast %add3A_928 : f32 to vector<16xf32>
          %add3A_930 = arith.addf %mul3A_927, %add3A_929 : vector<16xf32>
          %mul3A_931 = arith.mulf %add3A_879, %add3A_930 : vector<16xf32>
          %add3A_932 = arith.addi %add3A_906, %get3A_922 : vector<16xi32>
          %add3A_933 = arith.constant 64 : i32
          %add3A_934 = arith.addi %mul3A_830, %add3A_933 : i32
          %get3A_935 = arith.constant 0 : i32
          %get3A_936 = arith.constant 0 : i32
          %get3A_937 = tpu.memref_slice %arg5[%scan3A_364, %get3A_935, %get3A_936] : memref<4x8x1000xf32, #tpu.memory_space<vmem>> -> memref<1x8x1000xf32, #tpu.memory_space<vmem>>
          %get3A_938 = tpu.memref_squeeze %get3A_937 : memref<1x8x1000xf32, #tpu.memory_space<vmem>> -> memref<8x1000xf32, #tpu.memory_space<vmem>>
          %get3A_939 = arith.index_cast %scan3A_436 : i32 to index
          %get3A_940 = arith.index_cast %add3A_934 : i32 to index
          %get3A_941 = tpu.vector_load %get3A_938[%get3A_939, %get3A_940] {strides = array<i32>} : memref<8x1000xf32, #tpu.memory_space<vmem>>, vector<16xf32>,
          %get3A_942 = arith.constant 0 : i32
          %get3A_943 = arith.constant 0 : i32
          %get3A_944 = tpu.memref_slice %arg6[%scan3A_365, %get3A_942, %get3A_943] : memref<4x8x1000xi32, #tpu.memory_space<vmem>> -> memref<1x8x1000xi32, #tpu.memory_space<vmem>>
          %get3A_945 = tpu.memref_squeeze %get3A_944 : memref<1x8x1000xi32, #tpu.memory_space<vmem>> -> memref<8x1000xi32, #tpu.memory_space<vmem>>
          %get3A_946 = arith.index_cast %scan3A_436 : i32 to index
          %get3A_947 = arith.index_cast %add3A_934 : i32 to index
          %get3A_948 = tpu.vector_load %get3A_945[%get3A_946, %get3A_947] {strides = array<i32>} : memref<8x1000xi32, #tpu.memory_space<vmem>>, vector<16xi32>,
          %convert_element_type3A_949 = arith.sitofp %get3A_948 : vector<16xi32> to vector<16xf32>
          %sub3A_950 = arith.constant 1.000000e+00 : f32
          %sub3A_951 = vector.broadcast %sub3A_950 : f32 to vector<16xf32>
          %sub3A_952 = arith.subf %get3A_941, %sub3A_951 : vector<16xf32>
          %mul3A_953 = arith.mulf %convert_element_type3A_949, %sub3A_952 : vector<16xf32>
          %add3A_954 = arith.constant 1.000000e+00 : f32
          %add3A_955 = vector.broadcast %add3A_954 : f32 to vector<16xf32>
          %add3A_956 = arith.addf %mul3A_953, %add3A_955 : vector<16xf32>
          %mul3A_957 = arith.mulf %mul3A_905, %add3A_956 : vector<16xf32>
          %add3A_958 = arith.addi %add3A_932, %get3A_948 : vector<16xi32>
          %add3A_959 = arith.constant 80 : i32
          %add3A_960 = arith.addi %mul3A_830, %add3A_959 : i32
          %get3A_961 = arith.constant 0 : i32
          %get3A_962 = arith.constant 0 : i32
          %get3A_963 = tpu.memref_slice %arg5[%scan3A_364, %get3A_961, %get3A_962] : memref<4x8x1000xf32, #tpu.memory_space<vmem>> -> memref<1x8x1000xf32, #tpu.memory_space<vmem>>
          %get3A_964 = tpu.memref_squeeze %get3A_963 : memref<1x8x1000xf32, #tpu.memory_space<vmem>> -> memref<8x1000xf32, #tpu.memory_space<vmem>>
          %get3A_965 = arith.index_cast %scan3A_436 : i32 to index
          %get3A_966 = arith.index_cast %add3A_960 : i32 to index
          %get3A_967 = tpu.vector_load %get3A_964[%get3A_965, %get3A_966] {strides = array<i32>} : memref<8x1000xf32, #tpu.memory_space<vmem>>, vector<16xf32>,
          %get3A_968 = arith.constant 0 : i32
          %get3A_969 = arith.constant 0 : i32
          %get3A_970 = tpu.memref_slice %arg6[%scan3A_365, %get3A_968, %get3A_969] : memref<4x8x1000xi32, #tpu.memory_space<vmem>> -> memref<1x8x1000xi32, #tpu.memory_space<vmem>>
          %get3A_971 = tpu.memref_squeeze %get3A_970 : memref<1x8x1000xi32, #tpu.memory_space<vmem>> -> memref<8x1000xi32, #tpu.memory_space<vmem>>
          %get3A_972 = arith.index_cast %scan3A_436 : i32 to index
          %get3A_973 = arith.index_cast %add3A_960 : i32 to index
          %get3A_974 = tpu.vector_load %get3A_971[%get3A_972, %get3A_973] {strides = array<i32>} : memref<8x1000xi32, #tpu.memory_space<vmem>>, vector<16xi32>,
          %convert_element_type3A_975 = arith.sitofp %get3A_974 : vector<16xi32> to vector<16xf32>
          %sub3A_976 = arith.constant 1.000000e+00 : f32
          %sub3A_977 = vector.broadcast %sub3A_976 : f32 to vector<16xf32>
          %sub3A_978 = arith.subf %get3A_967, %sub3A_977 : vector<16xf32>
          %mul3A_979 = arith.mulf %convert_element_type3A_975, %sub3A_978 : vector<16xf32>
          %add3A_980 = arith.constant 1.000000e+00 : f32
          %add3A_981 = vector.broadcast %add3A_980 : f32 to vector<16xf32>
          %add3A_982 = arith.addf %mul3A_979, %add3A_981 : vector<16xf32>
          %mul3A_983 = arith.mulf %mul3A_931, %add3A_982 : vector<16xf32>
          %add3A_984 = arith.addi %add3A_958, %get3A_974 : vector<16xi32>
          %add3A_985 = arith.constant 96 : i32
          %add3A_986 = arith.addi %mul3A_830, %add3A_985 : i32
          %get3A_987 = arith.constant 0 : i32
          %get3A_988 = arith.constant 0 : i32
          %get3A_989 = tpu.memref_slice %arg5[%scan3A_364, %get3A_987, %get3A_988] : memref<4x8x1000xf32, #tpu.memory_space<vmem>> -> memref<1x8x1000xf32, #tpu.memory_space<vmem>>
          %get3A_990 = tpu.memref_squeeze %get3A_989 : memref<1x8x1000xf32, #tpu.memory_space<vmem>> -> memref<8x1000xf32, #tpu.memory_space<vmem>>
          %get3A_991 = arith.index_cast %scan3A_436 : i32 to index
          %get3A_992 = arith.index_cast %add3A_986 : i32 to index
          %get3A_993 = tpu.vector_load %get3A_990[%get3A_991, %get3A_992] {strides = array<i32>} : memref<8x1000xf32, #tpu.memory_space<vmem>>, vector<16xf32>,
          %get3A_994 = arith.constant 0 : i32
          %get3A_995 = arith.constant 0 : i32
          %get3A_996 = tpu.memref_slice %arg6[%scan3A_365, %get3A_994, %get3A_995] : memref<4x8x1000xi32, #tpu.memory_space<vmem>> -> memref<1x8x1000xi32, #tpu.memory_space<vmem>>
          %get3A_997 = tpu.memref_squeeze %get3A_996 : memref<1x8x1000xi32, #tpu.memory_space<vmem>> -> memref<8x1000xi32, #tpu.memory_space<vmem>>
          %get3A_998 = arith.index_cast %scan3A_436 : i32 to index
          %get3A_999 = arith.index_cast %add3A_986 : i32 to index
          %get3A_1000 = tpu.vector_load %get3A_997[%get3A_998, %get3A_999] {strides = array<i32>} : memref<8x1000xi32, #tpu.memory_space<vmem>>, vector<16xi32>,
          %convert_element_type3A_1001 = arith.sitofp %get3A_1000 : vector<16xi32> to vector<16xf32>
          %sub3A_1002 = arith.constant 1.000000e+00 : f32
          %sub3A_1003 = vector.broadcast %sub3A_1002 : f32 to vector<16xf32>
          %sub3A_1004 = arith.subf %get3A_993, %sub3A_1003 : vector<16xf32>
          %mul3A_1005 = arith.mulf %convert_element_type3A_1001, %sub3A_1004 : vector<16xf32>
          %add3A_1006 = arith.constant 1.000000e+00 : f32
          %add3A_1007 = vector.broadcast %add3A_1006 : f32 to vector<16xf32>
          %add3A_1008 = arith.addf %mul3A_1005, %add3A_1007 : vector<16xf32>
          %mul3A_1009 = arith.mulf %mul3A_957, %add3A_1008 : vector<16xf32>
          %add3A_1010 = arith.addi %add3A_984, %get3A_1000 : vector<16xi32>
          %mul3A_1011 = arith.mulf %mul3A_1009, %mul3A_983 : vector<16xf32>
          %mul3A_1012 = arith.mulf %bitcast3A_824, %mul3A_1011 : vector<16xf32>
          %bitcast3A_1013 = vector.bitcast %mul3A_1012 : vector<16xf32> to vector<16xi32>
          %shift_right_arithmetic3A_1014 = arith.constant 23 : i32
          %shift_right_arithmetic3A_1015 = vector.broadcast %shift_right_arithmetic3A_1014 : i32 to vector<16xi32>
          %shift_right_arithmetic3A_1016 = arith.shrsi %bitcast3A_1013, %shift_right_arithmetic3A_1015 : vector<16xi32>
          %add3A_1017 = arith.addi %add3A_817, %shift_right_arithmetic3A_1016 : vector<16xi32>
          %and3A_1018 = arith.constant 8388607 : i32
          %and3A_1019 = vector.broadcast %and3A_1018 : i32 to vector<16xi32>
          %and3A_1020 = arith.andi %bitcast3A_1013, %and3A_1019 : vector<16xi32>
          %or3A_1021 = arith.constant 1065353216 : i32
          %or3A_1022 = vector.broadcast %or3A_1021 : i32 to vector<16xi32>
          %or3A_1023 = arith.ori %and3A_1020, %or3A_1022 : vector<16xi32>
          %bitcast3A_1024 = vector.bitcast %or3A_1023 : vector<16xi32> to vector<16xf32>
          scf.yield %bitcast3A_1024, %add3A_1017, %add3A_1010 : vector<16xf32>, vector<16xi32>, vector<16xi32>
        }
        %scan3A_445 = arith.constant 8 : i32
        %get3A = arith.constant 0 : i32
        %get3A_446 = arith.constant 0 : i32
        %get3A_447 = tpu.memref_slice %arg5[%scan3A_364, %get3A, %get3A_446] : memref<4x8x1000xf32, #tpu.memory_space<vmem>> -> memref<1x8x1000xf32, #tpu.memory_space<vmem>>
        %get3A_448 = tpu.memref_squeeze %get3A_447 : memref<1x8x1000xf32, #tpu.memory_space<vmem>> -> memref<8x1000xf32, #tpu.memory_space<vmem>>
        %get3A_449 = arith.index_cast %scan3A_436 : i32 to index
        %get3A_450 = arith.constant 896 : index
        %get3A_451 = tpu.vector_load %get3A_448[%get3A_449, %get3A_450] {strides = array<i32>} : memref<8x1000xf32, #tpu.memory_space<vmem>>, vector<16xf32>,
        %get3A_452 = arith.constant 0 : i32
        %get3A_453 = arith.constant 0 : i32
        %get3A_454 = tpu.memref_slice %arg6[%scan3A_365, %get3A_452, %get3A_453] : memref<4x8x1000xi32, #tpu.memory_space<vmem>> -> memref<1x8x1000xi32, #tpu.memory_space<vmem>>
        %get3A_455 = tpu.memref_squeeze %get3A_454 : memref<1x8x1000xi32, #tpu.memory_space<vmem>> -> memref<8x1000xi32, #tpu.memory_space<vmem>>
        %get3A_456 = arith.index_cast %scan3A_436 : i32 to index
        %get3A_457 = arith.constant 896 : index
        %get3A_458 = tpu.vector_load %get3A_455[%get3A_456, %get3A_457] {strides = array<i32>} : memref<8x1000xi32, #tpu.memory_space<vmem>>, vector<16xi32>,
        %convert_element_type3A_459 = arith.sitofp %get3A_458 : vector<16xi32> to vector<16xf32>
        %sub3A_460 = arith.constant 1.000000e+00 : f32
        %sub3A_461 = vector.broadcast %sub3A_460 : f32 to vector<16xf32>
        %sub3A_462 = arith.subf %get3A_451, %sub3A_461 : vector<16xf32>
        %mul3A_463 = arith.mulf %convert_element_type3A_459, %sub3A_462 : vector<16xf32>
        %add3A_464 = arith.constant 1.000000e+00 : f32
        %add3A_465 = vector.broadcast %add3A_464 : f32 to vector<16xf32>
        %add3A_466 = arith.addf %mul3A_463, %add3A_465 : vector<16xf32>
        %mul3A_467 = arith.mulf %scan3A_444#0, %add3A_466 : vector<16xf32>
        %add3A_468 = arith.addi %scan3A_444#2, %get3A_458 : vector<16xi32>
        %get3A_469 = arith.constant 0 : i32
        %get3A_470 = arith.constant 0 : i32
        %get3A_471 = tpu.memref_slice %arg5[%scan3A_364, %get3A_469, %get3A_470] : memref<4x8x1000xf32, #tpu.memory_space<vmem>> -> memref<1x8x1000xf32, #tpu.memory_space<vmem>>
        %get3A_472 = tpu.memref_squeeze %get3A_471 : memref<1x8x1000xf32, #tpu.memory_space<vmem>> -> memref<8x1000xf32, #tpu.memory_space<vmem>>
        %get3A_473 = arith.index_cast %scan3A_436 : i32 to index
        %get3A_474 = arith.constant 912 : index
        %get3A_475 = tpu.vector_load %get3A_472[%get3A_473, %get3A_474] {strides = array<i32>} : memref<8x1000xf32, #tpu.memory_space<vmem>>, vector<16xf32>,
        %get3A_476 = arith.constant 0 : i32
        %get3A_477 = arith.constant 0 : i32
        %get3A_478 = tpu.memref_slice %arg6[%scan3A_365, %get3A_476, %get3A_477] : memref<4x8x1000xi32, #tpu.memory_space<vmem>> -> memref<1x8x1000xi32, #tpu.memory_space<vmem>>
        %get3A_479 = tpu.memref_squeeze %get3A_478 : memref<1x8x1000xi32, #tpu.memory_space<vmem>> -> memref<8x1000xi32, #tpu.memory_space<vmem>>
        %get3A_480 = arith.index_cast %scan3A_436 : i32 to index
        %get3A_481 = arith.constant 912 : index
        %get3A_482 = tpu.vector_load %get3A_479[%get3A_480, %get3A_481] {strides = array<i32>} : memref<8x1000xi32, #tpu.memory_space<vmem>>, vector<16xi32>,
        %convert_element_type3A_483 = arith.sitofp %get3A_482 : vector<16xi32> to vector<16xf32>
        %sub3A_484 = arith.constant 1.000000e+00 : f32
        %sub3A_485 = vector.broadcast %sub3A_484 : f32 to vector<16xf32>
        %sub3A_486 = arith.subf %get3A_475, %sub3A_485 : vector<16xf32>
        %mul3A_487 = arith.mulf %convert_element_type3A_483, %sub3A_486 : vector<16xf32>
        %add3A_488 = arith.constant 1.000000e+00 : f32
        %add3A_489 = vector.broadcast %add3A_488 : f32 to vector<16xf32>
        %add3A_490 = arith.addf %mul3A_487, %add3A_489 : vector<16xf32>
        %mul3A_491 = arith.mulf %mul3A_467, %add3A_490 : vector<16xf32>
        %add3A_492 = arith.addi %add3A_468, %get3A_482 : vector<16xi32>
        %get3A_493 = arith.constant 0 : i32
        %get3A_494 = arith.constant 0 : i32
        %get3A_495 = tpu.memref_slice %arg5[%scan3A_364, %get3A_493, %get3A_494] : memref<4x8x1000xf32, #tpu.memory_space<vmem>> -> memref<1x8x1000xf32, #tpu.memory_space<vmem>>
        %get3A_496 = tpu.memref_squeeze %get3A_495 : memref<1x8x1000xf32, #tpu.memory_space<vmem>> -> memref<8x1000xf32, #tpu.memory_space<vmem>>
        %get3A_497 = arith.index_cast %scan3A_436 : i32 to index
        %get3A_498 = arith.constant 928 : index
        %get3A_499 = tpu.vector_load %get3A_496[%get3A_497, %get3A_498] {strides = array<i32>} : memref<8x1000xf32, #tpu.memory_space<vmem>>, vector<16xf32>,
        %get3A_500 = arith.constant 0 : i32
        %get3A_501 = arith.constant 0 : i32
        %get3A_502 = tpu.memref_slice %arg6[%scan3A_365, %get3A_500, %get3A_501] : memref<4x8x1000xi32, #tpu.memory_space<vmem>> -> memref<1x8x1000xi32, #tpu.memory_space<vmem>>
        %get3A_503 = tpu.memref_squeeze %get3A_502 : memref<1x8x1000xi32, #tpu.memory_space<vmem>> -> memref<8x1000xi32, #tpu.memory_space<vmem>>
        %get3A_504 = arith.index_cast %scan3A_436 : i32 to index
        %get3A_505 = arith.constant 928 : index
        %get3A_506 = tpu.vector_load %get3A_503[%get3A_504, %get3A_505] {strides = array<i32>} : memref<8x1000xi32, #tpu.memory_space<vmem>>, vector<16xi32>,
        %convert_element_type3A_507 = arith.sitofp %get3A_506 : vector<16xi32> to vector<16xf32>
        %sub3A_508 = arith.constant 1.000000e+00 : f32
        %sub3A_509 = vector.broadcast %sub3A_508 : f32 to vector<16xf32>
        %sub3A_510 = arith.subf %get3A_499, %sub3A_509 : vector<16xf32>
        %mul3A_511 = arith.mulf %convert_element_type3A_507, %sub3A_510 : vector<16xf32>
        %add3A_512 = arith.constant 1.000000e+00 : f32
        %add3A_513 = vector.broadcast %add3A_512 : f32 to vector<16xf32>
        %add3A_514 = arith.addf %mul3A_511, %add3A_513 : vector<16xf32>
        %mul3A_515 = arith.mulf %mul3A_491, %add3A_514 : vector<16xf32>
        %add3A_516 = arith.addi %add3A_492, %get3A_506 : vector<16xi32>
        %get3A_517 = arith.constant 0 : i32
        %get3A_518 = arith.constant 0 : i32
        %get3A_519 = tpu.memref_slice %arg5[%scan3A_364, %get3A_517, %get3A_518] : memref<4x8x1000xf32, #tpu.memory_space<vmem>> -> memref<1x8x1000xf32, #tpu.memory_space<vmem>>
        %get3A_520 = tpu.memref_squeeze %get3A_519 : memref<1x8x1000xf32, #tpu.memory_space<vmem>> -> memref<8x1000xf32, #tpu.memory_space<vmem>>
        %get3A_521 = arith.index_cast %scan3A_436 : i32 to index
        %get3A_522 = arith.constant 944 : index
        %get3A_523 = tpu.vector_load %get3A_520[%get3A_521, %get3A_522] {strides = array<i32>} : memref<8x1000xf32, #tpu.memory_space<vmem>>, vector<16xf32>,
        %get3A_524 = arith.constant 0 : i32
        %get3A_525 = arith.constant 0 : i32
        %get3A_526 = tpu.memref_slice %arg6[%scan3A_365, %get3A_524, %get3A_525] : memref<4x8x1000xi32, #tpu.memory_space<vmem>> -> memref<1x8x1000xi32, #tpu.memory_space<vmem>>
        %get3A_527 = tpu.memref_squeeze %get3A_526 : memref<1x8x1000xi32, #tpu.memory_space<vmem>> -> memref<8x1000xi32, #tpu.memory_space<vmem>>
        %get3A_528 = arith.index_cast %scan3A_436 : i32 to index
        %get3A_529 = arith.constant 944 : index
        %get3A_530 = tpu.vector_load %get3A_527[%get3A_528, %get3A_529] {strides = array<i32>} : memref<8x1000xi32, #tpu.memory_space<vmem>>, vector<16xi32>,
        %convert_element_type3A_531 = arith.sitofp %get3A_530 : vector<16xi32> to vector<16xf32>
        %sub3A_532 = arith.constant 1.000000e+00 : f32
        %sub3A_533 = vector.broadcast %sub3A_532 : f32 to vector<16xf32>
        %sub3A_534 = arith.subf %get3A_523, %sub3A_533 : vector<16xf32>
        %mul3A_535 = arith.mulf %convert_element_type3A_531, %sub3A_534 : vector<16xf32>
        %add3A_536 = arith.constant 1.000000e+00 : f32
        %add3A_537 = vector.broadcast %add3A_536 : f32 to vector<16xf32>
        %add3A_538 = arith.addf %mul3A_535, %add3A_537 : vector<16xf32>
        %mul3A_539 = arith.mulf %mul3A_515, %add3A_538 : vector<16xf32>
        %add3A_540 = arith.addi %add3A_516, %get3A_530 : vector<16xi32>
        %get3A_541 = arith.constant 0 : i32
        %get3A_542 = arith.constant 0 : i32
        %get3A_543 = tpu.memref_slice %arg5[%scan3A_364, %get3A_541, %get3A_542] : memref<4x8x1000xf32, #tpu.memory_space<vmem>> -> memref<1x8x1000xf32, #tpu.memory_space<vmem>>
        %get3A_544 = tpu.memref_squeeze %get3A_543 : memref<1x8x1000xf32, #tpu.memory_space<vmem>> -> memref<8x1000xf32, #tpu.memory_space<vmem>>
        %get3A_545 = arith.index_cast %scan3A_436 : i32 to index
        %get3A_546 = arith.constant 960 : index
        %get3A_547 = tpu.vector_load %get3A_544[%get3A_545, %get3A_546] {strides = array<i32>} : memref<8x1000xf32, #tpu.memory_space<vmem>>, vector<16xf32>,
        %get3A_548 = arith.constant 0 : i32
        %get3A_549 = arith.constant 0 : i32
        %get3A_550 = tpu.memref_slice %arg6[%scan3A_365, %get3A_548, %get3A_549] : memref<4x8x1000xi32, #tpu.memory_space<vmem>> -> memref<1x8x1000xi32, #tpu.memory_space<vmem>>
        %get3A_551 = tpu.memref_squeeze %get3A_550 : memref<1x8x1000xi32, #tpu.memory_space<vmem>> -> memref<8x1000xi32, #tpu.memory_space<vmem>>
        %get3A_552 = arith.index_cast %scan3A_436 : i32 to index
        %get3A_553 = arith.constant 960 : index
        %get3A_554 = tpu.vector_load %get3A_551[%get3A_552, %get3A_553] {strides = array<i32>} : memref<8x1000xi32, #tpu.memory_space<vmem>>, vector<16xi32>,
        %convert_element_type3A_555 = arith.sitofp %get3A_554 : vector<16xi32> to vector<16xf32>
        %sub3A_556 = arith.constant 1.000000e+00 : f32
        %sub3A_557 = vector.broadcast %sub3A_556 : f32 to vector<16xf32>
        %sub3A_558 = arith.subf %get3A_547, %sub3A_557 : vector<16xf32>
        %mul3A_559 = arith.mulf %convert_element_type3A_555, %sub3A_558 : vector<16xf32>
        %add3A_560 = arith.constant 1.000000e+00 : f32
        %add3A_561 = vector.broadcast %add3A_560 : f32 to vector<16xf32>
        %add3A_562 = arith.addf %mul3A_559, %add3A_561 : vector<16xf32>
        %mul3A_563 = arith.mulf %mul3A_539, %add3A_562 : vector<16xf32>
        %add3A_564 = arith.addi %add3A_540, %get3A_554 : vector<16xi32>
        %get3A_565 = arith.constant 0 : i32
        %get3A_566 = arith.constant 0 : i32
        %get3A_567 = tpu.memref_slice %arg5[%scan3A_364, %get3A_565, %get3A_566] : memref<4x8x1000xf32, #tpu.memory_space<vmem>> -> memref<1x8x1000xf32, #tpu.memory_space<vmem>>
        %get3A_568 = tpu.memref_squeeze %get3A_567 : memref<1x8x1000xf32, #tpu.memory_space<vmem>> -> memref<8x1000xf32, #tpu.memory_space<vmem>>
        %get3A_569 = arith.index_cast %scan3A_436 : i32 to index
        %get3A_570 = arith.constant 976 : index
        %get3A_571 = tpu.vector_load %get3A_568[%get3A_569, %get3A_570] {strides = array<i32>} : memref<8x1000xf32, #tpu.memory_space<vmem>>, vector<16xf32>,
        %get3A_572 = arith.constant 0 : i32
        %get3A_573 = arith.constant 0 : i32
        %get3A_574 = tpu.memref_slice %arg6[%scan3A_365, %get3A_572, %get3A_573] : memref<4x8x1000xi32, #tpu.memory_space<vmem>> -> memref<1x8x1000xi32, #tpu.memory_space<vmem>>
        %get3A_575 = tpu.memref_squeeze %get3A_574 : memref<1x8x1000xi32, #tpu.memory_space<vmem>> -> memref<8x1000xi32, #tpu.memory_space<vmem>>
        %get3A_576 = arith.index_cast %scan3A_436 : i32 to index
        %get3A_577 = arith.constant 976 : index
        %get3A_578 = tpu.vector_load %get3A_575[%get3A_576, %get3A_577] {strides = array<i32>} : memref<8x1000xi32, #tpu.memory_space<vmem>>, vector<16xi32>,
        %convert_element_type3A_579 = arith.sitofp %get3A_578 : vector<16xi32> to vector<16xf32>
        %sub3A_580 = arith.constant 1.000000e+00 : f32
        %sub3A_581 = vector.broadcast %sub3A_580 : f32 to vector<16xf32>
        %sub3A_582 = arith.subf %get3A_571, %sub3A_581 : vector<16xf32>
        %mul3A_583 = arith.mulf %convert_element_type3A_579, %sub3A_582 : vector<16xf32>
        %add3A_584 = arith.constant 1.000000e+00 : f32
        %add3A_585 = vector.broadcast %add3A_584 : f32 to vector<16xf32>
        %add3A_586 = arith.addf %mul3A_583, %add3A_585 : vector<16xf32>
        %mul3A_587 = arith.mulf %mul3A_563, %add3A_586 : vector<16xf32>
        %add3A_588 = arith.addi %add3A_564, %get3A_578 : vector<16xi32>
        %get3A_589 = arith.constant 0 : i32
        %get3A_590 = arith.constant 0 : i32
        %get3A_591 = tpu.memref_slice %arg5[%scan3A_364, %get3A_589, %get3A_590] : memref<4x8x1000xf32, #tpu.memory_space<vmem>> -> memref<1x8x1000xf32, #tpu.memory_space<vmem>>
        %get3A_592 = tpu.memref_squeeze %get3A_591 : memref<1x8x1000xf32, #tpu.memory_space<vmem>> -> memref<8x1000xf32, #tpu.memory_space<vmem>>
        %get3A_593 = arith.index_cast %scan3A_436 : i32 to index
        %get3A_594 = arith.constant 984 : index
        %get3A_595 = tpu.vector_load %get3A_592[%get3A_593, %get3A_594] {strides = array<i32>} : memref<8x1000xf32, #tpu.memory_space<vmem>>, vector<16xf32>,
        %get3A_596 = arith.constant 0 : i32
        %get3A_597 = arith.constant 0 : i32
        %get3A_598 = tpu.memref_slice %arg6[%scan3A_365, %get3A_596, %get3A_597] : memref<4x8x1000xi32, #tpu.memory_space<vmem>> -> memref<1x8x1000xi32, #tpu.memory_space<vmem>>
        %get3A_599 = tpu.memref_squeeze %get3A_598 : memref<1x8x1000xi32, #tpu.memory_space<vmem>> -> memref<8x1000xi32, #tpu.memory_space<vmem>>
        %get3A_600 = arith.index_cast %scan3A_436 : i32 to index
        %get3A_601 = arith.constant 984 : index
        %get3A_602 = tpu.vector_load %get3A_599[%get3A_600, %get3A_601] {strides = array<i32>} : memref<8x1000xi32, #tpu.memory_space<vmem>>, vector<16xi32>,
        %and3A = arith.andi %get3A_602, %shift_right_arithmetic3A_4 : vector<16xi32>
        %convert_element_type3A_603 = arith.sitofp %and3A : vector<16xi32> to vector<16xf32>
        %sub3A_604 = arith.constant 1.000000e+00 : f32
        %sub3A_605 = vector.broadcast %sub3A_604 : f32 to vector<16xf32>
        %sub3A_606 = arith.subf %get3A_595, %sub3A_605 : vector<16xf32>
        %mul3A_607 = arith.mulf %convert_element_type3A_603, %sub3A_606 : vector<16xf32>
        %add3A_608 = arith.constant 1.000000e+00 : f32
        %add3A_609 = vector.broadcast %add3A_608 : f32 to vector<16xf32>
        %add3A_610 = arith.addf %mul3A_607, %add3A_609 : vector<16xf32>
        %mul3A_611 = arith.mulf %mul3A_587, %add3A_610 : vector<16xf32>
        %add3A_612 = arith.addi %add3A_588, %and3A : vector<16xi32>
        %bitcast3A = vector.bitcast %mul3A_611 : vector<16xf32> to vector<16xi32>
        %shift_right_arithmetic3A_613 = arith.constant 23 : i32
        %shift_right_arithmetic3A_614 = vector.broadcast %shift_right_arithmetic3A_613 : i32 to vector<16xi32>
        %shift_right_arithmetic3A_615 = arith.shrsi %bitcast3A, %shift_right_arithmetic3A_614 : vector<16xi32>
        %add3A_616 = arith.addi %scan3A_444#1, %shift_right_arithmetic3A_615 : vector<16xi32>
        %and3A_617 = arith.constant 8388607 : i32
        %and3A_618 = vector.broadcast %and3A_617 : i32 to vector<16xi32>
        %and3A_619 = arith.andi %bitcast3A, %and3A_618 : vector<16xi32>
        %or3A = arith.constant 1065353216 : i32
        %or3A_620 = vector.broadcast %or3A : i32 to vector<16xi32>
        %or3A_621 = arith.ori %and3A_619, %or3A_620 : vector<16xi32>
        %bitcast3A_622 = vector.bitcast %or3A_621 : vector<16xi32> to vector<16xf32>
        scf.yield %bitcast3A_622, %add3A_616, %add3A_612 : vector<16xf32>, vector<16xi32>, vector<16xi32>
      }
      %scan3A_371 = arith.constant 8 : i32
      %add3A_372 = arith.constant 4 : i32
      %add3A_373 = arith.addi %add3A_325, %add3A_372 : i32
      %lt3A_374 = arith.constant 64 : i32
      %lt3A_375 = arith.cmpi slt, %add3A_373, %lt3A_374 : i32
      %convert_element_type3A_376 = arith.extui %lt3A_375 : i1 to i32
      %cond3A_377 = arith.constant 0 : i32
      %cond3A_378 = arith.cmpi ne, %convert_element_type3A_376, %cond3A_377 : i32
      scf.if %cond3A_378 {
        %add3A_436 = arith.constant 4 : i32
        %add3A_437 = arith.addi %add3A_325, %add3A_436 : i32
        %mul3A_438 = arith.constant 8 : i32
        %mul3A_439 = arith.muli %add3A_437, %mul3A_438 : i32
        %add3A_440 = arith.addi %mul3A_2, %mul3A_439 : i32
        %dma_start3A_441 = arith.constant 2 : i32
        %dma_start3A_442 = arith.constant 2 : i32
        %dma_start3A_443 = arith.constant 0 : i32
        %dma_start3A_444 = arith.constant 0 : i32
        %dma_start3A_445 = tpu.memref_slice %arg5[%dma_start3A_441, %dma_start3A_443, %dma_start3A_444] : memref<4x8x1000xf32, #tpu.memory_space<vmem>> -> memref<1x8x1000xf32, #tpu.memory_space<vmem>>
        %dma_start3A_446 = tpu.memref_squeeze %dma_start3A_445 : memref<1x8x1000xf32, #tpu.memory_space<vmem>> -> memref<8x1000xf32, #tpu.memory_space<vmem>>
        %dma_start3A_447 = arith.constant 0 : i32
        %dma_start3A_448 = tpu.memref_slice %arg2[%add3A_440, %dma_start3A_447] : memref<16384x1000xf32, #tpu.memory_space<hbm>> -> memref<8x1000xf32, #tpu.memory_space<hbm>>
        %dma_start3A_449 = tpu.memref_slice %arg8[%dma_start3A_442] : memref<4x!tpu.dma_semaphore, #tpu.memory_space<semaphore_mem>> -> memref<1x!tpu.dma_semaphore, #tpu.memory_space<semaphore_mem>>
        %dma_start3A_450 = tpu.memref_squeeze %dma_start3A_449 : memref<1x!tpu.dma_semaphore, #tpu.memory_space<semaphore_mem>> -> memref<!tpu.dma_semaphore, #tpu.memory_space<semaphore_mem>>
        %dma_start3A_451 = arith.constant 0 : i32
        %dma_start3A_452 = arith.constant 0 : i32
        %dma_start3A_453 = tpu.memref_slice %arg5[%dma_start3A_441, %dma_start3A_451, %dma_start3A_452] : memref<4x8x1000xf32, #tpu.memory_space<vmem>> -> memref<1x8x1000xf32, #tpu.memory_space<vmem>>
        %dma_start3A_454 = tpu.memref_squeeze %dma_start3A_453 : memref<1x8x1000xf32, #tpu.memory_space<vmem>> -> memref<8x1000xf32, #tpu.memory_space<vmem>>
        %dma_start3A_455 = arith.constant 0 : i32
        %dma_start3A_456 = tpu.memref_slice %arg2[%add3A_440, %dma_start3A_455] : memref<16384x1000xf32, #tpu.memory_space<hbm>> -> memref<8x1000xf32, #tpu.memory_space<hbm>>
        tpu.enqueue_dma source(%dma_start3A_456 : memref<8x1000xf32, #tpu.memory_space<hbm>>) target(%dma_start3A_454 : memref<8x1000xf32, #tpu.memory_space<vmem>>) target_semaphore(%dma_start3A_450 : memref<!tpu.dma_semaphore, #tpu.memory_space<semaphore_mem>>)
        %add3A_457 = arith.constant 4 : i32
        %add3A_458 = arith.addi %add3A_325, %add3A_457 : i32
        %mul3A_459 = arith.constant 8 : i32
        %mul3A_460 = arith.muli %add3A_458, %mul3A_459 : i32
        %add3A_461 = arith.addi %mul3A_2, %mul3A_460 : i32
        %dma_start3A_462 = arith.constant 2 : i32
        %dma_start3A_463 = arith.constant 2 : i32
        %dma_start3A_464 = arith.constant 0 : i32
        %dma_start3A_465 = arith.constant 0 : i32
        %dma_start3A_466 = tpu.memref_slice %arg6[%dma_start3A_462, %dma_start3A_464, %dma_start3A_465] : memref<4x8x1000xi32, #tpu.memory_space<vmem>> -> memref<1x8x1000xi32, #tpu.memory_space<vmem>>
        %dma_start3A_467 = tpu.memref_squeeze %dma_start3A_466 : memref<1x8x1000xi32, #tpu.memory_space<vmem>> -> memref<8x1000xi32, #tpu.memory_space<vmem>>
        %dma_start3A_468 = arith.constant 0 : i32
        %dma_start3A_469 = tpu.memref_slice %arg3[%add3A_461, %dma_start3A_468] : memref<16384x1000xi32, #tpu.memory_space<hbm>> -> memref<8x1000xi32, #tpu.memory_space<hbm>>
        %dma_start3A_470 = tpu.memref_slice %arg9[%dma_start3A_463] : memref<4x!tpu.dma_semaphore, #tpu.memory_space<semaphore_mem>> -> memref<1x!tpu.dma_semaphore, #tpu.memory_space<semaphore_mem>>
        %dma_start3A_471 = tpu.memref_squeeze %dma_start3A_470 : memref<1x!tpu.dma_semaphore, #tpu.memory_space<semaphore_mem>> -> memref<!tpu.dma_semaphore, #tpu.memory_space<semaphore_mem>>
        %dma_start3A_472 = arith.constant 0 : i32
        %dma_start3A_473 = arith.constant 0 : i32
        %dma_start3A_474 = tpu.memref_slice %arg6[%dma_start3A_462, %dma_start3A_472, %dma_start3A_473] : memref<4x8x1000xi32, #tpu.memory_space<vmem>> -> memref<1x8x1000xi32, #tpu.memory_space<vmem>>
        %dma_start3A_475 = tpu.memref_squeeze %dma_start3A_474 : memref<1x8x1000xi32, #tpu.memory_space<vmem>> -> memref<8x1000xi32, #tpu.memory_space<vmem>>
        %dma_start3A_476 = arith.constant 0 : i32
        %dma_start3A_477 = tpu.memref_slice %arg3[%add3A_461, %dma_start3A_476] : memref<16384x1000xi32, #tpu.memory_space<hbm>> -> memref<8x1000xi32, #tpu.memory_space<hbm>>
        tpu.enqueue_dma source(%dma_start3A_477 : memref<8x1000xi32, #tpu.memory_space<hbm>>) target(%dma_start3A_475 : memref<8x1000xi32, #tpu.memory_space<vmem>>) target_semaphore(%dma_start3A_471 : memref<!tpu.dma_semaphore, #tpu.memory_space<semaphore_mem>>)
      } else {
      }
      %mul3A_379 = arith.constant 4 : i32
      %mul3A_380 = arith.muli %scan3A_207, %mul3A_379 : i32
      %add3A_381 = arith.constant 3 : i32
      %add3A_382 = arith.addi %mul3A_380, %add3A_381 : i32
      %mul3A_383 = arith.constant 8 : i32
      %mul3A_384 = arith.muli %add3A_382, %mul3A_383 : i32
      %add3A_385 = arith.addi %mul3A_2, %mul3A_384 : i32
      %dma_wait3A_386 = arith.constant 3 : i32
      %dma_wait3A_387 = arith.constant 3 : i32
      %dma_wait3A_388 = arith.constant 0 : i32
      %dma_wait3A_389 = arith.constant 0 : i32
      %dma_wait3A_390 = tpu.memref_slice %arg5[%dma_wait3A_386, %dma_wait3A_388, %dma_wait3A_389] : memref<4x8x1000xf32, #tpu.memory_space<vmem>> -> memref<1x8x1000xf32, #tpu.memory_space<vmem>>
      %dma_wait3A_391 = tpu.memref_squeeze %dma_wait3A_390 : memref<1x8x1000xf32, #tpu.memory_space<vmem>> -> memref<8x1000xf32, #tpu.memory_space<vmem>>
      %dma_wait3A_392 = arith.constant 0 : i32
      %dma_wait3A_393 = tpu.memref_slice %arg2[%add3A_385, %dma_wait3A_392] : memref<16384x1000xf32, #tpu.memory_space<hbm>> -> memref<8x1000xf32, #tpu.memory_space<hbm>>
      %dma_wait3A_394 = tpu.memref_slice %arg8[%dma_wait3A_387] : memref<4x!tpu.dma_semaphore, #tpu.memory_space<semaphore_mem>> -> memref<1x!tpu.dma_semaphore, #tpu.memory_space<semaphore_mem>>
      %dma_wait3A_395 = tpu.memref_squeeze %dma_wait3A_394 : memref<1x!tpu.dma_semaphore, #tpu.memory_space<semaphore_mem>> -> memref<!tpu.dma_semaphore, #tpu.memory_space<semaphore_mem>>
      %dma_wait3A_396 = arith.constant 0 : i32
      %dma_wait3A_397 = arith.constant 0 : i32
      %dma_wait3A_398 = tpu.memref_slice %arg5[%dma_wait3A_386, %dma_wait3A_396, %dma_wait3A_397] : memref<4x8x1000xf32, #tpu.memory_space<vmem>> -> memref<1x8x1000xf32, #tpu.memory_space<vmem>>
      %dma_wait3A_399 = tpu.memref_squeeze %dma_wait3A_398 : memref<1x8x1000xf32, #tpu.memory_space<vmem>> -> memref<8x1000xf32, #tpu.memory_space<vmem>>
      %dma_wait3A_400 = arith.constant 0 : i32
      %dma_wait3A_401 = tpu.memref_slice %arg2[%add3A_385, %dma_wait3A_400] : memref<16384x1000xf32, #tpu.memory_space<hbm>> -> memref<8x1000xf32, #tpu.memory_space<hbm>>
      tpu.wait_dma2 semaphore(%dma_wait3A_395 : memref<!tpu.dma_semaphore, #tpu.memory_space<semaphore_mem>>) src(%dma_wait3A_401 : memref<8x1000xf32, #tpu.memory_space<hbm>>) dst(%dma_wait3A_399 : memref<8x1000xf32, #tpu.memory_space<vmem>>)
      %mul3A_402 = arith.constant 8 : i32
      %mul3A_403 = arith.muli %add3A_382, %mul3A_402 : i32
      %add3A_404 = arith.addi %mul3A_2, %mul3A_403 : i32
      %dma_wait3A_405 = arith.constant 3 : i32
      %dma_wait3A_406 = arith.constant 3 : i32
      %dma_wait3A_407 = arith.constant 0 : i32
      %dma_wait3A_408 = arith.constant 0 : i32
      %dma_wait3A_409 = tpu.memref_slice %arg6[%dma_wait3A_405, %dma_wait3A_407, %dma_wait3A_408] : memref<4x8x1000xi32, #tpu.memory_space<vmem>> -> memref<1x8x1000xi32, #tpu.memory_space<vmem>>
      %dma_wait3A_410 = tpu.memref_squeeze %dma_wait3A_409 : memref<1x8x1000xi32, #tpu.memory_space<vmem>> -> memref<8x1000xi32, #tpu.memory_space<vmem>>
      %dma_wait3A_411 = arith.constant 0 : i32
      %dma_wait3A_412 = tpu.memref_slice %arg3[%add3A_404, %dma_wait3A_411] : memref<16384x1000xi32, #tpu.memory_space<hbm>> -> memref<8x1000xi32, #tpu.memory_space<hbm>>
      %dma_wait3A_413 = tpu.memref_slice %arg9[%dma_wait3A_406] : memref<4x!tpu.dma_semaphore, #tpu.memory_space<semaphore_mem>> -> memref<1x!tpu.dma_semaphore, #tpu.memory_space<semaphore_mem>>
      %dma_wait3A_414 = tpu.memref_squeeze %dma_wait3A_413 : memref<1x!tpu.dma_semaphore, #tpu.memory_space<semaphore_mem>> -> memref<!tpu.dma_semaphore, #tpu.memory_space<semaphore_mem>>
      %dma_wait3A_415 = arith.constant 0 : i32
      %dma_wait3A_416 = arith.constant 0 : i32
      %dma_wait3A_417 = tpu.memref_slice %arg6[%dma_wait3A_405, %dma_wait3A_415, %dma_wait3A_416] : memref<4x8x1000xi32, #tpu.memory_space<vmem>> -> memref<1x8x1000xi32, #tpu.memory_space<vmem>>
      %dma_wait3A_418 = tpu.memref_squeeze %dma_wait3A_417 : memref<1x8x1000xi32, #tpu.memory_space<vmem>> -> memref<8x1000xi32, #tpu.memory_space<vmem>>
      %dma_wait3A_419 = arith.constant 0 : i32
      %dma_wait3A_420 = tpu.memref_slice %arg3[%add3A_404, %dma_wait3A_419] : memref<16384x1000xi32, #tpu.memory_space<hbm>> -> memref<8x1000xi32, #tpu.memory_space<hbm>>
      tpu.wait_dma2 semaphore(%dma_wait3A_414 : memref<!tpu.dma_semaphore, #tpu.memory_space<semaphore_mem>>) src(%dma_wait3A_420 : memref<8x1000xi32, #tpu.memory_space<hbm>>) dst(%dma_wait3A_418 : memref<8x1000xi32, #tpu.memory_space<vmem>>)
      %scan3A_421 = arith.constant 3 : i32
      %scan3A_422 = arith.constant 3 : i32
      %scan3A_423 = arith.constant 0 : i32
      %scan3A_424 = arith.constant 8 : i32
      %scan3A_425 = arith.addi %scan3A_423, %scan3A_424 : i32
      %scan3A_426 = arith.constant 1 : i32
      %scan3A_427:3 = scf.for %scan3A_436 = %scan3A_423 to %scan3A_425 step %scan3A_426 iter_args(%scan3A_437 = %scan3A_370#0, %scan3A_438 = %scan3A_370#1, %scan3A_439 = %scan3A_370#2) -> (vector<16xf32>, vector<16xi32>, vector<16xi32>)  : i32 {
        %scan3A_440 = arith.constant 0 : i32
        %scan3A_441 = arith.constant 8 : i32
        %scan3A_442 = arith.addi %scan3A_440, %scan3A_441 : i32
        %scan3A_443 = arith.constant 2 : i32
        %scan3A_444:3 = scf.for %scan3A_623 = %scan3A_440 to %scan3A_442 step %scan3A_443 iter_args(%scan3A_624 = %scan3A_437, %scan3A_625 = %scan3A_438, %scan3A_626 = %scan3A_439) -> (vector<16xf32>, vector<16xi32>, vector<16xi32>)  : i32 {
          %mul3A_627 = arith.constant 7 : i32
          %mul3A_628 = arith.muli %scan3A_623, %mul3A_627 : i32
          %mul3A_629 = arith.constant 16 : i32
          %mul3A_630 = arith.muli %mul3A_628, %mul3A_629 : i32
          %add3A_631 = arith.constant 0 : i32
          %add3A_632 = arith.addi %mul3A_630, %add3A_631 : i32
          %get3A_633 = arith.constant 0 : i32
          %get3A_634 = arith.constant 0 : i32
          %get3A_635 = tpu.memref_slice %arg5[%scan3A_421, %get3A_633, %get3A_634] : memref<4x8x1000xf32, #tpu.memory_space<vmem>> -> memref<1x8x1000xf32, #tpu.memory_space<vmem>>
          %get3A_636 = tpu.memref_squeeze %get3A_635 : memref<1x8x1000xf32, #tpu.memory_space<vmem>> -> memref<8x1000xf32, #tpu.memory_space<vmem>>
          %get3A_637 = arith.index_cast %scan3A_436 : i32 to index
          %get3A_638 = arith.index_cast %add3A_632 : i32 to index
          %get3A_639 = tpu.vector_load %get3A_636[%get3A_637, %get3A_638] {strides = array<i32>} : memref<8x1000xf32, #tpu.memory_space<vmem>>, vector<16xf32>,
          %get3A_640 = arith.constant 0 : i32
          %get3A_641 = arith.constant 0 : i32
          %get3A_642 = tpu.memref_slice %arg6[%scan3A_422, %get3A_640, %get3A_641] : memref<4x8x1000xi32, #tpu.memory_space<vmem>> -> memref<1x8x1000xi32, #tpu.memory_space<vmem>>
          %get3A_643 = tpu.memref_squeeze %get3A_642 : memref<1x8x1000xi32, #tpu.memory_space<vmem>> -> memref<8x1000xi32, #tpu.memory_space<vmem>>
          %get3A_644 = arith.index_cast %scan3A_436 : i32 to index
          %get3A_645 = arith.index_cast %add3A_632 : i32 to index
          %get3A_646 = tpu.vector_load %get3A_643[%get3A_644, %get3A_645] {strides = array<i32>} : memref<8x1000xi32, #tpu.memory_space<vmem>>, vector<16xi32>,
          %convert_element_type3A_647 = arith.sitofp %get3A_646 : vector<16xi32> to vector<16xf32>
          %sub3A_648 = arith.constant 1.000000e+00 : f32
          %sub3A_649 = vector.broadcast %sub3A_648 : f32 to vector<16xf32>
          %sub3A_650 = arith.subf %get3A_639, %sub3A_649 : vector<16xf32>
          %mul3A_651 = arith.mulf %convert_element_type3A_647, %sub3A_650 : vector<16xf32>
          %add3A_652 = arith.constant 1.000000e+00 : f32
          %add3A_653 = vector.broadcast %add3A_652 : f32 to vector<16xf32>
          %add3A_654 = arith.addf %mul3A_651, %add3A_653 : vector<16xf32>
          %add3A_655 = arith.addi %scan3A_626, %get3A_646 : vector<16xi32>
          %add3A_656 = arith.constant 16 : i32
          %add3A_657 = arith.addi %mul3A_630, %add3A_656 : i32
          %get3A_658 = arith.constant 0 : i32
          %get3A_659 = arith.constant 0 : i32
          %get3A_660 = tpu.memref_slice %arg5[%scan3A_421, %get3A_658, %get3A_659] : memref<4x8x1000xf32, #tpu.memory_space<vmem>> -> memref<1x8x1000xf32, #tpu.memory_space<vmem>>
          %get3A_661 = tpu.memref_squeeze %get3A_660 : memref<1x8x1000xf32, #tpu.memory_space<vmem>> -> memref<8x1000xf32, #tpu.memory_space<vmem>>
          %get3A_662 = arith.index_cast %scan3A_436 : i32 to index
          %get3A_663 = arith.index_cast %add3A_657 : i32 to index
          %get3A_664 = tpu.vector_load %get3A_661[%get3A_662, %get3A_663] {strides = array<i32>} : memref<8x1000xf32, #tpu.memory_space<vmem>>, vector<16xf32>,
          %get3A_665 = arith.constant 0 : i32
          %get3A_666 = arith.constant 0 : i32
          %get3A_667 = tpu.memref_slice %arg6[%scan3A_422, %get3A_665, %get3A_666] : memref<4x8x1000xi32, #tpu.memory_space<vmem>> -> memref<1x8x1000xi32, #tpu.memory_space<vmem>>
          %get3A_668 = tpu.memref_squeeze %get3A_667 : memref<1x8x1000xi32, #tpu.memory_space<vmem>> -> memref<8x1000xi32, #tpu.memory_space<vmem>>
          %get3A_669 = arith.index_cast %scan3A_436 : i32 to index
          %get3A_670 = arith.index_cast %add3A_657 : i32 to index
          %get3A_671 = tpu.vector_load %get3A_668[%get3A_669, %get3A_670] {strides = array<i32>} : memref<8x1000xi32, #tpu.memory_space<vmem>>, vector<16xi32>,
          %convert_element_type3A_672 = arith.sitofp %get3A_671 : vector<16xi32> to vector<16xf32>
          %sub3A_673 = arith.constant 1.000000e+00 : f32
          %sub3A_674 = vector.broadcast %sub3A_673 : f32 to vector<16xf32>
          %sub3A_675 = arith.subf %get3A_664, %sub3A_674 : vector<16xf32>
          %mul3A_676 = arith.mulf %convert_element_type3A_672, %sub3A_675 : vector<16xf32>
          %add3A_677 = arith.constant 1.000000e+00 : f32
          %add3A_678 = vector.broadcast %add3A_677 : f32 to vector<16xf32>
          %add3A_679 = arith.addf %mul3A_676, %add3A_678 : vector<16xf32>
          %add3A_680 = arith.addi %add3A_655, %get3A_671 : vector<16xi32>
          %add3A_681 = arith.constant 32 : i32
          %add3A_682 = arith.addi %mul3A_630, %add3A_681 : i32
          %get3A_683 = arith.constant 0 : i32
          %get3A_684 = arith.constant 0 : i32
          %get3A_685 = tpu.memref_slice %arg5[%scan3A_421, %get3A_683, %get3A_684] : memref<4x8x1000xf32, #tpu.memory_space<vmem>> -> memref<1x8x1000xf32, #tpu.memory_space<vmem>>
          %get3A_686 = tpu.memref_squeeze %get3A_685 : memref<1x8x1000xf32, #tpu.memory_space<vmem>> -> memref<8x1000xf32, #tpu.memory_space<vmem>>
          %get3A_687 = arith.index_cast %scan3A_436 : i32 to index
          %get3A_688 = arith.index_cast %add3A_682 : i32 to index
          %get3A_689 = tpu.vector_load %get3A_686[%get3A_687, %get3A_688] {strides = array<i32>} : memref<8x1000xf32, #tpu.memory_space<vmem>>, vector<16xf32>,
          %get3A_690 = arith.constant 0 : i32
          %get3A_691 = arith.constant 0 : i32
          %get3A_692 = tpu.memref_slice %arg6[%scan3A_422, %get3A_690, %get3A_691] : memref<4x8x1000xi32, #tpu.memory_space<vmem>> -> memref<1x8x1000xi32, #tpu.memory_space<vmem>>
          %get3A_693 = tpu.memref_squeeze %get3A_692 : memref<1x8x1000xi32, #tpu.memory_space<vmem>> -> memref<8x1000xi32, #tpu.memory_space<vmem>>
          %get3A_694 = arith.index_cast %scan3A_436 : i32 to index
          %get3A_695 = arith.index_cast %add3A_682 : i32 to index
          %get3A_696 = tpu.vector_load %get3A_693[%get3A_694, %get3A_695] {strides = array<i32>} : memref<8x1000xi32, #tpu.memory_space<vmem>>, vector<16xi32>,
          %convert_element_type3A_697 = arith.sitofp %get3A_696 : vector<16xi32> to vector<16xf32>
          %sub3A_698 = arith.constant 1.000000e+00 : f32
          %sub3A_699 = vector.broadcast %sub3A_698 : f32 to vector<16xf32>
          %sub3A_700 = arith.subf %get3A_689, %sub3A_699 : vector<16xf32>
          %mul3A_701 = arith.mulf %convert_element_type3A_697, %sub3A_700 : vector<16xf32>
          %add3A_702 = arith.constant 1.000000e+00 : f32
          %add3A_703 = vector.broadcast %add3A_702 : f32 to vector<16xf32>
          %add3A_704 = arith.addf %mul3A_701, %add3A_703 : vector<16xf32>
          %mul3A_705 = arith.mulf %add3A_654, %add3A_704 : vector<16xf32>
          %add3A_706 = arith.addi %add3A_680, %get3A_696 : vector<16xi32>
          %add3A_707 = arith.constant 48 : i32
          %add3A_708 = arith.addi %mul3A_630, %add3A_707 : i32
          %get3A_709 = arith.constant 0 : i32
          %get3A_710 = arith.constant 0 : i32
          %get3A_711 = tpu.memref_slice %arg5[%scan3A_421, %get3A_709, %get3A_710] : memref<4x8x1000xf32, #tpu.memory_space<vmem>> -> memref<1x8x1000xf32, #tpu.memory_space<vmem>>
          %get3A_712 = tpu.memref_squeeze %get3A_711 : memref<1x8x1000xf32, #tpu.memory_space<vmem>> -> memref<8x1000xf32, #tpu.memory_space<vmem>>
          %get3A_713 = arith.index_cast %scan3A_436 : i32 to index
          %get3A_714 = arith.index_cast %add3A_708 : i32 to index
          %get3A_715 = tpu.vector_load %get3A_712[%get3A_713, %get3A_714] {strides = array<i32>} : memref<8x1000xf32, #tpu.memory_space<vmem>>, vector<16xf32>,
          %get3A_716 = arith.constant 0 : i32
          %get3A_717 = arith.constant 0 : i32
          %get3A_718 = tpu.memref_slice %arg6[%scan3A_422, %get3A_716, %get3A_717] : memref<4x8x1000xi32, #tpu.memory_space<vmem>> -> memref<1x8x1000xi32, #tpu.memory_space<vmem>>
          %get3A_719 = tpu.memref_squeeze %get3A_718 : memref<1x8x1000xi32, #tpu.memory_space<vmem>> -> memref<8x1000xi32, #tpu.memory_space<vmem>>
          %get3A_720 = arith.index_cast %scan3A_436 : i32 to index
          %get3A_721 = arith.index_cast %add3A_708 : i32 to index
          %get3A_722 = tpu.vector_load %get3A_719[%get3A_720, %get3A_721] {strides = array<i32>} : memref<8x1000xi32, #tpu.memory_space<vmem>>, vector<16xi32>,
          %convert_element_type3A_723 = arith.sitofp %get3A_722 : vector<16xi32> to vector<16xf32>
          %sub3A_724 = arith.constant 1.000000e+00 : f32
          %sub3A_725 = vector.broadcast %sub3A_724 : f32 to vector<16xf32>
          %sub3A_726 = arith.subf %get3A_715, %sub3A_725 : vector<16xf32>
          %mul3A_727 = arith.mulf %convert_element_type3A_723, %sub3A_726 : vector<16xf32>
          %add3A_728 = arith.constant 1.000000e+00 : f32
          %add3A_729 = vector.broadcast %add3A_728 : f32 to vector<16xf32>
          %add3A_730 = arith.addf %mul3A_727, %add3A_729 : vector<16xf32>
          %mul3A_731 = arith.mulf %add3A_679, %add3A_730 : vector<16xf32>
          %add3A_732 = arith.addi %add3A_706, %get3A_722 : vector<16xi32>
          %add3A_733 = arith.constant 64 : i32
          %add3A_734 = arith.addi %mul3A_630, %add3A_733 : i32
          %get3A_735 = arith.constant 0 : i32
          %get3A_736 = arith.constant 0 : i32
          %get3A_737 = tpu.memref_slice %arg5[%scan3A_421, %get3A_735, %get3A_736] : memref<4x8x1000xf32, #tpu.memory_space<vmem>> -> memref<1x8x1000xf32, #tpu.memory_space<vmem>>
          %get3A_738 = tpu.memref_squeeze %get3A_737 : memref<1x8x1000xf32, #tpu.memory_space<vmem>> -> memref<8x1000xf32, #tpu.memory_space<vmem>>
          %get3A_739 = arith.index_cast %scan3A_436 : i32 to index
          %get3A_740 = arith.index_cast %add3A_734 : i32 to index
          %get3A_741 = tpu.vector_load %get3A_738[%get3A_739, %get3A_740] {strides = array<i32>} : memref<8x1000xf32, #tpu.memory_space<vmem>>, vector<16xf32>,
          %get3A_742 = arith.constant 0 : i32
          %get3A_743 = arith.constant 0 : i32
          %get3A_744 = tpu.memref_slice %arg6[%scan3A_422, %get3A_742, %get3A_743] : memref<4x8x1000xi32, #tpu.memory_space<vmem>> -> memref<1x8x1000xi32, #tpu.memory_space<vmem>>
          %get3A_745 = tpu.memref_squeeze %get3A_744 : memref<1x8x1000xi32, #tpu.memory_space<vmem>> -> memref<8x1000xi32, #tpu.memory_space<vmem>>
          %get3A_746 = arith.index_cast %scan3A_436 : i32 to index
          %get3A_747 = arith.index_cast %add3A_734 : i32 to index
          %get3A_748 = tpu.vector_load %get3A_745[%get3A_746, %get3A_747] {strides = array<i32>} : memref<8x1000xi32, #tpu.memory_space<vmem>>, vector<16xi32>,
          %convert_element_type3A_749 = arith.sitofp %get3A_748 : vector<16xi32> to vector<16xf32>
          %sub3A_750 = arith.constant 1.000000e+00 : f32
          %sub3A_751 = vector.broadcast %sub3A_750 : f32 to vector<16xf32>
          %sub3A_752 = arith.subf %get3A_741, %sub3A_751 : vector<16xf32>
          %mul3A_753 = arith.mulf %convert_element_type3A_749, %sub3A_752 : vector<16xf32>
          %add3A_754 = arith.constant 1.000000e+00 : f32
          %add3A_755 = vector.broadcast %add3A_754 : f32 to vector<16xf32>
          %add3A_756 = arith.addf %mul3A_753, %add3A_755 : vector<16xf32>
          %mul3A_757 = arith.mulf %mul3A_705, %add3A_756 : vector<16xf32>
          %add3A_758 = arith.addi %add3A_732, %get3A_748 : vector<16xi32>
          %add3A_759 = arith.constant 80 : i32
          %add3A_760 = arith.addi %mul3A_630, %add3A_759 : i32
          %get3A_761 = arith.constant 0 : i32
          %get3A_762 = arith.constant 0 : i32
          %get3A_763 = tpu.memref_slice %arg5[%scan3A_421, %get3A_761, %get3A_762] : memref<4x8x1000xf32, #tpu.memory_space<vmem>> -> memref<1x8x1000xf32, #tpu.memory_space<vmem>>
          %get3A_764 = tpu.memref_squeeze %get3A_763 : memref<1x8x1000xf32, #tpu.memory_space<vmem>> -> memref<8x1000xf32, #tpu.memory_space<vmem>>
          %get3A_765 = arith.index_cast %scan3A_436 : i32 to index
          %get3A_766 = arith.index_cast %add3A_760 : i32 to index
          %get3A_767 = tpu.vector_load %get3A_764[%get3A_765, %get3A_766] {strides = array<i32>} : memref<8x1000xf32, #tpu.memory_space<vmem>>, vector<16xf32>,
          %get3A_768 = arith.constant 0 : i32
          %get3A_769 = arith.constant 0 : i32
          %get3A_770 = tpu.memref_slice %arg6[%scan3A_422, %get3A_768, %get3A_769] : memref<4x8x1000xi32, #tpu.memory_space<vmem>> -> memref<1x8x1000xi32, #tpu.memory_space<vmem>>
          %get3A_771 = tpu.memref_squeeze %get3A_770 : memref<1x8x1000xi32, #tpu.memory_space<vmem>> -> memref<8x1000xi32, #tpu.memory_space<vmem>>
          %get3A_772 = arith.index_cast %scan3A_436 : i32 to index
          %get3A_773 = arith.index_cast %add3A_760 : i32 to index
          %get3A_774 = tpu.vector_load %get3A_771[%get3A_772, %get3A_773] {strides = array<i32>} : memref<8x1000xi32, #tpu.memory_space<vmem>>, vector<16xi32>,
          %convert_element_type3A_775 = arith.sitofp %get3A_774 : vector<16xi32> to vector<16xf32>
          %sub3A_776 = arith.constant 1.000000e+00 : f32
          %sub3A_777 = vector.broadcast %sub3A_776 : f32 to vector<16xf32>
          %sub3A_778 = arith.subf %get3A_767, %sub3A_777 : vector<16xf32>
          %mul3A_779 = arith.mulf %convert_element_type3A_775, %sub3A_778 : vector<16xf32>
          %add3A_780 = arith.constant 1.000000e+00 : f32
          %add3A_781 = vector.broadcast %add3A_780 : f32 to vector<16xf32>
          %add3A_782 = arith.addf %mul3A_779, %add3A_781 : vector<16xf32>
          %mul3A_783 = arith.mulf %mul3A_731, %add3A_782 : vector<16xf32>
          %add3A_784 = arith.addi %add3A_758, %get3A_774 : vector<16xi32>
          %add3A_785 = arith.constant 96 : i32
          %add3A_786 = arith.addi %mul3A_630, %add3A_785 : i32
          %get3A_787 = arith.constant 0 : i32
          %get3A_788 = arith.constant 0 : i32
          %get3A_789 = tpu.memref_slice %arg5[%scan3A_421, %get3A_787, %get3A_788] : memref<4x8x1000xf32, #tpu.memory_space<vmem>> -> memref<1x8x1000xf32, #tpu.memory_space<vmem>>
          %get3A_790 = tpu.memref_squeeze %get3A_789 : memref<1x8x1000xf32, #tpu.memory_space<vmem>> -> memref<8x1000xf32, #tpu.memory_space<vmem>>
          %get3A_791 = arith.index_cast %scan3A_436 : i32 to index
          %get3A_792 = arith.index_cast %add3A_786 : i32 to index
          %get3A_793 = tpu.vector_load %get3A_790[%get3A_791, %get3A_792] {strides = array<i32>} : memref<8x1000xf32, #tpu.memory_space<vmem>>, vector<16xf32>,
          %get3A_794 = arith.constant 0 : i32
          %get3A_795 = arith.constant 0 : i32
          %get3A_796 = tpu.memref_slice %arg6[%scan3A_422, %get3A_794, %get3A_795] : memref<4x8x1000xi32, #tpu.memory_space<vmem>> -> memref<1x8x1000xi32, #tpu.memory_space<vmem>>
          %get3A_797 = tpu.memref_squeeze %get3A_796 : memref<1x8x1000xi32, #tpu.memory_space<vmem>> -> memref<8x1000xi32, #tpu.memory_space<vmem>>
          %get3A_798 = arith.index_cast %scan3A_436 : i32 to index
          %get3A_799 = arith.index_cast %add3A_786 : i32 to index
          %get3A_800 = tpu.vector_load %get3A_797[%get3A_798, %get3A_799] {strides = array<i32>} : memref<8x1000xi32, #tpu.memory_space<vmem>>, vector<16xi32>,
          %convert_element_type3A_801 = arith.sitofp %get3A_800 : vector<16xi32> to vector<16xf32>
          %sub3A_802 = arith.constant 1.000000e+00 : f32
          %sub3A_803 = vector.broadcast %sub3A_802 : f32 to vector<16xf32>
          %sub3A_804 = arith.subf %get3A_793, %sub3A_803 : vector<16xf32>
          %mul3A_805 = arith.mulf %convert_element_type3A_801, %sub3A_804 : vector<16xf32>
          %add3A_806 = arith.constant 1.000000e+00 : f32
          %add3A_807 = vector.broadcast %add3A_806 : f32 to vector<16xf32>
          %add3A_808 = arith.addf %mul3A_805, %add3A_807 : vector<16xf32>
          %mul3A_809 = arith.mulf %mul3A_757, %add3A_808 : vector<16xf32>
          %add3A_810 = arith.addi %add3A_784, %get3A_800 : vector<16xi32>
          %mul3A_811 = arith.mulf %mul3A_809, %mul3A_783 : vector<16xf32>
          %mul3A_812 = arith.mulf %scan3A_624, %mul3A_811 : vector<16xf32>
          %bitcast3A_813 = vector.bitcast %mul3A_812 : vector<16xf32> to vector<16xi32>
          %shift_right_arithmetic3A_814 = arith.constant 23 : i32
          %shift_right_arithmetic3A_815 = vector.broadcast %shift_right_arithmetic3A_814 : i32 to vector<16xi32>
          %shift_right_arithmetic3A_816 = arith.shrsi %bitcast3A_813, %shift_right_arithmetic3A_815 : vector<16xi32>
          %add3A_817 = arith.addi %scan3A_625, %shift_right_arithmetic3A_816 : vector<16xi32>
          %and3A_818 = arith.constant 8388607 : i32
          %and3A_819 = vector.broadcast %and3A_818 : i32 to vector<16xi32>
          %and3A_820 = arith.andi %bitcast3A_813, %and3A_819 : vector<16xi32>
          %or3A_821 = arith.constant 1065353216 : i32
          %or3A_822 = vector.broadcast %or3A_821 : i32 to vector<16xi32>
          %or3A_823 = arith.ori %and3A_820, %or3A_822 : vector<16xi32>
          %bitcast3A_824 = vector.bitcast %or3A_823 : vector<16xi32> to vector<16xf32>
          %scan3A_825 = arith.constant 1 : i32
          %scan3A_826 = arith.addi %scan3A_623, %scan3A_825 : i32
          %mul3A_827 = arith.constant 7 : i32
          %mul3A_828 = arith.muli %scan3A_826, %mul3A_827 : i32
          %mul3A_829 = arith.constant 16 : i32
          %mul3A_830 = arith.muli %mul3A_828, %mul3A_829 : i32
          %add3A_831 = arith.constant 0 : i32
          %add3A_832 = arith.addi %mul3A_830, %add3A_831 : i32
          %get3A_833 = arith.constant 0 : i32
          %get3A_834 = arith.constant 0 : i32
          %get3A_835 = tpu.memref_slice %arg5[%scan3A_421, %get3A_833, %get3A_834] : memref<4x8x1000xf32, #tpu.memory_space<vmem>> -> memref<1x8x1000xf32, #tpu.memory_space<vmem>>
          %get3A_836 = tpu.memref_squeeze %get3A_835 : memref<1x8x1000xf32, #tpu.memory_space<vmem>> -> memref<8x1000xf32, #tpu.memory_space<vmem>>
          %get3A_837 = arith.index_cast %scan3A_436 : i32 to index
          %get3A_838 = arith.index_cast %add3A_832 : i32 to index
          %get3A_839 = tpu.vector_load %get3A_836[%get3A_837, %get3A_838] {strides = array<i32>} : memref<8x1000xf32, #tpu.memory_space<vmem>>, vector<16xf32>,
          %get3A_840 = arith.constant 0 : i32
          %get3A_841 = arith.constant 0 : i32
          %get3A_842 = tpu.memref_slice %arg6[%scan3A_422, %get3A_840, %get3A_841] : memref<4x8x1000xi32, #tpu.memory_space<vmem>> -> memref<1x8x1000xi32, #tpu.memory_space<vmem>>
          %get3A_843 = tpu.memref_squeeze %get3A_842 : memref<1x8x1000xi32, #tpu.memory_space<vmem>> -> memref<8x1000xi32, #tpu.memory_space<vmem>>
          %get3A_844 = arith.index_cast %scan3A_436 : i32 to index
          %get3A_845 = arith.index_cast %add3A_832 : i32 to index
          %get3A_846 = tpu.vector_load %get3A_843[%get3A_844, %get3A_845] {strides = array<i32>} : memref<8x1000xi32, #tpu.memory_space<vmem>>, vector<16xi32>,
          %convert_element_type3A_847 = arith.sitofp %get3A_846 : vector<16xi32> to vector<16xf32>
          %sub3A_848 = arith.constant 1.000000e+00 : f32
          %sub3A_849 = vector.broadcast %sub3A_848 : f32 to vector<16xf32>
          %sub3A_850 = arith.subf %get3A_839, %sub3A_849 : vector<16xf32>
          %mul3A_851 = arith.mulf %convert_element_type3A_847, %sub3A_850 : vector<16xf32>
          %add3A_852 = arith.constant 1.000000e+00 : f32
          %add3A_853 = vector.broadcast %add3A_852 : f32 to vector<16xf32>
          %add3A_854 = arith.addf %mul3A_851, %add3A_853 : vector<16xf32>
          %add3A_855 = arith.addi %add3A_810, %get3A_846 : vector<16xi32>
          %add3A_856 = arith.constant 16 : i32
          %add3A_857 = arith.addi %mul3A_830, %add3A_856 : i32
          %get3A_858 = arith.constant 0 : i32
          %get3A_859 = arith.constant 0 : i32
          %get3A_860 = tpu.memref_slice %arg5[%scan3A_421, %get3A_858, %get3A_859] : memref<4x8x1000xf32, #tpu.memory_space<vmem>> -> memref<1x8x1000xf32, #tpu.memory_space<vmem>>
          %get3A_861 = tpu.memref_squeeze %get3A_860 : memref<1x8x1000xf32, #tpu.memory_space<vmem>> -> memref<8x1000xf32, #tpu.memory_space<vmem>>
          %get3A_862 = arith.index_cast %scan3A_436 : i32 to index
          %get3A_863 = arith.index_cast %add3A_857 : i32 to index
          %get3A_864 = tpu.vector_load %get3A_861[%get3A_862, %get3A_863] {strides = array<i32>} : memref<8x1000xf32, #tpu.memory_space<vmem>>, vector<16xf32>,
          %get3A_865 = arith.constant 0 : i32
          %get3A_866 = arith.constant 0 : i32
          %get3A_867 = tpu.memref_slice %arg6[%scan3A_422, %get3A_865, %get3A_866] : memref<4x8x1000xi32, #tpu.memory_space<vmem>> -> memref<1x8x1000xi32, #tpu.memory_space<vmem>>
          %get3A_868 = tpu.memref_squeeze %get3A_867 : memref<1x8x1000xi32, #tpu.memory_space<vmem>> -> memref<8x1000xi32, #tpu.memory_space<vmem>>
          %get3A_869 = arith.index_cast %scan3A_436 : i32 to index
          %get3A_870 = arith.index_cast %add3A_857 : i32 to index
          %get3A_871 = tpu.vector_load %get3A_868[%get3A_869, %get3A_870] {strides = array<i32>} : memref<8x1000xi32, #tpu.memory_space<vmem>>, vector<16xi32>,
          %convert_element_type3A_872 = arith.sitofp %get3A_871 : vector<16xi32> to vector<16xf32>
          %sub3A_873 = arith.constant 1.000000e+00 : f32
          %sub3A_874 = vector.broadcast %sub3A_873 : f32 to vector<16xf32>
          %sub3A_875 = arith.subf %get3A_864, %sub3A_874 : vector<16xf32>
          %mul3A_876 = arith.mulf %convert_element_type3A_872, %sub3A_875 : vector<16xf32>
          %add3A_877 = arith.constant 1.000000e+00 : f32
          %add3A_878 = vector.broadcast %add3A_877 : f32 to vector<16xf32>
          %add3A_879 = arith.addf %mul3A_876, %add3A_878 : vector<16xf32>
          %add3A_880 = arith.addi %add3A_855, %get3A_871 : vector<16xi32>
          %add3A_881 = arith.constant 32 : i32
          %add3A_882 = arith.addi %mul3A_830, %add3A_881 : i32
          %get3A_883 = arith.constant 0 : i32
          %get3A_884 = arith.constant 0 : i32
          %get3A_885 = tpu.memref_slice %arg5[%scan3A_421, %get3A_883, %get3A_884] : memref<4x8x1000xf32, #tpu.memory_space<vmem>> -> memref<1x8x1000xf32, #tpu.memory_space<vmem>>
          %get3A_886 = tpu.memref_squeeze %get3A_885 : memref<1x8x1000xf32, #tpu.memory_space<vmem>> -> memref<8x1000xf32, #tpu.memory_space<vmem>>
          %get3A_887 = arith.index_cast %scan3A_436 : i32 to index
          %get3A_888 = arith.index_cast %add3A_882 : i32 to index
          %get3A_889 = tpu.vector_load %get3A_886[%get3A_887, %get3A_888] {strides = array<i32>} : memref<8x1000xf32, #tpu.memory_space<vmem>>, vector<16xf32>,
          %get3A_890 = arith.constant 0 : i32
          %get3A_891 = arith.constant 0 : i32
          %get3A_892 = tpu.memref_slice %arg6[%scan3A_422, %get3A_890, %get3A_891] : memref<4x8x1000xi32, #tpu.memory_space<vmem>> -> memref<1x8x1000xi32, #tpu.memory_space<vmem>>
          %get3A_893 = tpu.memref_squeeze %get3A_892 : memref<1x8x1000xi32, #tpu.memory_space<vmem>> -> memref<8x1000xi32, #tpu.memory_space<vmem>>
          %get3A_894 = arith.index_cast %scan3A_436 : i32 to index
          %get3A_895 = arith.index_cast %add3A_882 : i32 to index
          %get3A_896 = tpu.vector_load %get3A_893[%get3A_894, %get3A_895] {strides = array<i32>} : memref<8x1000xi32, #tpu.memory_space<vmem>>, vector<16xi32>,
          %convert_element_type3A_897 = arith.sitofp %get3A_896 : vector<16xi32> to vector<16xf32>
          %sub3A_898 = arith.constant 1.000000e+00 : f32
          %sub3A_899 = vector.broadcast %sub3A_898 : f32 to vector<16xf32>
          %sub3A_900 = arith.subf %get3A_889, %sub3A_899 : vector<16xf32>
          %mul3A_901 = arith.mulf %convert_element_type3A_897, %sub3A_900 : vector<16xf32>
          %add3A_902 = arith.constant 1.000000e+00 : f32
          %add3A_903 = vector.broadcast %add3A_902 : f32 to vector<16xf32>
          %add3A_904 = arith.addf %mul3A_901, %add3A_903 : vector<16xf32>
          %mul3A_905 = arith.mulf %add3A_854, %add3A_904 : vector<16xf32>
          %add3A_906 = arith.addi %add3A_880, %get3A_896 : vector<16xi32>
          %add3A_907 = arith.constant 48 : i32
          %add3A_908 = arith.addi %mul3A_830, %add3A_907 : i32
          %get3A_909 = arith.constant 0 : i32
          %get3A_910 = arith.constant 0 : i32
          %get3A_911 = tpu.memref_slice %arg5[%scan3A_421, %get3A_909, %get3A_910] : memref<4x8x1000xf32, #tpu.memory_space<vmem>> -> memref<1x8x1000xf32, #tpu.memory_space<vmem>>
          %get3A_912 = tpu.memref_squeeze %get3A_911 : memref<1x8x1000xf32, #tpu.memory_space<vmem>> -> memref<8x1000xf32, #tpu.memory_space<vmem>>
          %get3A_913 = arith.index_cast %scan3A_436 : i32 to index
          %get3A_914 = arith.index_cast %add3A_908 : i32 to index
          %get3A_915 = tpu.vector_load %get3A_912[%get3A_913, %get3A_914] {strides = array<i32>} : memref<8x1000xf32, #tpu.memory_space<vmem>>, vector<16xf32>,
          %get3A_916 = arith.constant 0 : i32
          %get3A_917 = arith.constant 0 : i32
          %get3A_918 = tpu.memref_slice %arg6[%scan3A_422, %get3A_916, %get3A_917] : memref<4x8x1000xi32, #tpu.memory_space<vmem>> -> memref<1x8x1000xi32, #tpu.memory_space<vmem>>
          %get3A_919 = tpu.memref_squeeze %get3A_918 : memref<1x8x1000xi32, #tpu.memory_space<vmem>> -> memref<8x1000xi32, #tpu.memory_space<vmem>>
          %get3A_920 = arith.index_cast %scan3A_436 : i32 to index
          %get3A_921 = arith.index_cast %add3A_908 : i32 to index
          %get3A_922 = tpu.vector_load %get3A_919[%get3A_920, %get3A_921] {strides = array<i32>} : memref<8x1000xi32, #tpu.memory_space<vmem>>, vector<16xi32>,
          %convert_element_type3A_923 = arith.sitofp %get3A_922 : vector<16xi32> to vector<16xf32>
          %sub3A_924 = arith.constant 1.000000e+00 : f32
          %sub3A_925 = vector.broadcast %sub3A_924 : f32 to vector<16xf32>
          %sub3A_926 = arith.subf %get3A_915, %sub3A_925 : vector<16xf32>
          %mul3A_927 = arith.mulf %convert_element_type3A_923, %sub3A_926 : vector<16xf32>
          %add3A_928 = arith.constant 1.000000e+00 : f32
          %add3A_929 = vector.broadcast %add3A_928 : f32 to vector<16xf32>
          %add3A_930 = arith.addf %mul3A_927, %add3A_929 : vector<16xf32>
          %mul3A_931 = arith.mulf %add3A_879, %add3A_930 : vector<16xf32>
          %add3A_932 = arith.addi %add3A_906, %get3A_922 : vector<16xi32>
          %add3A_933 = arith.constant 64 : i32
          %add3A_934 = arith.addi %mul3A_830, %add3A_933 : i32
          %get3A_935 = arith.constant 0 : i32
          %get3A_936 = arith.constant 0 : i32
          %get3A_937 = tpu.memref_slice %arg5[%scan3A_421, %get3A_935, %get3A_936] : memref<4x8x1000xf32, #tpu.memory_space<vmem>> -> memref<1x8x1000xf32, #tpu.memory_space<vmem>>
          %get3A_938 = tpu.memref_squeeze %get3A_937 : memref<1x8x1000xf32, #tpu.memory_space<vmem>> -> memref<8x1000xf32, #tpu.memory_space<vmem>>
          %get3A_939 = arith.index_cast %scan3A_436 : i32 to index
          %get3A_940 = arith.index_cast %add3A_934 : i32 to index
          %get3A_941 = tpu.vector_load %get3A_938[%get3A_939, %get3A_940] {strides = array<i32>} : memref<8x1000xf32, #tpu.memory_space<vmem>>, vector<16xf32>,
          %get3A_942 = arith.constant 0 : i32
          %get3A_943 = arith.constant 0 : i32
          %get3A_944 = tpu.memref_slice %arg6[%scan3A_422, %get3A_942, %get3A_943] : memref<4x8x1000xi32, #tpu.memory_space<vmem>> -> memref<1x8x1000xi32, #tpu.memory_space<vmem>>
          %get3A_945 = tpu.memref_squeeze %get3A_944 : memref<1x8x1000xi32, #tpu.memory_space<vmem>> -> memref<8x1000xi32, #tpu.memory_space<vmem>>
          %get3A_946 = arith.index_cast %scan3A_436 : i32 to index
          %get3A_947 = arith.index_cast %add3A_934 : i32 to index
          %get3A_948 = tpu.vector_load %get3A_945[%get3A_946, %get3A_947] {strides = array<i32>} : memref<8x1000xi32, #tpu.memory_space<vmem>>, vector<16xi32>,
          %convert_element_type3A_949 = arith.sitofp %get3A_948 : vector<16xi32> to vector<16xf32>
          %sub3A_950 = arith.constant 1.000000e+00 : f32
          %sub3A_951 = vector.broadcast %sub3A_950 : f32 to vector<16xf32>
          %sub3A_952 = arith.subf %get3A_941, %sub3A_951 : vector<16xf32>
          %mul3A_953 = arith.mulf %convert_element_type3A_949, %sub3A_952 : vector<16xf32>
          %add3A_954 = arith.constant 1.000000e+00 : f32
          %add3A_955 = vector.broadcast %add3A_954 : f32 to vector<16xf32>
          %add3A_956 = arith.addf %mul3A_953, %add3A_955 : vector<16xf32>
          %mul3A_957 = arith.mulf %mul3A_905, %add3A_956 : vector<16xf32>
          %add3A_958 = arith.addi %add3A_932, %get3A_948 : vector<16xi32>
          %add3A_959 = arith.constant 80 : i32
          %add3A_960 = arith.addi %mul3A_830, %add3A_959 : i32
          %get3A_961 = arith.constant 0 : i32
          %get3A_962 = arith.constant 0 : i32
          %get3A_963 = tpu.memref_slice %arg5[%scan3A_421, %get3A_961, %get3A_962] : memref<4x8x1000xf32, #tpu.memory_space<vmem>> -> memref<1x8x1000xf32, #tpu.memory_space<vmem>>
          %get3A_964 = tpu.memref_squeeze %get3A_963 : memref<1x8x1000xf32, #tpu.memory_space<vmem>> -> memref<8x1000xf32, #tpu.memory_space<vmem>>
          %get3A_965 = arith.index_cast %scan3A_436 : i32 to index
          %get3A_966 = arith.index_cast %add3A_960 : i32 to index
          %get3A_967 = tpu.vector_load %get3A_964[%get3A_965, %get3A_966] {strides = array<i32>} : memref<8x1000xf32, #tpu.memory_space<vmem>>, vector<16xf32>,
          %get3A_968 = arith.constant 0 : i32
          %get3A_969 = arith.constant 0 : i32
          %get3A_970 = tpu.memref_slice %arg6[%scan3A_422, %get3A_968, %get3A_969] : memref<4x8x1000xi32, #tpu.memory_space<vmem>> -> memref<1x8x1000xi32, #tpu.memory_space<vmem>>
          %get3A_971 = tpu.memref_squeeze %get3A_970 : memref<1x8x1000xi32, #tpu.memory_space<vmem>> -> memref<8x1000xi32, #tpu.memory_space<vmem>>
          %get3A_972 = arith.index_cast %scan3A_436 : i32 to index
          %get3A_973 = arith.index_cast %add3A_960 : i32 to index
          %get3A_974 = tpu.vector_load %get3A_971[%get3A_972, %get3A_973] {strides = array<i32>} : memref<8x1000xi32, #tpu.memory_space<vmem>>, vector<16xi32>,
          %convert_element_type3A_975 = arith.sitofp %get3A_974 : vector<16xi32> to vector<16xf32>
          %sub3A_976 = arith.constant 1.000000e+00 : f32
          %sub3A_977 = vector.broadcast %sub3A_976 : f32 to vector<16xf32>
          %sub3A_978 = arith.subf %get3A_967, %sub3A_977 : vector<16xf32>
          %mul3A_979 = arith.mulf %convert_element_type3A_975, %sub3A_978 : vector<16xf32>
          %add3A_980 = arith.constant 1.000000e+00 : f32
          %add3A_981 = vector.broadcast %add3A_980 : f32 to vector<16xf32>
          %add3A_982 = arith.addf %mul3A_979, %add3A_981 : vector<16xf32>
          %mul3A_983 = arith.mulf %mul3A_931, %add3A_982 : vector<16xf32>
          %add3A_984 = arith.addi %add3A_958, %get3A_974 : vector<16xi32>
          %add3A_985 = arith.constant 96 : i32
          %add3A_986 = arith.addi %mul3A_830, %add3A_985 : i32
          %get3A_987 = arith.constant 0 : i32
          %get3A_988 = arith.constant 0 : i32
          %get3A_989 = tpu.memref_slice %arg5[%scan3A_421, %get3A_987, %get3A_988] : memref<4x8x1000xf32, #tpu.memory_space<vmem>> -> memref<1x8x1000xf32, #tpu.memory_space<vmem>>
          %get3A_990 = tpu.memref_squeeze %get3A_989 : memref<1x8x1000xf32, #tpu.memory_space<vmem>> -> memref<8x1000xf32, #tpu.memory_space<vmem>>
          %get3A_991 = arith.index_cast %scan3A_436 : i32 to index
          %get3A_992 = arith.index_cast %add3A_986 : i32 to index
          %get3A_993 = tpu.vector_load %get3A_990[%get3A_991, %get3A_992] {strides = array<i32>} : memref<8x1000xf32, #tpu.memory_space<vmem>>, vector<16xf32>,
          %get3A_994 = arith.constant 0 : i32
          %get3A_995 = arith.constant 0 : i32
          %get3A_996 = tpu.memref_slice %arg6[%scan3A_422, %get3A_994, %get3A_995] : memref<4x8x1000xi32, #tpu.memory_space<vmem>> -> memref<1x8x1000xi32, #tpu.memory_space<vmem>>
          %get3A_997 = tpu.memref_squeeze %get3A_996 : memref<1x8x1000xi32, #tpu.memory_space<vmem>> -> memref<8x1000xi32, #tpu.memory_space<vmem>>
          %get3A_998 = arith.index_cast %scan3A_436 : i32 to index
          %get3A_999 = arith.index_cast %add3A_986 : i32 to index
          %get3A_1000 = tpu.vector_load %get3A_997[%get3A_998, %get3A_999] {strides = array<i32>} : memref<8x1000xi32, #tpu.memory_space<vmem>>, vector<16xi32>,
          %convert_element_type3A_1001 = arith.sitofp %get3A_1000 : vector<16xi32> to vector<16xf32>
          %sub3A_1002 = arith.constant 1.000000e+00 : f32
          %sub3A_1003 = vector.broadcast %sub3A_1002 : f32 to vector<16xf32>
          %sub3A_1004 = arith.subf %get3A_993, %sub3A_1003 : vector<16xf32>
          %mul3A_1005 = arith.mulf %convert_element_type3A_1001, %sub3A_1004 : vector<16xf32>
          %add3A_1006 = arith.constant 1.000000e+00 : f32
          %add3A_1007 = vector.broadcast %add3A_1006 : f32 to vector<16xf32>
          %add3A_1008 = arith.addf %mul3A_1005, %add3A_1007 : vector<16xf32>
          %mul3A_1009 = arith.mulf %mul3A_957, %add3A_1008 : vector<16xf32>
          %add3A_1010 = arith.addi %add3A_984, %get3A_1000 : vector<16xi32>
          %mul3A_1011 = arith.mulf %mul3A_1009, %mul3A_983 : vector<16xf32>
          %mul3A_1012 = arith.mulf %bitcast3A_824, %mul3A_1011 : vector<16xf32>
          %bitcast3A_1013 = vector.bitcast %mul3A_1012 : vector<16xf32> to vector<16xi32>
          %shift_right_arithmetic3A_1014 = arith.constant 23 : i32
          %shift_right_arithmetic3A_1015 = vector.broadcast %shift_right_arithmetic3A_1014 : i32 to vector<16xi32>
          %shift_right_arithmetic3A_1016 = arith.shrsi %bitcast3A_1013, %shift_right_arithmetic3A_1015 : vector<16xi32>
          %add3A_1017 = arith.addi %add3A_817, %shift_right_arithmetic3A_1016 : vector<16xi32>
          %and3A_1018 = arith.constant 8388607 : i32
          %and3A_1019 = vector.broadcast %and3A_1018 : i32 to vector<16xi32>
          %and3A_1020 = arith.andi %bitcast3A_1013, %and3A_1019 : vector<16xi32>
          %or3A_1021 = arith.constant 1065353216 : i32
          %or3A_1022 = vector.broadcast %or3A_1021 : i32 to vector<16xi32>
          %or3A_1023 = arith.ori %and3A_1020, %or3A_1022 : vector<16xi32>
          %bitcast3A_1024 = vector.bitcast %or3A_1023 : vector<16xi32> to vector<16xf32>
          scf.yield %bitcast3A_1024, %add3A_1017, %add3A_1010 : vector<16xf32>, vector<16xi32>, vector<16xi32>
        }
        %scan3A_445 = arith.constant 8 : i32
        %get3A = arith.constant 0 : i32
        %get3A_446 = arith.constant 0 : i32
        %get3A_447 = tpu.memref_slice %arg5[%scan3A_421, %get3A, %get3A_446] : memref<4x8x1000xf32, #tpu.memory_space<vmem>> -> memref<1x8x1000xf32, #tpu.memory_space<vmem>>
        %get3A_448 = tpu.memref_squeeze %get3A_447 : memref<1x8x1000xf32, #tpu.memory_space<vmem>> -> memref<8x1000xf32, #tpu.memory_space<vmem>>
        %get3A_449 = arith.index_cast %scan3A_436 : i32 to index
        %get3A_450 = arith.constant 896 : index
        %get3A_451 = tpu.vector_load %get3A_448[%get3A_449, %get3A_450] {strides = array<i32>} : memref<8x1000xf32, #tpu.memory_space<vmem>>, vector<16xf32>,
        %get3A_452 = arith.constant 0 : i32
        %get3A_453 = arith.constant 0 : i32
        %get3A_454 = tpu.memref_slice %arg6[%scan3A_422, %get3A_452, %get3A_453] : memref<4x8x1000xi32, #tpu.memory_space<vmem>> -> memref<1x8x1000xi32, #tpu.memory_space<vmem>>
        %get3A_455 = tpu.memref_squeeze %get3A_454 : memref<1x8x1000xi32, #tpu.memory_space<vmem>> -> memref<8x1000xi32, #tpu.memory_space<vmem>>
        %get3A_456 = arith.index_cast %scan3A_436 : i32 to index
        %get3A_457 = arith.constant 896 : index
        %get3A_458 = tpu.vector_load %get3A_455[%get3A_456, %get3A_457] {strides = array<i32>} : memref<8x1000xi32, #tpu.memory_space<vmem>>, vector<16xi32>,
        %convert_element_type3A_459 = arith.sitofp %get3A_458 : vector<16xi32> to vector<16xf32>
        %sub3A_460 = arith.constant 1.000000e+00 : f32
        %sub3A_461 = vector.broadcast %sub3A_460 : f32 to vector<16xf32>
        %sub3A_462 = arith.subf %get3A_451, %sub3A_461 : vector<16xf32>
        %mul3A_463 = arith.mulf %convert_element_type3A_459, %sub3A_462 : vector<16xf32>
        %add3A_464 = arith.constant 1.000000e+00 : f32
        %add3A_465 = vector.broadcast %add3A_464 : f32 to vector<16xf32>
        %add3A_466 = arith.addf %mul3A_463, %add3A_465 : vector<16xf32>
        %mul3A_467 = arith.mulf %scan3A_444#0, %add3A_466 : vector<16xf32>
        %add3A_468 = arith.addi %scan3A_444#2, %get3A_458 : vector<16xi32>
        %get3A_469 = arith.constant 0 : i32
        %get3A_470 = arith.constant 0 : i32
        %get3A_471 = tpu.memref_slice %arg5[%scan3A_421, %get3A_469, %get3A_470] : memref<4x8x1000xf32, #tpu.memory_space<vmem>> -> memref<1x8x1000xf32, #tpu.memory_space<vmem>>
        %get3A_472 = tpu.memref_squeeze %get3A_471 : memref<1x8x1000xf32, #tpu.memory_space<vmem>> -> memref<8x1000xf32, #tpu.memory_space<vmem>>
        %get3A_473 = arith.index_cast %scan3A_436 : i32 to index
        %get3A_474 = arith.constant 912 : index
        %get3A_475 = tpu.vector_load %get3A_472[%get3A_473, %get3A_474] {strides = array<i32>} : memref<8x1000xf32, #tpu.memory_space<vmem>>, vector<16xf32>,
        %get3A_476 = arith.constant 0 : i32
        %get3A_477 = arith.constant 0 : i32
        %get3A_478 = tpu.memref_slice %arg6[%scan3A_422, %get3A_476, %get3A_477] : memref<4x8x1000xi32, #tpu.memory_space<vmem>> -> memref<1x8x1000xi32, #tpu.memory_space<vmem>>
        %get3A_479 = tpu.memref_squeeze %get3A_478 : memref<1x8x1000xi32, #tpu.memory_space<vmem>> -> memref<8x1000xi32, #tpu.memory_space<vmem>>
        %get3A_480 = arith.index_cast %scan3A_436 : i32 to index
        %get3A_481 = arith.constant 912 : index
        %get3A_482 = tpu.vector_load %get3A_479[%get3A_480, %get3A_481] {strides = array<i32>} : memref<8x1000xi32, #tpu.memory_space<vmem>>, vector<16xi32>,
        %convert_element_type3A_483 = arith.sitofp %get3A_482 : vector<16xi32> to vector<16xf32>
        %sub3A_484 = arith.constant 1.000000e+00 : f32
        %sub3A_485 = vector.broadcast %sub3A_484 : f32 to vector<16xf32>
        %sub3A_486 = arith.subf %get3A_475, %sub3A_485 : vector<16xf32>
        %mul3A_487 = arith.mulf %convert_element_type3A_483, %sub3A_486 : vector<16xf32>
        %add3A_488 = arith.constant 1.000000e+00 : f32
        %add3A_489 = vector.broadcast %add3A_488 : f32 to vector<16xf32>
        %add3A_490 = arith.addf %mul3A_487, %add3A_489 : vector<16xf32>
        %mul3A_491 = arith.mulf %mul3A_467, %add3A_490 : vector<16xf32>
        %add3A_492 = arith.addi %add3A_468, %get3A_482 : vector<16xi32>
        %get3A_493 = arith.constant 0 : i32
        %get3A_494 = arith.constant 0 : i32
        %get3A_495 = tpu.memref_slice %arg5[%scan3A_421, %get3A_493, %get3A_494] : memref<4x8x1000xf32, #tpu.memory_space<vmem>> -> memref<1x8x1000xf32, #tpu.memory_space<vmem>>
        %get3A_496 = tpu.memref_squeeze %get3A_495 : memref<1x8x1000xf32, #tpu.memory_space<vmem>> -> memref<8x1000xf32, #tpu.memory_space<vmem>>
        %get3A_497 = arith.index_cast %scan3A_436 : i32 to index
        %get3A_498 = arith.constant 928 : index
        %get3A_499 = tpu.vector_load %get3A_496[%get3A_497, %get3A_498] {strides = array<i32>} : memref<8x1000xf32, #tpu.memory_space<vmem>>, vector<16xf32>,
        %get3A_500 = arith.constant 0 : i32
        %get3A_501 = arith.constant 0 : i32
        %get3A_502 = tpu.memref_slice %arg6[%scan3A_422, %get3A_500, %get3A_501] : memref<4x8x1000xi32, #tpu.memory_space<vmem>> -> memref<1x8x1000xi32, #tpu.memory_space<vmem>>
        %get3A_503 = tpu.memref_squeeze %get3A_502 : memref<1x8x1000xi32, #tpu.memory_space<vmem>> -> memref<8x1000xi32, #tpu.memory_space<vmem>>
        %get3A_504 = arith.index_cast %scan3A_436 : i32 to index
        %get3A_505 = arith.constant 928 : index
        %get3A_506 = tpu.vector_load %get3A_503[%get3A_504, %get3A_505] {strides = array<i32>} : memref<8x1000xi32, #tpu.memory_space<vmem>>, vector<16xi32>,
        %convert_element_type3A_507 = arith.sitofp %get3A_506 : vector<16xi32> to vector<16xf32>
        %sub3A_508 = arith.constant 1.000000e+00 : f32
        %sub3A_509 = vector.broadcast %sub3A_508 : f32 to vector<16xf32>
        %sub3A_510 = arith.subf %get3A_499, %sub3A_509 : vector<16xf32>
        %mul3A_511 = arith.mulf %convert_element_type3A_507, %sub3A_510 : vector<16xf32>
        %add3A_512 = arith.constant 1.000000e+00 : f32
        %add3A_513 = vector.broadcast %add3A_512 : f32 to vector<16xf32>
        %add3A_514 = arith.addf %mul3A_511, %add3A_513 : vector<16xf32>
        %mul3A_515 = arith.mulf %mul3A_491, %add3A_514 : vector<16xf32>
        %add3A_516 = arith.addi %add3A_492, %get3A_506 : vector<16xi32>
        %get3A_517 = arith.constant 0 : i32
        %get3A_518 = arith.constant 0 : i32
        %get3A_519 = tpu.memref_slice %arg5[%scan3A_421, %get3A_517, %get3A_518] : memref<4x8x1000xf32, #tpu.memory_space<vmem>> -> memref<1x8x1000xf32, #tpu.memory_space<vmem>>
        %get3A_520 = tpu.memref_squeeze %get3A_519 : memref<1x8x1000xf32, #tpu.memory_space<vmem>> -> memref<8x1000xf32, #tpu.memory_space<vmem>>
        %get3A_521 = arith.index_cast %scan3A_436 : i32 to index
        %get3A_522 = arith.constant 944 : index
        %get3A_523 = tpu.vector_load %get3A_520[%get3A_521, %get3A_522] {strides = array<i32>} : memref<8x1000xf32, #tpu.memory_space<vmem>>, vector<16xf32>,
        %get3A_524 = arith.constant 0 : i32
        %get3A_525 = arith.constant 0 : i32
        %get3A_526 = tpu.memref_slice %arg6[%scan3A_422, %get3A_524, %get3A_525] : memref<4x8x1000xi32, #tpu.memory_space<vmem>> -> memref<1x8x1000xi32, #tpu.memory_space<vmem>>
        %get3A_527 = tpu.memref_squeeze %get3A_526 : memref<1x8x1000xi32, #tpu.memory_space<vmem>> -> memref<8x1000xi32, #tpu.memory_space<vmem>>
        %get3A_528 = arith.index_cast %scan3A_436 : i32 to index
        %get3A_529 = arith.constant 944 : index
        %get3A_530 = tpu.vector_load %get3A_527[%get3A_528, %get3A_529] {strides = array<i32>} : memref<8x1000xi32, #tpu.memory_space<vmem>>, vector<16xi32>,
        %convert_element_type3A_531 = arith.sitofp %get3A_530 : vector<16xi32> to vector<16xf32>
        %sub3A_532 = arith.constant 1.000000e+00 : f32
        %sub3A_533 = vector.broadcast %sub3A_532 : f32 to vector<16xf32>
        %sub3A_534 = arith.subf %get3A_523, %sub3A_533 : vector<16xf32>
        %mul3A_535 = arith.mulf %convert_element_type3A_531, %sub3A_534 : vector<16xf32>
        %add3A_536 = arith.constant 1.000000e+00 : f32
        %add3A_537 = vector.broadcast %add3A_536 : f32 to vector<16xf32>
        %add3A_538 = arith.addf %mul3A_535, %add3A_537 : vector<16xf32>
        %mul3A_539 = arith.mulf %mul3A_515, %add3A_538 : vector<16xf32>
        %add3A_540 = arith.addi %add3A_516, %get3A_530 : vector<16xi32>
        %get3A_541 = arith.constant 0 : i32
        %get3A_542 = arith.constant 0 : i32
        %get3A_543 = tpu.memref_slice %arg5[%scan3A_421, %get3A_541, %get3A_542] : memref<4x8x1000xf32, #tpu.memory_space<vmem>> -> memref<1x8x1000xf32, #tpu.memory_space<vmem>>
        %get3A_544 = tpu.memref_squeeze %get3A_543 : memref<1x8x1000xf32, #tpu.memory_space<vmem>> -> memref<8x1000xf32, #tpu.memory_space<vmem>>
        %get3A_545 = arith.index_cast %scan3A_436 : i32 to index
        %get3A_546 = arith.constant 960 : index
        %get3A_547 = tpu.vector_load %get3A_544[%get3A_545, %get3A_546] {strides = array<i32>} : memref<8x1000xf32, #tpu.memory_space<vmem>>, vector<16xf32>,
        %get3A_548 = arith.constant 0 : i32
        %get3A_549 = arith.constant 0 : i32
        %get3A_550 = tpu.memref_slice %arg6[%scan3A_422, %get3A_548, %get3A_549] : memref<4x8x1000xi32, #tpu.memory_space<vmem>> -> memref<1x8x1000xi32, #tpu.memory_space<vmem>>
        %get3A_551 = tpu.memref_squeeze %get3A_550 : memref<1x8x1000xi32, #tpu.memory_space<vmem>> -> memref<8x1000xi32, #tpu.memory_space<vmem>>
        %get3A_552 = arith.index_cast %scan3A_436 : i32 to index
        %get3A_553 = arith.constant 960 : index
        %get3A_554 = tpu.vector_load %get3A_551[%get3A_552, %get3A_553] {strides = array<i32>} : memref<8x1000xi32, #tpu.memory_space<vmem>>, vector<16xi32>,
        %convert_element_type3A_555 = arith.sitofp %get3A_554 : vector<16xi32> to vector<16xf32>
        %sub3A_556 = arith.constant 1.000000e+00 : f32
        %sub3A_557 = vector.broadcast %sub3A_556 : f32 to vector<16xf32>
        %sub3A_558 = arith.subf %get3A_547, %sub3A_557 : vector<16xf32>
        %mul3A_559 = arith.mulf %convert_element_type3A_555, %sub3A_558 : vector<16xf32>
        %add3A_560 = arith.constant 1.000000e+00 : f32
        %add3A_561 = vector.broadcast %add3A_560 : f32 to vector<16xf32>
        %add3A_562 = arith.addf %mul3A_559, %add3A_561 : vector<16xf32>
        %mul3A_563 = arith.mulf %mul3A_539, %add3A_562 : vector<16xf32>
        %add3A_564 = arith.addi %add3A_540, %get3A_554 : vector<16xi32>
        %get3A_565 = arith.constant 0 : i32
        %get3A_566 = arith.constant 0 : i32
        %get3A_567 = tpu.memref_slice %arg5[%scan3A_421, %get3A_565, %get3A_566] : memref<4x8x1000xf32, #tpu.memory_space<vmem>> -> memref<1x8x1000xf32, #tpu.memory_space<vmem>>
        %get3A_568 = tpu.memref_squeeze %get3A_567 : memref<1x8x1000xf32, #tpu.memory_space<vmem>> -> memref<8x1000xf32, #tpu.memory_space<vmem>>
        %get3A_569 = arith.index_cast %scan3A_436 : i32 to index
        %get3A_570 = arith.constant 976 : index
        %get3A_571 = tpu.vector_load %get3A_568[%get3A_569, %get3A_570] {strides = array<i32>} : memref<8x1000xf32, #tpu.memory_space<vmem>>, vector<16xf32>,
        %get3A_572 = arith.constant 0 : i32
        %get3A_573 = arith.constant 0 : i32
        %get3A_574 = tpu.memref_slice %arg6[%scan3A_422, %get3A_572, %get3A_573] : memref<4x8x1000xi32, #tpu.memory_space<vmem>> -> memref<1x8x1000xi32, #tpu.memory_space<vmem>>
        %get3A_575 = tpu.memref_squeeze %get3A_574 : memref<1x8x1000xi32, #tpu.memory_space<vmem>> -> memref<8x1000xi32, #tpu.memory_space<vmem>>
        %get3A_576 = arith.index_cast %scan3A_436 : i32 to index
        %get3A_577 = arith.constant 976 : index
        %get3A_578 = tpu.vector_load %get3A_575[%get3A_576, %get3A_577] {strides = array<i32>} : memref<8x1000xi32, #tpu.memory_space<vmem>>, vector<16xi32>,
        %convert_element_type3A_579 = arith.sitofp %get3A_578 : vector<16xi32> to vector<16xf32>
        %sub3A_580 = arith.constant 1.000000e+00 : f32
        %sub3A_581 = vector.broadcast %sub3A_580 : f32 to vector<16xf32>
        %sub3A_582 = arith.subf %get3A_571, %sub3A_581 : vector<16xf32>
        %mul3A_583 = arith.mulf %convert_element_type3A_579, %sub3A_582 : vector<16xf32>
        %add3A_584 = arith.constant 1.000000e+00 : f32
        %add3A_585 = vector.broadcast %add3A_584 : f32 to vector<16xf32>
        %add3A_586 = arith.addf %mul3A_583, %add3A_585 : vector<16xf32>
        %mul3A_587 = arith.mulf %mul3A_563, %add3A_586 : vector<16xf32>
        %add3A_588 = arith.addi %add3A_564, %get3A_578 : vector<16xi32>
        %get3A_589 = arith.constant 0 : i32
        %get3A_590 = arith.constant 0 : i32
        %get3A_591 = tpu.memref_slice %arg5[%scan3A_421, %get3A_589, %get3A_590] : memref<4x8x1000xf32, #tpu.memory_space<vmem>> -> memref<1x8x1000xf32, #tpu.memory_space<vmem>>
        %get3A_592 = tpu.memref_squeeze %get3A_591 : memref<1x8x1000xf32, #tpu.memory_space<vmem>> -> memref<8x1000xf32, #tpu.memory_space<vmem>>
        %get3A_593 = arith.index_cast %scan3A_436 : i32 to index
        %get3A_594 = arith.constant 984 : index
        %get3A_595 = tpu.vector_load %get3A_592[%get3A_593, %get3A_594] {strides = array<i32>} : memref<8x1000xf32, #tpu.memory_space<vmem>>, vector<16xf32>,
        %get3A_596 = arith.constant 0 : i32
        %get3A_597 = arith.constant 0 : i32
        %get3A_598 = tpu.memref_slice %arg6[%scan3A_422, %get3A_596, %get3A_597] : memref<4x8x1000xi32, #tpu.memory_space<vmem>> -> memref<1x8x1000xi32, #tpu.memory_space<vmem>>
        %get3A_599 = tpu.memref_squeeze %get3A_598 : memref<1x8x1000xi32, #tpu.memory_space<vmem>> -> memref<8x1000xi32, #tpu.memory_space<vmem>>
        %get3A_600 = arith.index_cast %scan3A_436 : i32 to index
        %get3A_601 = arith.constant 984 : index
        %get3A_602 = tpu.vector_load %get3A_599[%get3A_600, %get3A_601] {strides = array<i32>} : memref<8x1000xi32, #tpu.memory_space<vmem>>, vector<16xi32>,
        %and3A = arith.andi %get3A_602, %shift_right_arithmetic3A_4 : vector<16xi32>
        %convert_element_type3A_603 = arith.sitofp %and3A : vector<16xi32> to vector<16xf32>
        %sub3A_604 = arith.constant 1.000000e+00 : f32
        %sub3A_605 = vector.broadcast %sub3A_604 : f32 to vector<16xf32>
        %sub3A_606 = arith.subf %get3A_595, %sub3A_605 : vector<16xf32>
        %mul3A_607 = arith.mulf %convert_element_type3A_603, %sub3A_606 : vector<16xf32>
        %add3A_608 = arith.constant 1.000000e+00 : f32
        %add3A_609 = vector.broadcast %add3A_608 : f32 to vector<16xf32>
        %add3A_610 = arith.addf %mul3A_607, %add3A_609 : vector<16xf32>
        %mul3A_611 = arith.mulf %mul3A_587, %add3A_610 : vector<16xf32>
        %add3A_612 = arith.addi %add3A_588, %and3A : vector<16xi32>
        %bitcast3A = vector.bitcast %mul3A_611 : vector<16xf32> to vector<16xi32>
        %shift_right_arithmetic3A_613 = arith.constant 23 : i32
        %shift_right_arithmetic3A_614 = vector.broadcast %shift_right_arithmetic3A_613 : i32 to vector<16xi32>
        %shift_right_arithmetic3A_615 = arith.shrsi %bitcast3A, %shift_right_arithmetic3A_614 : vector<16xi32>
        %add3A_616 = arith.addi %scan3A_444#1, %shift_right_arithmetic3A_615 : vector<16xi32>
        %and3A_617 = arith.constant 8388607 : i32
        %and3A_618 = vector.broadcast %and3A_617 : i32 to vector<16xi32>
        %and3A_619 = arith.andi %bitcast3A, %and3A_618 : vector<16xi32>
        %or3A = arith.constant 1065353216 : i32
        %or3A_620 = vector.broadcast %or3A : i32 to vector<16xi32>
        %or3A_621 = arith.ori %and3A_619, %or3A_620 : vector<16xi32>
        %bitcast3A_622 = vector.bitcast %or3A_621 : vector<16xi32> to vector<16xf32>
        scf.yield %bitcast3A_622, %add3A_616, %add3A_612 : vector<16xf32>, vector<16xi32>, vector<16xi32>
      }
      %scan3A_428 = arith.constant 8 : i32
      %add3A_429 = arith.constant 4 : i32
      %add3A_430 = arith.addi %add3A_382, %add3A_429 : i32
      %lt3A_431 = arith.constant 64 : i32
      %lt3A_432 = arith.cmpi slt, %add3A_430, %lt3A_431 : i32
      %convert_element_type3A_433 = arith.extui %lt3A_432 : i1 to i32
      %cond3A_434 = arith.constant 0 : i32
      %cond3A_435 = arith.cmpi ne, %convert_element_type3A_433, %cond3A_434 : i32
      scf.if %cond3A_435 {
        %add3A_436 = arith.constant 4 : i32
        %add3A_437 = arith.addi %add3A_382, %add3A_436 : i32
        %mul3A_438 = arith.constant 8 : i32
        %mul3A_439 = arith.muli %add3A_437, %mul3A_438 : i32
        %add3A_440 = arith.addi %mul3A_2, %mul3A_439 : i32
        %dma_start3A_441 = arith.constant 3 : i32
        %dma_start3A_442 = arith.constant 3 : i32
        %dma_start3A_443 = arith.constant 0 : i32
        %dma_start3A_444 = arith.constant 0 : i32
        %dma_start3A_445 = tpu.memref_slice %arg5[%dma_start3A_441, %dma_start3A_443, %dma_start3A_444] : memref<4x8x1000xf32, #tpu.memory_space<vmem>> -> memref<1x8x1000xf32, #tpu.memory_space<vmem>>
        %dma_start3A_446 = tpu.memref_squeeze %dma_start3A_445 : memref<1x8x1000xf32, #tpu.memory_space<vmem>> -> memref<8x1000xf32, #tpu.memory_space<vmem>>
        %dma_start3A_447 = arith.constant 0 : i32
        %dma_start3A_448 = tpu.memref_slice %arg2[%add3A_440, %dma_start3A_447] : memref<16384x1000xf32, #tpu.memory_space<hbm>> -> memref<8x1000xf32, #tpu.memory_space<hbm>>
        %dma_start3A_449 = tpu.memref_slice %arg8[%dma_start3A_442] : memref<4x!tpu.dma_semaphore, #tpu.memory_space<semaphore_mem>> -> memref<1x!tpu.dma_semaphore, #tpu.memory_space<semaphore_mem>>
        %dma_start3A_450 = tpu.memref_squeeze %dma_start3A_449 : memref<1x!tpu.dma_semaphore, #tpu.memory_space<semaphore_mem>> -> memref<!tpu.dma_semaphore, #tpu.memory_space<semaphore_mem>>
        %dma_start3A_451 = arith.constant 0 : i32
        %dma_start3A_452 = arith.constant 0 : i32
        %dma_start3A_453 = tpu.memref_slice %arg5[%dma_start3A_441, %dma_start3A_451, %dma_start3A_452] : memref<4x8x1000xf32, #tpu.memory_space<vmem>> -> memref<1x8x1000xf32, #tpu.memory_space<vmem>>
        %dma_start3A_454 = tpu.memref_squeeze %dma_start3A_453 : memref<1x8x1000xf32, #tpu.memory_space<vmem>> -> memref<8x1000xf32, #tpu.memory_space<vmem>>
        %dma_start3A_455 = arith.constant 0 : i32
        %dma_start3A_456 = tpu.memref_slice %arg2[%add3A_440, %dma_start3A_455] : memref<16384x1000xf32, #tpu.memory_space<hbm>> -> memref<8x1000xf32, #tpu.memory_space<hbm>>
        tpu.enqueue_dma source(%dma_start3A_456 : memref<8x1000xf32, #tpu.memory_space<hbm>>) target(%dma_start3A_454 : memref<8x1000xf32, #tpu.memory_space<vmem>>) target_semaphore(%dma_start3A_450 : memref<!tpu.dma_semaphore, #tpu.memory_space<semaphore_mem>>)
        %add3A_457 = arith.constant 4 : i32
        %add3A_458 = arith.addi %add3A_382, %add3A_457 : i32
        %mul3A_459 = arith.constant 8 : i32
        %mul3A_460 = arith.muli %add3A_458, %mul3A_459 : i32
        %add3A_461 = arith.addi %mul3A_2, %mul3A_460 : i32
        %dma_start3A_462 = arith.constant 3 : i32
        %dma_start3A_463 = arith.constant 3 : i32
        %dma_start3A_464 = arith.constant 0 : i32
        %dma_start3A_465 = arith.constant 0 : i32
        %dma_start3A_466 = tpu.memref_slice %arg6[%dma_start3A_462, %dma_start3A_464, %dma_start3A_465] : memref<4x8x1000xi32, #tpu.memory_space<vmem>> -> memref<1x8x1000xi32, #tpu.memory_space<vmem>>
        %dma_start3A_467 = tpu.memref_squeeze %dma_start3A_466 : memref<1x8x1000xi32, #tpu.memory_space<vmem>> -> memref<8x1000xi32, #tpu.memory_space<vmem>>
        %dma_start3A_468 = arith.constant 0 : i32
        %dma_start3A_469 = tpu.memref_slice %arg3[%add3A_461, %dma_start3A_468] : memref<16384x1000xi32, #tpu.memory_space<hbm>> -> memref<8x1000xi32, #tpu.memory_space<hbm>>
        %dma_start3A_470 = tpu.memref_slice %arg9[%dma_start3A_463] : memref<4x!tpu.dma_semaphore, #tpu.memory_space<semaphore_mem>> -> memref<1x!tpu.dma_semaphore, #tpu.memory_space<semaphore_mem>>
        %dma_start3A_471 = tpu.memref_squeeze %dma_start3A_470 : memref<1x!tpu.dma_semaphore, #tpu.memory_space<semaphore_mem>> -> memref<!tpu.dma_semaphore, #tpu.memory_space<semaphore_mem>>
        %dma_start3A_472 = arith.constant 0 : i32
        %dma_start3A_473 = arith.constant 0 : i32
        %dma_start3A_474 = tpu.memref_slice %arg6[%dma_start3A_462, %dma_start3A_472, %dma_start3A_473] : memref<4x8x1000xi32, #tpu.memory_space<vmem>> -> memref<1x8x1000xi32, #tpu.memory_space<vmem>>
        %dma_start3A_475 = tpu.memref_squeeze %dma_start3A_474 : memref<1x8x1000xi32, #tpu.memory_space<vmem>> -> memref<8x1000xi32, #tpu.memory_space<vmem>>
        %dma_start3A_476 = arith.constant 0 : i32
        %dma_start3A_477 = tpu.memref_slice %arg3[%add3A_461, %dma_start3A_476] : memref<16384x1000xi32, #tpu.memory_space<hbm>> -> memref<8x1000xi32, #tpu.memory_space<hbm>>
        tpu.enqueue_dma source(%dma_start3A_477 : memref<8x1000xi32, #tpu.memory_space<hbm>>) target(%dma_start3A_475 : memref<8x1000xi32, #tpu.memory_space<vmem>>) target_semaphore(%dma_start3A_471 : memref<!tpu.dma_semaphore, #tpu.memory_space<semaphore_mem>>)
      } else {
      }
      scf.yield %scan3A_427#0, %scan3A_427#1, %scan3A_427#2 : vector<16xf32>, vector<16xi32>, vector<16xi32>
    }
    %scan3A_157 = arith.constant 16 : i32
    %sub3A = arith.constant 585216 : i32
    %sub3A_158 = vector.broadcast %sub3A : i32 to vector<16xi32>
    %sub3A_159 = arith.subi %scan3A_156#1, %sub3A_158 : vector<16xi32>
    %convert_element_type3A = arith.sitofp %sub3A_159 : vector<16xi32> to vector<16xf32>
    %sub3A_160 = arith.constant 1.000000e+00 : f32
    %sub3A_161 = vector.broadcast %sub3A_160 : f32 to vector<16xf32>
    %sub3A_162 = arith.subf %scan3A_156#0, %sub3A_161 : vector<16xf32>
    %mul3A_163 = arith.constant 0.0892410427 : f32
    %mul3A_164 = vector.broadcast %mul3A_163 : f32 to vector<16xf32>
    %mul3A_165 = arith.mulf %mul3A_164, %sub3A_162 : vector<16xf32>
    %add3A_166 = arith.constant -0.173286796 : f32
    %add3A_167 = vector.broadcast %add3A_166 : f32 to vector<16xf32>
    %add3A_168 = arith.addf %mul3A_165, %add3A_167 : vector<16xf32>
    %mul3A_169 = arith.mulf %add3A_168, %sub3A_162 : vector<16xf32>
    %add3A_170 = arith.constant 0.205956191 : f32
    %add3A_171 = vector.broadcast %add3A_170 : f32 to vector<16xf32>
    %add3A_172 = arith.addf %mul3A_169, %add3A_171 : vector<16xf32>
    %mul3A_173 = arith.mulf %add3A_172, %sub3A_162 : vector<16xf32>
    %add3A_174 = arith.constant -0.240449175 : f32
    %add3A_175 = vector.broadcast %add3A_174 : f32 to vector<16xf32>
    %add3A_176 = arith.addf %mul3A_173, %add3A_175 : vector<16xf32>
    %mul3A_177 = arith.mulf %add3A_176, %sub3A_162 : vector<16xf32>
    %add3A_178 = arith.constant 0.288539231 : f32
    %add3A_179 = vector.broadcast %add3A_178 : f32 to vector<16xf32>
    %add3A_180 = arith.addf %mul3A_177, %add3A_179 : vector<16xf32>
    %mul3A_181 = arith.mulf %add3A_180, %sub3A_162 : vector<16xf32>
    %add3A_182 = arith.constant -0.360673755 : f32
    %add3A_183 = vector.broadcast %add3A_182 : f32 to vector<16xf32>
    %add3A_184 = arith.addf %mul3A_181, %add3A_183 : vector<16xf32>
    %mul3A_185 = arith.mulf %add3A_184, %sub3A_162 : vector<16xf32>
    %add3A_186 = arith.constant 0.48089835 : f32
    %add3A_187 = vector.broadcast %add3A_186 : f32 to vector<16xf32>
    %add3A_188 = arith.addf %mul3A_185, %add3A_187 : vector<16xf32>
    %mul3A_189 = arith.mulf %add3A_188, %sub3A_162 : vector<16xf32>
    %add3A_190 = arith.constant -0.72134751 : f32
    %add3A_191 = vector.broadcast %add3A_190 : f32 to vector<16xf32>
    %add3A_192 = arith.addf %mul3A_189, %add3A_191 : vector<16xf32>
    %mul3A_193 = arith.mulf %add3A_192, %sub3A_162 : vector<16xf32>
    %add3A_194 = arith.constant 1.44269502 : f32
    %add3A_195 = vector.broadcast %add3A_194 : f32 to vector<16xf32>
    %add3A_196 = arith.addf %mul3A_193, %add3A_195 : vector<16xf32>
    %mul3A_197 = arith.mulf %add3A_196, %sub3A_162 : vector<16xf32>
    %add3A_198 = arith.addf %convert_element_type3A, %mul3A_197 : vector<16xf32>
    %swap3A = arith.constant 0 : i32
    %swap3A_199 = arith.index_cast %swap3A : i32 to index
    %swap3A_200 = arith.constant 0 : index
    %swap3A_201 = tpu.vector_load %arg7[%swap3A_199, %swap3A_200] {strides = array<i32>} : memref<2x16xf32, #tpu.memory_space<vmem>>, vector<16xf32>,
    tpu.vector_store %arg7[%swap3A_199, %swap3A_200], %add3A_198 {strides = array<i32>} : memref<2x16xf32, #tpu.memory_space<vmem>>, vector<16xf32>,
    %convert_element_type3A_202 = arith.sitofp %scan3A_156#2 : vector<16xi32> to vector<16xf32>
    %swap3A_203 = arith.constant 1 : i32
    %swap3A_204 = arith.index_cast %swap3A_203 : i32 to index
    %swap3A_205 = arith.constant 0 : index
    %swap3A_206 = tpu.vector_load %arg7[%swap3A_204, %swap3A_205] {strides = array<i32>} : memref<2x16xf32, #tpu.memory_space<vmem>>, vector<16xf32>,
    tpu.vector_store %arg7[%swap3A_204, %swap3A_205], %convert_element_type3A_202 {strides = array<i32>} : memref<2x16xf32, #tpu.memory_space<vmem>>, vector<16xf32>,
    "tpu.region"() ({
      %run_scoped3A = tpu.sem_alloc : memref<!tpu.dma_semaphore, #tpu.memory_space<semaphore_mem>>
      %dma_start3A_207 = arith.constant 0 : i32
      %dma_start3A_208 = arith.constant 0 : i32
      %dma_start3A_209 = tpu.memref_slice %arg4[%add3A, %dma_start3A_207, %dma_start3A_208] : memref<32x2x16xf32, #tpu.memory_space<hbm>> -> memref<1x2x16xf32, #tpu.memory_space<hbm>>
      %dma_start3A_210 = tpu.memref_squeeze %dma_start3A_209 : memref<1x2x16xf32, #tpu.memory_space<hbm>> -> memref<2x16xf32, #tpu.memory_space<hbm>>
      %dma_start3A_211 = arith.constant 0 : i32
      %dma_start3A_212 = arith.constant 0 : i32
      %dma_start3A_213 = tpu.memref_slice %arg4[%add3A, %dma_start3A_211, %dma_start3A_212] : memref<32x2x16xf32, #tpu.memory_space<hbm>> -> memref<1x2x16xf32, #tpu.memory_space<hbm>>
      %dma_start3A_214 = tpu.memref_squeeze %dma_start3A_213 : memref<1x2x16xf32, #tpu.memory_space<hbm>> -> memref<2x16xf32, #tpu.memory_space<hbm>>
      tpu.enqueue_dma source(%arg7 : memref<2x16xf32, #tpu.memory_space<vmem>>) target(%dma_start3A_214 : memref<2x16xf32, #tpu.memory_space<hbm>>) target_semaphore(%run_scoped3A : memref<!tpu.dma_semaphore, #tpu.memory_space<semaphore_mem>>)
      %dma_wait3A = arith.constant 0 : i32
      %dma_wait3A_215 = arith.constant 0 : i32
      %dma_wait3A_216 = tpu.memref_slice %arg4[%add3A, %dma_wait3A, %dma_wait3A_215] : memref<32x2x16xf32, #tpu.memory_space<hbm>> -> memref<1x2x16xf32, #tpu.memory_space<hbm>>
      %dma_wait3A_217 = tpu.memref_squeeze %dma_wait3A_216 : memref<1x2x16xf32, #tpu.memory_space<hbm>> -> memref<2x16xf32, #tpu.memory_space<hbm>>
      %dma_wait3A_218 = arith.constant 0 : i32
      %dma_wait3A_219 = arith.constant 0 : i32
      %dma_wait3A_220 = tpu.memref_slice %arg4[%add3A, %dma_wait3A_218, %dma_wait3A_219] : memref<32x2x16xf32, #tpu.memory_space<hbm>> -> memref<1x2x16xf32, #tpu.memory_space<hbm>>
      %dma_wait3A_221 = tpu.memref_squeeze %dma_wait3A_220 : memref<1x2x16xf32, #tpu.memory_space<hbm>> -> memref<2x16xf32, #tpu.memory_space<hbm>>
      tpu.wait_dma2 semaphore(%run_scoped3A : memref<!tpu.dma_semaphore, #tpu.memory_space<semaphore_mem>>) src(%arg7 : memref<2x16xf32, #tpu.memory_space<vmem>>) dst(%dma_wait3A_221 : memref<2x16xf32, #tpu.memory_space<hbm>>)
      tpu.yield
    }) : () -> ()
    return
  }
}

</mosaic_0001>

<sc_bundles>
// kernel: kernel.3.cloned.1.call-start
scs
__scs_entry_jumppad:
0x0: {  	(pc) =	sbr.rel $0x88, $3  }
0x1: {  	(tag) =	ssettag $0x0;
	lr =	simm.s32 $0x1  }
0x2: {  	[smem:$0x3F9F] =	sst lr;
	_ =	strace $0xD0000000  }
0x3: {  	_ = 	snop  }
0x4: {  	_ = 	snop  }
0x5: {  	_ = 	snop  }
0x6: {  	_ = 	snop  }
0x7: {  	_ = 	snop  }
__scs_overlays_trampoline_lowered:
0x8: {  	[smem:$0x3FAE] =	sst s0  }
0x9: {  	[smem:$0x3FAF] =	sst s1  }
0xa: {  	[smem:$0x3FB0] =	sst s2  }
0xb: {  	[smem:$0x3FB1] =	sst s3  }
0xc: {  	[smem:$0x3FB2] =	sst s4  }
0xd: {  	[smem:$0x3FB3] =	sst s5  }
0xe: {  	[smem:$0x3FB4] =	sst s6  }
0xf: {  	[smem:$0x3FB5] =	sst s7  }
0x10: {  	[smem:$0x3FB6] =	sst s8  }
0x11: {  	[smem:$0x3FB7] =	sst s9;
	s0 =	simm.s32 @!p0 $0x0  }
0x12: {  	s1 =	sld [smem:$0x3F9D];
	s0 =	simm.s32 @p0 $0x1  }
0x13: {  	[smem:$0x3FB8] =	sst s0;
	s0 =	simm.s32 @!p1 $0x0  }
0x14: {  	s2 =	sld [smem:$0x3F9C];
	s0 =	simm.s32 @p1 $0x1  }
0x15: {  	[smem:$0x3FB9] =	sst s0;
	s0 =	simm.s32 @!p2 $0x0  }
0x16: {  	s3 =	sld [smem:$0x3FDB];
	s0 =	simm.s32 @p2 $0x1  }
0x17: {  	s4 =	simm.s32 $0x1BF5;
	[smem:$0x3FBB] =	sst s0  }
0x18: {  	s0 =	sld [smem:$0x3F9E];
	_ =	swait.ge [sflag:s4], $0x0  }
0x19: {  	s7 =	sld [smem:$0x3F9F]  }
0x1a: {  	s8 =	sadd.s32 $0xFFFFE003, lr  }
0x1b: {  	s9 =	sadd.s32 $0xFFFFFEF7, lr;
	s5 =	simm.s32 $0xFFFFFFFF;
	p2 =	slt.u32 s8, $0xFFFFF086  }
0x1c: {  	p1 =	slt.u32 s9, $0xF7A;
	s5 =	simm.s32 @!p2 $0x0  }
0x1d: {  	s5 =	simm.s32 @p1 $0x1;
	p0 =	seq.s32 s7, s2  }
0x1e: {  	s7 =	smul.u32 @!p0 $0xF7A, s2;
	p2 =	seq.s32 @!p0 s5, $0x0  }
0x1f: {  	s9 =	smul.u32 $0xF7A, s1;
	s8 =	simm.s32 @!p0 $0x1BF5;
	p2 =	por !p2, p0  }
0x20: {  	[sflag:s8] =	ssyncset.s32 @!p0 $0xFFFFF086;
	s6 =	sadd.s32 @!p0 s3, s7;
	s7 =	simm.s32 @!p0 $0x108  }
0x21: {  	s3 =	sadd.s32 s3, s9;
	s6 =	sadd.s32 @!p0 $0x88, s6;
	s7 =	simm.s32 @p2 $0x1082  }
0x22: {  	[simem:s7], [sflag:s8] =	dma.local @!p0 [hbm:s6], $0xF7A  }
0x23: {  	s9 =	sor.u32 $0xD0000000, s2;
	s6 =	simm.s32 $0x108;
	_ =	swait.ge @!p0 [sflag:s8], $0x0  }
0x24: {  	s3 =	sadd.s32 $0x88, s3;
	s6 =	simm.s32 @!p1 $0x1082;
	[sflag:s4] =	ssyncset.s32 $0xFFFFF086  }
0x25: {  	[simem:s6], [sflag:s4] =	dma.local [hbm:s3], $0xF7A  }
0x26: {  	[smem:$0x3F9F] =	sst s1;
	(tag) =	ssettag s2;
	_ =	strace s9  }
0x27: {  	s1 =	sld [smem:$0x3FAF]  }
0x28: {  	s2 =	sld [smem:$0x3FB0]  }
0x29: {  	s4 =	sld [smem:$0x3FB2]  }
0x2a: {  	p0 =	seq.s32 s5, $0x0;
	s5 =	sld [smem:$0x3FB3]  }
0x2b: {  	s6 =	sld [smem:$0x3FB4]  }
0x2c: {  	s7 =	sld [smem:$0x3FB5]  }
0x2d: {  	s3 =	simm.s32 $0x108;
	s8 =	sld [smem:$0x3FB6]  }
0x2e: {  	s3 =	simm.s32 @!p0 $0x1082;
	s9 =	sld [smem:$0x3FB7]  }
0x2f: {  	lr =	sadd.s32 s0, s3;
	s0 =	sld [smem:$0x3FAE]  }
0x30: {  	s3 =	sld [smem:$0x3FB1]  }
0x31: {  	[smem:$0x3FBA] =	sst s10  }
0x32: {  	s10 =	sld [smem:$0x3FB8];
	_ =	sdelay $0x3  }
0x33: {  	p0 =	seq.s32 s10, $0x1;
	s10 =	sld [smem:$0x3FBA];
	_ =	sdelay $0x3  }
0x34: {  	[smem:$0x3FBA] =	sst s10  }
0x35: {  	s10 =	sld [smem:$0x3FB9];
	_ =	sdelay $0x3  }
0x36: {  	p1 =	seq.s32 s10, $0x1;
	s10 =	sld [smem:$0x3FBA];
	_ =	sdelay $0x3  }
0x37: {  	[smem:$0x3FBA] =	sst s10  }
0x38: {  	s10 =	sld [smem:$0x3FBB]  }
0x39: {  	_ = 	snop;
	(pc) =	sbr.ind lr, $3  }
0x3a: {  	_ = 	snop  }
0x3b: {  	_ = 	snop  }
0x3c: {  	p2 =	seq.s32 s10, $0x1;
	s10 =	sld [smem:$0x3FBA]  }
0x3d: {  	_ =	shalt  }
0x3e: {  	_ =	shalt  }
0x3f: {  	_ =	shalt  }
0x40: {  	_ =	shalt  }
0x41: {  	_ =	shalt  }
0x42: {  	_ =	shalt  }
0x43: {  	_ =	shalt  }
0x44: {  	_ =	shalt  }
0x45: {  	_ =	shalt  }
0x46: {  	_ =	shalt  }
0x47: {  	_ =	shalt  }
0x48: {  	_ =	shalt  }
0x49: {  	_ =	shalt  }
0x4a: {  	_ =	shalt  }
0x4b: {  	_ =	shalt  }
0x4c: {  	_ =	shalt  }
0x4d: {  	_ =	shalt  }
0x4e: {  	_ =	shalt  }
0x4f: {  	_ =	shalt  }
0x50: {  	_ =	shalt  }
0x51: {  	_ =	shalt  }
0x52: {  	_ =	shalt  }
0x53: {  	_ =	shalt  }
0x54: {  	_ =	shalt  }
0x55: {  	_ =	shalt  }
0x56: {  	_ =	shalt  }
0x57: {  	_ =	shalt  }
0x58: {  	_ =	shalt  }
0x59: {  	_ =	shalt  }
0x5a: {  	_ =	shalt  }
0x5b: {  	_ =	shalt  }
0x5c: {  	_ =	shalt  }
0x5d: {  	_ =	shalt  }
0x5e: {  	_ =	shalt  }
0x5f: {  	_ =	shalt  }
0x60: {  	_ =	shalt  }
0x61: {  	_ =	shalt  }
0x62: {  	_ =	shalt  }
0x63: {  	_ =	shalt  }
0x64: {  	_ =	shalt  }
0x65: {  	_ =	shalt  }
0x66: {  	_ =	shalt  }
0x67: {  	_ =	shalt  }
0x68: {  	_ =	shalt  }
0x69: {  	_ =	shalt  }
0x6a: {  	_ =	shalt  }
0x6b: {  	_ =	shalt  }
0x6c: {  	_ =	shalt  }
0x6d: {  	_ =	shalt  }
0x6e: {  	_ =	shalt  }
0x6f: {  	_ =	shalt  }
0x70: {  	_ =	shalt  }
0x71: {  	_ =	shalt  }
0x72: {  	_ =	shalt  }
0x73: {  	_ =	shalt  }
0x74: {  	_ =	shalt  }
0x75: {  	_ =	shalt  }
0x76: {  	_ =	shalt  }
0x77: {  	_ =	shalt  }
0x78: {  	_ =	shalt  }
0x79: {  	_ =	shalt  }
0x7a: {  	_ =	shalt  }
0x7b: {  	_ =	shalt  }
0x7c: {  	_ =	shalt  }
0x7d: {  	_ =	shalt  }
0x7e: {  	_ =	shalt  }
0x7f: {  	_ =	shalt  }
0x80: {  	_ =	shalt  }
0x81: {  	_ =	shalt  }
0x82: {  	_ =	shalt  }
0x83: {  	_ =	shalt  }
0x84: {  	_ =	shalt  }
0x85: {  	_ =	shalt  }
0x86: {  	_ =	shalt  }
0x87: {  	_ =	shalt  }
.Lfunc_end0:
.L_simem_size_0:
called_computation_lowered:
.L_overlay_start_0:
0x88: {  	s2 =	sld [smem:$0x3FD9]  }
0x89: {  	s3 =	sld [smem:$0x3FFE];
	_ =	sdelay $0x1  }
0x8a: {  	s1 =	srdreg.scid  }
0x8b: {  	s0 =	sand.u32 $0x1, s1  }
0x8c: {  	s16 =	sshll.u32 s0, $0xA;
	s2 =	sadd.s32 s3, s2  }
0x8d: {  	s2 =	sadd.s32 s2, s16  }
0x8e: {  	[smem:$0x3FC6] =	sst s2  }
0x8f: {  	_ = 	snop  }
0x90: {  	(tm) =	ssettm $0x1  }
0x91: {  	s17 =	sld [smem:$0x3FFB];
	_ =	sdelay $0x3  }
0x92: {  	_ =	strace s17  }
0x93: {  	s2 =	sld [smem:$0x3FFC];
	_ =	sdelay $0x3  }
0x94: {  	_ =	strace s2  }
0x95: {  	s2 =	sld [smem:$0x3FFD];
	_ =	sdelay $0x3  }
0x96: {  	_ =	strace s2  }
0x97: {  	_ =	strace $0x8FFFFFFF  }
0x98: {  	s18 =	sld [smem:$0x3FDB];
	_ =	sdelay $0x1  }
0x99: {  	s19 =	simm.s32 $_scs_section_size  }
0x9a: {  	s4 =	simm.s32 $_size__tile_overlayer_lowered;
	s5 =	simm.s32 $_tile_overlayer_lowered  }
0x9b: {  	s22 =	simm.s32 $0x1BFF;
	s21 =	sshll.u32 s5, $0x1;
	s2 =	sadd.s32 s19, s18  }
0x9c: {  	s6 =	simm.s32 $0x0;
	s20 =	sshll.u32 s4, $0x1;
	s4 =	sadd.s32 s21, s2  }
0x9d: {  	[timem:s6], [sflag:s22] =	dma.local [hbm:s4], s20  }
0x9e: {  	_ =	swait.ge [sflag:s22], s20  }
0x9f: {  	s3 =	ssub.s32 $0x0, s20;
	[sflag:s22] =	ssyncset.done $0x0  }
0xa0: {  	[sflag:s22] =	ssyncadd.s32 s3;
	_ =	sdelay $0x1  }
0xa1: {  	s23 =	simm.s32 $0x1B8B  }
0xa2: {  	_ =	swait.ge [sflag:s23], $0x1  }
0xa3: {  	[sflag:s23] =	ssyncset.done $0x0  }
0xa4: {  	s25 =	simm.s32 $0x1B8E;
	s24 =	sld [smem:$0x3FFE];
	[sflag:s23] =	ssyncadd.s32 $0xFFFFFFFF  }
0xa5: {  	s26 =	simm.s32 $execute0_lowered;
	[smem:$0x3FD2] =	sst s25  }
0xa6: {  	s4 =	sshll.u32 s26, $0x1;
	_ =	strace $0x80000046;
	[dreg:$0x1] =	wrdreg $0xFFFFFFFF  }
0xa7: {  	s28 =	simm.s32 $_size_execute0_lowered;
	s2 =	sadd.s32 s2, s4;
	[dreg:$0x0] =	wrdreg $0x0  }
0xa8: {  	s4 =	sshll.u32 s28, $0x1;
	[dreg:$0x2] =	wrdreg s2  }
0xa9: {  	[dreg:$0x3] =	wrdreg s4  }
0xaa: {  	[dreg:$0x4] =	wrdreg $0xC0  }
0xab: {  	_ =	task [dreg:s6], $0x5FFFF  }
0xac: {  	[dreg:$0x1] =	wrdreg $0xFFFFFFFF  }
0xad: {  	[dreg:$0x0] =	wrdreg $0x60  }
0xae: {  	[dreg:$0x2] =	wrdreg s24  }
0xaf: {  	[dreg:$0x3] =	wrdreg $0x9  }
0xb0: {  	_ =	task.clear_ibuf [dreg:s6], $0x4FFFF;
	_ =	strace $0x90000046  }
0xb1: {  	s29 =	simm.s32 $0x9;
	_ =	strace $0x80000048  }
0xb2: {  	_ =	swait.ge [sflag:s29], $0x1  }
0xb3: {  	[sflag:s29] =	ssyncadd.s32 $0xFFFFFFFF  }
0xb4: {  	_ =	strace $0x90000048  }
0xb5: {  	_ =	sfence  }
0xb6: {  	s30 =	sld [smem:$0x0];
	_ =	sdelay $0x2  }
0xb7: {  	s31 =	sshll.u32 s1, $0xD;
	s1 =	sshrl.u32 s1, $0x2  }
0xb8: {  	s3 =	sand.u32 $0x4000, s31;
	s1 =	sadd.s32 s1, s30  }
0xb9: {  	s0 =	sor.u32 s3, s0;
	s1 =	sshll.u32 s1, $0x11  }
0xba: {  	s0 =	sor.u32 s1, s0  }
0xbb: {  	s0 =	sadd.s32 $0x8F2B, s0  }
0xbc: {  	[sflag:s0] =	ssyncadd.remote.s32 $0x1  }
0xbd: {  	_ =	sfence.sel $0xFFFF  }
0xbe: {  	[dreg:$0x0] =	wrdreg $0xFFFFFFFF;
	(pc) =	sbr.abs _section_cstart, $3  }
0xbf: {  	[dreg:$0x1] =	wrdreg $0xFFFFFFFF  }
0xc0: {  	_ =	task.clear_ibuf [dreg:s6], $0x2FFFF;
	_ =	strace $0x9FFFFFFF  }
0xc1: {  	(tm) =	ssettm $0x7FFFFFFF  }
tec
execute0_lowered:
.L_overlay_start_1:
0x0: {  	(tag) =	ssettag $0x1  }
0x1: {  	s0 =	rddreg [dreg:$0x0]  }
0x2: {  	s1 =	srdreg.scid;
	s3 =	stileid.u32  }
0x3: {  	s2 =	simm.s32 $0x0;
	s1 =	sand.u32 $0x1, s1;
	s4 =	sshll.u32 s3, $0x1  }
0x4: {  	s28 =	simm.s32 $0x5;
	s5 =	ssub.s32 $0x2, s1;
	s1 =	sor.u32 s1, s4  }
0x5: {  	s29 =	simm.s32 $0x2;
	s3 =	sadd.s32 $0x3F4000, s0;
	s16 =	sshll.u32 s1, $0x10  }
0x6: {  	[smem:$0x7FF] =	sst s2;
	s4 =	sadd.s32 $0x1F4000, s0;
	s7 =	sadd.s32 s3, s16  }
0x7: {  	_ =	strace $0x80000047;
	s17 =	sadd.s32 s4, s16;
	[dreg:$0x6] =	wrdreg s7  }
0x8: {  	s30 =	simm.s32 $0x6;
	s23 =	sor.u32 $0x1000, s16;
	[dreg:$0x7] =	wrdreg s17  }
0x9: {  	s6 =	sshrl.u32 s5, $0x1;
	s24 =	sor.u32 $0x1400, s16;
	[dreg:$0xe] =	wrdreg s23  }
0xa: {  	s1 =	sshll.u32 s1, $0x5;
	s25 =	sor.u32 $0x1800, s16;
	[dreg:$0xf] =	wrdreg s24  }
0xb: {  	s5 =	ssub.s32 s5, s6;
	s6 =	sor.u32 $0x1C00, s16;
	[dreg:$0x10] =	wrdreg s25  }
0xc: {  	s18 =	sor.u32 $0x400, s16;
	s0 =	sadd.s32 s0, s1;
	[dreg:$0x11] =	wrdreg s6  }
0xd: {  	s31 =	simm.s32 $0x3;
	s8 =	sadd.s32 s3, s18;
	[dreg:$0x12] =	wrdreg s0  }
0xe: {  	s19 =	sor.u32 $0x800, s16;
	s7 =	sadd.s32 s4, s18;
	[dreg:$0x8] =	wrdreg s8  }
0xf: {  	s21 =	sor.u32 $0xC00, s16;
	s20 =	sadd.s32 s3, s19;
	[dreg:$0x9] =	wrdreg s7  }
.Ltmp0:
0x10: {  	s22 =	sadd.s32 s3, s21;
	[dreg:$0xa] =	wrdreg s20;
	(pc) =	sbr.rel .LBB2_1-.Ltmp0, $4  }
0x11: {  	s1 =	simm.s32 $0x4;
	s26 =	smax.u32 s5, $0x1;
	[dreg:$0xc] =	wrdreg s22  }
0x12: {  	s0 =	simm.s32 $0x7;
	s7 =	sadd.s32 s4, s19;
	[dreg:$0x13] =	wrdreg s26  }
0x13: {  	v0 =	vlaneseq.u32;
	s26 =	simm.s32 $0x1;
	[dreg:$0xb] =	wrdreg s7;
	s7 =	sadd.s32 s4, s21  }
0x14: {  	v0 =	vshrl.u32 v0, $0x3;
	s19 =	simm.s32 $0x8;
	[dreg:$0xd] =	wrdreg s7;
	s7 =	simm.s32 $0x0  }
.LBB2_20:
0x15: {  	v2 =	vadd.f32 $-1.000000000e+00, v2;
	_ =	sdelay $0x1  }
0x16: {  	v4 =	vmul.f32 $8.924104270e-02, v2;
	_ =	sdelay $0x1  }
0x17: {  	v4 =	vadd.f32 $-1.732867960e-01, v4;
	_ =	sdelay $0x1  }
0x18: {  	v4 =	vmul.f32 v4, v2;
	_ =	sdelay $0x1  }
0x19: {  	v4 =	vadd.f32 $2.059561910e-01, v4;
	_ =	sdelay $0x1  }
0x1a: {  	v4 =	vmul.f32 v4, v2;
	_ =	sdelay $0x1  }
0x1b: {  	v4 =	vadd.f32 $-2.404491750e-01, v4;
	_ =	sdelay $0x1  }
0x1c: {  	v4 =	vmul.f32 v4, v2;
	_ =	sdelay $0x1  }
0x1d: {  	v4 =	vadd.f32 $2.885392310e-01, v4;
	_ =	sdelay $0x1  }
0x1e: {  	v4 =	vmul.f32 v4, v2;
	_ =	sdelay $0x1  }
0x1f: {  	v4 =	vadd.f32 $-3.606737550e-01, v4;
	_ =	sdelay $0x1  }
0x20: {  	v4 =	vmul.f32 v4, v2;
	_ =	sdelay $0x1  }
0x21: {  	v4 =	vadd.f32 $4.808983500e-01, v4;
	_ =	sdelay $0x1  }
0x22: {  	v4 =	vmul.f32 v4, v2;
	_ =	sdelay $0x1  }
0x23: {  	v4 =	vadd.f32 $-7.213475100e-01, v4;
	_ =	sdelay $0x1  }
0x24: {  	v4 =	vmul.f32 v4, v2;
	_ =	sdelay $0x1  }
0x25: {  	v4 =	vadd.f32 $1.442695020e+00, v4  }
0x26: {  	v1 =	vadd.s32 $0xFFF71200, v1  }
0x27: {  	v1 =	vcvt.s32.f32 v1;
	v2 =	vmul.f32 v4, v2;
	_ =	sdelay $0x1  }
0x28: {  	v1 =	vadd.f32 v1, v2  }
0x29: {  	v2 =	vcvt.s32.f32 v3  }
0x2a: {  	[tilespmem:$0x10000] =	vst v1  }
0x2b: {  	s5 =	rddreg [dreg:$0x12];
	s6 =	simm.s32 $0x10000;
	s24 =	simm.s32 $0x9;
	[tilespmem:$0x10080] =	vst v2  }
0x2c: {  	[hbm4b:s5+s2] =	stream.linear.scatter [tilespmem:s6], [sflag:$0x9], $0x100, $0x38;
	[tilespmem:$0x10100] =	vst v63  }
0x2d: {  	_ =	swait.ge [sflag:s24], $0x100  }
0x2e: {  	s7 =	rddreg [dreg:$0x14]  }
0x2f: {  	s25 =	rddreg [dreg:$0x13];
	s7 =	sadd.s32 $0x1, s7  }
0x30: {  	p0 =	sne.s32 s7, s25  }
.Ltmp1:
0x31: {  	_ = 	snop;
	(pc) =	sbr.rel @!p0 .LBB2_21-.Ltmp1, $3  }
0x32: {  	_ =	sdelay $0x1  }
0x33: {  	[sflag:s24] =	ssyncset.done $0x0  }
0x34: {  	[sflag:s24] =	ssyncadd.s32 $0xFFFFFF00  }
.LBB2_1:
0x35: {  	[dreg:$0x14] =	wrdreg s7  }
0x36: {  	s5 =	rddreg [dreg:$0x6]  }
0x37: {  	[tilespmem:s2], [sflag:$0x1] =	stream.linear.gather [hbm4b:s5+s2], $0x2000, $0x38;
	[tilespmem:$0x10100] =	vst v63  }
0x38: {  	s12 =	rddreg [dreg:$0x7];
	s6 =	simm.s32 $0x8000  }
0x39: {  	[tilespmem:s6], [sflag:$0x5] =	stream.linear.gather [hbm4b:s12+s2], $0x2000, $0x38;
	[tilespmem:$0x10100] =	vst v63  }
0x3a: {  	s13 =	rddreg [dreg:$0x8];
	s14 =	simm.s32 $0x2000  }
0x3b: {  	[tilespmem:s14], [sflag:$0x2] =	stream.linear.gather [hbm4b:s13+s2], $0x2000, $0x38;
	[tilespmem:$0x10100] =	vst v63  }
0x3c: {  	s15 =	rddreg [dreg:$0x9];
	s16 =	simm.s32 $0xA000  }
0x3d: {  	[tilespmem:s16], [sflag:$0x6] =	stream.linear.gather [hbm4b:s15+s2], $0x2000, $0x38;
	[tilespmem:$0x10100] =	vst v63  }
0x3e: {  	s17 =	rddreg [dreg:$0xa];
	s18 =	simm.s32 $0x4000  }
0x3f: {  	[tilespmem:s18], [sflag:$0x3] =	stream.linear.gather [hbm4b:s17+s2], $0x2000, $0x38;
	[tilespmem:$0x10100] =	vst v63  }
0x40: {  	s20 =	rddreg [dreg:$0xb];
	s21 =	simm.s32 $0xC000  }
0x41: {  	[tilespmem:s21], [sflag:$0x7] =	stream.linear.gather [hbm4b:s20+s2], $0x2000, $0x38;
	[tilespmem:$0x10100] =	vst v63  }
0x42: {  	s22 =	rddreg [dreg:$0xc];
	s23 =	simm.s32 $0x6000  }
0x43: {  	[tilespmem:s23], [sflag:$0x4] =	stream.linear.gather [hbm4b:s22+s2], $0x2000, $0x38;
	[tilespmem:$0x10100] =	vst v63  }
0x44: {  	s24 =	rddreg [dreg:$0xd];
	s25 =	simm.s32 $0xE000;
	s23 =	simm.s32 $0x0  }
0x45: {  	v2 =	vimm.f32 $1.000000000e+00;
	v3 =	vimm.s32 $0x0;
	v1 =	vimm.s32 $0x0;
	[tilespmem:s25], [sflag:$0x8] =	stream.linear.gather [hbm4b:s24+s2], $0x2000, $0x38;
	[tilespmem:$0x10100] =	vst v63  }
.LBB2_2:
0x46: {  	_ =	swait.ge [sflag:s26], $0x2000  }
0x47: {  	[sflag:s26] =	ssyncset.done $0x0  }
0x48: {  	[sflag:s26] =	ssyncadd.s32 $0xFFFFE000  }
0x49: {  	_ =	swait.ge [sflag:s28], $0x2000  }
0x4a: {  	[sflag:s28] =	ssyncset.done $0x0  }
0x4b: {  	s20 =	simm.s32 $0x0;
	s5 =	simm.s32 $0x0;
	[sflag:s28] =	ssyncadd.s32 $0xFFFFE000  }
.LBB2_3:
0x4c: {  	s7 =	simm.s32 $0x300  }
0x4d: {  	s6 =	sshll.u32 s5, $0x7;
	s8 =	simm.s32 $0x0;
	s11 =	sand.u32 $0xFFFFFC00, s7  }
0x4e: {  	v11 =	vmov s6;
	s10 =	sand.u32 $0x60, s8;
	s8 =	simm.s32 $0x380;
	s11 =	sadd.s32 $0x60, s11  }
0x4f: {  	s18 =	sand.u32 $0xFFFFFC00, s8;
	s11 =	sor.u32 s6, s11  }
0x50: {  	s14 =	sadd.s32 $0x70, s18;
	v15 =	vld [tilespmem:s11+$0x0]  }
0x51: {  	s9 =	sand.u32 $0x1C00, s20;
	s15 =	simm.s32 $0xC0;
	v7 =	vld [tilespmem:s11+$0x8000];
	s16 =	sor.u32 s6, s14  }
0x52: {  	s21 =	simm.s32 $0x600;
	s24 =	simm.s32 $0xD0;
	s12 =	sor.u32 s10, s9;
	v16 =	vld [tilespmem:s16+$0x0]  }
0x53: {  	s13 =	sor.u32 $0x10, s6;
	s22 =	sand.u32 $0x3C00, s21;
	s18 =	sand.u32 $0x60, s15;
	v19 =	vld.idx.msk [tilespmem:v11+s12+$0x400 ss:$0x1], $0xffff  }
0x54: {  	s25 =	simm.s32 $0x680;
	[dreg:$0x2] =	wrdreg s13;
	v4 =	vld.idx.msk [tilespmem:v11+s12+$0x8400 ss:$0x1], $0xffff;
	s12 =	sor.u32 s22, s18  }
0x55: {  	s15 =	sand.u32 $0x3C00, s25;
	s14 =	sand.u32 $0x70, s24;
	v8 =	vld [tilespmem:s16+$0x8000];
	s13 =	sor.u32 s6, s12  }
0x56: {  	s16 =	simm.s32 $0xA0;
	s22 =	simm.s32 $0x500;
	s12 =	sor.u32 s15, s14;
	v17 =	vld [tilespmem:s13+$0x0]  }
0x57: {  	s24 =	sand.u32 $0x60, s16;
	s25 =	sand.u32 $0x3C00, s22;
	v5 =	vld [tilespmem:s13+$0x8000];
	s13 =	sor.u32 s6, s12  }
0x58: {  	s16 =	simm.s32 $0x580;
	s15 =	simm.s32 $0xB0;
	s14 =	sor.u32 s25, s24;
	v20 =	vld [tilespmem:s13+$0x0]  }
0x59: {  	s21 =	sand.u32 $0x3C00, s16;
	s18 =	sand.u32 $0x70, s15;
	s12 =	sor.u32 s6, s14;
	v6 =	vld [tilespmem:s13+$0x8000]  }
0x5a: {  	s22 =	simm.s32 $0x50;
	s24 =	simm.s32 $0x280;
	s18 =	sor.u32 s21, s18;
	v21 =	vld [tilespmem:s12+$0x0]  }
0x5b: {  	s11 =	sand.u32 $0x70, s22;
	s25 =	sand.u32 $0x3C00, s24;
	v10 =	vld [tilespmem:s12+$0x8000];
	s13 =	sor.u32 s6, s18  }
0x5c: {  	s17 =	simm.s32 $0x90;
	s14 =	simm.s32 $0x480;
	s11 =	sor.u32 s25, s11;
	v28 =	vld [tilespmem:s13+$0x0]  }
0x5d: {  	s17 =	sand.u32 $0x70, s17;
	s21 =	sand.u32 $0x3C00, s14;
	s11 =	sor.u32 s6, s11;
	v9 =	vld [tilespmem:s13+$0x8000]  }
0x5e: {  	s16 =	simm.s32 $0x180;
	s15 =	simm.s32 $0x30;
	s17 =	sor.u32 s21, s17;
	v31 =	vld [tilespmem:s11+$0x0]  }
0x5f: {  	s24 =	sand.u32 $0x3C00, s16;
	s12 =	sand.u32 $0x70, s15;
	v12 =	vld [tilespmem:s11+$0x8000];
	s25 =	sor.u32 s6, s17  }
0x60: {  	s14 =	simm.s32 $0x200;
	s12 =	sor.u32 s24, s12;
	s13 =	simm.s32 $0x40;
	v44 =	vld [tilespmem:s25+$0x0]  }
0x61: {  	s21 =	sand.u32 $0x3C00, s14;
	s12 =	sor.u32 s6, s12;
	s17 =	sand.u32 $0x60, s13;
	v13 =	vld [tilespmem:s25+$0x8000]  }
0x62: {  	v25 =	vld [tilespmem:s12+$0x0];
	s15 =	sor.u32 s21, s17  }
0x63: {  	s18 =	rddreg [dreg:$0x2];
	v14 =	vld [tilespmem:s12+$0x8000];
	s11 =	sor.u32 s6, s15  }
0x64: {  	s21 =	sor.u32 s18, s10;
	v29 =	vld [tilespmem:s11+$0x0]  }
0x65: {  	v22 =	vcvt.s32.f32 v7;
	v23 =	vadd.f32 $-1.000000000e+00, v15;
	s10 =	sor.u32 s6, s10;
	s12 =	sor.u32 s9, s21;
	v15 =	vld [tilespmem:s11+$0x8000]  }
0x66: {  	s22 =	simm.s32 $0x100;
	s16 =	simm.s32 $0x20;
	v27 =	vcvt.s32.f32 v8;
	v26 =	vadd.f32 $-1.000000000e+00, v16;
	v37 =	vcvt.s32.f32 v4;
	s24 =	sor.u32 s9, s10;
	v16 =	vld [tilespmem:s12+$0x8000]  }
0x67: {  	v38 =	vadd.f32 $-1.000000000e+00, v19;
	s17 =	sand.u32 $0x60, s16;
	s18 =	sand.u32 $0x3C00, s22;
	v30 =	vcvt.s32.f32 v5;
	v36 =	vadd.f32 $-1.000000000e+00, v17;
	v18 =	vld [tilespmem:s24+$0x8000]  }
0x68: {  	s25 =	sor.u32 s18, s17;
	v24 =	vcvt.s32.f32 v6;
	v34 =	vadd.f32 $-1.000000000e+00, v20;
	v32 =	vcvt.s32.f32 v10;
	v19 =	vld [tilespmem:s12+$0x0]  }
0x69: {  	s17 =	sor.u32 s6, s25;
	v35 =	vadd.f32 $-1.000000000e+00, v21;
	v43 =	vld [tilespmem:s24+$0x0];
	v20 =	vcvt.s32.f32 v9;
	v21 =	vadd.f32 $-1.000000000e+00, v28  }
0x6a: {  	s9 =	simm.s32 $0x70;
	s10 =	simm.s32 $0x60;
	v17 =	vld [tilespmem:s17+$0x8000];
	v40 =	vcvt.s32.f32 v12;
	v41 =	vadd.f32 $-1.000000000e+00, v31;
	v28 =	vcvt.s32.f32 v13  }
0x6b: {  	s11 =	simm.s32 $0x0;
	s12 =	simm.s32 $0x170;
	v42 =	vld [tilespmem:s17+$0x0];
	s17 =	simm.s32 $0x0;
	v39 =	vcvt.s32.f32 v14;
	v31 =	vadd.f32 $-1.000000000e+00, v44;
	v33 =	vcvt.s32.f32 v15  }
.LBB2_4:
0x6c: {  	s18 =	sadd.s32 $0xFFFFFF70, s12;
	v22 =	vmul.f32 v22, v23  }
0x6d: {  	s17 =	sadd.s32 $0x700, s17;
	s7 =	sadd.s32 $0x700, s7;
	s10 =	sadd.s32 $0xFFFFFFE0, s10;
	v26 =	vmul.f32 v27, v26;
	v27 =	vmul.f32 v30, v36  }
0x6e: {  	s8 =	sadd.s32 $0x700, s8;
	s21 =	sand.u32 $0x60, s18;
	s18 =	sand.u32 $0x1C00, s17;
	v49 =	vmul.f32 v37, v38;
	v24 =	vmul.f32 v24, v34  }
0x6f: {  	s9 =	sadd.s32 $0xFFFFFFE0, s9;
	s22 =	sand.u32 $0xFFFFFC00, s7;
	v51 =	vmul.f32 v40, v41;
	s24 =	sor.u32 s21, s18;
	v22 =	vadd.f32 $1.000000000e+00, v22;
	v55 =	vadd.f32 $1.000000000e+00, v26  }
0x70: {  	s15 =	sadd.s32 $0x30, s12;
	s25 =	sand.u32 $0xFFFFFC00, s8;
	v32 =	vmul.f32 v32, v35;
	s22 =	sadd.s32 s22, s10;
	v27 =	vadd.f32 $1.000000000e+00, v27;
	v23 =	vadd.f32 $-1.000000000e+00, v19;
	v19 =	vld.idx.msk [tilespmem:v11+s24+$0x400 ss:$0x1], $0xffff  }
0x71: {  	s16 =	sadd.s32 $0x600, s17;
	s13 =	sand.u32 $0x60, s15;
	v28 =	vmul.f32 v28, v31;
	s22 =	sor.u32 s6, s22;
	v56 =	vadd.f32 $1.000000000e+00, v49;
	v46 =	vadd.f32 $-1.000000000e+00, v25;
	v25 =	vld.idx.msk [tilespmem:v11+s24+$0x8400 ss:$0x1], $0xffff  }
0x72: {  	s15 =	sadd.s32 $0x680, s17;
	v20 =	vmul.f32 v20, v21;
	s14 =	sadd.s32 s25, s9;
	s16 =	sand.u32 $0x3C00, s16;
	v57 =	vadd.f32 $1.000000000e+00, v24;
	v31 =	vadd.f32 $1.000000000e+00, v32;
	v52 =	vld [tilespmem:s22+$0x0]  }
0x73: {  	s25 =	sadd.s32 $0x580, s17;
	s16 =	sor.u32 s16, s13;
	v37 =	vadd.f32 $1.000000000e+00, v51;
	v28 =	vadd.f32 $1.000000000e+00, v28;
	v44 =	vcvt.s32.f32 v18;
	v54 =	vld [tilespmem:s22+$0x8000];
	s22 =	sor.u32 s6, s14  }
0x74: {  	s13 =	sadd.s32 $0x500, s17;
	v47 =	vcvt.s32.f32 v17;
	v30 =	vadd.f32 $-1.000000000e+00, v43;
	v50 =	vadd.f32 $-1.000000000e+00, v42;
	s14 =	sadd.s32 $0x40, s12;
	s16 =	sor.u32 s6, s16;
	v26 =	vld [tilespmem:s22+$0x0]  }
0x75: {  	v20 =	vadd.f32 $1.000000000e+00, v20;
	v45 =	vcvt.s32.f32 v16;
	v29 =	vadd.f32 $-1.000000000e+00, v29;
	v58 =	vld [tilespmem:s22+$0x8000];
	s24 =	sand.u32 $0x70, s14;
	s14 =	sand.u32 $0x3C00, s15;
	s15 =	sadd.s32 $0x10, s12  }
0x76: {  	s13 =	sand.u32 $0x3C00, s13;
	v3 =	vadd.s32 v3, v18;
	v24 =	vld [tilespmem:s16+$0x0];
	v30 =	vmul.f32 v44, v30;
	v34 =	vmul.f32 v47, v50;
	s22 =	sor.u32 s14, s24;
	s14 =	sand.u32 $0x60, s15  }
0x77: {  	v59 =	vld [tilespmem:s16+$0x8000];
	v3 =	vadd.s32 v16, v3;
	v53 =	vmul.f32 v39, v46;
	v29 =	vmul.f32 v33, v29;
	s24 =	sadd.s32 $0x20, s12;
	s15 =	sor.u32 s6, s22;
	s13 =	sor.u32 s13, s14  }
0x78: {  	v23 =	vmul.f32 v45, v23;
	s22 =	sand.u32 $0x70, s24;
	s24 =	sand.u32 $0x3C00, s25;
	s14 =	sadd.s32 $0xFFFFFFC0, s12;
	v30 =	vadd.f32 $1.000000000e+00, v30;
	v34 =	vadd.f32 $1.000000000e+00, v34;
	v60 =	vld [tilespmem:s15+$0x0]  }
0x79: {  	v16 =	vmul.f32 v28, v55;
	v3 =	vadd.s32 v17, v3;
	v38 =	vadd.f32 $1.000000000e+00, v53;
	s13 =	sor.u32 s6, s13;
	v21 =	vld [tilespmem:s15+$0x8000];
	s15 =	sadd.s32 $0x280, s17;
	s22 =	sor.u32 s24, s22  }
0x7a: {  	v23 =	vadd.f32 $1.000000000e+00, v23;
	v29 =	vadd.f32 $1.000000000e+00, v29;
	s16 =	sand.u32 $0x70, s14;
	v61 =	vld [tilespmem:s13+$0x0];
	s14 =	sand.u32 $0x3C00, s15;
	s15 =	sor.u32 s6, s22;
	v30 =	vmul.f32 v34, v30  }
0x7b: {  	v3 =	vadd.s32 v14, v3;
	v14 =	vmul.f32 v31, v56;
	v16 =	vmul.f32 v20, v16;
	s25 =	sand.u32 $0x70, s12;
	s16 =	sor.u32 s14, s16;
	v62 =	vld [tilespmem:s15+$0x0]  }
0x7c: {  	v3 =	vadd.s32 v15, v3;
	v18 =	vmul.f32 v38, v23;
	s14 =	sadd.s32 $0x480, s17;
	v20 =	vld [tilespmem:s15+$0x8000];
	s15 =	sadd.s32 $0xFFFFFFA0, s12;
	s16 =	sor.u32 s6, s16;
	v23 =	vmul.f32 v29, v30  }
0x7d: {  	v28 =	vld [tilespmem:s13+$0x8000];
	v3 =	vadd.s32 v12, v3;
	v14 =	vmul.f32 v27, v14;
	v16 =	vmul.f32 v57, v16;
	s24 =	sand.u32 $0x3C00, s14;
	s14 =	sadd.s32 $0x180, s17;
	s13 =	sand.u32 $0x70, s15  }
0x7e: {  	v3 =	vadd.s32 v7, v3;
	s15 =	sadd.s32 $0x200, s17;
	v17 =	vmul.f32 v37, v18;
	v31 =	vld [tilespmem:s16+$0x0];
	s24 =	sor.u32 s24, s25;
	s14 =	sand.u32 $0x3C00, s14;
	v18 =	vmul.f32 v22, v23  }
0x7f: {  	v26 =	vadd.f32 $-1.000000000e+00, v26;
	v36 =	vadd.f32 $-1.000000000e+00, v24;
	v3 =	vadd.s32 v8, v3;
	v12 =	vld [tilespmem:s16+$0x8000];
	s25 =	sadd.s32 $0xFFFFFFB0, s12;
	s16 =	sor.u32 s6, s24;
	s13 =	sor.u32 s14, s13  }
0x80: {  	v38 =	vadd.f32 $-1.000000000e+00, v19;
	v8 =	vmovc v58;
	v3 =	vadd.s32 v4, v3;
	s14 =	sand.u32 $0x60, s25;
	s24 =	sand.u32 $0x3C00, s15;
	v63 =	vld [tilespmem:s16+$0x0];
	s13 =	sor.u32 s6, s13;
	v15 =	vmul.f32 v18, v17  }
0x81: {  	s22 =	rddreg [dreg:$0x2];
	v4 =	vmovc v25;
	v27 =	vcvt.s32.f32 v8;
	v30 =	vcvt.s32.f32 v59;
	v3 =	vadd.s32 v13, v3;
	s14 =	sor.u32 s24, s14;
	v25 =	vld [tilespmem:s13+$0x0]  }
0x82: {  	s22 =	sor.u32 s22, s21;
	v34 =	vadd.f32 $-1.000000000e+00, v60;
	v37 =	vcvt.s32.f32 v4;
	s15 =	sor.u32 s6, s14;
	v17 =	vld [tilespmem:s16+$0x8000];
	v2 =	vmul.f32 v15, v2  }
0x83: {  	s11 =	sadd.s32 $0x2, s11;
	v22 =	vcvt.s32.f32 v54;
	v23 =	vadd.f32 $-1.000000000e+00, v52;
	v3 =	vadd.s32 v10, v3;
	s14 =	sor.u32 s18, s22;
	v29 =	vld [tilespmem:s15+$0x0]  }
0x84: {  	p0 =	slt.u32 s11, $0x6;
	v19 =	vld [tilespmem:s14+$0x0];
	v15 =	vmul.f32 v16, v14;
	v14 =	vshra.s32 v2, $0x17;
	v2 =	vand.u32 $0x7FFFFF, v2  }
0x85: {  	s21 =	sor.u32 s6, s21;
	s25 =	sadd.s32 $0xFFFFFF90, s12;
	s24 =	sadd.s32 $0x100, s17;
	v3 =	vadd.s32 v9, v3;
	v1 =	vadd.s32 v1, v14;
	v2 =	vor.u32 $0x3F800000, v2;
	v14 =	vld [tilespmem:s13+$0x8000]  }
0x86: {  	v10 =	vmovc v28;
	v35 =	vadd.f32 $-1.000000000e+00, v61;
	v9 =	vmovc v20;
	s22 =	sand.u32 $0x3C00, s24;
	s16 =	sand.u32 $0x60, s25;
	v3 =	vadd.s32 v5, v3;
	s25 =	sor.u32 s18, s21;
	v2 =	vmul.f32 v2, v15;
	v15 =	vld [tilespmem:s15+$0x8000]  }
.Ltmp2:
0x87: {  	v32 =	vcvt.s32.f32 v10;
	v20 =	vcvt.s32.f32 v9;
	s16 =	sor.u32 s22, s16;
	v3 =	vadd.s32 v6, v3;
	v43 =	vld [tilespmem:s25+$0x0];
	(pc) =	sbr.rel @p0 .LBB2_4-.Ltmp2, $4  }
0x88: {  	v6 =	vmovc v21;
	v21 =	vadd.f32 $-1.000000000e+00, v62;
	v40 =	vcvt.s32.f32 v12;
	v41 =	vadd.f32 $-1.000000000e+00, v31;
	v16 =	vld [tilespmem:s14+$0x8000];
	s16 =	sor.u32 s6, s16  }
0x89: {  	v24 =	vcvt.s32.f32 v6;
	v42 =	vld [tilespmem:s16+$0x0];
	v31 =	vadd.f32 $-1.000000000e+00, v63;
	v13 =	vmovc v17;
	v18 =	vshra.s32 v2, $0x17  }
0x8a: {  	v17 =	vld [tilespmem:s16+$0x8000];
	v28 =	vcvt.s32.f32 v13;
	v2 =	vand.u32 $0x7FFFFF, v2;
	v1 =	vadd.s32 v18, v1  }
0x8b: {  	v7 =	vmovc v54;
	s12 =	sadd.s32 $0xE0, s12;
	v5 =	vmovc v59;
	v2 =	vor.u32 $0x3F800000, v2;
	v18 =	vld [tilespmem:s25+$0x8000];
	v39 =	vcvt.s32.f32 v14;
	v33 =	vcvt.s32.f32 v15  }
0x8c: {  	v25 =	vadd.f32 $-1.000000000e+00, v25;
	v22 =	vmul.f32 v22, v23  }
0x8d: {  	v50 =	vmul.f32 v27, v26;
	v51 =	vmul.f32 v30, v36;
	v52 =	vadd.f32 $-1.000000000e+00, v43  }
0x8e: {  	v53 =	vmul.f32 v37, v38;
	v29 =	vadd.f32 $-1.000000000e+00, v29;
	v55 =	vmul.f32 v40, v41  }
0x8f: {  	v32 =	vmul.f32 v32, v35;
	v19 =	vadd.f32 $-1.000000000e+00, v19;
	v28 =	vmul.f32 v28, v31  }
0x90: {  	v54 =	vadd.f32 $-1.000000000e+00, v42;
	v45 =	vcvt.s32.f32 v17;
	v11 =	vcvt.s32.f32 v18  }
0x91: {  	v44 =	vcvt.s32.f32 v16;
	v25 =	vmul.f32 v39, v25;
	v22 =	vadd.f32 $1.000000000e+00, v22  }
0x92: {  	v23 =	vadd.f32 $1.000000000e+00, v50;
	v56 =	vmul.f32 v45, v54;
	v11 =	vmul.f32 v11, v52  }
0x93: {  	v29 =	vmul.f32 v33, v29;
	v58 =	vadd.f32 $1.000000000e+00, v53;
	v28 =	vadd.f32 $1.000000000e+00, v28  }
0x94: {  	v19 =	vmul.f32 v44, v19;
	v27 =	vadd.f32 $1.000000000e+00, v56;
	v11 =	vadd.f32 $1.000000000e+00, v11  }
0x95: {  	v20 =	vmul.f32 v20, v21;
	v35 =	vld [tilespmem:s6+$0x9C20];
	v59 =	vadd.f32 $1.000000000e+00, v55;
	v25 =	vadd.f32 $1.000000000e+00, v25  }
0x96: {  	s7 =	sor.u32 $0x1C00, s6;
	v46 =	vld [tilespmem:s6+$0x9C40];
	v57 =	vadd.f32 $1.000000000e+00, v29;
	v19 =	vadd.f32 $1.000000000e+00, v19;
	v11 =	vmul.f32 v27, v11  }
0x97: {  	v24 =	vmul.f32 v24, v34;
	s18 =	sor.u32 $0x1C20, s6;
	v61 =	vld [tilespmem:s7+$0x0];
	v60 =	vadd.f32 $1.000000000e+00, v32;
	v20 =	vadd.f32 $1.000000000e+00, v20  }
0x98: {  	v31 =	vld [tilespmem:s18+$0x0];
	v26 =	vadd.f32 $1.000000000e+00, v51;
	v19 =	vmul.f32 v25, v19;
	v11 =	vmul.f32 v57, v11  }
0x99: {  	s17 =	sor.u32 $0x1C10, s6;
	v62 =	vadd.f32 $1.000000000e+00, v24;
	v42 =	vld [tilespmem:s6+$0x9C30];
	v23 =	vmul.f32 v28, v23;
	v63 =	vmul.f32 v60, v58  }
0x9a: {  	v3 =	vadd.s32 v3, v18;
	v28 =	vld [tilespmem:s17+$0x0];
	v19 =	vmul.f32 v59, v19;
	v11 =	vmul.f32 v22, v11  }
0x9b: {  	v3 =	vadd.s32 v16, v3;
	v45 =	vcvt.s32.f32 v35;
	v54 =	vcvt.s32.f32 v46;
	v25 =	vld [tilespmem:s6+$0x9C00]  }
0x9c: {  	v29 =	vld [tilespmem:s6+$0x9C10];
	v20 =	vmul.f32 v20, v23;
	v3 =	vadd.s32 v17, v3;
	v11 =	vmul.f32 v11, v19  }
0x9d: {  	s21 =	sor.u32 $0x1C30, s6;
	v26 =	vmul.f32 v26, v63;
	v34 =	vadd.f32 $-1.000000000e+00, v61;
	v3 =	vadd.s32 v14, v3  }
0x9e: {  	v39 =	vld [tilespmem:s21+$0x0];
	v3 =	vadd.s32 v15, v3;
	v27 =	vmul.f32 v62, v20;
	v2 =	vmul.f32 v11, v2  }
0x9f: {  	s22 =	sor.u32 $0x1C40, s6;
	v16 =	vadd.f32 $-1.000000000e+00, v31;
	v49 =	vcvt.s32.f32 v42;
	v3 =	vadd.s32 v12, v3  }
0xa0: {  	s24 =	sor.u32 $0x1C50, s6;
	v44 =	vld [tilespmem:s22+$0x0];
	v30 =	vmul.f32 v27, v26;
	v33 =	vcvt.s32.f32 v25;
	v32 =	vand.u32 $0x7FFFFF, v2  }
0xa1: {  	v48 =	vld [tilespmem:s24+$0x0];
	v40 =	vcvt.s32.f32 v29;
	v41 =	vadd.f32 $-1.000000000e+00, v28;
	v36 =	vor.u32 $0x3F800000, v32  }
0xa2: {  	v3 =	vadd.s32 v7, v3;
	v38 =	vmul.f32 v33, v34;
	v37 =	vmul.f32 v36, v30  }
0xa3: {  	v47 =	vmul.f32 v45, v16;
	v15 =	vadd.f32 $-1.000000000e+00, v39;
	v3 =	vadd.s32 v8, v3  }
0xa4: {  	v52 =	vld [tilespmem:s6+$0x9C58];
	v7 =	vmul.f32 v40, v41;
	v14 =	vadd.f32 $1.000000000e+00, v38;
	v43 =	vand.u32 $0x7FFFFF, v37  }
0xa5: {  	s25 =	sor.u32 $0x1C58, s6;
	v50 =	vld [tilespmem:s6+$0x9C50];
	v55 =	vadd.f32 $-1.000000000e+00, v44;
	v3 =	vadd.s32 v4, v3;
	v4 =	vor.u32 $0x3F800000, v43  }
0xa6: {  	v56 =	vld [tilespmem:s25+$0x0];
	v59 =	vadd.f32 $-1.000000000e+00, v48;
	v7 =	vadd.f32 $1.000000000e+00, v7;
	v4 =	vmul.f32 v4, v14  }
0xa7: {  	v51 =	vadd.f32 $1.000000000e+00, v47;
	v53 =	vmul.f32 v49, v15;
	v3 =	vadd.s32 v13, v3  }
0xa8: {  	v58 =	vmul.f32 v54, v55;
	v3 =	vadd.s32 v10, v3;
	v4 =	vmul.f32 v7, v4  }
0xa9: {  	v8 =	vand.u32 v0, v52;
	v57 =	vadd.f32 $1.000000000e+00, v53;
	v3 =	vadd.s32 v9, v3  }
0xaa: {  	v3 =	vadd.s32 v5, v3;
	v5 =	vcvt.s32.f32 v50;
	v4 =	vmul.f32 v51, v4  }
0xab: {  	v60 =	vadd.f32 $1.000000000e+00, v58;
	v61 =	vcvt.s32.f32 v8;
	v62 =	vadd.f32 $-1.000000000e+00, v56  }
0xac: {  	v3 =	vadd.s32 v6, v3;
	v5 =	vmul.f32 v5, v59;
	v4 =	vmul.f32 v57, v4  }
0xad: {  	v63 =	vmul.f32 v61, v62;
	v3 =	vadd.s32 v3, v25  }
0xae: {  	v5 =	vadd.f32 $1.000000000e+00, v5;
	v2 =	vshra.s32 v2, $0x17;
	v4 =	vmul.f32 v60, v4  }
0xaf: {  	s5 =	sadd.s32 $0x1, s5;
	v3 =	vadd.s32 v29, v3;
	v1 =	vadd.s32 v1, v2  }
0xb0: {  	p0 =	sne.s32 s5, $0x8;
	v2 =	vadd.s32 v35, v3;
	v4 =	vmul.f32 v5, v4;
	v5 =	vadd.f32 $1.000000000e+00, v63  }
.Ltmp3:
0xb1: {  	v2 =	vadd.s32 v42, v2;
	(pc) =	sbr.rel @p0 .LBB2_3-.Ltmp3, $4  }
0xb2: {  	v2 =	vadd.s32 v46, v2;
	v4 =	vmul.f32 v5, v4  }
0xb3: {  	v3 =	vshra.s32 v37, $0x17;
	v2 =	vadd.s32 v50, v2  }
0xb4: {  	v1 =	vadd.s32 v3, v1;
	v5 =	vshra.s32 v4, $0x17;
	v4 =	vand.u32 $0x7FFFFF, v4  }
0xb5: {  	v3 =	vadd.s32 v8, v2;
	v1 =	vadd.s32 v1, v5;
	v2 =	vor.u32 $0x3F800000, v4  }
0xb6: {  	s20 =	sshll.u32 s23, $0xC;
	p0 =	seq.s32 s23, $0xF;
	s5 =	rddreg [dreg:$0xe]  }
0xb7: {  	s5 =	sadd.s32 @!p0 s20, s5  }
0xb8: {  	s7 =	simm.s32 @!p0 $0x0;
	s6 =	sadd.s32 @!p0 s3, s5  }
0xb9: {  	[tilespmem:s7], [sflag:$0x1] =	stream.linear.gather @!p0 [hbm4b:s6+s7], $0x2000, $0x38;
	[tilespmem:$0x10100] =	vst v63  }
0xba: {  	s5 =	sadd.s32 @!p0 s4, s5;
	s6 =	simm.s32 @!p0 $0x8000  }
0xbb: {  	[tilespmem:s6], [sflag:$0x5] =	stream.linear.gather @!p0 [hbm4b:s5+s7], $0x2000, $0x38;
	[tilespmem:$0x10100] =	vst v63  }
0xbc: {  	_ =	swait.ge [sflag:s29], $0x2000  }
0xbd: {  	[sflag:s29] =	ssyncset.done $0x0  }
0xbe: {  	[sflag:s29] =	ssyncadd.s32 $0xFFFFE000  }
0xbf: {  	_ =	swait.ge [sflag:s30], $0x2000  }
0xc0: {  	[sflag:s30] =	ssyncset.done $0x0  }
0xc1: {  	s5 =	simm.s32 $0x0;
	s6 =	simm.s32 $0x0;
	[sflag:s30] =	ssyncadd.s32 $0xFFFFE000  }
.LBB2_7:
0xc2: {  	s8 =	simm.s32 $0x300  }
0xc3: {  	s7 =	sshll.u32 s6, $0x7;
	s9 =	simm.s32 $0x0;
	s12 =	sand.u32 $0xFFFFFC00, s8  }
0xc4: {  	v11 =	vmov s7;
	s11 =	sand.u32 $0x60, s9;
	s9 =	simm.s32 $0x380;
	s12 =	sadd.s32 $0x60, s12  }
0xc5: {  	s16 =	sand.u32 $0xFFFFFC00, s9;
	s12 =	sor.u32 s7, s12  }
0xc6: {  	s25 =	sadd.s32 $0x70, s16;
	v15 =	vld [tilespmem:s12+$0x2000]  }
0xc7: {  	s10 =	sand.u32 $0x1C00, s5;
	s15 =	simm.s32 $0xC0;
	v7 =	vld [tilespmem:s12+$0xA000];
	s18 =	sor.u32 s7, s25  }
0xc8: {  	s17 =	simm.s32 $0x600;
	s24 =	sor.u32 $0x10, s7;
	s13 =	sor.u32 s11, s10;
	v16 =	vld [tilespmem:s18+$0x2000]  }
0xc9: {  	s21 =	sand.u32 $0x60, s15;
	s22 =	sand.u32 $0x3C00, s17;
	[dreg:$0x3] =	wrdreg s24;
	v19 =	vld.idx.msk [tilespmem:v11+s13+$0x2400 ss:$0x1], $0xffff  }
0xca: {  	s24 =	simm.s32 $0xD0;
	s25 =	simm.s32 $0x680;
	v4 =	vld.idx.msk [tilespmem:v11+s13+$0xA400 ss:$0x1], $0xffff;
	s13 =	sor.u32 s22, s21  }
0xcb: {  	s16 =	sand.u32 $0x70, s24;
	v8 =	vld [tilespmem:s18+$0xA000];
	s21 =	sand.u32 $0x3C00, s25;
	s15 =	sor.u32 s7, s13  }
0xcc: {  	s18 =	simm.s32 $0x500;
	s22 =	simm.s32 $0xA0;
	s13 =	sor.u32 s21, s16;
	v17 =	vld [tilespmem:s15+$0x2000]  }
0xcd: {  	s25 =	sand.u32 $0x3C00, s18;
	s24 =	sand.u32 $0x60, s22;
	v5 =	vld [tilespmem:s15+$0xA000];
	s15 =	sor.u32 s7, s13  }
0xce: {  	s21 =	simm.s32 $0x50;
	s22 =	simm.s32 $0x280;
	s16 =	sor.u32 s25, s24;
	v20 =	vld [tilespmem:s15+$0x2000]  }
0xcf: {  	s12 =	sand.u32 $0x70, s21;
	s24 =	sand.u32 $0x3C00, s22;
	s13 =	sor.u32 s7, s16;
	v6 =	vld [tilespmem:s15+$0xA000]  }
0xd0: {  	s17 =	simm.s32 $0xB0;
	s18 =	simm.s32 $0x580;
	s12 =	sor.u32 s24, s12;
	v21 =	vld [tilespmem:s13+$0x2000]  }
0xd1: {  	s16 =	sand.u32 $0x70, s17;
	s17 =	sand.u32 $0x3C00, s18;
	v9 =	vld [tilespmem:s13+$0xA000];
	s12 =	sor.u32 s7, s12  }
0xd2: {  	s14 =	simm.s32 $0x90;
	s15 =	simm.s32 $0x480;
	s16 =	sor.u32 s17, s16;
	v31 =	vld [tilespmem:s12+$0x2000]  }
0xd3: {  	s14 =	sand.u32 $0x70, s14;
	s17 =	sand.u32 $0x3C00, s15;
	s25 =	sor.u32 s7, s16;
	v12 =	vld [tilespmem:s12+$0xA000]  }
0xd4: {  	s21 =	simm.s32 $0x180;
	s18 =	simm.s32 $0x30;
	s14 =	sor.u32 s17, s14;
	v28 =	vld [tilespmem:s25+$0x2000]  }
0xd5: {  	s22 =	sand.u32 $0x3C00, s21;
	s13 =	sand.u32 $0x70, s18;
	v10 =	vld [tilespmem:s25+$0xA000];
	s24 =	sor.u32 s7, s14  }
0xd6: {  	s13 =	sor.u32 s22, s13;
	v44 =	vld [tilespmem:s24+$0x2000]  }
0xd7: {  	s15 =	simm.s32 $0x200;
	s16 =	rddreg [dreg:$0x3];
	s13 =	sor.u32 s7, s13;
	v13 =	vld [tilespmem:s24+$0xA000]  }
0xd8: {  	s17 =	sand.u32 $0x3C00, s15;
	s25 =	simm.s32 $0x40;
	s21 =	sor.u32 s16, s11;
	v25 =	vld [tilespmem:s13+$0x2000]  }
0xd9: {  	s11 =	sor.u32 s7, s11;
	s14 =	sand.u32 $0x60, s25;
	v14 =	vld [tilespmem:s13+$0xA000];
	s13 =	sor.u32 s10, s21  }
0xda: {  	v26 =	vadd.f32 $-1.000000000e+00, v16;
	s24 =	sor.u32 s10, s11;
	s17 =	sor.u32 s17, s14;
	v16 =	vld [tilespmem:s13+$0xA000]  }
0xdb: {  	v22 =	vcvt.s32.f32 v7;
	v18 =	vld [tilespmem:s24+$0xA000];
	s12 =	sor.u32 s7, s17  }
0xdc: {  	v23 =	vadd.f32 $-1.000000000e+00, v15;
	s18 =	simm.s32 $0x20;
	v27 =	vcvt.s32.f32 v8;
	s22 =	simm.s32 $0x100;
	v37 =	vcvt.s32.f32 v4;
	v15 =	vld [tilespmem:s12+$0xA000]  }
0xdd: {  	v38 =	vadd.f32 $-1.000000000e+00, v19;
	s16 =	sand.u32 $0x3C00, s22;
	v30 =	vcvt.s32.f32 v5;
	v36 =	vadd.f32 $-1.000000000e+00, v17;
	s14 =	sand.u32 $0x60, s18;
	v19 =	vld [tilespmem:s13+$0x2000]  }
0xde: {  	v24 =	vcvt.s32.f32 v6;
	v34 =	vadd.f32 $-1.000000000e+00, v20;
	v43 =	vld [tilespmem:s24+$0x2000];
	s25 =	sor.u32 s16, s14;
	v32 =	vcvt.s32.f32 v9  }
0xdf: {  	v35 =	vadd.f32 $-1.000000000e+00, v21;
	v29 =	vld [tilespmem:s12+$0x2000];
	s14 =	sor.u32 s7, s25;
	v40 =	vcvt.s32.f32 v12;
	v41 =	vadd.f32 $-1.000000000e+00, v31  }
0xe0: {  	s10 =	simm.s32 $0x70;
	s11 =	simm.s32 $0x60;
	v17 =	vld [tilespmem:s14+$0xA000];
	v20 =	vcvt.s32.f32 v10;
	v21 =	vadd.f32 $-1.000000000e+00, v28;
	v28 =	vcvt.s32.f32 v13  }
0xe1: {  	s18 =	simm.s32 $0x0;
	s17 =	simm.s32 $0x170;
	s12 =	simm.s32 $0x0;
	v42 =	vld [tilespmem:s14+$0x2000];
	v39 =	vcvt.s32.f32 v14;
	v31 =	vadd.f32 $-1.000000000e+00, v44;
	v33 =	vcvt.s32.f32 v15  }
.LBB2_8:
0xe2: {  	v22 =	vmul.f32 v22, v23  }
0xe3: {  	s13 =	sadd.s32 $0xFFFFFF70, s17;
	s18 =	sadd.s32 $0x700, s18;
	s8 =	sadd.s32 $0x700, s8;
	v26 =	vmul.f32 v27, v26;
	v27 =	vmul.f32 v30, v36  }
0xe4: {  	s11 =	sadd.s32 $0xFFFFFFE0, s11;
	s22 =	sand.u32 $0x60, s13;
	s21 =	sand.u32 $0x1C00, s18;
	v49 =	vmul.f32 v37, v38;
	v24 =	vmul.f32 v24, v34  }
0xe5: {  	s9 =	sadd.s32 $0x700, s9;
	v46 =	vadd.f32 $-1.000000000e+00, v25;
	s24 =	sand.u32 $0xFFFFFC00, s8;
	v51 =	vmul.f32 v40, v41;
	v32 =	vmul.f32 v32, v35;
	s14 =	sor.u32 s22, s21  }
0xe6: {  	s10 =	sadd.s32 $0xFFFFFFE0, s10;
	s15 =	sadd.s32 $0x30, s17;
	v28 =	vmul.f32 v28, v31;
	s13 =	sadd.s32 s24, s11;
	v25 =	vld.idx.msk [tilespmem:v11+s14+$0xA400 ss:$0x1], $0xffff;
	v22 =	vadd.f32 $1.000000000e+00, v22;
	v55 =	vadd.f32 $1.000000000e+00, v26  }
0xe7: {  	s16 =	sand.u32 $0xFFFFFC00, s9;
	v20 =	vmul.f32 v20, v21;
	s24 =	sadd.s32 $0x600, s18;
	s13 =	sor.u32 s7, s13;
	v27 =	vadd.f32 $1.000000000e+00, v27;
	v23 =	vadd.f32 $-1.000000000e+00, v19;
	v19 =	vld.idx.msk [tilespmem:v11+s14+$0x2400 ss:$0x1], $0xffff  }
0xe8: {  	s25 =	sadd.s32 s16, s10;
	s16 =	sand.u32 $0x60, s15;
	v53 =	vmul.f32 v39, v46;
	s24 =	sand.u32 $0x3C00, s24;
	v56 =	vadd.f32 $1.000000000e+00, v49;
	v57 =	vadd.f32 $1.000000000e+00, v24;
	v52 =	vld [tilespmem:s13+$0x2000]  }
0xe9: {  	s15 =	sadd.s32 $0x680, s18;
	v31 =	vadd.f32 $1.000000000e+00, v32;
	v37 =	vadd.f32 $1.000000000e+00, v51;
	v44 =	vcvt.s32.f32 v18;
	v54 =	vld [tilespmem:s13+$0xA000];
	s13 =	sor.u32 s7, s25;
	s14 =	sor.u32 s24, s16  }
0xea: {  	v47 =	vcvt.s32.f32 v17;
	v30 =	vadd.f32 $-1.000000000e+00, v43;
	v50 =	vadd.f32 $-1.000000000e+00, v42;
	s25 =	sadd.s32 $0x40, s17;
	s24 =	sand.u32 $0x3C00, s15;
	s15 =	sadd.s32 $0x10, s17;
	v26 =	vld [tilespmem:s13+$0x2000]  }
0xeb: {  	v28 =	vadd.f32 $1.000000000e+00, v28;
	v45 =	vcvt.s32.f32 v16;
	v29 =	vadd.f32 $-1.000000000e+00, v29;
	v58 =	vld [tilespmem:s13+$0xA000];
	s13 =	sor.u32 s7, s14;
	s16 =	sand.u32 $0x70, s25;
	s25 =	sadd.s32 $0x500, s18  }
0xec: {  	v3 =	vadd.s32 v3, v18;
	v30 =	vmul.f32 v44, v30;
	v34 =	vmul.f32 v47, v50;
	v24 =	vld [tilespmem:s13+$0x2000];
	s14 =	sor.u32 s24, s16;
	s24 =	sand.u32 $0x60, s15;
	s15 =	sand.u32 $0x3C00, s25  }
0xed: {  	v20 =	vadd.f32 $1.000000000e+00, v20;
	v3 =	vadd.s32 v16, v3;
	v29 =	vmul.f32 v33, v29;
	v59 =	vld [tilespmem:s13+$0xA000];
	s25 =	sadd.s32 $0x20, s17;
	s13 =	sor.u32 s7, s14;
	s24 =	sor.u32 s15, s24  }
0xee: {  	v23 =	vmul.f32 v45, v23;
	s15 =	sadd.s32 $0x580, s18;
	s16 =	sand.u32 $0x70, s25;
	s25 =	sadd.s32 $0xFFFFFFC0, s17;
	v30 =	vadd.f32 $1.000000000e+00, v30;
	v34 =	vadd.f32 $1.000000000e+00, v34;
	v60 =	vld [tilespmem:s13+$0x2000]  }
0xef: {  	v38 =	vadd.f32 $1.000000000e+00, v53;
	v16 =	vmul.f32 v28, v55;
	v3 =	vadd.s32 v17, v3;
	s14 =	sor.u32 s7, s24;
	s24 =	sand.u32 $0x3C00, s15;
	v21 =	vld [tilespmem:s13+$0xA000];
	s15 =	sadd.s32 $0x280, s18  }
0xf0: {  	v23 =	vadd.f32 $1.000000000e+00, v23;
	v29 =	vadd.f32 $1.000000000e+00, v29;
	s13 =	sand.u32 $0x70, s25;
	v61 =	vld [tilespmem:s14+$0x2000];
	s16 =	sor.u32 s24, s16;
	s25 =	sand.u32 $0x3C00, s15;
	v30 =	vmul.f32 v34, v30  }
0xf1: {  	v3 =	vadd.s32 v14, v3;
	v14 =	vmul.f32 v31, v56;
	v16 =	vmul.f32 v20, v16;
	v28 =	vld [tilespmem:s14+$0xA000];
	s15 =	sadd.s32 $0x480, s18;
	s14 =	sor.u32 s7, s16;
	s13 =	sor.u32 s25, s13  }
0xf2: {  	v3 =	vadd.s32 v15, v3;
	v18 =	vmul.f32 v38, v23;
	s25 =	sand.u32 $0x70, s17;
	s16 =	sand.u32 $0x3C00, s15;
	s15 =	sadd.s32 $0x180, s18;
	v62 =	vld [tilespmem:s14+$0x2000];
	v23 =	vmul.f32 v29, v30  }
0xf3: {  	v3 =	vadd.s32 v12, v3;
	v14 =	vmul.f32 v27, v14;
	v16 =	vmul.f32 v57, v16;
	s13 =	sor.u32 s7, s13;
	v20 =	vld [tilespmem:s14+$0xA000];
	s14 =	sadd.s32 $0xFFFFFFA0, s17;
	s16 =	sor.u32 s16, s25  }
0xf4: {  	v3 =	vadd.s32 v7, v3;
	s15 =	sand.u32 $0x3C00, s15;
	s25 =	sadd.s32 $0x200, s18;
	v17 =	vmul.f32 v37, v18;
	v31 =	vld [tilespmem:s13+$0x2000];
	s14 =	sand.u32 $0x70, s14;
	v18 =	vmul.f32 v22, v23  }
0xf5: {  	v26 =	vadd.f32 $-1.000000000e+00, v26;
	v38 =	vadd.f32 $-1.000000000e+00, v19;
	v3 =	vadd.s32 v8, v3;
	v12 =	vld [tilespmem:s13+$0xA000];
	s13 =	sor.u32 s7, s16;
	s16 =	sadd.s32 $0xFFFFFFB0, s17;
	s14 =	sor.u32 s15, s14  }
0xf6: {  	v8 =	vmovc v58;
	v36 =	vadd.f32 $-1.000000000e+00, v24;
	v3 =	vadd.s32 v4, v3;
	v63 =	vld [tilespmem:s13+$0x2000];
	s15 =	sand.u32 $0x60, s16;
	s16 =	sand.u32 $0x3C00, s25;
	s14 =	sor.u32 s7, s14;
	v15 =	vmul.f32 v18, v17  }
0xf7: {  	s24 =	rddreg [dreg:$0x3];
	v4 =	vmovc v25;
	v27 =	vcvt.s32.f32 v8;
	v30 =	vcvt.s32.f32 v59;
	v3 =	vadd.s32 v13, v3;
	s25 =	sadd.s32 $0xFFFFFF90, s17;
	s16 =	sor.u32 s16, s15;
	v25 =	vld [tilespmem:s14+$0x2000]  }
0xf8: {  	v34 =	vadd.f32 $-1.000000000e+00, v60;
	v37 =	vcvt.s32.f32 v4;
	v17 =	vld [tilespmem:s13+$0xA000];
	s13 =	sor.u32 s7, s16;
	s16 =	sor.u32 s24, s22;
	s22 =	sor.u32 s7, s22;
	v2 =	vmul.f32 v15, v2  }
0xf9: {  	v22 =	vcvt.s32.f32 v54;
	v23 =	vadd.f32 $-1.000000000e+00, v52;
	v3 =	vadd.s32 v9, v3;
	s15 =	sand.u32 $0x60, s25;
	v29 =	vld [tilespmem:s13+$0x2000];
	s25 =	sor.u32 s21, s22  }
0xfa: {  	v15 =	vmul.f32 v16, v14;
	v43 =	vld [tilespmem:s25+$0x2000];
	v14 =	vshra.s32 v2, $0x17;
	v2 =	vand.u32 $0x7FFFFF, v2  }
0xfb: {  	s12 =	sadd.s32 $0x2, s12;
	v3 =	vadd.s32 v10, v3;
	s24 =	sadd.s32 $0x100, s18;
	v1 =	vadd.s32 v1, v14;
	v2 =	vor.u32 $0x3F800000, v2;
	v14 =	vld [tilespmem:s14+$0xA000]  }
0xfc: {  	p1 =	slt.u32 s12, $0x6;
	v9 =	vmovc v28;
	v35 =	vadd.f32 $-1.000000000e+00, v61;
	v10 =	vmovc v20;
	v3 =	vadd.s32 v5, v3;
	s14 =	sor.u32 s21, s16;
	s16 =	sand.u32 $0x3C00, s24;
	v2 =	vmul.f32 v2, v15;
	v15 =	vld [tilespmem:s13+$0xA000]  }
.Ltmp4:
0xfd: {  	v32 =	vcvt.s32.f32 v9;
	v3 =	vadd.s32 v6, v3;
	v20 =	vcvt.s32.f32 v10;
	v16 =	vld [tilespmem:s14+$0xA000];
	s15 =	sor.u32 s16, s15;
	(pc) =	sbr.rel @p1 .LBB2_8-.Ltmp4, $4  }
0xfe: {  	v6 =	vmovc v21;
	v21 =	vadd.f32 $-1.000000000e+00, v62;
	v40 =	vcvt.s32.f32 v12;
	v41 =	vadd.f32 $-1.000000000e+00, v31;
	v19 =	vld [tilespmem:s14+$0x2000];
	s15 =	sor.u32 s7, s15  }
0xff: {  	v24 =	vcvt.s32.f32 v6;
	v31 =	vadd.f32 $-1.000000000e+00, v63;
	v13 =	vmovc v17;
	v18 =	vshra.s32 v2, $0x17;
	v17 =	vld [tilespmem:s15+$0xA000]  }
0x100: {  	v28 =	vcvt.s32.f32 v13;
	v2 =	vand.u32 $0x7FFFFF, v2;
	v42 =	vld [tilespmem:s15+$0x2000];
	v1 =	vadd.s32 v18, v1  }
0x101: {  	v7 =	vmovc v54;
	s17 =	sadd.s32 $0xE0, s17;
	v5 =	vmovc v59;
	v2 =	vor.u32 $0x3F800000, v2;
	v18 =	vld [tilespmem:s25+$0xA000];
	v39 =	vcvt.s32.f32 v14;
	v33 =	vcvt.s32.f32 v15  }
0x102: {  	v44 =	vcvt.s32.f32 v16;
	v22 =	vmul.f32 v22, v23  }
0x103: {  	v25 =	vadd.f32 $-1.000000000e+00, v25;
	v50 =	vmul.f32 v27, v26;
	v51 =	vmul.f32 v30, v36  }
0x104: {  	v52 =	vadd.f32 $-1.000000000e+00, v43;
	v53 =	vmul.f32 v37, v38;
	v55 =	vmul.f32 v40, v41  }
0x105: {  	v29 =	vadd.f32 $-1.000000000e+00, v29;
	v32 =	vmul.f32 v32, v35;
	v28 =	vmul.f32 v28, v31  }
0x106: {  	v45 =	vcvt.s32.f32 v17;
	v54 =	vadd.f32 $-1.000000000e+00, v42;
	v11 =	vcvt.s32.f32 v18  }
0x107: {  	v19 =	vadd.f32 $-1.000000000e+00, v19;
	v25 =	vmul.f32 v39, v25;
	v22 =	vadd.f32 $1.000000000e+00, v22  }
0x108: {  	v23 =	vadd.f32 $1.000000000e+00, v50;
	v56 =	vmul.f32 v45, v54;
	v11 =	vmul.f32 v11, v52  }
0x109: {  	v29 =	vmul.f32 v33, v29;
	v58 =	vadd.f32 $1.000000000e+00, v53;
	v28 =	vadd.f32 $1.000000000e+00, v28  }
0x10a: {  	v19 =	vmul.f32 v44, v19;
	v27 =	vadd.f32 $1.000000000e+00, v56;
	v11 =	vadd.f32 $1.000000000e+00, v11  }
0x10b: {  	v20 =	vmul.f32 v20, v21;
	v61 =	vld [tilespmem:s7+$0x3C00];
	v59 =	vadd.f32 $1.000000000e+00, v55;
	v25 =	vadd.f32 $1.000000000e+00, v25  }
0x10c: {  	v35 =	vld [tilespmem:s7+$0xBC20];
	v57 =	vadd.f32 $1.000000000e+00, v29;
	v19 =	vadd.f32 $1.000000000e+00, v19;
	v11 =	vmul.f32 v27, v11  }
0x10d: {  	v24 =	vmul.f32 v24, v34;
	v60 =	vadd.f32 $1.000000000e+00, v32;
	v20 =	vadd.f32 $1.000000000e+00, v20  }
0x10e: {  	v31 =	vld [tilespmem:s7+$0x3C20];
	v26 =	vadd.f32 $1.000000000e+00, v51;
	v19 =	vmul.f32 v25, v19;
	v11 =	vmul.f32 v57, v11  }
0x10f: {  	v46 =	vld [tilespmem:s7+$0xBC40];
	v62 =	vadd.f32 $1.000000000e+00, v24;
	v23 =	vmul.f32 v28, v23;
	v63 =	vmul.f32 v60, v58  }
0x110: {  	v3 =	vadd.s32 v3, v18;
	v28 =	vld [tilespmem:s7+$0x3C10];
	v19 =	vmul.f32 v59, v19;
	v11 =	vmul.f32 v22, v11  }
0x111: {  	v3 =	vadd.s32 v16, v3;
	v34 =	vadd.f32 $-1.000000000e+00, v61;
	v45 =	vcvt.s32.f32 v35;
	v25 =	vld [tilespmem:s7+$0xBC00]  }
0x112: {  	v29 =	vld [tilespmem:s7+$0xBC10];
	v20 =	vmul.f32 v20, v23;
	v3 =	vadd.s32 v17, v3;
	v11 =	vmul.f32 v11, v19  }
0x113: {  	v39 =	vld [tilespmem:s7+$0x3C30];
	v16 =	vadd.f32 $-1.000000000e+00, v31;
	v26 =	vmul.f32 v26, v63;
	v3 =	vadd.s32 v14, v3  }
0x114: {  	v42 =	vld [tilespmem:s7+$0xBC30];
	v3 =	vadd.s32 v15, v3;
	v27 =	vmul.f32 v62, v20;
	v2 =	vmul.f32 v11, v2  }
0x115: {  	v54 =	vcvt.s32.f32 v46;
	v47 =	vmul.f32 v45, v16;
	v3 =	vadd.s32 v12, v3  }
0x116: {  	v44 =	vld [tilespmem:s7+$0x3C40];
	v30 =	vmul.f32 v27, v26;
	v33 =	vcvt.s32.f32 v25;
	v32 =	vand.u32 $0x7FFFFF, v2  }
0x117: {  	v40 =	vcvt.s32.f32 v29;
	v41 =	vadd.f32 $-1.000000000e+00, v28;
	v36 =	vor.u32 $0x3F800000, v32  }
0x118: {  	v48 =	vld [tilespmem:s7+$0x3C50];
	v3 =	vadd.s32 v7, v3;
	v38 =	vmul.f32 v33, v34;
	v37 =	vmul.f32 v36, v30  }
0x119: {  	v49 =	vcvt.s32.f32 v42;
	v15 =	vadd.f32 $-1.000000000e+00, v39;
	v3 =	vadd.s32 v8, v3  }
0x11a: {  	v52 =	vld [tilespmem:s7+$0xBC58];
	v7 =	vmul.f32 v40, v41;
	v14 =	vadd.f32 $1.000000000e+00, v38;
	v43 =	vand.u32 $0x7FFFFF, v37  }
0x11b: {  	v50 =	vld [tilespmem:s7+$0xBC50];
	v55 =	vadd.f32 $-1.000000000e+00, v44;
	v3 =	vadd.s32 v4, v3;
	v4 =	vor.u32 $0x3F800000, v43  }
0x11c: {  	v56 =	vld [tilespmem:s7+$0x3C58];
	v51 =	vadd.f32 $1.000000000e+00, v47;
	v7 =	vadd.f32 $1.000000000e+00, v7;
	v4 =	vmul.f32 v4, v14  }
0x11d: {  	v59 =	vadd.f32 $-1.000000000e+00, v48;
	v53 =	vmul.f32 v49, v15;
	v3 =	vadd.s32 v13, v3  }
0x11e: {  	v58 =	vmul.f32 v54, v55;
	v3 =	vadd.s32 v9, v3;
	v4 =	vmul.f32 v7, v4  }
0x11f: {  	v8 =	vand.u32 v0, v52;
	v57 =	vadd.f32 $1.000000000e+00, v53;
	v3 =	vadd.s32 v10, v3  }
0x120: {  	v3 =	vadd.s32 v5, v3;
	v5 =	vcvt.s32.f32 v50;
	v4 =	vmul.f32 v51, v4  }
0x121: {  	v60 =	vadd.f32 $1.000000000e+00, v58;
	v61 =	vcvt.s32.f32 v8;
	v62 =	vadd.f32 $-1.000000000e+00, v56  }
0x122: {  	v3 =	vadd.s32 v6, v3;
	v5 =	vmul.f32 v5, v59;
	v4 =	vmul.f32 v57, v4  }
0x123: {  	v63 =	vmul.f32 v61, v62;
	v3 =	vadd.s32 v3, v25  }
0x124: {  	v5 =	vadd.f32 $1.000000000e+00, v5;
	v2 =	vshra.s32 v2, $0x17;
	v4 =	vmul.f32 v60, v4  }
0x125: {  	s6 =	sadd.s32 $0x1, s6;
	v3 =	vadd.s32 v29, v3;
	v1 =	vadd.s32 v1, v2  }
0x126: {  	p1 =	sne.s32 s6, $0x8;
	v2 =	vadd.s32 v35, v3;
	v4 =	vmul.f32 v5, v4;
	v5 =	vadd.f32 $1.000000000e+00, v63  }
.Ltmp5:
0x127: {  	v2 =	vadd.s32 v42, v2;
	(pc) =	sbr.rel @p1 .LBB2_7-.Ltmp5, $4  }
0x128: {  	v2 =	vadd.s32 v46, v2;
	v4 =	vmul.f32 v5, v4  }
0x129: {  	v3 =	vshra.s32 v37, $0x17;
	v2 =	vadd.s32 v50, v2  }
0x12a: {  	v1 =	vadd.s32 v3, v1;
	v5 =	vshra.s32 v4, $0x17;
	v4 =	vand.u32 $0x7FFFFF, v4  }
0x12b: {  	v3 =	vadd.s32 v8, v2;
	v1 =	vadd.s32 v1, v5;
	v2 =	vor.u32 $0x3F800000, v4  }
0x12c: {  	s5 =	rddreg [dreg:$0xf]  }
0x12d: {  	s5 =	sadd.s32 @!p0 s20, s5  }
0x12e: {  	s7 =	simm.s32 @!p0 $0x0;
	s8 =	simm.s32 @!p0 $0x2000;
	s6 =	sadd.s32 @!p0 s3, s5  }
0x12f: {  	[tilespmem:s8], [sflag:$0x2] =	stream.linear.gather @!p0 [hbm4b:s6+s7], $0x2000, $0x38;
	[tilespmem:$0x10100] =	vst v63  }
0x130: {  	s5 =	sadd.s32 @!p0 s4, s5;
	s6 =	simm.s32 @!p0 $0xA000  }
0x131: {  	[tilespmem:s6], [sflag:$0x6] =	stream.linear.gather @!p0 [hbm4b:s5+s7], $0x2000, $0x38;
	[tilespmem:$0x10100] =	vst v63  }
0x132: {  	_ =	swait.ge [sflag:s31], $0x2000  }
0x133: {  	[sflag:s31] =	ssyncset.done $0x0  }
0x134: {  	[sflag:s31] =	ssyncadd.s32 $0xFFFFE000  }
0x135: {  	_ =	swait.ge [sflag:s0], $0x2000  }
0x136: {  	[sflag:s0] =	ssyncset.done $0x0  }
0x137: {  	s5 =	simm.s32 $0x0;
	s6 =	simm.s32 $0x0;
	[sflag:s0] =	ssyncadd.s32 $0xFFFFE000  }
.LBB2_11:
0x138: {  	s8 =	simm.s32 $0x300  }
0x139: {  	s7 =	sshll.u32 s6, $0x7;
	s9 =	simm.s32 $0x0;
	s12 =	sand.u32 $0xFFFFFC00, s8  }
0x13a: {  	v11 =	vmov s7;
	s11 =	sand.u32 $0x60, s9;
	s9 =	simm.s32 $0x380;
	s12 =	sadd.s32 $0x60, s12  }
0x13b: {  	s15 =	sand.u32 $0xFFFFFC00, s9;
	s12 =	sor.u32 s7, s12  }
0x13c: {  	s24 =	sadd.s32 $0x70, s15;
	v15 =	vld [tilespmem:s12+$0x4000]  }
0x13d: {  	s10 =	sand.u32 $0x1C00, s5;
	s25 =	simm.s32 $0xC0;
	v7 =	vld [tilespmem:s12+$0xC000];
	s17 =	sor.u32 s7, s24  }
0x13e: {  	s16 =	simm.s32 $0x600;
	s22 =	sor.u32 $0x10, s7;
	s13 =	sor.u32 s11, s10;
	v16 =	vld [tilespmem:s17+$0x4000]  }
0x13f: {  	s18 =	sand.u32 $0x60, s25;
	s21 =	sand.u32 $0x3C00, s16;
	[dreg:$0x4] =	wrdreg s22;
	v19 =	vld.idx.msk [tilespmem:v11+s13+$0x4400 ss:$0x1], $0xffff  }
0x140: {  	s22 =	simm.s32 $0xD0;
	s24 =	simm.s32 $0x680;
	v4 =	vld.idx.msk [tilespmem:v11+s13+$0xC400 ss:$0x1], $0xffff;
	s13 =	sor.u32 s21, s18  }
0x141: {  	s15 =	sand.u32 $0x70, s22;
	v8 =	vld [tilespmem:s17+$0xC000];
	s18 =	sand.u32 $0x3C00, s24;
	s25 =	sor.u32 s7, s13  }
0x142: {  	s17 =	simm.s32 $0x500;
	s21 =	simm.s32 $0xA0;
	s13 =	sor.u32 s18, s15;
	v17 =	vld [tilespmem:s25+$0x4000]  }
0x143: {  	s24 =	sand.u32 $0x3C00, s17;
	s22 =	sand.u32 $0x60, s21;
	v5 =	vld [tilespmem:s25+$0xC000];
	s25 =	sor.u32 s7, s13  }
0x144: {  	s18 =	simm.s32 $0x50;
	s21 =	simm.s32 $0x280;
	s15 =	sor.u32 s24, s22;
	v20 =	vld [tilespmem:s25+$0x4000]  }
0x145: {  	s12 =	sand.u32 $0x70, s18;
	s22 =	sand.u32 $0x3C00, s21;
	s13 =	sor.u32 s7, s15;
	v6 =	vld [tilespmem:s25+$0xC000]  }
0x146: {  	s16 =	simm.s32 $0xB0;
	s17 =	simm.s32 $0x580;
	s12 =	sor.u32 s22, s12;
	v21 =	vld [tilespmem:s13+$0x4000]  }
0x147: {  	s15 =	sand.u32 $0x70, s16;
	s16 =	sand.u32 $0x3C00, s17;
	v9 =	vld [tilespmem:s13+$0xC000];
	s12 =	sor.u32 s7, s12  }
0x148: {  	s14 =	simm.s32 $0x90;
	s25 =	simm.s32 $0x480;
	s15 =	sor.u32 s16, s15;
	v31 =	vld [tilespmem:s12+$0x4000]  }
0x149: {  	s14 =	sand.u32 $0x70, s14;
	s16 =	sand.u32 $0x3C00, s25;
	s24 =	sor.u32 s7, s15;
	v12 =	vld [tilespmem:s12+$0xC000]  }
0x14a: {  	s18 =	simm.s32 $0x180;
	s17 =	simm.s32 $0x30;
	s14 =	sor.u32 s16, s14;
	v28 =	vld [tilespmem:s24+$0x4000]  }
0x14b: {  	s21 =	sand.u32 $0x3C00, s18;
	s13 =	sand.u32 $0x70, s17;
	v10 =	vld [tilespmem:s24+$0xC000];
	s22 =	sor.u32 s7, s14  }
0x14c: {  	s13 =	sor.u32 s21, s13;
	v44 =	vld [tilespmem:s22+$0x4000]  }
0x14d: {  	s25 =	simm.s32 $0x200;
	s15 =	rddreg [dreg:$0x4];
	s13 =	sor.u32 s7, s13;
	v13 =	vld [tilespmem:s22+$0xC000]  }
0x14e: {  	s16 =	sand.u32 $0x3C00, s25;
	s24 =	simm.s32 $0x40;
	s21 =	sor.u32 s15, s11;
	v25 =	vld [tilespmem:s13+$0x4000]  }
0x14f: {  	s11 =	sor.u32 s7, s11;
	s14 =	sand.u32 $0x60, s24;
	v14 =	vld [tilespmem:s13+$0xC000];
	s13 =	sor.u32 s10, s21  }
0x150: {  	v26 =	vadd.f32 $-1.000000000e+00, v16;
	s24 =	sor.u32 s10, s11;
	s17 =	sor.u32 s16, s14;
	v16 =	vld [tilespmem:s13+$0xC000]  }
0x151: {  	v22 =	vcvt.s32.f32 v7;
	v18 =	vld [tilespmem:s24+$0xC000];
	s12 =	sor.u32 s7, s17  }
0x152: {  	s18 =	simm.s32 $0x20;
	v23 =	vadd.f32 $-1.000000000e+00, v15;
	v27 =	vcvt.s32.f32 v8;
	v37 =	vcvt.s32.f32 v4;
	s22 =	simm.s32 $0x100;
	v15 =	vld [tilespmem:s12+$0xC000]  }
0x153: {  	v38 =	vadd.f32 $-1.000000000e+00, v19;
	v30 =	vcvt.s32.f32 v5;
	v36 =	vadd.f32 $-1.000000000e+00, v17;
	s14 =	sand.u32 $0x60, s18;
	s15 =	sand.u32 $0x3C00, s22;
	v19 =	vld [tilespmem:s13+$0x4000]  }
0x154: {  	v24 =	vcvt.s32.f32 v6;
	v34 =	vadd.f32 $-1.000000000e+00, v20;
	v43 =	vld [tilespmem:s24+$0x4000];
	s25 =	sor.u32 s15, s14;
	v32 =	vcvt.s32.f32 v9  }
0x155: {  	v35 =	vadd.f32 $-1.000000000e+00, v21;
	v29 =	vld [tilespmem:s12+$0x4000];
	s14 =	sor.u32 s7, s25;
	v40 =	vcvt.s32.f32 v12;
	v41 =	vadd.f32 $-1.000000000e+00, v31  }
0x156: {  	s10 =	simm.s32 $0x70;
	s11 =	simm.s32 $0x60;
	v17 =	vld [tilespmem:s14+$0xC000];
	v20 =	vcvt.s32.f32 v10;
	v21 =	vadd.f32 $-1.000000000e+00, v28;
	v28 =	vcvt.s32.f32 v13  }
0x157: {  	s18 =	simm.s32 $0x0;
	s17 =	simm.s32 $0x170;
	s12 =	simm.s32 $0x0;
	v42 =	vld [tilespmem:s14+$0x4000];
	v39 =	vcvt.s32.f32 v14;
	v31 =	vadd.f32 $-1.000000000e+00, v44;
	v33 =	vcvt.s32.f32 v15  }
.LBB2_12:
0x158: {  	v22 =	vmul.f32 v22, v23  }
0x159: {  	s13 =	sadd.s32 $0xFFFFFF70, s17;
	s18 =	sadd.s32 $0x700, s18;
	s8 =	sadd.s32 $0x700, s8;
	v26 =	vmul.f32 v27, v26;
	v27 =	vmul.f32 v30, v36  }
0x15a: {  	s11 =	sadd.s32 $0xFFFFFFE0, s11;
	s22 =	sand.u32 $0x60, s13;
	s21 =	sand.u32 $0x1C00, s18;
	v49 =	vmul.f32 v37, v38;
	v24 =	vmul.f32 v24, v34  }
0x15b: {  	s9 =	sadd.s32 $0x700, s9;
	v46 =	vadd.f32 $-1.000000000e+00, v25;
	s16 =	sand.u32 $0xFFFFFC00, s8;
	v51 =	vmul.f32 v40, v41;
	v32 =	vmul.f32 v32, v35;
	s14 =	sor.u32 s22, s21  }
0x15c: {  	s10 =	sadd.s32 $0xFFFFFFE0, s10;
	s25 =	sadd.s32 $0x30, s17;
	v28 =	vmul.f32 v28, v31;
	s13 =	sadd.s32 s16, s11;
	v25 =	vld.idx.msk [tilespmem:v11+s14+$0xC400 ss:$0x1], $0xffff;
	v22 =	vadd.f32 $1.000000000e+00, v22;
	v55 =	vadd.f32 $1.000000000e+00, v26  }
0x15d: {  	s15 =	sand.u32 $0xFFFFFC00, s9;
	v20 =	vmul.f32 v20, v21;
	s16 =	sadd.s32 $0x600, s18;
	s13 =	sor.u32 s7, s13;
	v27 =	vadd.f32 $1.000000000e+00, v27;
	v23 =	vadd.f32 $-1.000000000e+00, v19;
	v19 =	vld.idx.msk [tilespmem:v11+s14+$0x4400 ss:$0x1], $0xffff  }
0x15e: {  	s24 =	sadd.s32 s15, s10;
	s15 =	sand.u32 $0x60, s25;
	v53 =	vmul.f32 v39, v46;
	s16 =	sand.u32 $0x3C00, s16;
	v56 =	vadd.f32 $1.000000000e+00, v49;
	v57 =	vadd.f32 $1.000000000e+00, v24;
	v52 =	vld [tilespmem:s13+$0x4000]  }
0x15f: {  	s25 =	sadd.s32 $0x680, s18;
	v31 =	vadd.f32 $1.000000000e+00, v32;
	v37 =	vadd.f32 $1.000000000e+00, v51;
	v44 =	vcvt.s32.f32 v18;
	v54 =	vld [tilespmem:s13+$0xC000];
	s13 =	sor.u32 s7, s24;
	s14 =	sor.u32 s16, s15  }
0x160: {  	v47 =	vcvt.s32.f32 v17;
	v30 =	vadd.f32 $-1.000000000e+00, v43;
	v50 =	vadd.f32 $-1.000000000e+00, v42;
	s24 =	sadd.s32 $0x40, s17;
	s16 =	sand.u32 $0x3C00, s25;
	s25 =	sadd.s32 $0x10, s17;
	v26 =	vld [tilespmem:s13+$0x4000]  }
0x161: {  	v28 =	vadd.f32 $1.000000000e+00, v28;
	v45 =	vcvt.s32.f32 v16;
	v29 =	vadd.f32 $-1.000000000e+00, v29;
	v58 =	vld [tilespmem:s13+$0xC000];
	s13 =	sor.u32 s7, s14;
	s15 =	sand.u32 $0x70, s24;
	s24 =	sadd.s32 $0x500, s18  }
0x162: {  	v3 =	vadd.s32 v3, v18;
	v30 =	vmul.f32 v44, v30;
	v34 =	vmul.f32 v47, v50;
	v24 =	vld [tilespmem:s13+$0x4000];
	s14 =	sor.u32 s16, s15;
	s16 =	sand.u32 $0x60, s25;
	s25 =	sand.u32 $0x3C00, s24  }
0x163: {  	v20 =	vadd.f32 $1.000000000e+00, v20;
	v3 =	vadd.s32 v16, v3;
	v29 =	vmul.f32 v33, v29;
	v59 =	vld [tilespmem:s13+$0xC000];
	s24 =	sadd.s32 $0x20, s17;
	s13 =	sor.u32 s7, s14;
	s16 =	sor.u32 s25, s16  }
0x164: {  	v23 =	vmul.f32 v45, v23;
	s25 =	sadd.s32 $0x580, s18;
	s15 =	sand.u32 $0x70, s24;
	s24 =	sadd.s32 $0xFFFFFFC0, s17;
	v30 =	vadd.f32 $1.000000000e+00, v30;
	v34 =	vadd.f32 $1.000000000e+00, v34;
	v60 =	vld [tilespmem:s13+$0x4000]  }
0x165: {  	v38 =	vadd.f32 $1.000000000e+00, v53;
	v16 =	vmul.f32 v28, v55;
	v3 =	vadd.s32 v17, v3;
	s14 =	sor.u32 s7, s16;
	s16 =	sand.u32 $0x3C00, s25;
	v21 =	vld [tilespmem:s13+$0xC000];
	s25 =	sadd.s32 $0x280, s18  }
0x166: {  	v23 =	vadd.f32 $1.000000000e+00, v23;
	v29 =	vadd.f32 $1.000000000e+00, v29;
	s13 =	sand.u32 $0x70, s24;
	v61 =	vld [tilespmem:s14+$0x4000];
	s15 =	sor.u32 s16, s15;
	s25 =	sand.u32 $0x3C00, s25;
	v30 =	vmul.f32 v34, v30  }
0x167: {  	v3 =	vadd.s32 v14, v3;
	v14 =	vmul.f32 v31, v56;
	v16 =	vmul.f32 v20, v16;
	v28 =	vld [tilespmem:s14+$0xC000];
	s14 =	sor.u32 s7, s15;
	s13 =	sor.u32 s25, s13;
	s25 =	sadd.s32 $0x480, s18  }
0x168: {  	v3 =	vadd.s32 v15, v3;
	s16 =	sand.u32 $0x70, s17;
	v18 =	vmul.f32 v38, v23;
	v62 =	vld [tilespmem:s14+$0x4000];
	s13 =	sor.u32 s7, s13;
	s15 =	sand.u32 $0x3C00, s25;
	v23 =	vmul.f32 v29, v30  }
0x169: {  	v3 =	vadd.s32 v12, v3;
	v14 =	vmul.f32 v27, v14;
	v16 =	vmul.f32 v57, v16;
	v20 =	vld [tilespmem:s14+$0xC000];
	s14 =	sadd.s32 $0xFFFFFFA0, s17;
	s25 =	sadd.s32 $0x180, s18;
	s15 =	sor.u32 s15, s16  }
0x16a: {  	v3 =	vadd.s32 v7, v3;
	v17 =	vmul.f32 v37, v18;
	v31 =	vld [tilespmem:s13+$0x4000];
	s14 =	sand.u32 $0x70, s14;
	s25 =	sand.u32 $0x3C00, s25;
	s16 =	sadd.s32 $0xFFFFFFB0, s17;
	v18 =	vmul.f32 v22, v23  }
0x16b: {  	v26 =	vadd.f32 $-1.000000000e+00, v26;
	v38 =	vadd.f32 $-1.000000000e+00, v19;
	v3 =	vadd.s32 v8, v3;
	v12 =	vld [tilespmem:s13+$0xC000];
	s13 =	sor.u32 s7, s15;
	s14 =	sor.u32 s25, s14;
	s25 =	sadd.s32 $0x200, s18  }
0x16c: {  	v8 =	vmovc v58;
	v36 =	vadd.f32 $-1.000000000e+00, v24;
	v3 =	vadd.s32 v4, v3;
	s15 =	sand.u32 $0x60, s16;
	v63 =	vld [tilespmem:s13+$0x4000];
	s14 =	sor.u32 s7, s14;
	s16 =	sand.u32 $0x3C00, s25;
	v15 =	vmul.f32 v18, v17  }
0x16d: {  	s24 =	rddreg [dreg:$0x4];
	v4 =	vmovc v25;
	v27 =	vcvt.s32.f32 v8;
	v30 =	vcvt.s32.f32 v59;
	v3 =	vadd.s32 v13, v3;
	s25 =	sadd.s32 $0xFFFFFF90, s17;
	v25 =	vld [tilespmem:s14+$0x4000];
	s16 =	sor.u32 s16, s15  }
0x16e: {  	v34 =	vadd.f32 $-1.000000000e+00, v60;
	v37 =	vcvt.s32.f32 v4;
	v17 =	vld [tilespmem:s13+$0xC000];
	s13 =	sor.u32 s7, s16;
	s16 =	sor.u32 s24, s22;
	s22 =	sor.u32 s7, s22;
	v2 =	vmul.f32 v15, v2  }
0x16f: {  	v22 =	vcvt.s32.f32 v54;
	v23 =	vadd.f32 $-1.000000000e+00, v52;
	v3 =	vadd.s32 v9, v3;
	s15 =	sand.u32 $0x60, s25;
	v29 =	vld [tilespmem:s13+$0x4000];
	s25 =	sor.u32 s21, s22  }
0x170: {  	v15 =	vmul.f32 v16, v14;
	v43 =	vld [tilespmem:s25+$0x4000];
	v14 =	vshra.s32 v2, $0x17;
	v2 =	vand.u32 $0x7FFFFF, v2  }
0x171: {  	s12 =	sadd.s32 $0x2, s12;
	v3 =	vadd.s32 v10, v3;
	s24 =	sadd.s32 $0x100, s18;
	v1 =	vadd.s32 v1, v14;
	v2 =	vor.u32 $0x3F800000, v2;
	v14 =	vld [tilespmem:s14+$0xC000]  }
0x172: {  	p1 =	slt.u32 s12, $0x6;
	v9 =	vmovc v28;
	v35 =	vadd.f32 $-1.000000000e+00, v61;
	v10 =	vmovc v20;
	v3 =	vadd.s32 v5, v3;
	s14 =	sor.u32 s21, s16;
	s16 =	sand.u32 $0x3C00, s24;
	v2 =	vmul.f32 v2, v15;
	v15 =	vld [tilespmem:s13+$0xC000]  }
.Ltmp6:
0x173: {  	v32 =	vcvt.s32.f32 v9;
	v3 =	vadd.s32 v6, v3;
	v20 =	vcvt.s32.f32 v10;
	v16 =	vld [tilespmem:s14+$0xC000];
	s15 =	sor.u32 s16, s15;
	(pc) =	sbr.rel @p1 .LBB2_12-.Ltmp6, $4  }
0x174: {  	v6 =	vmovc v21;
	v21 =	vadd.f32 $-1.000000000e+00, v62;
	v40 =	vcvt.s32.f32 v12;
	v41 =	vadd.f32 $-1.000000000e+00, v31;
	v19 =	vld [tilespmem:s14+$0x4000];
	s15 =	sor.u32 s7, s15  }
0x175: {  	v24 =	vcvt.s32.f32 v6;
	v31 =	vadd.f32 $-1.000000000e+00, v63;
	v13 =	vmovc v17;
	v18 =	vshra.s32 v2, $0x17;
	v17 =	vld [tilespmem:s15+$0xC000]  }
0x176: {  	v28 =	vcvt.s32.f32 v13;
	v2 =	vand.u32 $0x7FFFFF, v2;
	v42 =	vld [tilespmem:s15+$0x4000];
	v1 =	vadd.s32 v18, v1  }
0x177: {  	v7 =	vmovc v54;
	s17 =	sadd.s32 $0xE0, s17;
	v5 =	vmovc v59;
	v2 =	vor.u32 $0x3F800000, v2;
	v18 =	vld [tilespmem:s25+$0xC000];
	v39 =	vcvt.s32.f32 v14;
	v33 =	vcvt.s32.f32 v15  }
0x178: {  	v44 =	vcvt.s32.f32 v16;
	v22 =	vmul.f32 v22, v23  }
0x179: {  	v25 =	vadd.f32 $-1.000000000e+00, v25;
	v50 =	vmul.f32 v27, v26;
	v51 =	vmul.f32 v30, v36  }
0x17a: {  	v52 =	vadd.f32 $-1.000000000e+00, v43;
	v53 =	vmul.f32 v37, v38;
	v55 =	vmul.f32 v40, v41  }
0x17b: {  	v29 =	vadd.f32 $-1.000000000e+00, v29;
	v32 =	vmul.f32 v32, v35;
	v28 =	vmul.f32 v28, v31  }
0x17c: {  	v45 =	vcvt.s32.f32 v17;
	v54 =	vadd.f32 $-1.000000000e+00, v42;
	v11 =	vcvt.s32.f32 v18  }
0x17d: {  	v19 =	vadd.f32 $-1.000000000e+00, v19;
	v25 =	vmul.f32 v39, v25;
	v22 =	vadd.f32 $1.000000000e+00, v22  }
0x17e: {  	v23 =	vadd.f32 $1.000000000e+00, v50;
	v56 =	vmul.f32 v45, v54;
	v11 =	vmul.f32 v11, v52  }
0x17f: {  	v29 =	vmul.f32 v33, v29;
	v58 =	vadd.f32 $1.000000000e+00, v53;
	v28 =	vadd.f32 $1.000000000e+00, v28  }
0x180: {  	v19 =	vmul.f32 v44, v19;
	v27 =	vadd.f32 $1.000000000e+00, v56;
	v11 =	vadd.f32 $1.000000000e+00, v11  }
0x181: {  	v20 =	vmul.f32 v20, v21;
	v61 =	vld [tilespmem:s7+$0x5C00];
	v59 =	vadd.f32 $1.000000000e+00, v55;
	v25 =	vadd.f32 $1.000000000e+00, v25  }
0x182: {  	v35 =	vld [tilespmem:s7+$0xDC20];
	v57 =	vadd.f32 $1.000000000e+00, v29;
	v19 =	vadd.f32 $1.000000000e+00, v19;
	v11 =	vmul.f32 v27, v11  }
0x183: {  	v24 =	vmul.f32 v24, v34;
	v60 =	vadd.f32 $1.000000000e+00, v32;
	v20 =	vadd.f32 $1.000000000e+00, v20  }
0x184: {  	v31 =	vld [tilespmem:s7+$0x5C20];
	v26 =	vadd.f32 $1.000000000e+00, v51;
	v19 =	vmul.f32 v25, v19;
	v11 =	vmul.f32 v57, v11  }
0x185: {  	v46 =	vld [tilespmem:s7+$0xDC40];
	v62 =	vadd.f32 $1.000000000e+00, v24;
	v23 =	vmul.f32 v28, v23;
	v63 =	vmul.f32 v60, v58  }
0x186: {  	v3 =	vadd.s32 v3, v18;
	v28 =	vld [tilespmem:s7+$0x5C10];
	v19 =	vmul.f32 v59, v19;
	v11 =	vmul.f32 v22, v11  }
0x187: {  	v3 =	vadd.s32 v16, v3;
	v34 =	vadd.f32 $-1.000000000e+00, v61;
	v45 =	vcvt.s32.f32 v35;
	v25 =	vld [tilespmem:s7+$0xDC00]  }
0x188: {  	v29 =	vld [tilespmem:s7+$0xDC10];
	v20 =	vmul.f32 v20, v23;
	v3 =	vadd.s32 v17, v3;
	v11 =	vmul.f32 v11, v19  }
0x189: {  	v39 =	vld [tilespmem:s7+$0x5C30];
	v16 =	vadd.f32 $-1.000000000e+00, v31;
	v26 =	vmul.f32 v26, v63;
	v3 =	vadd.s32 v14, v3  }
0x18a: {  	v42 =	vld [tilespmem:s7+$0xDC30];
	v3 =	vadd.s32 v15, v3;
	v27 =	vmul.f32 v62, v20;
	v2 =	vmul.f32 v11, v2  }
0x18b: {  	v54 =	vcvt.s32.f32 v46;
	v47 =	vmul.f32 v45, v16;
	v3 =	vadd.s32 v12, v3  }
0x18c: {  	v44 =	vld [tilespmem:s7+$0x5C40];
	v30 =	vmul.f32 v27, v26;
	v33 =	vcvt.s32.f32 v25;
	v32 =	vand.u32 $0x7FFFFF, v2  }
0x18d: {  	v40 =	vcvt.s32.f32 v29;
	v41 =	vadd.f32 $-1.000000000e+00, v28;
	v36 =	vor.u32 $0x3F800000, v32  }
0x18e: {  	v48 =	vld [tilespmem:s7+$0x5C50];
	v3 =	vadd.s32 v7, v3;
	v38 =	vmul.f32 v33, v34;
	v37 =	vmul.f32 v36, v30  }
0x18f: {  	v49 =	vcvt.s32.f32 v42;
	v15 =	vadd.f32 $-1.000000000e+00, v39;
	v3 =	vadd.s32 v8, v3  }
0x190: {  	v52 =	vld [tilespmem:s7+$0xDC58];
	v7 =	vmul.f32 v40, v41;
	v14 =	vadd.f32 $1.000000000e+00, v38;
	v43 =	vand.u32 $0x7FFFFF, v37  }
0x191: {  	v50 =	vld [tilespmem:s7+$0xDC50];
	v55 =	vadd.f32 $-1.000000000e+00, v44;
	v3 =	vadd.s32 v4, v3;
	v4 =	vor.u32 $0x3F800000, v43  }
0x192: {  	v56 =	vld [tilespmem:s7+$0x5C58];
	v51 =	vadd.f32 $1.000000000e+00, v47;
	v7 =	vadd.f32 $1.000000000e+00, v7;
	v4 =	vmul.f32 v4, v14  }
0x193: {  	v59 =	vadd.f32 $-1.000000000e+00, v48;
	v53 =	vmul.f32 v49, v15;
	v3 =	vadd.s32 v13, v3  }
0x194: {  	v58 =	vmul.f32 v54, v55;
	v3 =	vadd.s32 v9, v3;
	v4 =	vmul.f32 v7, v4  }
0x195: {  	v8 =	vand.u32 v0, v52;
	v57 =	vadd.f32 $1.000000000e+00, v53;
	v3 =	vadd.s32 v10, v3  }
0x196: {  	v3 =	vadd.s32 v5, v3;
	v5 =	vcvt.s32.f32 v50;
	v4 =	vmul.f32 v51, v4  }
0x197: {  	v60 =	vadd.f32 $1.000000000e+00, v58;
	v61 =	vcvt.s32.f32 v8;
	v62 =	vadd.f32 $-1.000000000e+00, v56  }
0x198: {  	v3 =	vadd.s32 v6, v3;
	v5 =	vmul.f32 v5, v59;
	v4 =	vmul.f32 v57, v4  }
0x199: {  	v63 =	vmul.f32 v61, v62;
	v3 =	vadd.s32 v3, v25  }
0x19a: {  	v5 =	vadd.f32 $1.000000000e+00, v5;
	v2 =	vshra.s32 v2, $0x17;
	v4 =	vmul.f32 v60, v4  }
0x19b: {  	s6 =	sadd.s32 $0x1, s6;
	v3 =	vadd.s32 v29, v3;
	v1 =	vadd.s32 v1, v2  }
0x19c: {  	p1 =	sne.s32 s6, $0x8;
	v2 =	vadd.s32 v35, v3;
	v4 =	vmul.f32 v5, v4;
	v5 =	vadd.f32 $1.000000000e+00, v63  }
.Ltmp7:
0x19d: {  	v2 =	vadd.s32 v42, v2;
	(pc) =	sbr.rel @p1 .LBB2_11-.Ltmp7, $4  }
0x19e: {  	v2 =	vadd.s32 v46, v2;
	v4 =	vmul.f32 v5, v4  }
0x19f: {  	v3 =	vshra.s32 v37, $0x17;
	v2 =	vadd.s32 v50, v2  }
0x1a0: {  	v1 =	vadd.s32 v3, v1;
	v5 =	vshra.s32 v4, $0x17;
	v4 =	vand.u32 $0x7FFFFF, v4  }
0x1a1: {  	v3 =	vadd.s32 v8, v2;
	v1 =	vadd.s32 v1, v5;
	v2 =	vor.u32 $0x3F800000, v4  }
0x1a2: {  	s5 =	rddreg [dreg:$0x10]  }
0x1a3: {  	s5 =	sadd.s32 @!p0 s20, s5  }
0x1a4: {  	s7 =	simm.s32 @!p0 $0x0;
	s8 =	simm.s32 @!p0 $0x4000;
	s6 =	sadd.s32 @!p0 s3, s5  }
0x1a5: {  	[tilespmem:s8], [sflag:$0x3] =	stream.linear.gather @!p0 [hbm4b:s6+s7], $0x2000, $0x38;
	[tilespmem:$0x10100] =	vst v63  }
0x1a6: {  	s5 =	sadd.s32 @!p0 s4, s5;
	s6 =	simm.s32 @!p0 $0xC000  }
0x1a7: {  	[tilespmem:s6], [sflag:$0x7] =	stream.linear.gather @!p0 [hbm4b:s5+s7], $0x2000, $0x38;
	[tilespmem:$0x10100] =	vst v63  }
0x1a8: {  	_ =	swait.ge [sflag:s1], $0x2000  }
0x1a9: {  	[sflag:s1] =	ssyncset.done $0x0  }
0x1aa: {  	[sflag:s1] =	ssyncadd.s32 $0xFFFFE000  }
0x1ab: {  	_ =	swait.ge [sflag:s19], $0x2000  }
0x1ac: {  	[sflag:s19] =	ssyncset.done $0x0  }
0x1ad: {  	s5 =	simm.s32 $0x0;
	s6 =	simm.s32 $0x0;
	[sflag:s19] =	ssyncadd.s32 $0xFFFFE000  }
.LBB2_15:
0x1ae: {  	s8 =	simm.s32 $0x300  }
0x1af: {  	s7 =	sshll.u32 s6, $0x7;
	s9 =	simm.s32 $0x0;
	s12 =	sand.u32 $0xFFFFFC00, s8  }
0x1b0: {  	v11 =	vmov s7;
	s11 =	sand.u32 $0x60, s9;
	s9 =	simm.s32 $0x380;
	s12 =	sadd.s32 $0x60, s12  }
0x1b1: {  	s15 =	sand.u32 $0xFFFFFC00, s9;
	s12 =	sor.u32 s7, s12  }
0x1b2: {  	s24 =	sadd.s32 $0x70, s15;
	v15 =	vld [tilespmem:s12+$0x6000]  }
0x1b3: {  	s10 =	sand.u32 $0x1C00, s5;
	s25 =	simm.s32 $0xC0;
	v7 =	vld [tilespmem:s12+$0xE000];
	s17 =	sor.u32 s7, s24  }
0x1b4: {  	s16 =	simm.s32 $0x600;
	s22 =	sor.u32 $0x10, s7;
	s13 =	sor.u32 s11, s10;
	v16 =	vld [tilespmem:s17+$0x6000]  }
0x1b5: {  	s18 =	sand.u32 $0x60, s25;
	s21 =	sand.u32 $0x3C00, s16;
	[dreg:$0x5] =	wrdreg s22;
	v19 =	vld.idx.msk [tilespmem:v11+s13+$0x6400 ss:$0x1], $0xffff  }
0x1b6: {  	s22 =	simm.s32 $0xD0;
	s24 =	simm.s32 $0x680;
	v4 =	vld.idx.msk [tilespmem:v11+s13+$0xE400 ss:$0x1], $0xffff;
	s13 =	sor.u32 s21, s18  }
0x1b7: {  	s15 =	sand.u32 $0x70, s22;
	v8 =	vld [tilespmem:s17+$0xE000];
	s18 =	sand.u32 $0x3C00, s24;
	s25 =	sor.u32 s7, s13  }
0x1b8: {  	s17 =	simm.s32 $0x500;
	s21 =	simm.s32 $0xA0;
	s13 =	sor.u32 s18, s15;
	v17 =	vld [tilespmem:s25+$0x6000]  }
0x1b9: {  	s24 =	sand.u32 $0x3C00, s17;
	s22 =	sand.u32 $0x60, s21;
	v5 =	vld [tilespmem:s25+$0xE000];
	s25 =	sor.u32 s7, s13  }
0x1ba: {  	s18 =	simm.s32 $0x50;
	s21 =	simm.s32 $0x280;
	s15 =	sor.u32 s24, s22;
	v20 =	vld [tilespmem:s25+$0x6000]  }
0x1bb: {  	s12 =	sand.u32 $0x70, s18;
	s22 =	sand.u32 $0x3C00, s21;
	s13 =	sor.u32 s7, s15;
	v6 =	vld [tilespmem:s25+$0xE000]  }
0x1bc: {  	s16 =	simm.s32 $0xB0;
	s17 =	simm.s32 $0x580;
	s12 =	sor.u32 s22, s12;
	v21 =	vld [tilespmem:s13+$0x6000]  }
0x1bd: {  	s15 =	sand.u32 $0x70, s16;
	s16 =	sand.u32 $0x3C00, s17;
	v9 =	vld [tilespmem:s13+$0xE000];
	s12 =	sor.u32 s7, s12  }
0x1be: {  	s14 =	simm.s32 $0x90;
	s25 =	simm.s32 $0x480;
	s15 =	sor.u32 s16, s15;
	v31 =	vld [tilespmem:s12+$0x6000]  }
0x1bf: {  	s14 =	sand.u32 $0x70, s14;
	s16 =	sand.u32 $0x3C00, s25;
	s24 =	sor.u32 s7, s15;
	v12 =	vld [tilespmem:s12+$0xE000]  }
0x1c0: {  	s18 =	simm.s32 $0x180;
	s17 =	simm.s32 $0x30;
	s14 =	sor.u32 s16, s14;
	v28 =	vld [tilespmem:s24+$0x6000]  }
0x1c1: {  	s21 =	sand.u32 $0x3C00, s18;
	s13 =	sand.u32 $0x70, s17;
	v10 =	vld [tilespmem:s24+$0xE000];
	s22 =	sor.u32 s7, s14  }
0x1c2: {  	s13 =	sor.u32 s21, s13;
	v44 =	vld [tilespmem:s22+$0x6000]  }
0x1c3: {  	s25 =	simm.s32 $0x200;
	s15 =	rddreg [dreg:$0x5];
	s13 =	sor.u32 s7, s13;
	v13 =	vld [tilespmem:s22+$0xE000]  }
0x1c4: {  	s16 =	sand.u32 $0x3C00, s25;
	s24 =	simm.s32 $0x40;
	s21 =	sor.u32 s15, s11;
	v25 =	vld [tilespmem:s13+$0x6000]  }
0x1c5: {  	s11 =	sor.u32 s7, s11;
	s14 =	sand.u32 $0x60, s24;
	v14 =	vld [tilespmem:s13+$0xE000];
	s13 =	sor.u32 s10, s21  }
0x1c6: {  	v26 =	vadd.f32 $-1.000000000e+00, v16;
	s24 =	sor.u32 s10, s11;
	s17 =	sor.u32 s16, s14;
	v16 =	vld [tilespmem:s13+$0xE000]  }
0x1c7: {  	v22 =	vcvt.s32.f32 v7;
	v18 =	vld [tilespmem:s24+$0xE000];
	s12 =	sor.u32 s7, s17  }
0x1c8: {  	s18 =	simm.s32 $0x20;
	v23 =	vadd.f32 $-1.000000000e+00, v15;
	v27 =	vcvt.s32.f32 v8;
	v37 =	vcvt.s32.f32 v4;
	s22 =	simm.s32 $0x100;
	v15 =	vld [tilespmem:s12+$0xE000]  }
0x1c9: {  	v38 =	vadd.f32 $-1.000000000e+00, v19;
	v30 =	vcvt.s32.f32 v5;
	v36 =	vadd.f32 $-1.000000000e+00, v17;
	s14 =	sand.u32 $0x60, s18;
	s15 =	sand.u32 $0x3C00, s22;
	v19 =	vld [tilespmem:s13+$0x6000]  }
0x1ca: {  	v24 =	vcvt.s32.f32 v6;
	v34 =	vadd.f32 $-1.000000000e+00, v20;
	v43 =	vld [tilespmem:s24+$0x6000];
	s25 =	sor.u32 s15, s14;
	v32 =	vcvt.s32.f32 v9  }
0x1cb: {  	v35 =	vadd.f32 $-1.000000000e+00, v21;
	v29 =	vld [tilespmem:s12+$0x6000];
	s14 =	sor.u32 s7, s25;
	v40 =	vcvt.s32.f32 v12;
	v41 =	vadd.f32 $-1.000000000e+00, v31  }
0x1cc: {  	s10 =	simm.s32 $0x70;
	s11 =	simm.s32 $0x60;
	v17 =	vld [tilespmem:s14+$0xE000];
	v20 =	vcvt.s32.f32 v10;
	v21 =	vadd.f32 $-1.000000000e+00, v28;
	v28 =	vcvt.s32.f32 v13  }
0x1cd: {  	s18 =	simm.s32 $0x0;
	s17 =	simm.s32 $0x170;
	s12 =	simm.s32 $0x0;
	v42 =	vld [tilespmem:s14+$0x6000];
	v39 =	vcvt.s32.f32 v14;
	v31 =	vadd.f32 $-1.000000000e+00, v44;
	v33 =	vcvt.s32.f32 v15  }
.LBB2_16:
0x1ce: {  	v22 =	vmul.f32 v22, v23  }
0x1cf: {  	s13 =	sadd.s32 $0xFFFFFF70, s17;
	s18 =	sadd.s32 $0x700, s18;
	s8 =	sadd.s32 $0x700, s8;
	v26 =	vmul.f32 v27, v26;
	v27 =	vmul.f32 v30, v36  }
0x1d0: {  	s11 =	sadd.s32 $0xFFFFFFE0, s11;
	s22 =	sand.u32 $0x60, s13;
	s21 =	sand.u32 $0x1C00, s18;
	v49 =	vmul.f32 v37, v38;
	v24 =	vmul.f32 v24, v34  }
0x1d1: {  	s9 =	sadd.s32 $0x700, s9;
	v46 =	vadd.f32 $-1.000000000e+00, v25;
	s16 =	sand.u32 $0xFFFFFC00, s8;
	v51 =	vmul.f32 v40, v41;
	v32 =	vmul.f32 v32, v35;
	s14 =	sor.u32 s22, s21  }
0x1d2: {  	s10 =	sadd.s32 $0xFFFFFFE0, s10;
	s25 =	sadd.s32 $0x30, s17;
	v28 =	vmul.f32 v28, v31;
	s13 =	sadd.s32 s16, s11;
	v25 =	vld.idx.msk [tilespmem:v11+s14+$0xE400 ss:$0x1], $0xffff;
	v22 =	vadd.f32 $1.000000000e+00, v22;
	v55 =	vadd.f32 $1.000000000e+00, v26  }
0x1d3: {  	s15 =	sand.u32 $0xFFFFFC00, s9;
	v20 =	vmul.f32 v20, v21;
	s16 =	sadd.s32 $0x600, s18;
	s13 =	sor.u32 s7, s13;
	v27 =	vadd.f32 $1.000000000e+00, v27;
	v23 =	vadd.f32 $-1.000000000e+00, v19;
	v19 =	vld.idx.msk [tilespmem:v11+s14+$0x6400 ss:$0x1], $0xffff  }
0x1d4: {  	s24 =	sadd.s32 s15, s10;
	s15 =	sand.u32 $0x60, s25;
	v53 =	vmul.f32 v39, v46;
	s16 =	sand.u32 $0x3C00, s16;
	v56 =	vadd.f32 $1.000000000e+00, v49;
	v57 =	vadd.f32 $1.000000000e+00, v24;
	v52 =	vld [tilespmem:s13+$0x6000]  }
0x1d5: {  	s25 =	sadd.s32 $0x680, s18;
	v31 =	vadd.f32 $1.000000000e+00, v32;
	v37 =	vadd.f32 $1.000000000e+00, v51;
	v44 =	vcvt.s32.f32 v18;
	v54 =	vld [tilespmem:s13+$0xE000];
	s13 =	sor.u32 s7, s24;
	s14 =	sor.u32 s16, s15  }
0x1d6: {  	v47 =	vcvt.s32.f32 v17;
	v30 =	vadd.f32 $-1.000000000e+00, v43;
	v50 =	vadd.f32 $-1.000000000e+00, v42;
	s24 =	sadd.s32 $0x40, s17;
	s16 =	sand.u32 $0x3C00, s25;
	s25 =	sadd.s32 $0x10, s17;
	v26 =	vld [tilespmem:s13+$0x6000]  }
0x1d7: {  	v28 =	vadd.f32 $1.000000000e+00, v28;
	v45 =	vcvt.s32.f32 v16;
	v29 =	vadd.f32 $-1.000000000e+00, v29;
	v58 =	vld [tilespmem:s13+$0xE000];
	s13 =	sor.u32 s7, s14;
	s15 =	sand.u32 $0x70, s24;
	s24 =	sadd.s32 $0x500, s18  }
0x1d8: {  	v3 =	vadd.s32 v3, v18;
	v30 =	vmul.f32 v44, v30;
	v34 =	vmul.f32 v47, v50;
	v24 =	vld [tilespmem:s13+$0x6000];
	s14 =	sor.u32 s16, s15;
	s16 =	sand.u32 $0x60, s25;
	s25 =	sand.u32 $0x3C00, s24  }
0x1d9: {  	v20 =	vadd.f32 $1.000000000e+00, v20;
	v3 =	vadd.s32 v16, v3;
	v29 =	vmul.f32 v33, v29;
	v59 =	vld [tilespmem:s13+$0xE000];
	s24 =	sadd.s32 $0x20, s17;
	s13 =	sor.u32 s7, s14;
	s16 =	sor.u32 s25, s16  }
0x1da: {  	v23 =	vmul.f32 v45, v23;
	s25 =	sadd.s32 $0x580, s18;
	s15 =	sand.u32 $0x70, s24;
	s24 =	sadd.s32 $0xFFFFFFC0, s17;
	v30 =	vadd.f32 $1.000000000e+00, v30;
	v34 =	vadd.f32 $1.000000000e+00, v34;
	v60 =	vld [tilespmem:s13+$0x6000]  }
0x1db: {  	v38 =	vadd.f32 $1.000000000e+00, v53;
	v16 =	vmul.f32 v28, v55;
	v3 =	vadd.s32 v17, v3;
	s14 =	sor.u32 s7, s16;
	s16 =	sand.u32 $0x3C00, s25;
	v21 =	vld [tilespmem:s13+$0xE000];
	s25 =	sadd.s32 $0x280, s18  }
0x1dc: {  	v23 =	vadd.f32 $1.000000000e+00, v23;
	v29 =	vadd.f32 $1.000000000e+00, v29;
	s13 =	sand.u32 $0x70, s24;
	v61 =	vld [tilespmem:s14+$0x6000];
	s15 =	sor.u32 s16, s15;
	s25 =	sand.u32 $0x3C00, s25;
	v30 =	vmul.f32 v34, v30  }
0x1dd: {  	v3 =	vadd.s32 v14, v3;
	v14 =	vmul.f32 v31, v56;
	v16 =	vmul.f32 v20, v16;
	v28 =	vld [tilespmem:s14+$0xE000];
	s14 =	sor.u32 s7, s15;
	s13 =	sor.u32 s25, s13;
	s25 =	sadd.s32 $0x480, s18  }
0x1de: {  	v3 =	vadd.s32 v15, v3;
	s16 =	sand.u32 $0x70, s17;
	v18 =	vmul.f32 v38, v23;
	v62 =	vld [tilespmem:s14+$0x6000];
	s13 =	sor.u32 s7, s13;
	s15 =	sand.u32 $0x3C00, s25;
	v23 =	vmul.f32 v29, v30  }
0x1df: {  	v3 =	vadd.s32 v12, v3;
	v14 =	vmul.f32 v27, v14;
	v16 =	vmul.f32 v57, v16;
	v20 =	vld [tilespmem:s14+$0xE000];
	s14 =	sadd.s32 $0xFFFFFFA0, s17;
	s25 =	sadd.s32 $0x180, s18;
	s15 =	sor.u32 s15, s16  }
0x1e0: {  	v3 =	vadd.s32 v7, v3;
	v17 =	vmul.f32 v37, v18;
	v31 =	vld [tilespmem:s13+$0x6000];
	s14 =	sand.u32 $0x70, s14;
	s25 =	sand.u32 $0x3C00, s25;
	s16 =	sadd.s32 $0xFFFFFFB0, s17;
	v18 =	vmul.f32 v22, v23  }
0x1e1: {  	v26 =	vadd.f32 $-1.000000000e+00, v26;
	v38 =	vadd.f32 $-1.000000000e+00, v19;
	v3 =	vadd.s32 v8, v3;
	v12 =	vld [tilespmem:s13+$0xE000];
	s13 =	sor.u32 s7, s15;
	s14 =	sor.u32 s25, s14;
	s25 =	sadd.s32 $0x200, s18  }
0x1e2: {  	v8 =	vmovc v58;
	v36 =	vadd.f32 $-1.000000000e+00, v24;
	v3 =	vadd.s32 v4, v3;
	s15 =	sand.u32 $0x60, s16;
	v63 =	vld [tilespmem:s13+$0x6000];
	s14 =	sor.u32 s7, s14;
	s16 =	sand.u32 $0x3C00, s25;
	v15 =	vmul.f32 v18, v17  }
0x1e3: {  	s24 =	rddreg [dreg:$0x5];
	v4 =	vmovc v25;
	v27 =	vcvt.s32.f32 v8;
	v30 =	vcvt.s32.f32 v59;
	v3 =	vadd.s32 v13, v3;
	s25 =	sadd.s32 $0xFFFFFF90, s17;
	v25 =	vld [tilespmem:s14+$0x6000];
	s16 =	sor.u32 s16, s15  }
0x1e4: {  	v34 =	vadd.f32 $-1.000000000e+00, v60;
	v37 =	vcvt.s32.f32 v4;
	v17 =	vld [tilespmem:s13+$0xE000];
	s13 =	sor.u32 s7, s16;
	s16 =	sor.u32 s24, s22;
	s22 =	sor.u32 s7, s22;
	v2 =	vmul.f32 v15, v2  }
0x1e5: {  	v22 =	vcvt.s32.f32 v54;
	v23 =	vadd.f32 $-1.000000000e+00, v52;
	v3 =	vadd.s32 v9, v3;
	s15 =	sand.u32 $0x60, s25;
	v29 =	vld [tilespmem:s13+$0x6000];
	s25 =	sor.u32 s21, s22  }
0x1e6: {  	v15 =	vmul.f32 v16, v14;
	v43 =	vld [tilespmem:s25+$0x6000];
	v14 =	vshra.s32 v2, $0x17;
	v2 =	vand.u32 $0x7FFFFF, v2  }
0x1e7: {  	s12 =	sadd.s32 $0x2, s12;
	v3 =	vadd.s32 v10, v3;
	s24 =	sadd.s32 $0x100, s18;
	v1 =	vadd.s32 v1, v14;
	v2 =	vor.u32 $0x3F800000, v2;
	v14 =	vld [tilespmem:s14+$0xE000]  }
0x1e8: {  	p1 =	slt.u32 s12, $0x6;
	v9 =	vmovc v28;
	v35 =	vadd.f32 $-1.000000000e+00, v61;
	v10 =	vmovc v20;
	v3 =	vadd.s32 v5, v3;
	s14 =	sor.u32 s21, s16;
	s16 =	sand.u32 $0x3C00, s24;
	v2 =	vmul.f32 v2, v15;
	v15 =	vld [tilespmem:s13+$0xE000]  }
.Ltmp8:
0x1e9: {  	v32 =	vcvt.s32.f32 v9;
	v3 =	vadd.s32 v6, v3;
	v20 =	vcvt.s32.f32 v10;
	v16 =	vld [tilespmem:s14+$0xE000];
	s15 =	sor.u32 s16, s15;
	(pc) =	sbr.rel @p1 .LBB2_16-.Ltmp8, $4  }
0x1ea: {  	v6 =	vmovc v21;
	v21 =	vadd.f32 $-1.000000000e+00, v62;
	v40 =	vcvt.s32.f32 v12;
	v41 =	vadd.f32 $-1.000000000e+00, v31;
	v19 =	vld [tilespmem:s14+$0x6000];
	s15 =	sor.u32 s7, s15  }
0x1eb: {  	v24 =	vcvt.s32.f32 v6;
	v31 =	vadd.f32 $-1.000000000e+00, v63;
	v13 =	vmovc v17;
	v18 =	vshra.s32 v2, $0x17;
	v17 =	vld [tilespmem:s15+$0xE000]  }
0x1ec: {  	v28 =	vcvt.s32.f32 v13;
	v2 =	vand.u32 $0x7FFFFF, v2;
	v42 =	vld [tilespmem:s15+$0x6000];
	v1 =	vadd.s32 v18, v1  }
0x1ed: {  	v7 =	vmovc v54;
	s17 =	sadd.s32 $0xE0, s17;
	v5 =	vmovc v59;
	v2 =	vor.u32 $0x3F800000, v2;
	v18 =	vld [tilespmem:s25+$0xE000];
	v39 =	vcvt.s32.f32 v14;
	v33 =	vcvt.s32.f32 v15  }
0x1ee: {  	v44 =	vcvt.s32.f32 v16;
	v22 =	vmul.f32 v22, v23  }
0x1ef: {  	v25 =	vadd.f32 $-1.000000000e+00, v25;
	v50 =	vmul.f32 v27, v26;
	v51 =	vmul.f32 v30, v36  }
0x1f0: {  	v52 =	vadd.f32 $-1.000000000e+00, v43;
	v53 =	vmul.f32 v37, v38;
	v55 =	vmul.f32 v40, v41  }
0x1f1: {  	v29 =	vadd.f32 $-1.000000000e+00, v29;
	v32 =	vmul.f32 v32, v35;
	v28 =	vmul.f32 v28, v31  }
0x1f2: {  	v45 =	vcvt.s32.f32 v17;
	v54 =	vadd.f32 $-1.000000000e+00, v42;
	v11 =	vcvt.s32.f32 v18  }
0x1f3: {  	v19 =	vadd.f32 $-1.000000000e+00, v19;
	v25 =	vmul.f32 v39, v25;
	v22 =	vadd.f32 $1.000000000e+00, v22  }
0x1f4: {  	v23 =	vadd.f32 $1.000000000e+00, v50;
	v56 =	vmul.f32 v45, v54;
	v11 =	vmul.f32 v11, v52  }
0x1f5: {  	v29 =	vmul.f32 v33, v29;
	v58 =	vadd.f32 $1.000000000e+00, v53;
	v28 =	vadd.f32 $1.000000000e+00, v28  }
0x1f6: {  	v19 =	vmul.f32 v44, v19;
	v27 =	vadd.f32 $1.000000000e+00, v56;
	v11 =	vadd.f32 $1.000000000e+00, v11  }
0x1f7: {  	v20 =	vmul.f32 v20, v21;
	v61 =	vld [tilespmem:s7+$0x7C00];
	v59 =	vadd.f32 $1.000000000e+00, v55;
	v25 =	vadd.f32 $1.000000000e+00, v25  }
0x1f8: {  	v35 =	vld [tilespmem:s7+$0xFC20];
	v57 =	vadd.f32 $1.000000000e+00, v29;
	v19 =	vadd.f32 $1.000000000e+00, v19;
	v11 =	vmul.f32 v27, v11  }
0x1f9: {  	v24 =	vmul.f32 v24, v34;
	v60 =	vadd.f32 $1.000000000e+00, v32;
	v20 =	vadd.f32 $1.000000000e+00, v20  }
0x1fa: {  	v31 =	vld [tilespmem:s7+$0x7C20];
	v26 =	vadd.f32 $1.000000000e+00, v51;
	v19 =	vmul.f32 v25, v19;
	v11 =	vmul.f32 v57, v11  }
0x1fb: {  	v46 =	vld [tilespmem:s7+$0xFC40];
	v62 =	vadd.f32 $1.000000000e+00, v24;
	v23 =	vmul.f32 v28, v23;
	v63 =	vmul.f32 v60, v58  }
0x1fc: {  	v3 =	vadd.s32 v3, v18;
	v28 =	vld [tilespmem:s7+$0x7C10];
	v19 =	vmul.f32 v59, v19;
	v11 =	vmul.f32 v22, v11  }
0x1fd: {  	v3 =	vadd.s32 v16, v3;
	v34 =	vadd.f32 $-1.000000000e+00, v61;
	v45 =	vcvt.s32.f32 v35;
	v25 =	vld [tilespmem:s7+$0xFC00]  }
0x1fe: {  	v29 =	vld [tilespmem:s7+$0xFC10];
	v20 =	vmul.f32 v20, v23;
	v3 =	vadd.s32 v17, v3;
	v11 =	vmul.f32 v11, v19  }
0x1ff: {  	v39 =	vld [tilespmem:s7+$0x7C30];
	v16 =	vadd.f32 $-1.000000000e+00, v31;
	v26 =	vmul.f32 v26, v63;
	v3 =	vadd.s32 v14, v3  }
0x200: {  	v42 =	vld [tilespmem:s7+$0xFC30];
	v3 =	vadd.s32 v15, v3;
	v27 =	vmul.f32 v62, v20;
	v2 =	vmul.f32 v11, v2  }
0x201: {  	v54 =	vcvt.s32.f32 v46;
	v47 =	vmul.f32 v45, v16;
	v3 =	vadd.s32 v12, v3  }
0x202: {  	v44 =	vld [tilespmem:s7+$0x7C40];
	v30 =	vmul.f32 v27, v26;
	v33 =	vcvt.s32.f32 v25;
	v32 =	vand.u32 $0x7FFFFF, v2  }
0x203: {  	v40 =	vcvt.s32.f32 v29;
	v41 =	vadd.f32 $-1.000000000e+00, v28;
	v36 =	vor.u32 $0x3F800000, v32  }
0x204: {  	v48 =	vld [tilespmem:s7+$0x7C50];
	v3 =	vadd.s32 v7, v3;
	v38 =	vmul.f32 v33, v34;
	v37 =	vmul.f32 v36, v30  }
0x205: {  	v49 =	vcvt.s32.f32 v42;
	v15 =	vadd.f32 $-1.000000000e+00, v39;
	v3 =	vadd.s32 v8, v3  }
0x206: {  	v52 =	vld [tilespmem:s7+$0xFC58];
	v7 =	vmul.f32 v40, v41;
	v14 =	vadd.f32 $1.000000000e+00, v38;
	v43 =	vand.u32 $0x7FFFFF, v37  }
0x207: {  	v50 =	vld [tilespmem:s7+$0xFC50];
	v55 =	vadd.f32 $-1.000000000e+00, v44;
	v3 =	vadd.s32 v4, v3;
	v4 =	vor.u32 $0x3F800000, v43  }
0x208: {  	v56 =	vld [tilespmem:s7+$0x7C58];
	v51 =	vadd.f32 $1.000000000e+00, v47;
	v7 =	vadd.f32 $1.000000000e+00, v7;
	v4 =	vmul.f32 v4, v14  }
0x209: {  	v59 =	vadd.f32 $-1.000000000e+00, v48;
	v53 =	vmul.f32 v49, v15;
	v3 =	vadd.s32 v13, v3  }
0x20a: {  	v58 =	vmul.f32 v54, v55;
	v3 =	vadd.s32 v9, v3;
	v4 =	vmul.f32 v7, v4  }
0x20b: {  	v8 =	vand.u32 v0, v52;
	v57 =	vadd.f32 $1.000000000e+00, v53;
	v3 =	vadd.s32 v10, v3  }
0x20c: {  	v3 =	vadd.s32 v5, v3;
	v5 =	vcvt.s32.f32 v50;
	v4 =	vmul.f32 v51, v4  }
0x20d: {  	v60 =	vadd.f32 $1.000000000e+00, v58;
	v61 =	vcvt.s32.f32 v8;
	v62 =	vadd.f32 $-1.000000000e+00, v56  }
0x20e: {  	v3 =	vadd.s32 v6, v3;
	v5 =	vmul.f32 v5, v59;
	v4 =	vmul.f32 v57, v4  }
0x20f: {  	v63 =	vmul.f32 v61, v62;
	v3 =	vadd.s32 v3, v25  }
0x210: {  	v5 =	vadd.f32 $1.000000000e+00, v5;
	v2 =	vshra.s32 v2, $0x17;
	v4 =	vmul.f32 v60, v4  }
0x211: {  	s6 =	sadd.s32 $0x1, s6;
	v3 =	vadd.s32 v29, v3;
	v1 =	vadd.s32 v1, v2  }
0x212: {  	p1 =	sne.s32 s6, $0x8;
	v2 =	vadd.s32 v35, v3;
	v4 =	vmul.f32 v5, v4;
	v5 =	vadd.f32 $1.000000000e+00, v63  }
.Ltmp9:
0x213: {  	v2 =	vadd.s32 v42, v2;
	(pc) =	sbr.rel @p1 .LBB2_15-.Ltmp9, $4  }
0x214: {  	v2 =	vadd.s32 v46, v2;
	v4 =	vmul.f32 v5, v4  }
0x215: {  	v3 =	vshra.s32 v37, $0x17;
	v2 =	vadd.s32 v50, v2  }
0x216: {  	v1 =	vadd.s32 v3, v1;
	v5 =	vshra.s32 v4, $0x17;
	v4 =	vand.u32 $0x7FFFFF, v4  }
0x217: {  	v3 =	vadd.s32 v8, v2;
	v1 =	vadd.s32 v1, v5;
	v2 =	vor.u32 $0x3F800000, v4  }
.Ltmp10:
0x218: {  	(pc) =	sbr.rel @p0 .LBB2_20-.Ltmp10, $1  }
0x219: {  	_ =	sdelay $0x3  }
0x21a: {  	s5 =	rddreg [dreg:$0x11]  }
.Ltmp11:
0x21b: {  	s5 =	sadd.s32 s20, s5;
	(pc) =	sbr.rel .LBB2_2-.Ltmp11, $4  }
0x21c: {  	s7 =	simm.s32 $0x6000;
	s6 =	sadd.s32 s3, s5  }
0x21d: {  	[tilespmem:s7], [sflag:$0x4] =	stream.linear.gather [hbm4b:s6+s2], $0x2000, $0x38;
	[tilespmem:$0x10100] =	vst v63  }
0x21e: {  	s25 =	simm.s32 $0xE000;
	s23 =	sadd.s32 $0x1, s23;
	s5 =	sadd.s32 s4, s5  }
0x21f: {  	[tilespmem:s25], [sflag:$0x8] =	stream.linear.gather [hbm4b:s5+s2], $0x2000, $0x38;
	[tilespmem:$0x10100] =	vst v63  }
.LBB2_21:
0x220: {  	_ =	sfence.sel $0x180000  }
0x221: {  	[bflag:$0x0] =	sbarrier.arrive $0xFFFF  }
0x222: {  	_ =	strace $0x90000047  }
0x223: {  	s0 =	stileid.u32;
	[bflag:$0x2] =	sbarrier.arrive $0xFFFF  }
0x224: {  	p0 =	sne.s32 s0, $0x0;
	s0 =	rddreg [dreg:$0x1]  }
0x225: {  	s0 =	sadd.s32 @!p0 $0x100000, s0  }
0x226: {  	[sflag:s0] =	ssyncadd.tile.s32 @!p0 $0x1;
	_ =	shalt  }
.Lfunc_end2:
_tile_overlayer_lowered:
.L_overlay_start_2:
0x227: {  	(tag) =	ssettag $0x2  }
0x228: {  	s0 =	rddreg [dreg:$0x0];
	s2 =	stileid.u32  }
0x229: {  	s1 =	rddreg [dreg:$0x1];
	p0 =	sne.s32 s2, $0x0  }
0x22a: {  	s3 =	rddreg [dreg:$0x2];
	[bflag:$0x3] =	sbarrier.arrive $0xFFFF;
	s2 =	simm.s32 @!p0 $0x1C09  }
0x22b: {  	[timem:s3], [sflag:s2] =	dma.local @!p0 [hbm:s0], s1  }
0x22c: {  	s0 =	simm.s32 @!p0 $0x9  }
0x22d: {  	_ =	swait.ge @!p0 [sflag:s0], s1  }
0x22e: {  	s1 =	ssub.s32 @!p0 $0x0, s1;
	[sflag:s0] =	ssyncset.done @!p0 $0x0  }
0x22f: {  	[sflag:s0] =	ssyncadd.s32 @!p0 s1  }
0x230: {  	[bflag:$0x3] =	sbarrier.arrive $0xFFFF  }
0x231: {  	_ =	shalt  }

</sc_bundles>
